<compile_context>
chip_gen: v7x
topology: tpu7x:2x2x1
jax: 0.10.2.dev20260603
libtpu: 0.0.44.dev20260713+nightly
codegen_flags: <defaults>
</compile_context>

<pallas_src>
import functools

import jax
import jax.numpy as jnp
from jax import lax
from jax.experimental import pallas as pl
from jax.experimental.pallas import tpu as pltpu
from jax.experimental.pallas import tpu_sc as plsc

N = 10000
E = 160000
C = 256
HALF = 128
NC = 2
NS = 16
RPT = N // NS

EPT = E // NS
K = 80
NCHUNK = EPT // K
NSLOT = 3

EPH = E // (NC * NS)
KH = 40
NCHUNK_H = EPH // KH
HW = 16

BR = 2000
NB = N // BR

_sc_mesh = plsc.VectorSubcoreMesh(core_axis_name="c", subcore_axis_name="s")
_sc_params = pltpu.CompilerParams(use_tc_tiling_on_sc=False)
_tc_params = pltpu.CompilerParams(dimension_semantics=("arbitrary",))



@functools.partial(
    pl.kernel,
    out_type=jax.ShapeDtypeStruct((NC * N, HW), jnp.float32),
    mesh=_sc_mesh,
    compiler_params=_sc_params,
    scratch_types=[
        pltpu.VMEM((NCHUNK_H, KH), jnp.int32),
        pltpu.VMEM((KH, HW), jnp.float32),
        pltpu.VMEM_SHARED((N, HW), jnp.float32),
    ],
)
def _sc_hist(dst_hbm, zeros_hbm, ones_hbm, out_hbm, idx_v, ones_v, shared):
    cid = lax.axis_index("c")
    sid = lax.axis_index("s")
    wid = cid * NS + sid
    rbase = sid * RPT
    pltpu.sync_copy(zeros_hbm.at[pl.ds(rbase, RPT)], shared.at[pl.ds(rbase, RPT)])
    pltpu.sync_copy(ones_hbm, ones_v)
    pltpu.sync_copy(dst_hbm.at[wid], idx_v)
    plsc.subcore_barrier()

    def body(g, carry):
        pltpu.sync_copy(ones_v, shared.at[idx_v.at[g]], add=True)
        return carry

    lax.fori_loop(0, NCHUNK_H, body, 0)
    plsc.subcore_barrier()
    pltpu.sync_copy(shared.at[pl.ds(rbase, RPT)],
                    out_hbm.at[pl.ds(cid * N + rbase, RPT)])


@functools.partial(
    pl.kernel,
    out_type=jax.ShapeDtypeStruct((NC * N, HALF), jnp.float32),
    mesh=_sc_mesh,
    compiler_params=_sc_params,
    scratch_types=[
        pltpu.VMEM((NCHUNK, K), jnp.int32),
        pltpu.VMEM((NCHUNK, K), jnp.int32),
        [pltpu.VMEM((K, HALF), jnp.float32)] * NSLOT,
        pltpu.VMEM_SHARED((N, HALF), jnp.float32),
        [pltpu.SemaphoreType.DMA] * NSLOT,
        [pltpu.SemaphoreType.DMA] * NSLOT,
    ],
)
def _sc_prop(src_hbm, dst_hbm, hp_hbm, out_hbm, idx_s, idx_d, rows4, shared,
             gsem4, ssem4):
    cid = lax.axis_index("c")
    sid = lax.axis_index("s")
    rbase = sid * RPT
    pltpu.sync_copy(hp_hbm.at[pl.ds(cid * N + rbase, RPT)],
                    shared.at[pl.ds(rbase, RPT)])
    wid = cid * NS + sid
    pltpu.sync_copy(src_hbm.at[wid], idx_s)
    pltpu.sync_copy(dst_hbm.at[sid], idx_d)
    plsc.subcore_barrier()

    def _gather(g, j):
        pltpu.async_copy(hp_hbm.at[idx_s.at[g]], rows4[j], gsem4[j])

    def _wait_gather(g, j):
        pltpu.make_async_copy(hp_hbm.at[idx_s.at[g]], rows4[j], gsem4[j]).wait()

    def _scatter(g, j):
        pltpu.async_copy(rows4[j], shared.at[idx_d.at[g]], ssem4[j], add=True)

    def _wait_scatter(g, j):
        pltpu.make_async_copy(rows4[j], shared.at[idx_d.at[g]], ssem4[j]).wait()

    for j in range(NSLOT - 1):
        _gather(j, j)

    def blk(q, carry):
        for j in range(NSLOT):
            g = NSLOT * q + j
            _wait_gather(g, j)
            _scatter(g, j)
            k = (j + NSLOT - 1) % NSLOT
            nxt = g + NSLOT - 1

            @pl.when(g >= 1)
            def _():
                _wait_scatter(g - 1, k)

            @pl.when(nxt < NCHUNK)
            def _():
                _gather(nxt, k)
        return carry

    lax.fori_loop(0, NCHUNK // NSLOT, blk, 0)
    for g in range(NSLOT * (NCHUNK // NSLOT), NCHUNK):
        _wait_gather(g, g % NSLOT)
        _scatter(g, g % NSLOT)
    for g in range(NCHUNK - NSLOT, NCHUNK):
        _wait_scatter(g, g % NSLOT)
    plsc.subcore_barrier()
    pltpu.sync_copy(shared.at[pl.ds(rbase, RPT)],
                    out_hbm.at[pl.ds(cid * N + rbase, RPT)])



def _dinv_of(hist_ref):
    return lax.rsqrt(hist_ref[0, :, 0:1] + hist_ref[1, :, 0:1] + 1.0)


def _tc_prep_body(hist_ref, x_ref, w_ref, hp_ref):
    dinv = _dinv_of(hist_ref)
    h = jnp.dot(x_ref[...], w_ref[...], preferred_element_type=jnp.float32) * dinv
    hp_ref[0] = h[:, :HALF]
    hp_ref[1] = h[:, HALF:]


def _tc_layer_body(acc_ref, hist_ref, res_ref, b_ref, g_ref, be_ref, w_ref,
                   y_ref, hp_ref, z_scr, st_scr, *, has_res, has_y=True):
    p = pl.program_id(0)
    i = pl.program_id(1)
    dinv = _dinv_of(hist_ref)

    @pl.when(p == 0)
    def _():
        z = (jnp.concatenate([acc_ref[0], acc_ref[1]], axis=1) * dinv
             + b_ref[...])
        z_scr[pl.ds(i * BR, BR), :] = z
        s1 = jnp.sum(z, axis=0, keepdims=True)
        s2 = jnp.sum(z * z, axis=0, keepdims=True)
        upd = jnp.concatenate([s1, s2, jnp.zeros((6, C), jnp.float32)], axis=0)
        st_scr[...] = jnp.where(i == 0, upd, st_scr[...] + upd)

    @pl.when(p == 1)
    def _():
        inv_n = 1.0 / N
        mu = st_scr[0:1] * inv_n
        var = st_scr[1:2] * inv_n - mu * mu
        z = z_scr[pl.ds(i * BR, BR), :]
        zn = g_ref[...] * (z - mu) * lax.rsqrt(var + 1e-5) + be_ref[...]
        if has_res:
            zn = zn + res_ref[...]
        y = jnp.maximum(zn, 0.0)
        if has_y:
            y_ref[...] = y
        h = jnp.dot(y, w_ref[...], preferred_element_type=jnp.float32) * dinv
        hp_ref[0] = h[:, :HALF]
        hp_ref[1] = h[:, HALF:]


def _tc_final_body(acc_ref, hist_ref, b_ref, out_ref):
    dinv = _dinv_of(hist_ref)
    out_ref[...] = (jnp.concatenate([acc_ref[0], acc_ref[1]], axis=1) * dinv
                    + b_ref[...])


_hist_spec = pl.BlockSpec((2, BR, HW), lambda i: (0, i, 0))
_acc_spec = pl.BlockSpec((2, BR, HALF), lambda i: (0, i, 0))
_row_spec = pl.BlockSpec((BR, C), lambda i: (i, 0))
_w_spec = pl.BlockSpec((C, C), lambda i: (0, 0))
_vec_spec = pl.BlockSpec((1, C), lambda i: (0, 0))
_st_spec = pl.BlockSpec((8, C), lambda i: (0, 0))
_hp_out_spec = pl.BlockSpec((2, BR, HALF), lambda i: (0, i, 0))

_tc_prep = pl.pallas_call(
    _tc_prep_body,
    grid=(NB,),
    in_specs=[_hist_spec, _row_spec, _w_spec],
    out_specs=_hp_out_spec,
    out_shape=jax.ShapeDtypeStruct((2, N, HALF), jnp.float32),
    compiler_params=_tc_params,
)

_tc2_params = pltpu.CompilerParams(
    dimension_semantics=("arbitrary", "arbitrary"))
_acc2_spec = pl.BlockSpec(
    (2, BR, HALF), lambda p, i: (0, jnp.where(p == 0, i, 0), 0))
_hist2_spec = pl.BlockSpec((2, BR, HW), lambda p, i: (0, i, 0))
_res2_spec = pl.BlockSpec((BR, C), lambda p, i: (jnp.where(p == 1, i, 0), 0))
_vec2_spec = pl.BlockSpec((1, C), lambda p, i: (0, 0))
_w2_spec = pl.BlockSpec((C, C), lambda p, i: (0, 0))
_hp2_out_spec = pl.BlockSpec(
    (2, BR, HALF), lambda p, i: (0, jnp.where(p == 1, i, 0), 0))
_layer_out_shape = [jax.ShapeDtypeStruct((N, C), jnp.float32),
                    jax.ShapeDtypeStruct((2, N, HALF), jnp.float32)]
_layer_scratch = [pltpu.VMEM((N, C), jnp.float32),
                  pltpu.VMEM((8, C), jnp.float32)]

_tc_layer_res = pl.pallas_call(
    functools.partial(_tc_layer_body, has_res=True),
    grid=(2, NB),
    in_specs=[_acc2_spec, _hist2_spec, _res2_spec, _vec2_spec, _vec2_spec,
              _vec2_spec, _w2_spec],
    out_specs=[_res2_spec, _hp2_out_spec],
    out_shape=_layer_out_shape,
    scratch_shapes=_layer_scratch,
    compiler_params=_tc2_params,
)


def _tc_layer_nores_body(acc_ref, hist_ref, b_ref, g_ref, be_ref, w_ref,
                         y_ref, hp_ref, z_scr, st_scr):
    _tc_layer_body(acc_ref, hist_ref, None, b_ref, g_ref, be_ref, w_ref,
                   y_ref, hp_ref, z_scr, st_scr, has_res=False)


_tc_layer_nores = pl.pallas_call(
    _tc_layer_nores_body,
    grid=(2, NB),
    in_specs=[_acc2_spec, _hist2_spec, _vec2_spec, _vec2_spec, _vec2_spec,
              _w2_spec],
    out_specs=[_res2_spec, _hp2_out_spec],
    out_shape=_layer_out_shape,
    scratch_shapes=_layer_scratch,
    compiler_params=_tc2_params,
)

def _tc_layer_noy_body(acc_ref, hist_ref, res_ref, b_ref, g_ref, be_ref,
                       w_ref, hp_ref, z_scr, st_scr):
    _tc_layer_body(acc_ref, hist_ref, res_ref, b_ref, g_ref, be_ref, w_ref,
                   None, hp_ref, z_scr, st_scr, has_res=True, has_y=False)


_tc_layer_noy = pl.pallas_call(
    _tc_layer_noy_body,
    grid=(2, NB),
    in_specs=[_acc2_spec, _hist2_spec, _res2_spec, _vec2_spec, _vec2_spec,
              _vec2_spec, _w2_spec],
    out_specs=[_hp2_out_spec],
    out_shape=[jax.ShapeDtypeStruct((2, N, HALF), jnp.float32)],
    scratch_shapes=_layer_scratch,
    compiler_params=_tc2_params,
)

_tc_final = pl.pallas_call(
    _tc_final_body,
    grid=(NB,),
    in_specs=[_acc_spec, _hist_spec, _vec_spec],
    out_specs=pl.BlockSpec((BR, C), lambda i: (i, 0)),
    out_shape=jax.ShapeDtypeStruct((N, C), jnp.float32),
    compiler_params=_tc_params,
)



def kernel(x, edge_index, W1, b1, g1, be1, W2, b2, g2, be2, W3, b3, g3, be3,
           W4, b4):
    ei = edge_index.astype(jnp.int32)
    src, dst = ei[0], ei[1]

    src_pre = jnp.stack([src, src + N]).reshape(NC * NS, NCHUNK, K)
    dst_prop = dst.reshape(NS, NCHUNK, K)
    dst_hist = dst.reshape(NC * NS, NCHUNK_H, KH)

    zeros_hw = jnp.zeros((N, HW), jnp.float32)
    ones_kh = jnp.ones((KH, HW), jnp.float32)

    hist = _sc_hist(dst_hist, zeros_hw, ones_kh).reshape(NC, N, HW)

    b1r, b2r, b4r = b1.reshape(1, C), b2.reshape(1, C), b4.reshape(1, C)
    b3r = b3.reshape(1, C)
    g1r, g2r, g3r = g1.reshape(1, C), g2.reshape(1, C), g3.reshape(1, C)
    be1r, be2r, be3r = be1.reshape(1, C), be2.reshape(1, C), be3.reshape(1, C)

    hp1 = _tc_prep(hist, x, W1)
    acc1 = _sc_prop(src_pre, dst_prop, hp1.reshape(NC * N, HALF))
    y1, hp2 = _tc_layer_nores(acc1.reshape(NC, N, HALF), hist, b1r, g1r, be1r,
                              W2)

    acc2 = _sc_prop(src_pre, dst_prop, hp2.reshape(NC * N, HALF))
    y2, hp3 = _tc_layer_res(acc2.reshape(NC, N, HALF), hist, y1, b2r, g2r,
                            be2r, W3)

    acc3 = _sc_prop(src_pre, dst_prop, hp3.reshape(NC * N, HALF))
    (hp4,) = _tc_layer_noy(acc3.reshape(NC, N, HALF), hist, y2, b3r, g3r,
                           be3r, W4)

    acc4 = _sc_prop(src_pre, dst_prop, hp4.reshape(NC * N, HALF))
    return _tc_final(acc4.reshape(NC, N, HALF), hist, b4r)

# --- scband reference (transcript-rebuilt; emitter-appended) ---
"""Pipeline reference for scband-gcn-18202071400538 (READ-ONLY COPY).

The authoritative reference and input builder live on the scoring server;
editing this copy changes nothing except your own understanding.
"""

import jax, jax.numpy as jnp
import numpy as np

N_NODES = 10000
N_EDGES = 160000
IN_CH = 256
HID_CH = 256
OUT_CH = 256


def setup_inputs(seed: int = 0) -> dict:
    key = jax.random.key(seed)
    ks = jax.random.split(key, 20)
    x = jax.random.normal(ks[0], (N_NODES, IN_CH), dtype=jnp.float32)
    edge_index = jax.random.randint(ks[1], (2, N_EDGES), 0, N_NODES, dtype=jnp.int64)

    def glorot(k, fan_in, fan_out):
        lim = (6.0 / (fan_in + fan_out)) ** 0.5
        return jax.random.uniform(k, (fan_in, fan_out), dtype=jnp.float32, minval=-lim, maxval=lim)

    W1 = glorot(ks[2], IN_CH, HID_CH); b1 = jnp.zeros((HID_CH,), jnp.float32)
    g1 = jnp.ones((HID_CH,), jnp.float32); be1 = jnp.zeros((HID_CH,), jnp.float32)
    W2 = glorot(ks[3], HID_CH, HID_CH); b2 = jnp.zeros((HID_CH,), jnp.float32)
    g2 = jnp.ones((HID_CH,), jnp.float32); be2 = jnp.zeros((HID_CH,), jnp.float32)
    W3 = glorot(ks[4], HID_CH, HID_CH); b3 = jnp.zeros((HID_CH,), jnp.float32)
    g3 = jnp.ones((HID_CH,), jnp.float32); be3 = jnp.zeros((HID_CH,), jnp.float32)
    W4 = glorot(ks[5], HID_CH, OUT_CH); b4 = jnp.zeros((OUT_CH,), jnp.float32)
    return {"x": x, "edge_index": edge_index,
            "W1": W1, "b1": b1, "g1": g1, "be1": be1,
            "W2": W2, "b2": b2, "g2": g2, "be2": be2,
            "W3": W3, "b3": b3, "g3": g3, "be3": be3,
            "W4": W4, "b4": b4}


def _prep_graph(edge_index, n_nodes):
    loop = jnp.arange(n_nodes, dtype=edge_index.dtype)
    src = jnp.concatenate([edge_index[0], loop])
    dst = jnp.concatenate([edge_index[1], loop])
    ones = jnp.ones_like(dst, dtype=jnp.float32)
    deg = jax.ops.segment_sum(ones, dst, num_segments=n_nodes)
    dinv = jnp.where(deg > 0, deg ** -0.5, 0.0)
    norm = dinv[src] * dinv[dst]
    return src, dst, norm


def _gcn_conv(x, src, dst, norm, W, b):
    h = x @ W
    m = h[src] * norm[:, None]
    out = jax.ops.segment_sum(m, dst, num_segments=x.shape[0])
    return out + b


def _batch_norm(x, gamma, beta, eps=1e-5):
    mu = jnp.mean(x, axis=0)
    var = jnp.var(x, axis=0)
    return gamma * (x - mu) * jax.lax.rsqrt(var + eps) + beta


def reference(x, edge_index, W1, b1, g1, be1, W2, b2, g2, be2, W3, b3, g3, be3, W4, b4):
    src, dst, norm = _prep_graph(edge_index, x.shape[0])
    x1 = jax.nn.relu(_batch_norm(_gcn_conv(x, src, dst, norm, W1, b1), g1, be1))
    x2 = jax.nn.relu(_batch_norm(_gcn_conv(x1, src, dst, norm, W2, b2), g2, be2) + x1)
    x3 = jax.nn.relu(_batch_norm(_gcn_conv(x2, src, dst, norm, W3, b3), g3, be3) + x2)
    x4 = _gcn_conv(x3, src, dst, norm, W4, b4)
    return x4

if __name__ == "__main__":
    import jax
    _d = setup_inputs()
    print(jax.jit(kernel)(*tuple(_d.values())))

</pallas_src>

<mosaic_0001>
#map = affine_map<(d0, d1) -> (0, 0, 0)>
#map1 = affine_map<(d0, d1) -> (0, 0)>
module attributes {stable_mosaic.version = 14 : i64} {
  func.func @_sc_prop(%arg0: i32, %arg1: i32, %arg2: memref<32x125x80xi32, #tpu.memory_space<hbm>>, %arg3: memref<16x125x80xi32, #tpu.memory_space<hbm>>, %arg4: memref<20000x128xf32, #tpu.memory_space<hbm>>, %arg5: memref<20000x128xf32, #tpu.memory_space<hbm>>, %arg6: memref<125x80xi32, #tpu.memory_space<vmem>>, %arg7: memref<125x80xi32, #tpu.memory_space<vmem>>, %arg8: memref<80x128xf32, #tpu.memory_space<vmem>>, %arg9: memref<80x128xf32, #tpu.memory_space<vmem>>, %arg10: memref<80x128xf32, #tpu.memory_space<vmem>>, %arg11: memref<10000x128xf32, #tpu.memory_space<vmem_shared>>, %arg12: memref<!tpu.dma_semaphore, #tpu.memory_space<semaphore_mem>>, %arg13: memref<!tpu.dma_semaphore, #tpu.memory_space<semaphore_mem>>, %arg14: memref<!tpu.dma_semaphore, #tpu.memory_space<semaphore_mem>>, %arg15: memref<!tpu.dma_semaphore, #tpu.memory_space<semaphore_mem>>, %arg16: memref<!tpu.dma_semaphore, #tpu.memory_space<semaphore_mem>>, %arg17: memref<!tpu.dma_semaphore, #tpu.memory_space<semaphore_mem>>) attributes {dimension_semantics = [#tpu.dimension_semantics<core_parallel>, #tpu.dimension_semantics<subcore_parallel>], iteration_bounds = array<i64: 2, 16>, scalar_prefetch = 0 : i64, scratch_operands = 12 : i64, tpu.core_type = #tpu.core_type<sc_vector_subcore>, window_params = [{transform_indices = #map}, {transform_indices = #map}, {transform_indices = #map1}, {transform_indices = #map1}]} {
    %mul3A = arith.constant 625 : i32
    %mul3A_0 = arith.muli %arg1, %mul3A : i32
    %mul3A_1 = arith.constant 10000 : i32
    %mul3A_2 = arith.muli %arg0, %mul3A_1 : i32
    %add3A = arith.addi %mul3A_2, %mul3A_0 : i32
    "tpu.region"() ({
      %run_scoped3A = tpu.sem_alloc : memref<!tpu.dma_semaphore, #tpu.memory_space<semaphore_mem>>
      %dma_start3A_76 = arith.constant 0 : i32
      %dma_start3A_77 = tpu.memref_slice %arg11[%mul3A_0, %dma_start3A_76] : memref<10000x128xf32, #tpu.memory_space<vmem_shared>> -> memref<625x128xf32, #tpu.memory_space<vmem_shared>>
      %dma_start3A_78 = arith.constant 0 : i32
      %dma_start3A_79 = tpu.memref_slice %arg4[%add3A, %dma_start3A_78] : memref<20000x128xf32, #tpu.memory_space<hbm>> -> memref<625x128xf32, #tpu.memory_space<hbm>>
      tpu.enqueue_dma source(%dma_start3A_79 : memref<625x128xf32, #tpu.memory_space<hbm>>) target(%dma_start3A_77 : memref<625x128xf32, #tpu.memory_space<vmem_shared>>) target_semaphore(%run_scoped3A : memref<!tpu.dma_semaphore, #tpu.memory_space<semaphore_mem>>)
      %dma_wait3A_80 = arith.constant 0 : i32
      %dma_wait3A_81 = tpu.memref_slice %arg11[%mul3A_0, %dma_wait3A_80] : memref<10000x128xf32, #tpu.memory_space<vmem_shared>> -> memref<625x128xf32, #tpu.memory_space<vmem_shared>>
      %dma_wait3A_82 = arith.constant 0 : i32
      %dma_wait3A_83 = tpu.memref_slice %arg4[%add3A, %dma_wait3A_82] : memref<20000x128xf32, #tpu.memory_space<hbm>> -> memref<625x128xf32, #tpu.memory_space<hbm>>
      tpu.wait_dma2 semaphore(%run_scoped3A : memref<!tpu.dma_semaphore, #tpu.memory_space<semaphore_mem>>) src(%dma_wait3A_83 : memref<625x128xf32, #tpu.memory_space<hbm>>) dst(%dma_wait3A_81 : memref<625x128xf32, #tpu.memory_space<vmem_shared>>)
      tpu.yield
    }) : () -> ()
    %mul3A_3 = arith.constant 16 : i32
    %mul3A_4 = arith.muli %arg0, %mul3A_3 : i32
    %add3A_5 = arith.addi %mul3A_4, %arg1 : i32
    "tpu.region"() ({
      %run_scoped3A = tpu.sem_alloc : memref<!tpu.dma_semaphore, #tpu.memory_space<semaphore_mem>>
      %dma_start3A_76 = arith.constant 0 : i32
      %dma_start3A_77 = arith.constant 0 : i32
      %dma_start3A_78 = tpu.memref_slice %arg2[%add3A_5, %dma_start3A_76, %dma_start3A_77] : memref<32x125x80xi32, #tpu.memory_space<hbm>> -> memref<1x125x80xi32, #tpu.memory_space<hbm>>
      %dma_start3A_79 = tpu.memref_squeeze %dma_start3A_78 : memref<1x125x80xi32, #tpu.memory_space<hbm>> -> memref<125x80xi32, #tpu.memory_space<hbm>>
      %dma_start3A_80 = arith.constant 0 : i32
      %dma_start3A_81 = arith.constant 0 : i32
      %dma_start3A_82 = tpu.memref_slice %arg2[%add3A_5, %dma_start3A_80, %dma_start3A_81] : memref<32x125x80xi32, #tpu.memory_space<hbm>> -> memref<1x125x80xi32, #tpu.memory_space<hbm>>
      %dma_start3A_83 = tpu.memref_squeeze %dma_start3A_82 : memref<1x125x80xi32, #tpu.memory_space<hbm>> -> memref<125x80xi32, #tpu.memory_space<hbm>>
      tpu.enqueue_dma source(%dma_start3A_83 : memref<125x80xi32, #tpu.memory_space<hbm>>) target(%arg6 : memref<125x80xi32, #tpu.memory_space<vmem>>) target_semaphore(%run_scoped3A : memref<!tpu.dma_semaphore, #tpu.memory_space<semaphore_mem>>)
      %dma_wait3A_84 = arith.constant 0 : i32
      %dma_wait3A_85 = arith.constant 0 : i32
      %dma_wait3A_86 = tpu.memref_slice %arg2[%add3A_5, %dma_wait3A_84, %dma_wait3A_85] : memref<32x125x80xi32, #tpu.memory_space<hbm>> -> memref<1x125x80xi32, #tpu.memory_space<hbm>>
      %dma_wait3A_87 = tpu.memref_squeeze %dma_wait3A_86 : memref<1x125x80xi32, #tpu.memory_space<hbm>> -> memref<125x80xi32, #tpu.memory_space<hbm>>
      %dma_wait3A_88 = arith.constant 0 : i32
      %dma_wait3A_89 = arith.constant 0 : i32
      %dma_wait3A_90 = tpu.memref_slice %arg2[%add3A_5, %dma_wait3A_88, %dma_wait3A_89] : memref<32x125x80xi32, #tpu.memory_space<hbm>> -> memref<1x125x80xi32, #tpu.memory_space<hbm>>
      %dma_wait3A_91 = tpu.memref_squeeze %dma_wait3A_90 : memref<1x125x80xi32, #tpu.memory_space<hbm>> -> memref<125x80xi32, #tpu.memory_space<hbm>>
      tpu.wait_dma2 semaphore(%run_scoped3A : memref<!tpu.dma_semaphore, #tpu.memory_space<semaphore_mem>>) src(%dma_wait3A_91 : memref<125x80xi32, #tpu.memory_space<hbm>>) dst(%arg6 : memref<125x80xi32, #tpu.memory_space<vmem>>)
      tpu.yield
    }) : () -> ()
    "tpu.region"() ({
      %run_scoped3A = tpu.sem_alloc : memref<!tpu.dma_semaphore, #tpu.memory_space<semaphore_mem>>
      %dma_start3A_76 = arith.constant 0 : i32
      %dma_start3A_77 = arith.constant 0 : i32
      %dma_start3A_78 = tpu.memref_slice %arg3[%arg1, %dma_start3A_76, %dma_start3A_77] : memref<16x125x80xi32, #tpu.memory_space<hbm>> -> memref<1x125x80xi32, #tpu.memory_space<hbm>>
      %dma_start3A_79 = tpu.memref_squeeze %dma_start3A_78 : memref<1x125x80xi32, #tpu.memory_space<hbm>> -> memref<125x80xi32, #tpu.memory_space<hbm>>
      %dma_start3A_80 = arith.constant 0 : i32
      %dma_start3A_81 = arith.constant 0 : i32
      %dma_start3A_82 = tpu.memref_slice %arg3[%arg1, %dma_start3A_80, %dma_start3A_81] : memref<16x125x80xi32, #tpu.memory_space<hbm>> -> memref<1x125x80xi32, #tpu.memory_space<hbm>>
      %dma_start3A_83 = tpu.memref_squeeze %dma_start3A_82 : memref<1x125x80xi32, #tpu.memory_space<hbm>> -> memref<125x80xi32, #tpu.memory_space<hbm>>
      tpu.enqueue_dma source(%dma_start3A_83 : memref<125x80xi32, #tpu.memory_space<hbm>>) target(%arg7 : memref<125x80xi32, #tpu.memory_space<vmem>>) target_semaphore(%run_scoped3A : memref<!tpu.dma_semaphore, #tpu.memory_space<semaphore_mem>>)
      %dma_wait3A_84 = arith.constant 0 : i32
      %dma_wait3A_85 = arith.constant 0 : i32
      %dma_wait3A_86 = tpu.memref_slice %arg3[%arg1, %dma_wait3A_84, %dma_wait3A_85] : memref<16x125x80xi32, #tpu.memory_space<hbm>> -> memref<1x125x80xi32, #tpu.memory_space<hbm>>
      %dma_wait3A_87 = tpu.memref_squeeze %dma_wait3A_86 : memref<1x125x80xi32, #tpu.memory_space<hbm>> -> memref<125x80xi32, #tpu.memory_space<hbm>>
      %dma_wait3A_88 = arith.constant 0 : i32
      %dma_wait3A_89 = arith.constant 0 : i32
      %dma_wait3A_90 = tpu.memref_slice %arg3[%arg1, %dma_wait3A_88, %dma_wait3A_89] : memref<16x125x80xi32, #tpu.memory_space<hbm>> -> memref<1x125x80xi32, #tpu.memory_space<hbm>>
      %dma_wait3A_91 = tpu.memref_squeeze %dma_wait3A_90 : memref<1x125x80xi32, #tpu.memory_space<hbm>> -> memref<125x80xi32, #tpu.memory_space<hbm>>
      tpu.wait_dma2 semaphore(%run_scoped3A : memref<!tpu.dma_semaphore, #tpu.memory_space<semaphore_mem>>) src(%dma_wait3A_91 : memref<125x80xi32, #tpu.memory_space<hbm>>) dst(%arg7 : memref<125x80xi32, #tpu.memory_space<vmem>>)
      tpu.yield
    }) : () -> ()
    %barrier3A = arith.constant 0 : index
    tpu.barrier barrier_id(%barrier3A)
    %dma_start3A = arith.constant 0 : i32
    %dma_start3A_6 = arith.constant 0 : i32
    %dma_start3A_7 = tpu.memref_slice %arg6[%dma_start3A, %dma_start3A_6] : memref<125x80xi32, #tpu.memory_space<vmem>> -> memref<1x80xi32, #tpu.memory_space<vmem>>
    %dma_start3A_8 = tpu.memref_squeeze %dma_start3A_7 : memref<1x80xi32, #tpu.memory_space<vmem>> -> memref<80xi32, #tpu.memory_space<vmem>>
    %dma_start3A_9 = arith.constant 0 : i32
    %dma_start3A_10 = arith.constant 0 : i32
    %dma_start3A_11 = tpu.memref_slice %arg4[%dma_start3A_9, %dma_start3A_10] : memref<20000x128xf32, #tpu.memory_space<hbm>> -> memref<20000x128xf32, #tpu.memory_space<hbm>>
    tpu.enqueue_indirect_dma source(%dma_start3A_11 : memref<20000x128xf32, #tpu.memory_space<hbm>>) target(%arg8 : memref<80x128xf32, #tpu.memory_space<vmem>>) offsets(%dma_start3A_8 : memref<80xi32, #tpu.memory_space<vmem>>) semaphore(%arg12 : memref<!tpu.dma_semaphore, #tpu.memory_space<semaphore_mem>>)
    %dma_start3A_12 = arith.constant 1 : i32
    %dma_start3A_13 = arith.constant 0 : i32
    %dma_start3A_14 = tpu.memref_slice %arg6[%dma_start3A_12, %dma_start3A_13] : memref<125x80xi32, #tpu.memory_space<vmem>> -> memref<1x80xi32, #tpu.memory_space<vmem>>
    %dma_start3A_15 = tpu.memref_squeeze %dma_start3A_14 : memref<1x80xi32, #tpu.memory_space<vmem>> -> memref<80xi32, #tpu.memory_space<vmem>>
    %dma_start3A_16 = arith.constant 0 : i32
    %dma_start3A_17 = arith.constant 0 : i32
    %dma_start3A_18 = tpu.memref_slice %arg4[%dma_start3A_16, %dma_start3A_17] : memref<20000x128xf32, #tpu.memory_space<hbm>> -> memref<20000x128xf32, #tpu.memory_space<hbm>>
    tpu.enqueue_indirect_dma source(%dma_start3A_18 : memref<20000x128xf32, #tpu.memory_space<hbm>>) target(%arg9 : memref<80x128xf32, #tpu.memory_space<vmem>>) offsets(%dma_start3A_15 : memref<80xi32, #tpu.memory_space<vmem>>) semaphore(%arg13 : memref<!tpu.dma_semaphore, #tpu.memory_space<semaphore_mem>>)
    %scan3A = arith.constant 0 : i32
    %scan3A_19 = arith.constant 0 : i32
    %scan3A_20 = arith.constant 41 : i32
    %scan3A_21 = arith.addi %scan3A_19, %scan3A_20 : i32
    %scan3A_22 = arith.constant 1 : i32
    scf.for %scan3A_76 = %scan3A_19 to %scan3A_21 step %scan3A_22  : i32 {
      %mul3A_77 = arith.constant 3 : i32
      %mul3A_78 = arith.muli %mul3A_77, %scan3A_76 : i32
      %add3A_79 = arith.constant 0 : i32
      %add3A_80 = arith.addi %mul3A_78, %add3A_79 : i32
      %dma_wait3A_81 = arith.constant 0 : i32
      %dma_wait3A_82 = tpu.memref_slice %arg6[%add3A_80, %dma_wait3A_81] : memref<125x80xi32, #tpu.memory_space<vmem>> -> memref<1x80xi32, #tpu.memory_space<vmem>>
      %dma_wait3A_83 = tpu.memref_squeeze %dma_wait3A_82 : memref<1x80xi32, #tpu.memory_space<vmem>> -> memref<80xi32, #tpu.memory_space<vmem>>
      %dma_wait3A_84 = arith.constant 0 : i32
      %dma_wait3A_85 = arith.constant 0 : i32
      %dma_wait3A_86 = tpu.memref_slice %arg4[%dma_wait3A_84, %dma_wait3A_85] : memref<20000x128xf32, #tpu.memory_space<hbm>> -> memref<20000x128xf32, #tpu.memory_space<hbm>>
      tpu.wait_indirect_dma semaphore(%arg12 : memref<!tpu.dma_semaphore, #tpu.memory_space<semaphore_mem>>) src(%dma_wait3A_86 : memref<20000x128xf32, #tpu.memory_space<hbm>>) dst(%arg8 : memref<80x128xf32, #tpu.memory_space<vmem>>)
      %dma_start3A_87 = arith.constant 0 : i32
      %dma_start3A_88 = tpu.memref_slice %arg7[%add3A_80, %dma_start3A_87] : memref<125x80xi32, #tpu.memory_space<vmem>> -> memref<1x80xi32, #tpu.memory_space<vmem>>
      %dma_start3A_89 = tpu.memref_squeeze %dma_start3A_88 : memref<1x80xi32, #tpu.memory_space<vmem>> -> memref<80xi32, #tpu.memory_space<vmem>>
      %dma_start3A_90 = arith.constant 0 : i32
      %dma_start3A_91 = arith.constant 0 : i32
      %dma_start3A_92 = tpu.memref_slice %arg11[%dma_start3A_90, %dma_start3A_91] : memref<10000x128xf32, #tpu.memory_space<vmem_shared>> -> memref<10000x128xf32, #tpu.memory_space<vmem_shared>>
      tpu.enqueue_indirect_dma source(%arg8 : memref<80x128xf32, #tpu.memory_space<vmem>>) target(%dma_start3A_92 : memref<10000x128xf32, #tpu.memory_space<vmem_shared>>) offsets(%dma_start3A_89 : memref<80xi32, #tpu.memory_space<vmem>>) semaphore(%arg15 : memref<!tpu.dma_semaphore, #tpu.memory_space<semaphore_mem>>) {add = true}
      %add3A_93 = arith.constant 3 : i32
      %add3A_94 = arith.addi %add3A_80, %add3A_93 : i32
      %sub3A = arith.constant 1 : i32
      %sub3A_95 = arith.subi %add3A_94, %sub3A : i32
      %ge3A = arith.constant 1 : i32
      %ge3A_96 = arith.cmpi sge, %add3A_80, %ge3A : i32
      %convert_element_type3A = arith.extui %ge3A_96 : i1 to i32
      %cond3A = arith.constant 0 : i32
      %cond3A_97 = arith.cmpi ne, %convert_element_type3A, %cond3A : i32
      scf.if %cond3A_97 {
        %sub3A_162 = arith.constant 1 : i32
        %sub3A_163 = arith.subi %add3A_80, %sub3A_162 : i32
        %dma_wait3A_164 = arith.constant 0 : i32
        %dma_wait3A_165 = tpu.memref_slice %arg7[%sub3A_163, %dma_wait3A_164] : memref<125x80xi32, #tpu.memory_space<vmem>> -> memref<1x80xi32, #tpu.memory_space<vmem>>
        %dma_wait3A_166 = tpu.memref_squeeze %dma_wait3A_165 : memref<1x80xi32, #tpu.memory_space<vmem>> -> memref<80xi32, #tpu.memory_space<vmem>>
        %dma_wait3A_167 = arith.constant 0 : i32
        %dma_wait3A_168 = arith.constant 0 : i32
        %dma_wait3A_169 = tpu.memref_slice %arg11[%dma_wait3A_167, %dma_wait3A_168] : memref<10000x128xf32, #tpu.memory_space<vmem_shared>> -> memref<10000x128xf32, #tpu.memory_space<vmem_shared>>
        tpu.wait_indirect_dma semaphore(%arg17 : memref<!tpu.dma_semaphore, #tpu.memory_space<semaphore_mem>>) src(%arg10 : memref<80x128xf32, #tpu.memory_space<vmem>>) dst(%dma_wait3A_169 : memref<10000x128xf32, #tpu.memory_space<vmem_shared>>)
      } else {
      }
      %lt3A = arith.constant 125 : i32
      %lt3A_98 = arith.cmpi slt, %sub3A_95, %lt3A : i32
      %convert_element_type3A_99 = arith.extui %lt3A_98 : i1 to i32
      %cond3A_100 = arith.constant 0 : i32
      %cond3A_101 = arith.cmpi ne, %convert_element_type3A_99, %cond3A_100 : i32
      scf.if %cond3A_101 {
        %dma_start3A_162 = arith.constant 0 : i32
        %dma_start3A_163 = tpu.memref_slice %arg6[%sub3A_95, %dma_start3A_162] : memref<125x80xi32, #tpu.memory_space<vmem>> -> memref<1x80xi32, #tpu.memory_space<vmem>>
        %dma_start3A_164 = tpu.memref_squeeze %dma_start3A_163 : memref<1x80xi32, #tpu.memory_space<vmem>> -> memref<80xi32, #tpu.memory_space<vmem>>
        %dma_start3A_165 = arith.constant 0 : i32
        %dma_start3A_166 = arith.constant 0 : i32
        %dma_start3A_167 = tpu.memref_slice %arg4[%dma_start3A_165, %dma_start3A_166] : memref<20000x128xf32, #tpu.memory_space<hbm>> -> memref<20000x128xf32, #tpu.memory_space<hbm>>
        tpu.enqueue_indirect_dma source(%dma_start3A_167 : memref<20000x128xf32, #tpu.memory_space<hbm>>) target(%arg10 : memref<80x128xf32, #tpu.memory_space<vmem>>) offsets(%dma_start3A_164 : memref<80xi32, #tpu.memory_space<vmem>>) semaphore(%arg14 : memref<!tpu.dma_semaphore, #tpu.memory_space<semaphore_mem>>)
      } else {
      }
      %mul3A_102 = arith.constant 3 : i32
      %mul3A_103 = arith.muli %mul3A_102, %scan3A_76 : i32
      %add3A_104 = arith.constant 1 : i32
      %add3A_105 = arith.addi %mul3A_103, %add3A_104 : i32
      %dma_wait3A_106 = arith.constant 0 : i32
      %dma_wait3A_107 = tpu.memref_slice %arg6[%add3A_105, %dma_wait3A_106] : memref<125x80xi32, #tpu.memory_space<vmem>> -> memref<1x80xi32, #tpu.memory_space<vmem>>
      %dma_wait3A_108 = tpu.memref_squeeze %dma_wait3A_107 : memref<1x80xi32, #tpu.memory_space<vmem>> -> memref<80xi32, #tpu.memory_space<vmem>>
      %dma_wait3A_109 = arith.constant 0 : i32
      %dma_wait3A_110 = arith.constant 0 : i32
      %dma_wait3A_111 = tpu.memref_slice %arg4[%dma_wait3A_109, %dma_wait3A_110] : memref<20000x128xf32, #tpu.memory_space<hbm>> -> memref<20000x128xf32, #tpu.memory_space<hbm>>
      tpu.wait_indirect_dma semaphore(%arg13 : memref<!tpu.dma_semaphore, #tpu.memory_space<semaphore_mem>>) src(%dma_wait3A_111 : memref<20000x128xf32, #tpu.memory_space<hbm>>) dst(%arg9 : memref<80x128xf32, #tpu.memory_space<vmem>>)
      %dma_start3A_112 = arith.constant 0 : i32
      %dma_start3A_113 = tpu.memref_slice %arg7[%add3A_105, %dma_start3A_112] : memref<125x80xi32, #tpu.memory_space<vmem>> -> memref<1x80xi32, #tpu.memory_space<vmem>>
      %dma_start3A_114 = tpu.memref_squeeze %dma_start3A_113 : memref<1x80xi32, #tpu.memory_space<vmem>> -> memref<80xi32, #tpu.memory_space<vmem>>
      %dma_start3A_115 = arith.constant 0 : i32
      %dma_start3A_116 = arith.constant 0 : i32
      %dma_start3A_117 = tpu.memref_slice %arg11[%dma_start3A_115, %dma_start3A_116] : memref<10000x128xf32, #tpu.memory_space<vmem_shared>> -> memref<10000x128xf32, #tpu.memory_space<vmem_shared>>
      tpu.enqueue_indirect_dma source(%arg9 : memref<80x128xf32, #tpu.memory_space<vmem>>) target(%dma_start3A_117 : memref<10000x128xf32, #tpu.memory_space<vmem_shared>>) offsets(%dma_start3A_114 : memref<80xi32, #tpu.memory_space<vmem>>) semaphore(%arg16 : memref<!tpu.dma_semaphore, #tpu.memory_space<semaphore_mem>>) {add = true}
      %add3A_118 = arith.constant 3 : i32
      %add3A_119 = arith.addi %add3A_105, %add3A_118 : i32
      %sub3A_120 = arith.constant 1 : i32
      %sub3A_121 = arith.subi %add3A_119, %sub3A_120 : i32
      %ge3A_122 = arith.constant 1 : i32
      %ge3A_123 = arith.cmpi sge, %add3A_105, %ge3A_122 : i32
      %convert_element_type3A_124 = arith.extui %ge3A_123 : i1 to i32
      %cond3A_125 = arith.constant 0 : i32
      %cond3A_126 = arith.cmpi ne, %convert_element_type3A_124, %cond3A_125 : i32
      scf.if %cond3A_126 {
        %sub3A_162 = arith.constant 1 : i32
        %sub3A_163 = arith.subi %add3A_105, %sub3A_162 : i32
        %dma_wait3A_164 = arith.constant 0 : i32
        %dma_wait3A_165 = tpu.memref_slice %arg7[%sub3A_163, %dma_wait3A_164] : memref<125x80xi32, #tpu.memory_space<vmem>> -> memref<1x80xi32, #tpu.memory_space<vmem>>
        %dma_wait3A_166 = tpu.memref_squeeze %dma_wait3A_165 : memref<1x80xi32, #tpu.memory_space<vmem>> -> memref<80xi32, #tpu.memory_space<vmem>>
        %dma_wait3A_167 = arith.constant 0 : i32
        %dma_wait3A_168 = arith.constant 0 : i32
        %dma_wait3A_169 = tpu.memref_slice %arg11[%dma_wait3A_167, %dma_wait3A_168] : memref<10000x128xf32, #tpu.memory_space<vmem_shared>> -> memref<10000x128xf32, #tpu.memory_space<vmem_shared>>
        tpu.wait_indirect_dma semaphore(%arg15 : memref<!tpu.dma_semaphore, #tpu.memory_space<semaphore_mem>>) src(%arg8 : memref<80x128xf32, #tpu.memory_space<vmem>>) dst(%dma_wait3A_169 : memref<10000x128xf32, #tpu.memory_space<vmem_shared>>)
      } else {
      }
      %lt3A_127 = arith.constant 125 : i32
      %lt3A_128 = arith.cmpi slt, %sub3A_121, %lt3A_127 : i32
      %convert_element_type3A_129 = arith.extui %lt3A_128 : i1 to i32
      %cond3A_130 = arith.constant 0 : i32
      %cond3A_131 = arith.cmpi ne, %convert_element_type3A_129, %cond3A_130 : i32
      scf.if %cond3A_131 {
        %dma_start3A_162 = arith.constant 0 : i32
        %dma_start3A_163 = tpu.memref_slice %arg6[%sub3A_121, %dma_start3A_162] : memref<125x80xi32, #tpu.memory_space<vmem>> -> memref<1x80xi32, #tpu.memory_space<vmem>>
        %dma_start3A_164 = tpu.memref_squeeze %dma_start3A_163 : memref<1x80xi32, #tpu.memory_space<vmem>> -> memref<80xi32, #tpu.memory_space<vmem>>
        %dma_start3A_165 = arith.constant 0 : i32
        %dma_start3A_166 = arith.constant 0 : i32
        %dma_start3A_167 = tpu.memref_slice %arg4[%dma_start3A_165, %dma_start3A_166] : memref<20000x128xf32, #tpu.memory_space<hbm>> -> memref<20000x128xf32, #tpu.memory_space<hbm>>
        tpu.enqueue_indirect_dma source(%dma_start3A_167 : memref<20000x128xf32, #tpu.memory_space<hbm>>) target(%arg8 : memref<80x128xf32, #tpu.memory_space<vmem>>) offsets(%dma_start3A_164 : memref<80xi32, #tpu.memory_space<vmem>>) semaphore(%arg12 : memref<!tpu.dma_semaphore, #tpu.memory_space<semaphore_mem>>)
      } else {
      }
      %mul3A_132 = arith.constant 3 : i32
      %mul3A_133 = arith.muli %mul3A_132, %scan3A_76 : i32
      %add3A_134 = arith.constant 2 : i32
      %add3A_135 = arith.addi %mul3A_133, %add3A_134 : i32
      %dma_wait3A_136 = arith.constant 0 : i32
      %dma_wait3A_137 = tpu.memref_slice %arg6[%add3A_135, %dma_wait3A_136] : memref<125x80xi32, #tpu.memory_space<vmem>> -> memref<1x80xi32, #tpu.memory_space<vmem>>
      %dma_wait3A_138 = tpu.memref_squeeze %dma_wait3A_137 : memref<1x80xi32, #tpu.memory_space<vmem>> -> memref<80xi32, #tpu.memory_space<vmem>>
      %dma_wait3A_139 = arith.constant 0 : i32
      %dma_wait3A_140 = arith.constant 0 : i32
      %dma_wait3A_141 = tpu.memref_slice %arg4[%dma_wait3A_139, %dma_wait3A_140] : memref<20000x128xf32, #tpu.memory_space<hbm>> -> memref<20000x128xf32, #tpu.memory_space<hbm>>
      tpu.wait_indirect_dma semaphore(%arg14 : memref<!tpu.dma_semaphore, #tpu.memory_space<semaphore_mem>>) src(%dma_wait3A_141 : memref<20000x128xf32, #tpu.memory_space<hbm>>) dst(%arg10 : memref<80x128xf32, #tpu.memory_space<vmem>>)
      %dma_start3A_142 = arith.constant 0 : i32
      %dma_start3A_143 = tpu.memref_slice %arg7[%add3A_135, %dma_start3A_142] : memref<125x80xi32, #tpu.memory_space<vmem>> -> memref<1x80xi32, #tpu.memory_space<vmem>>
      %dma_start3A_144 = tpu.memref_squeeze %dma_start3A_143 : memref<1x80xi32, #tpu.memory_space<vmem>> -> memref<80xi32, #tpu.memory_space<vmem>>
      %dma_start3A_145 = arith.constant 0 : i32
      %dma_start3A_146 = arith.constant 0 : i32
      %dma_start3A_147 = tpu.memref_slice %arg11[%dma_start3A_145, %dma_start3A_146] : memref<10000x128xf32, #tpu.memory_space<vmem_shared>> -> memref<10000x128xf32, #tpu.memory_space<vmem_shared>>
      tpu.enqueue_indirect_dma source(%arg10 : memref<80x128xf32, #tpu.memory_space<vmem>>) target(%dma_start3A_147 : memref<10000x128xf32, #tpu.memory_space<vmem_shared>>) offsets(%dma_start3A_144 : memref<80xi32, #tpu.memory_space<vmem>>) semaphore(%arg17 : memref<!tpu.dma_semaphore, #tpu.memory_space<semaphore_mem>>) {add = true}
      %add3A_148 = arith.constant 3 : i32
      %add3A_149 = arith.addi %add3A_135, %add3A_148 : i32
      %sub3A_150 = arith.constant 1 : i32
      %sub3A_151 = arith.subi %add3A_149, %sub3A_150 : i32
      %ge3A_152 = arith.constant 1 : i32
      %ge3A_153 = arith.cmpi sge, %add3A_135, %ge3A_152 : i32
      %convert_element_type3A_154 = arith.extui %ge3A_153 : i1 to i32
      %cond3A_155 = arith.constant 0 : i32
      %cond3A_156 = arith.cmpi ne, %convert_element_type3A_154, %cond3A_155 : i32
      scf.if %cond3A_156 {
        %sub3A_162 = arith.constant 1 : i32
        %sub3A_163 = arith.subi %add3A_135, %sub3A_162 : i32
        %dma_wait3A_164 = arith.constant 0 : i32
        %dma_wait3A_165 = tpu.memref_slice %arg7[%sub3A_163, %dma_wait3A_164] : memref<125x80xi32, #tpu.memory_space<vmem>> -> memref<1x80xi32, #tpu.memory_space<vmem>>
        %dma_wait3A_166 = tpu.memref_squeeze %dma_wait3A_165 : memref<1x80xi32, #tpu.memory_space<vmem>> -> memref<80xi32, #tpu.memory_space<vmem>>
        %dma_wait3A_167 = arith.constant 0 : i32
        %dma_wait3A_168 = arith.constant 0 : i32
        %dma_wait3A_169 = tpu.memref_slice %arg11[%dma_wait3A_167, %dma_wait3A_168] : memref<10000x128xf32, #tpu.memory_space<vmem_shared>> -> memref<10000x128xf32, #tpu.memory_space<vmem_shared>>
        tpu.wait_indirect_dma semaphore(%arg16 : memref<!tpu.dma_semaphore, #tpu.memory_space<semaphore_mem>>) src(%arg9 : memref<80x128xf32, #tpu.memory_space<vmem>>) dst(%dma_wait3A_169 : memref<10000x128xf32, #tpu.memory_space<vmem_shared>>)
      } else {
      }
      %lt3A_157 = arith.constant 125 : i32
      %lt3A_158 = arith.cmpi slt, %sub3A_151, %lt3A_157 : i32
      %convert_element_type3A_159 = arith.extui %lt3A_158 : i1 to i32
      %cond3A_160 = arith.constant 0 : i32
      %cond3A_161 = arith.cmpi ne, %convert_element_type3A_159, %cond3A_160 : i32
      scf.if %cond3A_161 {
        %dma_start3A_162 = arith.constant 0 : i32
        %dma_start3A_163 = tpu.memref_slice %arg6[%sub3A_151, %dma_start3A_162] : memref<125x80xi32, #tpu.memory_space<vmem>> -> memref<1x80xi32, #tpu.memory_space<vmem>>
        %dma_start3A_164 = tpu.memref_squeeze %dma_start3A_163 : memref<1x80xi32, #tpu.memory_space<vmem>> -> memref<80xi32, #tpu.memory_space<vmem>>
        %dma_start3A_165 = arith.constant 0 : i32
        %dma_start3A_166 = arith.constant 0 : i32
        %dma_start3A_167 = tpu.memref_slice %arg4[%dma_start3A_165, %dma_start3A_166] : memref<20000x128xf32, #tpu.memory_space<hbm>> -> memref<20000x128xf32, #tpu.memory_space<hbm>>
        tpu.enqueue_indirect_dma source(%dma_start3A_167 : memref<20000x128xf32, #tpu.memory_space<hbm>>) target(%arg9 : memref<80x128xf32, #tpu.memory_space<vmem>>) offsets(%dma_start3A_164 : memref<80xi32, #tpu.memory_space<vmem>>) semaphore(%arg13 : memref<!tpu.dma_semaphore, #tpu.memory_space<semaphore_mem>>)
      } else {
      }
    }
    %scan3A_23 = arith.constant 41 : i32
    %dma_wait3A = arith.constant 123 : i32
    %dma_wait3A_24 = arith.constant 0 : i32
    %dma_wait3A_25 = tpu.memref_slice %arg6[%dma_wait3A, %dma_wait3A_24] : memref<125x80xi32, #tpu.memory_space<vmem>> -> memref<1x80xi32, #tpu.memory_space<vmem>>
    %dma_wait3A_26 = tpu.memref_squeeze %dma_wait3A_25 : memref<1x80xi32, #tpu.memory_space<vmem>> -> memref<80xi32, #tpu.memory_space<vmem>>
    %dma_wait3A_27 = arith.constant 0 : i32
    %dma_wait3A_28 = arith.constant 0 : i32
    %dma_wait3A_29 = tpu.memref_slice %arg4[%dma_wait3A_27, %dma_wait3A_28] : memref<20000x128xf32, #tpu.memory_space<hbm>> -> memref<20000x128xf32, #tpu.memory_space<hbm>>
    tpu.wait_indirect_dma semaphore(%arg12 : memref<!tpu.dma_semaphore, #tpu.memory_space<semaphore_mem>>) src(%dma_wait3A_29 : memref<20000x128xf32, #tpu.memory_space<hbm>>) dst(%arg8 : memref<80x128xf32, #tpu.memory_space<vmem>>)
    %dma_start3A_30 = arith.constant 123 : i32
    %dma_start3A_31 = arith.constant 0 : i32
    %dma_start3A_32 = tpu.memref_slice %arg7[%dma_start3A_30, %dma_start3A_31] : memref<125x80xi32, #tpu.memory_space<vmem>> -> memref<1x80xi32, #tpu.memory_space<vmem>>
    %dma_start3A_33 = tpu.memref_squeeze %dma_start3A_32 : memref<1x80xi32, #tpu.memory_space<vmem>> -> memref<80xi32, #tpu.memory_space<vmem>>
    %dma_start3A_34 = arith.constant 0 : i32
    %dma_start3A_35 = arith.constant 0 : i32
    %dma_start3A_36 = tpu.memref_slice %arg11[%dma_start3A_34, %dma_start3A_35] : memref<10000x128xf32, #tpu.memory_space<vmem_shared>> -> memref<10000x128xf32, #tpu.memory_space<vmem_shared>>
    tpu.enqueue_indirect_dma source(%arg8 : memref<80x128xf32, #tpu.memory_space<vmem>>) target(%dma_start3A_36 : memref<10000x128xf32, #tpu.memory_space<vmem_shared>>) offsets(%dma_start3A_33 : memref<80xi32, #tpu.memory_space<vmem>>) semaphore(%arg15 : memref<!tpu.dma_semaphore, #tpu.memory_space<semaphore_mem>>) {add = true}
    %dma_wait3A_37 = arith.constant 124 : i32
    %dma_wait3A_38 = arith.constant 0 : i32
    %dma_wait3A_39 = tpu.memref_slice %arg6[%dma_wait3A_37, %dma_wait3A_38] : memref<125x80xi32, #tpu.memory_space<vmem>> -> memref<1x80xi32, #tpu.memory_space<vmem>>
    %dma_wait3A_40 = tpu.memref_squeeze %dma_wait3A_39 : memref<1x80xi32, #tpu.memory_space<vmem>> -> memref<80xi32, #tpu.memory_space<vmem>>
    %dma_wait3A_41 = arith.constant 0 : i32
    %dma_wait3A_42 = arith.constant 0 : i32
    %dma_wait3A_43 = tpu.memref_slice %arg4[%dma_wait3A_41, %dma_wait3A_42] : memref<20000x128xf32, #tpu.memory_space<hbm>> -> memref<20000x128xf32, #tpu.memory_space<hbm>>
    tpu.wait_indirect_dma semaphore(%arg13 : memref<!tpu.dma_semaphore, #tpu.memory_space<semaphore_mem>>) src(%dma_wait3A_43 : memref<20000x128xf32, #tpu.memory_space<hbm>>) dst(%arg9 : memref<80x128xf32, #tpu.memory_space<vmem>>)
    %dma_start3A_44 = arith.constant 124 : i32
    %dma_start3A_45 = arith.constant 0 : i32
    %dma_start3A_46 = tpu.memref_slice %arg7[%dma_start3A_44, %dma_start3A_45] : memref<125x80xi32, #tpu.memory_space<vmem>> -> memref<1x80xi32, #tpu.memory_space<vmem>>
    %dma_start3A_47 = tpu.memref_squeeze %dma_start3A_46 : memref<1x80xi32, #tpu.memory_space<vmem>> -> memref<80xi32, #tpu.memory_space<vmem>>
    %dma_start3A_48 = arith.constant 0 : i32
    %dma_start3A_49 = arith.constant 0 : i32
    %dma_start3A_50 = tpu.memref_slice %arg11[%dma_start3A_48, %dma_start3A_49] : memref<10000x128xf32, #tpu.memory_space<vmem_shared>> -> memref<10000x128xf32, #tpu.memory_space<vmem_shared>>
    tpu.enqueue_indirect_dma source(%arg9 : memref<80x128xf32, #tpu.memory_space<vmem>>) target(%dma_start3A_50 : memref<10000x128xf32, #tpu.memory_space<vmem_shared>>) offsets(%dma_start3A_47 : memref<80xi32, #tpu.memory_space<vmem>>) semaphore(%arg16 : memref<!tpu.dma_semaphore, #tpu.memory_space<semaphore_mem>>) {add = true}
    %dma_wait3A_51 = arith.constant 122 : i32
    %dma_wait3A_52 = arith.constant 0 : i32
    %dma_wait3A_53 = tpu.memref_slice %arg7[%dma_wait3A_51, %dma_wait3A_52] : memref<125x80xi32, #tpu.memory_space<vmem>> -> memref<1x80xi32, #tpu.memory_space<vmem>>
    %dma_wait3A_54 = tpu.memref_squeeze %dma_wait3A_53 : memref<1x80xi32, #tpu.memory_space<vmem>> -> memref<80xi32, #tpu.memory_space<vmem>>
    %dma_wait3A_55 = arith.constant 0 : i32
    %dma_wait3A_56 = arith.constant 0 : i32
    %dma_wait3A_57 = tpu.memref_slice %arg11[%dma_wait3A_55, %dma_wait3A_56] : memref<10000x128xf32, #tpu.memory_space<vmem_shared>> -> memref<10000x128xf32, #tpu.memory_space<vmem_shared>>
    tpu.wait_indirect_dma semaphore(%arg17 : memref<!tpu.dma_semaphore, #tpu.memory_space<semaphore_mem>>) src(%arg10 : memref<80x128xf32, #tpu.memory_space<vmem>>) dst(%dma_wait3A_57 : memref<10000x128xf32, #tpu.memory_space<vmem_shared>>)
    %dma_wait3A_58 = arith.constant 123 : i32
    %dma_wait3A_59 = arith.constant 0 : i32
    %dma_wait3A_60 = tpu.memref_slice %arg7[%dma_wait3A_58, %dma_wait3A_59] : memref<125x80xi32, #tpu.memory_space<vmem>> -> memref<1x80xi32, #tpu.memory_space<vmem>>
    %dma_wait3A_61 = tpu.memref_squeeze %dma_wait3A_60 : memref<1x80xi32, #tpu.memory_space<vmem>> -> memref<80xi32, #tpu.memory_space<vmem>>
    %dma_wait3A_62 = arith.constant 0 : i32
    %dma_wait3A_63 = arith.constant 0 : i32
    %dma_wait3A_64 = tpu.memref_slice %arg11[%dma_wait3A_62, %dma_wait3A_63] : memref<10000x128xf32, #tpu.memory_space<vmem_shared>> -> memref<10000x128xf32, #tpu.memory_space<vmem_shared>>
    tpu.wait_indirect_dma semaphore(%arg15 : memref<!tpu.dma_semaphore, #tpu.memory_space<semaphore_mem>>) src(%arg8 : memref<80x128xf32, #tpu.memory_space<vmem>>) dst(%dma_wait3A_64 : memref<10000x128xf32, #tpu.memory_space<vmem_shared>>)
    %dma_wait3A_65 = arith.constant 124 : i32
    %dma_wait3A_66 = arith.constant 0 : i32
    %dma_wait3A_67 = tpu.memref_slice %arg7[%dma_wait3A_65, %dma_wait3A_66] : memref<125x80xi32, #tpu.memory_space<vmem>> -> memref<1x80xi32, #tpu.memory_space<vmem>>
    %dma_wait3A_68 = tpu.memref_squeeze %dma_wait3A_67 : memref<1x80xi32, #tpu.memory_space<vmem>> -> memref<80xi32, #tpu.memory_space<vmem>>
    %dma_wait3A_69 = arith.constant 0 : i32
    %dma_wait3A_70 = arith.constant 0 : i32
    %dma_wait3A_71 = tpu.memref_slice %arg11[%dma_wait3A_69, %dma_wait3A_70] : memref<10000x128xf32, #tpu.memory_space<vmem_shared>> -> memref<10000x128xf32, #tpu.memory_space<vmem_shared>>
    tpu.wait_indirect_dma semaphore(%arg16 : memref<!tpu.dma_semaphore, #tpu.memory_space<semaphore_mem>>) src(%arg9 : memref<80x128xf32, #tpu.memory_space<vmem>>) dst(%dma_wait3A_71 : memref<10000x128xf32, #tpu.memory_space<vmem_shared>>)
    %barrier3A_72 = arith.constant 0 : index
    tpu.barrier barrier_id(%barrier3A_72)
    %mul3A_73 = arith.constant 10000 : i32
    %mul3A_74 = arith.muli %arg0, %mul3A_73 : i32
    %add3A_75 = arith.addi %mul3A_74, %mul3A_0 : i32
    "tpu.region"() ({
      %run_scoped3A = tpu.sem_alloc : memref<!tpu.dma_semaphore, #tpu.memory_space<semaphore_mem>>
      %dma_start3A_76 = arith.constant 0 : i32
      %dma_start3A_77 = tpu.memref_slice %arg5[%add3A_75, %dma_start3A_76] : memref<20000x128xf32, #tpu.memory_space<hbm>> -> memref<625x128xf32, #tpu.memory_space<hbm>>
      %dma_start3A_78 = arith.constant 0 : i32
      %dma_start3A_79 = tpu.memref_slice %arg11[%mul3A_0, %dma_start3A_78] : memref<10000x128xf32, #tpu.memory_space<vmem_shared>> -> memref<625x128xf32, #tpu.memory_space<vmem_shared>>
      tpu.enqueue_dma source(%dma_start3A_79 : memref<625x128xf32, #tpu.memory_space<vmem_shared>>) target(%dma_start3A_77 : memref<625x128xf32, #tpu.memory_space<hbm>>) target_semaphore(%run_scoped3A : memref<!tpu.dma_semaphore, #tpu.memory_space<semaphore_mem>>)
      %dma_wait3A_80 = arith.constant 0 : i32
      %dma_wait3A_81 = tpu.memref_slice %arg5[%add3A_75, %dma_wait3A_80] : memref<20000x128xf32, #tpu.memory_space<hbm>> -> memref<625x128xf32, #tpu.memory_space<hbm>>
      %dma_wait3A_82 = arith.constant 0 : i32
      %dma_wait3A_83 = tpu.memref_slice %arg11[%mul3A_0, %dma_wait3A_82] : memref<10000x128xf32, #tpu.memory_space<vmem_shared>> -> memref<625x128xf32, #tpu.memory_space<vmem_shared>>
      tpu.wait_dma2 semaphore(%run_scoped3A : memref<!tpu.dma_semaphore, #tpu.memory_space<semaphore_mem>>) src(%dma_wait3A_83 : memref<625x128xf32, #tpu.memory_space<vmem_shared>>) dst(%dma_wait3A_81 : memref<625x128xf32, #tpu.memory_space<hbm>>)
      tpu.yield
    }) : () -> ()
    return
  }
}

#map = affine_map<(d0, d1) -> (0, 0, 0)>
#map1 = affine_map<(d0, d1) -> (0, 0)>
module attributes {stable_mosaic.version = 14 : i64} {
  func.func @_sc_prop(%arg0: i32, %arg1: i32, %arg2: memref<32x125x80xi32, #tpu.memory_space<hbm>>, %arg3: memref<16x125x80xi32, #tpu.memory_space<hbm>>, %arg4: memref<20000x128xf32, #tpu.memory_space<hbm>>, %arg5: memref<20000x128xf32, #tpu.memory_space<hbm>>, %arg6: memref<125x80xi32, #tpu.memory_space<vmem>>, %arg7: memref<125x80xi32, #tpu.memory_space<vmem>>, %arg8: memref<80x128xf32, #tpu.memory_space<vmem>>, %arg9: memref<80x128xf32, #tpu.memory_space<vmem>>, %arg10: memref<80x128xf32, #tpu.memory_space<vmem>>, %arg11: memref<10000x128xf32, #tpu.memory_space<vmem_shared>>, %arg12: memref<!tpu.dma_semaphore, #tpu.memory_space<semaphore_mem>>, %arg13: memref<!tpu.dma_semaphore, #tpu.memory_space<semaphore_mem>>, %arg14: memref<!tpu.dma_semaphore, #tpu.memory_space<semaphore_mem>>, %arg15: memref<!tpu.dma_semaphore, #tpu.memory_space<semaphore_mem>>, %arg16: memref<!tpu.dma_semaphore, #tpu.memory_space<semaphore_mem>>, %arg17: memref<!tpu.dma_semaphore, #tpu.memory_space<semaphore_mem>>) attributes {dimension_semantics = [#tpu.dimension_semantics<core_parallel>, #tpu.dimension_semantics<subcore_parallel>], iteration_bounds = array<i64: 2, 16>, scalar_prefetch = 0 : i64, scratch_operands = 12 : i64, tpu.core_type = #tpu.core_type<sc_vector_subcore>, window_params = [{transform_indices = #map}, {transform_indices = #map}, {transform_indices = #map1}, {transform_indices = #map1}]} {
    %mul3A = arith.constant 625 : i32
    %mul3A_0 = arith.muli %arg1, %mul3A : i32
    %mul3A_1 = arith.constant 10000 : i32
    %mul3A_2 = arith.muli %arg0, %mul3A_1 : i32
    %add3A = arith.addi %mul3A_2, %mul3A_0 : i32
    "tpu.region"() ({
      %run_scoped3A = tpu.sem_alloc : memref<!tpu.dma_semaphore, #tpu.memory_space<semaphore_mem>>
      %dma_start3A_76 = arith.constant 0 : i32
      %dma_start3A_77 = tpu.memref_slice %arg11[%mul3A_0, %dma_start3A_76] : memref<10000x128xf32, #tpu.memory_space<vmem_shared>> -> memref<625x128xf32, #tpu.memory_space<vmem_shared>>
      %dma_start3A_78 = arith.constant 0 : i32
      %dma_start3A_79 = tpu.memref_slice %arg4[%add3A, %dma_start3A_78] : memref<20000x128xf32, #tpu.memory_space<hbm>> -> memref<625x128xf32, #tpu.memory_space<hbm>>
      tpu.enqueue_dma source(%dma_start3A_79 : memref<625x128xf32, #tpu.memory_space<hbm>>) target(%dma_start3A_77 : memref<625x128xf32, #tpu.memory_space<vmem_shared>>) target_semaphore(%run_scoped3A : memref<!tpu.dma_semaphore, #tpu.memory_space<semaphore_mem>>)
      %dma_wait3A_80 = arith.constant 0 : i32
      %dma_wait3A_81 = tpu.memref_slice %arg11[%mul3A_0, %dma_wait3A_80] : memref<10000x128xf32, #tpu.memory_space<vmem_shared>> -> memref<625x128xf32, #tpu.memory_space<vmem_shared>>
      %dma_wait3A_82 = arith.constant 0 : i32
      %dma_wait3A_83 = tpu.memref_slice %arg4[%add3A, %dma_wait3A_82] : memref<20000x128xf32, #tpu.memory_space<hbm>> -> memref<625x128xf32, #tpu.memory_space<hbm>>
      tpu.wait_dma2 semaphore(%run_scoped3A : memref<!tpu.dma_semaphore, #tpu.memory_space<semaphore_mem>>) src(%dma_wait3A_83 : memref<625x128xf32, #tpu.memory_space<hbm>>) dst(%dma_wait3A_81 : memref<625x128xf32, #tpu.memory_space<vmem_shared>>)
      tpu.yield
    }) : () -> ()
    %mul3A_3 = arith.constant 16 : i32
    %mul3A_4 = arith.muli %arg0, %mul3A_3 : i32
    %add3A_5 = arith.addi %mul3A_4, %arg1 : i32
    "tpu.region"() ({
      %run_scoped3A = tpu.sem_alloc : memref<!tpu.dma_semaphore, #tpu.memory_space<semaphore_mem>>
      %dma_start3A_76 = arith.constant 0 : i32
      %dma_start3A_77 = arith.constant 0 : i32
      %dma_start3A_78 = tpu.memref_slice %arg2[%add3A_5, %dma_start3A_76, %dma_start3A_77] : memref<32x125x80xi32, #tpu.memory_space<hbm>> -> memref<1x125x80xi32, #tpu.memory_space<hbm>>
      %dma_start3A_79 = tpu.memref_squeeze %dma_start3A_78 : memref<1x125x80xi32, #tpu.memory_space<hbm>> -> memref<125x80xi32, #tpu.memory_space<hbm>>
      %dma_start3A_80 = arith.constant 0 : i32
      %dma_start3A_81 = arith.constant 0 : i32
      %dma_start3A_82 = tpu.memref_slice %arg2[%add3A_5, %dma_start3A_80, %dma_start3A_81] : memref<32x125x80xi32, #tpu.memory_space<hbm>> -> memref<1x125x80xi32, #tpu.memory_space<hbm>>
      %dma_start3A_83 = tpu.memref_squeeze %dma_start3A_82 : memref<1x125x80xi32, #tpu.memory_space<hbm>> -> memref<125x80xi32, #tpu.memory_space<hbm>>
      tpu.enqueue_dma source(%dma_start3A_83 : memref<125x80xi32, #tpu.memory_space<hbm>>) target(%arg6 : memref<125x80xi32, #tpu.memory_space<vmem>>) target_semaphore(%run_scoped3A : memref<!tpu.dma_semaphore, #tpu.memory_space<semaphore_mem>>)
      %dma_wait3A_84 = arith.constant 0 : i32
      %dma_wait3A_85 = arith.constant 0 : i32
      %dma_wait3A_86 = tpu.memref_slice %arg2[%add3A_5, %dma_wait3A_84, %dma_wait3A_85] : memref<32x125x80xi32, #tpu.memory_space<hbm>> -> memref<1x125x80xi32, #tpu.memory_space<hbm>>
      %dma_wait3A_87 = tpu.memref_squeeze %dma_wait3A_86 : memref<1x125x80xi32, #tpu.memory_space<hbm>> -> memref<125x80xi32, #tpu.memory_space<hbm>>
      %dma_wait3A_88 = arith.constant 0 : i32
      %dma_wait3A_89 = arith.constant 0 : i32
      %dma_wait3A_90 = tpu.memref_slice %arg2[%add3A_5, %dma_wait3A_88, %dma_wait3A_89] : memref<32x125x80xi32, #tpu.memory_space<hbm>> -> memref<1x125x80xi32, #tpu.memory_space<hbm>>
      %dma_wait3A_91 = tpu.memref_squeeze %dma_wait3A_90 : memref<1x125x80xi32, #tpu.memory_space<hbm>> -> memref<125x80xi32, #tpu.memory_space<hbm>>
      tpu.wait_dma2 semaphore(%run_scoped3A : memref<!tpu.dma_semaphore, #tpu.memory_space<semaphore_mem>>) src(%dma_wait3A_91 : memref<125x80xi32, #tpu.memory_space<hbm>>) dst(%arg6 : memref<125x80xi32, #tpu.memory_space<vmem>>)
      tpu.yield
    }) : () -> ()
    "tpu.region"() ({
      %run_scoped3A = tpu.sem_alloc : memref<!tpu.dma_semaphore, #tpu.memory_space<semaphore_mem>>
      %dma_start3A_76 = arith.constant 0 : i32
      %dma_start3A_77 = arith.constant 0 : i32
      %dma_start3A_78 = tpu.memref_slice %arg3[%arg1, %dma_start3A_76, %dma_start3A_77] : memref<16x125x80xi32, #tpu.memory_space<hbm>> -> memref<1x125x80xi32, #tpu.memory_space<hbm>>
      %dma_start3A_79 = tpu.memref_squeeze %dma_start3A_78 : memref<1x125x80xi32, #tpu.memory_space<hbm>> -> memref<125x80xi32, #tpu.memory_space<hbm>>
      %dma_start3A_80 = arith.constant 0 : i32
      %dma_start3A_81 = arith.constant 0 : i32
      %dma_start3A_82 = tpu.memref_slice %arg3[%arg1, %dma_start3A_80, %dma_start3A_81] : memref<16x125x80xi32, #tpu.memory_space<hbm>> -> memref<1x125x80xi32, #tpu.memory_space<hbm>>
      %dma_start3A_83 = tpu.memref_squeeze %dma_start3A_82 : memref<1x125x80xi32, #tpu.memory_space<hbm>> -> memref<125x80xi32, #tpu.memory_space<hbm>>
      tpu.enqueue_dma source(%dma_start3A_83 : memref<125x80xi32, #tpu.memory_space<hbm>>) target(%arg7 : memref<125x80xi32, #tpu.memory_space<vmem>>) target_semaphore(%run_scoped3A : memref<!tpu.dma_semaphore, #tpu.memory_space<semaphore_mem>>)
      %dma_wait3A_84 = arith.constant 0 : i32
      %dma_wait3A_85 = arith.constant 0 : i32
      %dma_wait3A_86 = tpu.memref_slice %arg3[%arg1, %dma_wait3A_84, %dma_wait3A_85] : memref<16x125x80xi32, #tpu.memory_space<hbm>> -> memref<1x125x80xi32, #tpu.memory_space<hbm>>
      %dma_wait3A_87 = tpu.memref_squeeze %dma_wait3A_86 : memref<1x125x80xi32, #tpu.memory_space<hbm>> -> memref<125x80xi32, #tpu.memory_space<hbm>>
      %dma_wait3A_88 = arith.constant 0 : i32
      %dma_wait3A_89 = arith.constant 0 : i32
      %dma_wait3A_90 = tpu.memref_slice %arg3[%arg1, %dma_wait3A_88, %dma_wait3A_89] : memref<16x125x80xi32, #tpu.memory_space<hbm>> -> memref<1x125x80xi32, #tpu.memory_space<hbm>>
      %dma_wait3A_91 = tpu.memref_squeeze %dma_wait3A_90 : memref<1x125x80xi32, #tpu.memory_space<hbm>> -> memref<125x80xi32, #tpu.memory_space<hbm>>
      tpu.wait_dma2 semaphore(%run_scoped3A : memref<!tpu.dma_semaphore, #tpu.memory_space<semaphore_mem>>) src(%dma_wait3A_91 : memref<125x80xi32, #tpu.memory_space<hbm>>) dst(%arg7 : memref<125x80xi32, #tpu.memory_space<vmem>>)
      tpu.yield
    }) : () -> ()
    %barrier3A = arith.constant 0 : index
    tpu.barrier barrier_id(%barrier3A)
    %dma_start3A = arith.constant 0 : i32
    %dma_start3A_6 = arith.constant 0 : i32
    %dma_start3A_7 = tpu.memref_slice %arg6[%dma_start3A, %dma_start3A_6] : memref<125x80xi32, #tpu.memory_space<vmem>> -> memref<1x80xi32, #tpu.memory_space<vmem>>
    %dma_start3A_8 = tpu.memref_squeeze %dma_start3A_7 : memref<1x80xi32, #tpu.memory_space<vmem>> -> memref<80xi32, #tpu.memory_space<vmem>>
    %dma_start3A_9 = arith.constant 0 : i32
    %dma_start3A_10 = arith.constant 0 : i32
    %dma_start3A_11 = tpu.memref_slice %arg4[%dma_start3A_9, %dma_start3A_10] : memref<20000x128xf32, #tpu.memory_space<hbm>> -> memref<20000x128xf32, #tpu.memory_space<hbm>>
    tpu.enqueue_indirect_dma source(%dma_start3A_11 : memref<20000x128xf32, #tpu.memory_space<hbm>>) target(%arg8 : memref<80x128xf32, #tpu.memory_space<vmem>>) offsets(%dma_start3A_8 : memref<80xi32, #tpu.memory_space<vmem>>) semaphore(%arg12 : memref<!tpu.dma_semaphore, #tpu.memory_space<semaphore_mem>>)
    %dma_start3A_12 = arith.constant 1 : i32
    %dma_start3A_13 = arith.constant 0 : i32
    %dma_start3A_14 = tpu.memref_slice %arg6[%dma_start3A_12, %dma_start3A_13] : memref<125x80xi32, #tpu.memory_space<vmem>> -> memref<1x80xi32, #tpu.memory_space<vmem>>
    %dma_start3A_15 = tpu.memref_squeeze %dma_start3A_14 : memref<1x80xi32, #tpu.memory_space<vmem>> -> memref<80xi32, #tpu.memory_space<vmem>>
    %dma_start3A_16 = arith.constant 0 : i32
    %dma_start3A_17 = arith.constant 0 : i32
    %dma_start3A_18 = tpu.memref_slice %arg4[%dma_start3A_16, %dma_start3A_17] : memref<20000x128xf32, #tpu.memory_space<hbm>> -> memref<20000x128xf32, #tpu.memory_space<hbm>>
    tpu.enqueue_indirect_dma source(%dma_start3A_18 : memref<20000x128xf32, #tpu.memory_space<hbm>>) target(%arg9 : memref<80x128xf32, #tpu.memory_space<vmem>>) offsets(%dma_start3A_15 : memref<80xi32, #tpu.memory_space<vmem>>) semaphore(%arg13 : memref<!tpu.dma_semaphore, #tpu.memory_space<semaphore_mem>>)
    %scan3A = arith.constant 0 : i32
    %scan3A_19 = arith.constant 0 : i32
    %scan3A_20 = arith.constant 41 : i32
    %scan3A_21 = arith.addi %scan3A_19, %scan3A_20 : i32
    %scan3A_22 = arith.constant 1 : i32
    scf.for %scan3A_76 = %scan3A_19 to %scan3A_21 step %scan3A_22  : i32 {
      %mul3A_77 = arith.constant 3 : i32
      %mul3A_78 = arith.muli %mul3A_77, %scan3A_76 : i32
      %add3A_79 = arith.constant 0 : i32
      %add3A_80 = arith.addi %mul3A_78, %add3A_79 : i32
      %dma_wait3A_81 = arith.constant 0 : i32
      %dma_wait3A_82 = tpu.memref_slice %arg6[%add3A_80, %dma_wait3A_81] : memref<125x80xi32, #tpu.memory_space<vmem>> -> memref<1x80xi32, #tpu.memory_space<vmem>>
      %dma_wait3A_83 = tpu.memref_squeeze %dma_wait3A_82 : memref<1x80xi32, #tpu.memory_space<vmem>> -> memref<80xi32, #tpu.memory_space<vmem>>
      %dma_wait3A_84 = arith.constant 0 : i32
      %dma_wait3A_85 = arith.constant 0 : i32
      %dma_wait3A_86 = tpu.memref_slice %arg4[%dma_wait3A_84, %dma_wait3A_85] : memref<20000x128xf32, #tpu.memory_space<hbm>> -> memref<20000x128xf32, #tpu.memory_space<hbm>>
      tpu.wait_indirect_dma semaphore(%arg12 : memref<!tpu.dma_semaphore, #tpu.memory_space<semaphore_mem>>) src(%dma_wait3A_86 : memref<20000x128xf32, #tpu.memory_space<hbm>>) dst(%arg8 : memref<80x128xf32, #tpu.memory_space<vmem>>)
      %dma_start3A_87 = arith.constant 0 : i32
      %dma_start3A_88 = tpu.memref_slice %arg7[%add3A_80, %dma_start3A_87] : memref<125x80xi32, #tpu.memory_space<vmem>> -> memref<1x80xi32, #tpu.memory_space<vmem>>
      %dma_start3A_89 = tpu.memref_squeeze %dma_start3A_88 : memref<1x80xi32, #tpu.memory_space<vmem>> -> memref<80xi32, #tpu.memory_space<vmem>>
      %dma_start3A_90 = arith.constant 0 : i32
      %dma_start3A_91 = arith.constant 0 : i32
      %dma_start3A_92 = tpu.memref_slice %arg11[%dma_start3A_90, %dma_start3A_91] : memref<10000x128xf32, #tpu.memory_space<vmem_shared>> -> memref<10000x128xf32, #tpu.memory_space<vmem_shared>>
      tpu.enqueue_indirect_dma source(%arg8 : memref<80x128xf32, #tpu.memory_space<vmem>>) target(%dma_start3A_92 : memref<10000x128xf32, #tpu.memory_space<vmem_shared>>) offsets(%dma_start3A_89 : memref<80xi32, #tpu.memory_space<vmem>>) semaphore(%arg15 : memref<!tpu.dma_semaphore, #tpu.memory_space<semaphore_mem>>) {add = true}
      %add3A_93 = arith.constant 3 : i32
      %add3A_94 = arith.addi %add3A_80, %add3A_93 : i32
      %sub3A = arith.constant 1 : i32
      %sub3A_95 = arith.subi %add3A_94, %sub3A : i32
      %ge3A = arith.constant 1 : i32
      %ge3A_96 = arith.cmpi sge, %add3A_80, %ge3A : i32
      %convert_element_type3A = arith.extui %ge3A_96 : i1 to i32
      %cond3A = arith.constant 0 : i32
      %cond3A_97 = arith.cmpi ne, %convert_element_type3A, %cond3A : i32
      scf.if %cond3A_97 {
        %sub3A_162 = arith.constant 1 : i32
        %sub3A_163 = arith.subi %add3A_80, %sub3A_162 : i32
        %dma_wait3A_164 = arith.constant 0 : i32
        %dma_wait3A_165 = tpu.memref_slice %arg7[%sub3A_163, %dma_wait3A_164] : memref<125x80xi32, #tpu.memory_space<vmem>> -> memref<1x80xi32, #tpu.memory_space<vmem>>
        %dma_wait3A_166 = tpu.memref_squeeze %dma_wait3A_165 : memref<1x80xi32, #tpu.memory_space<vmem>> -> memref<80xi32, #tpu.memory_space<vmem>>
        %dma_wait3A_167 = arith.constant 0 : i32
        %dma_wait3A_168 = arith.constant 0 : i32
        %dma_wait3A_169 = tpu.memref_slice %arg11[%dma_wait3A_167, %dma_wait3A_168] : memref<10000x128xf32, #tpu.memory_space<vmem_shared>> -> memref<10000x128xf32, #tpu.memory_space<vmem_shared>>
        tpu.wait_indirect_dma semaphore(%arg17 : memref<!tpu.dma_semaphore, #tpu.memory_space<semaphore_mem>>) src(%arg10 : memref<80x128xf32, #tpu.memory_space<vmem>>) dst(%dma_wait3A_169 : memref<10000x128xf32, #tpu.memory_space<vmem_shared>>)
      } else {
      }
      %lt3A = arith.constant 125 : i32
      %lt3A_98 = arith.cmpi slt, %sub3A_95, %lt3A : i32
      %convert_element_type3A_99 = arith.extui %lt3A_98 : i1 to i32
      %cond3A_100 = arith.constant 0 : i32
      %cond3A_101 = arith.cmpi ne, %convert_element_type3A_99, %cond3A_100 : i32
      scf.if %cond3A_101 {
        %dma_start3A_162 = arith.constant 0 : i32
        %dma_start3A_163 = tpu.memref_slice %arg6[%sub3A_95, %dma_start3A_162] : memref<125x80xi32, #tpu.memory_space<vmem>> -> memref<1x80xi32, #tpu.memory_space<vmem>>
        %dma_start3A_164 = tpu.memref_squeeze %dma_start3A_163 : memref<1x80xi32, #tpu.memory_space<vmem>> -> memref<80xi32, #tpu.memory_space<vmem>>
        %dma_start3A_165 = arith.constant 0 : i32
        %dma_start3A_166 = arith.constant 0 : i32
        %dma_start3A_167 = tpu.memref_slice %arg4[%dma_start3A_165, %dma_start3A_166] : memref<20000x128xf32, #tpu.memory_space<hbm>> -> memref<20000x128xf32, #tpu.memory_space<hbm>>
        tpu.enqueue_indirect_dma source(%dma_start3A_167 : memref<20000x128xf32, #tpu.memory_space<hbm>>) target(%arg10 : memref<80x128xf32, #tpu.memory_space<vmem>>) offsets(%dma_start3A_164 : memref<80xi32, #tpu.memory_space<vmem>>) semaphore(%arg14 : memref<!tpu.dma_semaphore, #tpu.memory_space<semaphore_mem>>)
      } else {
      }
      %mul3A_102 = arith.constant 3 : i32
      %mul3A_103 = arith.muli %mul3A_102, %scan3A_76 : i32
      %add3A_104 = arith.constant 1 : i32
      %add3A_105 = arith.addi %mul3A_103, %add3A_104 : i32
      %dma_wait3A_106 = arith.constant 0 : i32
      %dma_wait3A_107 = tpu.memref_slice %arg6[%add3A_105, %dma_wait3A_106] : memref<125x80xi32, #tpu.memory_space<vmem>> -> memref<1x80xi32, #tpu.memory_space<vmem>>
      %dma_wait3A_108 = tpu.memref_squeeze %dma_wait3A_107 : memref<1x80xi32, #tpu.memory_space<vmem>> -> memref<80xi32, #tpu.memory_space<vmem>>
      %dma_wait3A_109 = arith.constant 0 : i32
      %dma_wait3A_110 = arith.constant 0 : i32
      %dma_wait3A_111 = tpu.memref_slice %arg4[%dma_wait3A_109, %dma_wait3A_110] : memref<20000x128xf32, #tpu.memory_space<hbm>> -> memref<20000x128xf32, #tpu.memory_space<hbm>>
      tpu.wait_indirect_dma semaphore(%arg13 : memref<!tpu.dma_semaphore, #tpu.memory_space<semaphore_mem>>) src(%dma_wait3A_111 : memref<20000x128xf32, #tpu.memory_space<hbm>>) dst(%arg9 : memref<80x128xf32, #tpu.memory_space<vmem>>)
      %dma_start3A_112 = arith.constant 0 : i32
      %dma_start3A_113 = tpu.memref_slice %arg7[%add3A_105, %dma_start3A_112] : memref<125x80xi32, #tpu.memory_space<vmem>> -> memref<1x80xi32, #tpu.memory_space<vmem>>
      %dma_start3A_114 = tpu.memref_squeeze %dma_start3A_113 : memref<1x80xi32, #tpu.memory_space<vmem>> -> memref<80xi32, #tpu.memory_space<vmem>>
      %dma_start3A_115 = arith.constant 0 : i32
      %dma_start3A_116 = arith.constant 0 : i32
      %dma_start3A_117 = tpu.memref_slice %arg11[%dma_start3A_115, %dma_start3A_116] : memref<10000x128xf32, #tpu.memory_space<vmem_shared>> -> memref<10000x128xf32, #tpu.memory_space<vmem_shared>>
      tpu.enqueue_indirect_dma source(%arg9 : memref<80x128xf32, #tpu.memory_space<vmem>>) target(%dma_start3A_117 : memref<10000x128xf32, #tpu.memory_space<vmem_shared>>) offsets(%dma_start3A_114 : memref<80xi32, #tpu.memory_space<vmem>>) semaphore(%arg16 : memref<!tpu.dma_semaphore, #tpu.memory_space<semaphore_mem>>) {add = true}
      %add3A_118 = arith.constant 3 : i32
      %add3A_119 = arith.addi %add3A_105, %add3A_118 : i32
      %sub3A_120 = arith.constant 1 : i32
      %sub3A_121 = arith.subi %add3A_119, %sub3A_120 : i32
      %ge3A_122 = arith.constant 1 : i32
      %ge3A_123 = arith.cmpi sge, %add3A_105, %ge3A_122 : i32
      %convert_element_type3A_124 = arith.extui %ge3A_123 : i1 to i32
      %cond3A_125 = arith.constant 0 : i32
      %cond3A_126 = arith.cmpi ne, %convert_element_type3A_124, %cond3A_125 : i32
      scf.if %cond3A_126 {
        %sub3A_162 = arith.constant 1 : i32
        %sub3A_163 = arith.subi %add3A_105, %sub3A_162 : i32
        %dma_wait3A_164 = arith.constant 0 : i32
        %dma_wait3A_165 = tpu.memref_slice %arg7[%sub3A_163, %dma_wait3A_164] : memref<125x80xi32, #tpu.memory_space<vmem>> -> memref<1x80xi32, #tpu.memory_space<vmem>>
        %dma_wait3A_166 = tpu.memref_squeeze %dma_wait3A_165 : memref<1x80xi32, #tpu.memory_space<vmem>> -> memref<80xi32, #tpu.memory_space<vmem>>
        %dma_wait3A_167 = arith.constant 0 : i32
        %dma_wait3A_168 = arith.constant 0 : i32
        %dma_wait3A_169 = tpu.memref_slice %arg11[%dma_wait3A_167, %dma_wait3A_168] : memref<10000x128xf32, #tpu.memory_space<vmem_shared>> -> memref<10000x128xf32, #tpu.memory_space<vmem_shared>>
        tpu.wait_indirect_dma semaphore(%arg15 : memref<!tpu.dma_semaphore, #tpu.memory_space<semaphore_mem>>) src(%arg8 : memref<80x128xf32, #tpu.memory_space<vmem>>) dst(%dma_wait3A_169 : memref<10000x128xf32, #tpu.memory_space<vmem_shared>>)
      } else {
      }
      %lt3A_127 = arith.constant 125 : i32
      %lt3A_128 = arith.cmpi slt, %sub3A_121, %lt3A_127 : i32
      %convert_element_type3A_129 = arith.extui %lt3A_128 : i1 to i32
      %cond3A_130 = arith.constant 0 : i32
      %cond3A_131 = arith.cmpi ne, %convert_element_type3A_129, %cond3A_130 : i32
      scf.if %cond3A_131 {
        %dma_start3A_162 = arith.constant 0 : i32
        %dma_start3A_163 = tpu.memref_slice %arg6[%sub3A_121, %dma_start3A_162] : memref<125x80xi32, #tpu.memory_space<vmem>> -> memref<1x80xi32, #tpu.memory_space<vmem>>
        %dma_start3A_164 = tpu.memref_squeeze %dma_start3A_163 : memref<1x80xi32, #tpu.memory_space<vmem>> -> memref<80xi32, #tpu.memory_space<vmem>>
        %dma_start3A_165 = arith.constant 0 : i32
        %dma_start3A_166 = arith.constant 0 : i32
        %dma_start3A_167 = tpu.memref_slice %arg4[%dma_start3A_165, %dma_start3A_166] : memref<20000x128xf32, #tpu.memory_space<hbm>> -> memref<20000x128xf32, #tpu.memory_space<hbm>>
        tpu.enqueue_indirect_dma source(%dma_start3A_167 : memref<20000x128xf32, #tpu.memory_space<hbm>>) target(%arg8 : memref<80x128xf32, #tpu.memory_space<vmem>>) offsets(%dma_start3A_164 : memref<80xi32, #tpu.memory_space<vmem>>) semaphore(%arg12 : memref<!tpu.dma_semaphore, #tpu.memory_space<semaphore_mem>>)
      } else {
      }
      %mul3A_132 = arith.constant 3 : i32
      %mul3A_133 = arith.muli %mul3A_132, %scan3A_76 : i32
      %add3A_134 = arith.constant 2 : i32
      %add3A_135 = arith.addi %mul3A_133, %add3A_134 : i32
      %dma_wait3A_136 = arith.constant 0 : i32
      %dma_wait3A_137 = tpu.memref_slice %arg6[%add3A_135, %dma_wait3A_136] : memref<125x80xi32, #tpu.memory_space<vmem>> -> memref<1x80xi32, #tpu.memory_space<vmem>>
      %dma_wait3A_138 = tpu.memref_squeeze %dma_wait3A_137 : memref<1x80xi32, #tpu.memory_space<vmem>> -> memref<80xi32, #tpu.memory_space<vmem>>
      %dma_wait3A_139 = arith.constant 0 : i32
      %dma_wait3A_140 = arith.constant 0 : i32
      %dma_wait3A_141 = tpu.memref_slice %arg4[%dma_wait3A_139, %dma_wait3A_140] : memref<20000x128xf32, #tpu.memory_space<hbm>> -> memref<20000x128xf32, #tpu.memory_space<hbm>>
      tpu.wait_indirect_dma semaphore(%arg14 : memref<!tpu.dma_semaphore, #tpu.memory_space<semaphore_mem>>) src(%dma_wait3A_141 : memref<20000x128xf32, #tpu.memory_space<hbm>>) dst(%arg10 : memref<80x128xf32, #tpu.memory_space<vmem>>)
      %dma_start3A_142 = arith.constant 0 : i32
      %dma_start3A_143 = tpu.memref_slice %arg7[%add3A_135, %dma_start3A_142] : memref<125x80xi32, #tpu.memory_space<vmem>> -> memref<1x80xi32, #tpu.memory_space<vmem>>
      %dma_start3A_144 = tpu.memref_squeeze %dma_start3A_143 : memref<1x80xi32, #tpu.memory_space<vmem>> -> memref<80xi32, #tpu.memory_space<vmem>>
      %dma_start3A_145 = arith.constant 0 : i32
      %dma_start3A_146 = arith.constant 0 : i32
      %dma_start3A_147 = tpu.memref_slice %arg11[%dma_start3A_145, %dma_start3A_146] : memref<10000x128xf32, #tpu.memory_space<vmem_shared>> -> memref<10000x128xf32, #tpu.memory_space<vmem_shared>>
      tpu.enqueue_indirect_dma source(%arg10 : memref<80x128xf32, #tpu.memory_space<vmem>>) target(%dma_start3A_147 : memref<10000x128xf32, #tpu.memory_space<vmem_shared>>) offsets(%dma_start3A_144 : memref<80xi32, #tpu.memory_space<vmem>>) semaphore(%arg17 : memref<!tpu.dma_semaphore, #tpu.memory_space<semaphore_mem>>) {add = true}
      %add3A_148 = arith.constant 3 : i32
      %add3A_149 = arith.addi %add3A_135, %add3A_148 : i32
      %sub3A_150 = arith.constant 1 : i32
      %sub3A_151 = arith.subi %add3A_149, %sub3A_150 : i32
      %ge3A_152 = arith.constant 1 : i32
      %ge3A_153 = arith.cmpi sge, %add3A_135, %ge3A_152 : i32
      %convert_element_type3A_154 = arith.extui %ge3A_153 : i1 to i32
      %cond3A_155 = arith.constant 0 : i32
      %cond3A_156 = arith.cmpi ne, %convert_element_type3A_154, %cond3A_155 : i32
      scf.if %cond3A_156 {
        %sub3A_162 = arith.constant 1 : i32
        %sub3A_163 = arith.subi %add3A_135, %sub3A_162 : i32
        %dma_wait3A_164 = arith.constant 0 : i32
        %dma_wait3A_165 = tpu.memref_slice %arg7[%sub3A_163, %dma_wait3A_164] : memref<125x80xi32, #tpu.memory_space<vmem>> -> memref<1x80xi32, #tpu.memory_space<vmem>>
        %dma_wait3A_166 = tpu.memref_squeeze %dma_wait3A_165 : memref<1x80xi32, #tpu.memory_space<vmem>> -> memref<80xi32, #tpu.memory_space<vmem>>
        %dma_wait3A_167 = arith.constant 0 : i32
        %dma_wait3A_168 = arith.constant 0 : i32
        %dma_wait3A_169 = tpu.memref_slice %arg11[%dma_wait3A_167, %dma_wait3A_168] : memref<10000x128xf32, #tpu.memory_space<vmem_shared>> -> memref<10000x128xf32, #tpu.memory_space<vmem_shared>>
        tpu.wait_indirect_dma semaphore(%arg16 : memref<!tpu.dma_semaphore, #tpu.memory_space<semaphore_mem>>) src(%arg9 : memref<80x128xf32, #tpu.memory_space<vmem>>) dst(%dma_wait3A_169 : memref<10000x128xf32, #tpu.memory_space<vmem_shared>>)
      } else {
      }
      %lt3A_157 = arith.constant 125 : i32
      %lt3A_158 = arith.cmpi slt, %sub3A_151, %lt3A_157 : i32
      %convert_element_type3A_159 = arith.extui %lt3A_158 : i1 to i32
      %cond3A_160 = arith.constant 0 : i32
      %cond3A_161 = arith.cmpi ne, %convert_element_type3A_159, %cond3A_160 : i32
      scf.if %cond3A_161 {
        %dma_start3A_162 = arith.constant 0 : i32
        %dma_start3A_163 = tpu.memref_slice %arg6[%sub3A_151, %dma_start3A_162] : memref<125x80xi32, #tpu.memory_space<vmem>> -> memref<1x80xi32, #tpu.memory_space<vmem>>
        %dma_start3A_164 = tpu.memref_squeeze %dma_start3A_163 : memref<1x80xi32, #tpu.memory_space<vmem>> -> memref<80xi32, #tpu.memory_space<vmem>>
        %dma_start3A_165 = arith.constant 0 : i32
        %dma_start3A_166 = arith.constant 0 : i32
        %dma_start3A_167 = tpu.memref_slice %arg4[%dma_start3A_165, %dma_start3A_166] : memref<20000x128xf32, #tpu.memory_space<hbm>> -> memref<20000x128xf32, #tpu.memory_space<hbm>>
        tpu.enqueue_indirect_dma source(%dma_start3A_167 : memref<20000x128xf32, #tpu.memory_space<hbm>>) target(%arg9 : memref<80x128xf32, #tpu.memory_space<vmem>>) offsets(%dma_start3A_164 : memref<80xi32, #tpu.memory_space<vmem>>) semaphore(%arg13 : memref<!tpu.dma_semaphore, #tpu.memory_space<semaphore_mem>>)
      } else {
      }
    }
    %scan3A_23 = arith.constant 41 : i32
    %dma_wait3A = arith.constant 123 : i32
    %dma_wait3A_24 = arith.constant 0 : i32
    %dma_wait3A_25 = tpu.memref_slice %arg6[%dma_wait3A, %dma_wait3A_24] : memref<125x80xi32, #tpu.memory_space<vmem>> -> memref<1x80xi32, #tpu.memory_space<vmem>>
    %dma_wait3A_26 = tpu.memref_squeeze %dma_wait3A_25 : memref<1x80xi32, #tpu.memory_space<vmem>> -> memref<80xi32, #tpu.memory_space<vmem>>
    %dma_wait3A_27 = arith.constant 0 : i32
    %dma_wait3A_28 = arith.constant 0 : i32
    %dma_wait3A_29 = tpu.memref_slice %arg4[%dma_wait3A_27, %dma_wait3A_28] : memref<20000x128xf32, #tpu.memory_space<hbm>> -> memref<20000x128xf32, #tpu.memory_space<hbm>>
    tpu.wait_indirect_dma semaphore(%arg12 : memref<!tpu.dma_semaphore, #tpu.memory_space<semaphore_mem>>) src(%dma_wait3A_29 : memref<20000x128xf32, #tpu.memory_space<hbm>>) dst(%arg8 : memref<80x128xf32, #tpu.memory_space<vmem>>)
    %dma_start3A_30 = arith.constant 123 : i32
    %dma_start3A_31 = arith.constant 0 : i32
    %dma_start3A_32 = tpu.memref_slice %arg7[%dma_start3A_30, %dma_start3A_31] : memref<125x80xi32, #tpu.memory_space<vmem>> -> memref<1x80xi32, #tpu.memory_space<vmem>>
    %dma_start3A_33 = tpu.memref_squeeze %dma_start3A_32 : memref<1x80xi32, #tpu.memory_space<vmem>> -> memref<80xi32, #tpu.memory_space<vmem>>
    %dma_start3A_34 = arith.constant 0 : i32
    %dma_start3A_35 = arith.constant 0 : i32
    %dma_start3A_36 = tpu.memref_slice %arg11[%dma_start3A_34, %dma_start3A_35] : memref<10000x128xf32, #tpu.memory_space<vmem_shared>> -> memref<10000x128xf32, #tpu.memory_space<vmem_shared>>
    tpu.enqueue_indirect_dma source(%arg8 : memref<80x128xf32, #tpu.memory_space<vmem>>) target(%dma_start3A_36 : memref<10000x128xf32, #tpu.memory_space<vmem_shared>>) offsets(%dma_start3A_33 : memref<80xi32, #tpu.memory_space<vmem>>) semaphore(%arg15 : memref<!tpu.dma_semaphore, #tpu.memory_space<semaphore_mem>>) {add = true}
    %dma_wait3A_37 = arith.constant 124 : i32
    %dma_wait3A_38 = arith.constant 0 : i32
    %dma_wait3A_39 = tpu.memref_slice %arg6[%dma_wait3A_37, %dma_wait3A_38] : memref<125x80xi32, #tpu.memory_space<vmem>> -> memref<1x80xi32, #tpu.memory_space<vmem>>
    %dma_wait3A_40 = tpu.memref_squeeze %dma_wait3A_39 : memref<1x80xi32, #tpu.memory_space<vmem>> -> memref<80xi32, #tpu.memory_space<vmem>>
    %dma_wait3A_41 = arith.constant 0 : i32
    %dma_wait3A_42 = arith.constant 0 : i32
    %dma_wait3A_43 = tpu.memref_slice %arg4[%dma_wait3A_41, %dma_wait3A_42] : memref<20000x128xf32, #tpu.memory_space<hbm>> -> memref<20000x128xf32, #tpu.memory_space<hbm>>
    tpu.wait_indirect_dma semaphore(%arg13 : memref<!tpu.dma_semaphore, #tpu.memory_space<semaphore_mem>>) src(%dma_wait3A_43 : memref<20000x128xf32, #tpu.memory_space<hbm>>) dst(%arg9 : memref<80x128xf32, #tpu.memory_space<vmem>>)
    %dma_start3A_44 = arith.constant 124 : i32
    %dma_start3A_45 = arith.constant 0 : i32
    %dma_start3A_46 = tpu.memref_slice %arg7[%dma_start3A_44, %dma_start3A_45] : memref<125x80xi32, #tpu.memory_space<vmem>> -> memref<1x80xi32, #tpu.memory_space<vmem>>
    %dma_start3A_47 = tpu.memref_squeeze %dma_start3A_46 : memref<1x80xi32, #tpu.memory_space<vmem>> -> memref<80xi32, #tpu.memory_space<vmem>>
    %dma_start3A_48 = arith.constant 0 : i32
    %dma_start3A_49 = arith.constant 0 : i32
    %dma_start3A_50 = tpu.memref_slice %arg11[%dma_start3A_48, %dma_start3A_49] : memref<10000x128xf32, #tpu.memory_space<vmem_shared>> -> memref<10000x128xf32, #tpu.memory_space<vmem_shared>>
    tpu.enqueue_indirect_dma source(%arg9 : memref<80x128xf32, #tpu.memory_space<vmem>>) target(%dma_start3A_50 : memref<10000x128xf32, #tpu.memory_space<vmem_shared>>) offsets(%dma_start3A_47 : memref<80xi32, #tpu.memory_space<vmem>>) semaphore(%arg16 : memref<!tpu.dma_semaphore, #tpu.memory_space<semaphore_mem>>) {add = true}
    %dma_wait3A_51 = arith.constant 122 : i32
    %dma_wait3A_52 = arith.constant 0 : i32
    %dma_wait3A_53 = tpu.memref_slice %arg7[%dma_wait3A_51, %dma_wait3A_52] : memref<125x80xi32, #tpu.memory_space<vmem>> -> memref<1x80xi32, #tpu.memory_space<vmem>>
    %dma_wait3A_54 = tpu.memref_squeeze %dma_wait3A_53 : memref<1x80xi32, #tpu.memory_space<vmem>> -> memref<80xi32, #tpu.memory_space<vmem>>
    %dma_wait3A_55 = arith.constant 0 : i32
    %dma_wait3A_56 = arith.constant 0 : i32
    %dma_wait3A_57 = tpu.memref_slice %arg11[%dma_wait3A_55, %dma_wait3A_56] : memref<10000x128xf32, #tpu.memory_space<vmem_shared>> -> memref<10000x128xf32, #tpu.memory_space<vmem_shared>>
    tpu.wait_indirect_dma semaphore(%arg17 : memref<!tpu.dma_semaphore, #tpu.memory_space<semaphore_mem>>) src(%arg10 : memref<80x128xf32, #tpu.memory_space<vmem>>) dst(%dma_wait3A_57 : memref<10000x128xf32, #tpu.memory_space<vmem_shared>>)
    %dma_wait3A_58 = arith.constant 123 : i32
    %dma_wait3A_59 = arith.constant 0 : i32
    %dma_wait3A_60 = tpu.memref_slice %arg7[%dma_wait3A_58, %dma_wait3A_59] : memref<125x80xi32, #tpu.memory_space<vmem>> -> memref<1x80xi32, #tpu.memory_space<vmem>>
    %dma_wait3A_61 = tpu.memref_squeeze %dma_wait3A_60 : memref<1x80xi32, #tpu.memory_space<vmem>> -> memref<80xi32, #tpu.memory_space<vmem>>
    %dma_wait3A_62 = arith.constant 0 : i32
    %dma_wait3A_63 = arith.constant 0 : i32
    %dma_wait3A_64 = tpu.memref_slice %arg11[%dma_wait3A_62, %dma_wait3A_63] : memref<10000x128xf32, #tpu.memory_space<vmem_shared>> -> memref<10000x128xf32, #tpu.memory_space<vmem_shared>>
    tpu.wait_indirect_dma semaphore(%arg15 : memref<!tpu.dma_semaphore, #tpu.memory_space<semaphore_mem>>) src(%arg8 : memref<80x128xf32, #tpu.memory_space<vmem>>) dst(%dma_wait3A_64 : memref<10000x128xf32, #tpu.memory_space<vmem_shared>>)
    %dma_wait3A_65 = arith.constant 124 : i32
    %dma_wait3A_66 = arith.constant 0 : i32
    %dma_wait3A_67 = tpu.memref_slice %arg7[%dma_wait3A_65, %dma_wait3A_66] : memref<125x80xi32, #tpu.memory_space<vmem>> -> memref<1x80xi32, #tpu.memory_space<vmem>>
    %dma_wait3A_68 = tpu.memref_squeeze %dma_wait3A_67 : memref<1x80xi32, #tpu.memory_space<vmem>> -> memref<80xi32, #tpu.memory_space<vmem>>
    %dma_wait3A_69 = arith.constant 0 : i32
    %dma_wait3A_70 = arith.constant 0 : i32
    %dma_wait3A_71 = tpu.memref_slice %arg11[%dma_wait3A_69, %dma_wait3A_70] : memref<10000x128xf32, #tpu.memory_space<vmem_shared>> -> memref<10000x128xf32, #tpu.memory_space<vmem_shared>>
    tpu.wait_indirect_dma semaphore(%arg16 : memref<!tpu.dma_semaphore, #tpu.memory_space<semaphore_mem>>) src(%arg9 : memref<80x128xf32, #tpu.memory_space<vmem>>) dst(%dma_wait3A_71 : memref<10000x128xf32, #tpu.memory_space<vmem_shared>>)
    %barrier3A_72 = arith.constant 0 : index
    tpu.barrier barrier_id(%barrier3A_72)
    %mul3A_73 = arith.constant 10000 : i32
    %mul3A_74 = arith.muli %arg0, %mul3A_73 : i32
    %add3A_75 = arith.addi %mul3A_74, %mul3A_0 : i32
    "tpu.region"() ({
      %run_scoped3A = tpu.sem_alloc : memref<!tpu.dma_semaphore, #tpu.memory_space<semaphore_mem>>
      %dma_start3A_76 = arith.constant 0 : i32
      %dma_start3A_77 = tpu.memref_slice %arg5[%add3A_75, %dma_start3A_76] : memref<20000x128xf32, #tpu.memory_space<hbm>> -> memref<625x128xf32, #tpu.memory_space<hbm>>
      %dma_start3A_78 = arith.constant 0 : i32
      %dma_start3A_79 = tpu.memref_slice %arg11[%mul3A_0, %dma_start3A_78] : memref<10000x128xf32, #tpu.memory_space<vmem_shared>> -> memref<625x128xf32, #tpu.memory_space<vmem_shared>>
      tpu.enqueue_dma source(%dma_start3A_79 : memref<625x128xf32, #tpu.memory_space<vmem_shared>>) target(%dma_start3A_77 : memref<625x128xf32, #tpu.memory_space<hbm>>) target_semaphore(%run_scoped3A : memref<!tpu.dma_semaphore, #tpu.memory_space<semaphore_mem>>)
      %dma_wait3A_80 = arith.constant 0 : i32
      %dma_wait3A_81 = tpu.memref_slice %arg5[%add3A_75, %dma_wait3A_80] : memref<20000x128xf32, #tpu.memory_space<hbm>> -> memref<625x128xf32, #tpu.memory_space<hbm>>
      %dma_wait3A_82 = arith.constant 0 : i32
      %dma_wait3A_83 = tpu.memref_slice %arg11[%mul3A_0, %dma_wait3A_82] : memref<10000x128xf32, #tpu.memory_space<vmem_shared>> -> memref<625x128xf32, #tpu.memory_space<vmem_shared>>
      tpu.wait_dma2 semaphore(%run_scoped3A : memref<!tpu.dma_semaphore, #tpu.memory_space<semaphore_mem>>) src(%dma_wait3A_83 : memref<625x128xf32, #tpu.memory_space<vmem_shared>>) dst(%dma_wait3A_81 : memref<625x128xf32, #tpu.memory_space<hbm>>)
      tpu.yield
    }) : () -> ()
    return
  }
}

#map = affine_map<(d0, d1) -> (0, 0, 0)>
#map1 = affine_map<(d0, d1) -> (0, 0)>
module attributes {stable_mosaic.version = 14 : i64} {
  func.func @_sc_prop(%arg0: i32, %arg1: i32, %arg2: memref<32x125x80xi32, #tpu.memory_space<hbm>>, %arg3: memref<16x125x80xi32, #tpu.memory_space<hbm>>, %arg4: memref<20000x128xf32, #tpu.memory_space<hbm>>, %arg5: memref<20000x128xf32, #tpu.memory_space<hbm>>, %arg6: memref<125x80xi32, #tpu.memory_space<vmem>>, %arg7: memref<125x80xi32, #tpu.memory_space<vmem>>, %arg8: memref<80x128xf32, #tpu.memory_space<vmem>>, %arg9: memref<80x128xf32, #tpu.memory_space<vmem>>, %arg10: memref<80x128xf32, #tpu.memory_space<vmem>>, %arg11: memref<10000x128xf32, #tpu.memory_space<vmem_shared>>, %arg12: memref<!tpu.dma_semaphore, #tpu.memory_space<semaphore_mem>>, %arg13: memref<!tpu.dma_semaphore, #tpu.memory_space<semaphore_mem>>, %arg14: memref<!tpu.dma_semaphore, #tpu.memory_space<semaphore_mem>>, %arg15: memref<!tpu.dma_semaphore, #tpu.memory_space<semaphore_mem>>, %arg16: memref<!tpu.dma_semaphore, #tpu.memory_space<semaphore_mem>>, %arg17: memref<!tpu.dma_semaphore, #tpu.memory_space<semaphore_mem>>) attributes {dimension_semantics = [#tpu.dimension_semantics<core_parallel>, #tpu.dimension_semantics<subcore_parallel>], iteration_bounds = array<i64: 2, 16>, scalar_prefetch = 0 : i64, scratch_operands = 12 : i64, tpu.core_type = #tpu.core_type<sc_vector_subcore>, window_params = [{transform_indices = #map}, {transform_indices = #map}, {transform_indices = #map1}, {transform_indices = #map1}]} {
    %mul3A = arith.constant 625 : i32
    %mul3A_0 = arith.muli %arg1, %mul3A : i32
    %mul3A_1 = arith.constant 10000 : i32
    %mul3A_2 = arith.muli %arg0, %mul3A_1 : i32
    %add3A = arith.addi %mul3A_2, %mul3A_0 : i32
    "tpu.region"() ({
      %run_scoped3A = tpu.sem_alloc : memref<!tpu.dma_semaphore, #tpu.memory_space<semaphore_mem>>
      %dma_start3A_76 = arith.constant 0 : i32
      %dma_start3A_77 = tpu.memref_slice %arg11[%mul3A_0, %dma_start3A_76] : memref<10000x128xf32, #tpu.memory_space<vmem_shared>> -> memref<625x128xf32, #tpu.memory_space<vmem_shared>>
      %dma_start3A_78 = arith.constant 0 : i32
      %dma_start3A_79 = tpu.memref_slice %arg4[%add3A, %dma_start3A_78] : memref<20000x128xf32, #tpu.memory_space<hbm>> -> memref<625x128xf32, #tpu.memory_space<hbm>>
      tpu.enqueue_dma source(%dma_start3A_79 : memref<625x128xf32, #tpu.memory_space<hbm>>) target(%dma_start3A_77 : memref<625x128xf32, #tpu.memory_space<vmem_shared>>) target_semaphore(%run_scoped3A : memref<!tpu.dma_semaphore, #tpu.memory_space<semaphore_mem>>)
      %dma_wait3A_80 = arith.constant 0 : i32
      %dma_wait3A_81 = tpu.memref_slice %arg11[%mul3A_0, %dma_wait3A_80] : memref<10000x128xf32, #tpu.memory_space<vmem_shared>> -> memref<625x128xf32, #tpu.memory_space<vmem_shared>>
      %dma_wait3A_82 = arith.constant 0 : i32
      %dma_wait3A_83 = tpu.memref_slice %arg4[%add3A, %dma_wait3A_82] : memref<20000x128xf32, #tpu.memory_space<hbm>> -> memref<625x128xf32, #tpu.memory_space<hbm>>
      tpu.wait_dma2 semaphore(%run_scoped3A : memref<!tpu.dma_semaphore, #tpu.memory_space<semaphore_mem>>) src(%dma_wait3A_83 : memref<625x128xf32, #tpu.memory_space<hbm>>) dst(%dma_wait3A_81 : memref<625x128xf32, #tpu.memory_space<vmem_shared>>)
      tpu.yield
    }) : () -> ()
    %mul3A_3 = arith.constant 16 : i32
    %mul3A_4 = arith.muli %arg0, %mul3A_3 : i32
    %add3A_5 = arith.addi %mul3A_4, %arg1 : i32
    "tpu.region"() ({
      %run_scoped3A = tpu.sem_alloc : memref<!tpu.dma_semaphore, #tpu.memory_space<semaphore_mem>>
      %dma_start3A_76 = arith.constant 0 : i32
      %dma_start3A_77 = arith.constant 0 : i32
      %dma_start3A_78 = tpu.memref_slice %arg2[%add3A_5, %dma_start3A_76, %dma_start3A_77] : memref<32x125x80xi32, #tpu.memory_space<hbm>> -> memref<1x125x80xi32, #tpu.memory_space<hbm>>
      %dma_start3A_79 = tpu.memref_squeeze %dma_start3A_78 : memref<1x125x80xi32, #tpu.memory_space<hbm>> -> memref<125x80xi32, #tpu.memory_space<hbm>>
      %dma_start3A_80 = arith.constant 0 : i32
      %dma_start3A_81 = arith.constant 0 : i32
      %dma_start3A_82 = tpu.memref_slice %arg2[%add3A_5, %dma_start3A_80, %dma_start3A_81] : memref<32x125x80xi32, #tpu.memory_space<hbm>> -> memref<1x125x80xi32, #tpu.memory_space<hbm>>
      %dma_start3A_83 = tpu.memref_squeeze %dma_start3A_82 : memref<1x125x80xi32, #tpu.memory_space<hbm>> -> memref<125x80xi32, #tpu.memory_space<hbm>>
      tpu.enqueue_dma source(%dma_start3A_83 : memref<125x80xi32, #tpu.memory_space<hbm>>) target(%arg6 : memref<125x80xi32, #tpu.memory_space<vmem>>) target_semaphore(%run_scoped3A : memref<!tpu.dma_semaphore, #tpu.memory_space<semaphore_mem>>)
      %dma_wait3A_84 = arith.constant 0 : i32
      %dma_wait3A_85 = arith.constant 0 : i32
      %dma_wait3A_86 = tpu.memref_slice %arg2[%add3A_5, %dma_wait3A_84, %dma_wait3A_85] : memref<32x125x80xi32, #tpu.memory_space<hbm>> -> memref<1x125x80xi32, #tpu.memory_space<hbm>>
      %dma_wait3A_87 = tpu.memref_squeeze %dma_wait3A_86 : memref<1x125x80xi32, #tpu.memory_space<hbm>> -> memref<125x80xi32, #tpu.memory_space<hbm>>
      %dma_wait3A_88 = arith.constant 0 : i32
      %dma_wait3A_89 = arith.constant 0 : i32
      %dma_wait3A_90 = tpu.memref_slice %arg2[%add3A_5, %dma_wait3A_88, %dma_wait3A_89] : memref<32x125x80xi32, #tpu.memory_space<hbm>> -> memref<1x125x80xi32, #tpu.memory_space<hbm>>
      %dma_wait3A_91 = tpu.memref_squeeze %dma_wait3A_90 : memref<1x125x80xi32, #tpu.memory_space<hbm>> -> memref<125x80xi32, #tpu.memory_space<hbm>>
      tpu.wait_dma2 semaphore(%run_scoped3A : memref<!tpu.dma_semaphore, #tpu.memory_space<semaphore_mem>>) src(%dma_wait3A_91 : memref<125x80xi32, #tpu.memory_space<hbm>>) dst(%arg6 : memref<125x80xi32, #tpu.memory_space<vmem>>)
      tpu.yield
    }) : () -> ()
    "tpu.region"() ({
      %run_scoped3A = tpu.sem_alloc : memref<!tpu.dma_semaphore, #tpu.memory_space<semaphore_mem>>
      %dma_start3A_76 = arith.constant 0 : i32
      %dma_start3A_77 = arith.constant 0 : i32
      %dma_start3A_78 = tpu.memref_slice %arg3[%arg1, %dma_start3A_76, %dma_start3A_77] : memref<16x125x80xi32, #tpu.memory_space<hbm>> -> memref<1x125x80xi32, #tpu.memory_space<hbm>>
      %dma_start3A_79 = tpu.memref_squeeze %dma_start3A_78 : memref<1x125x80xi32, #tpu.memory_space<hbm>> -> memref<125x80xi32, #tpu.memory_space<hbm>>
      %dma_start3A_80 = arith.constant 0 : i32
      %dma_start3A_81 = arith.constant 0 : i32
      %dma_start3A_82 = tpu.memref_slice %arg3[%arg1, %dma_start3A_80, %dma_start3A_81] : memref<16x125x80xi32, #tpu.memory_space<hbm>> -> memref<1x125x80xi32, #tpu.memory_space<hbm>>
      %dma_start3A_83 = tpu.memref_squeeze %dma_start3A_82 : memref<1x125x80xi32, #tpu.memory_space<hbm>> -> memref<125x80xi32, #tpu.memory_space<hbm>>
      tpu.enqueue_dma source(%dma_start3A_83 : memref<125x80xi32, #tpu.memory_space<hbm>>) target(%arg7 : memref<125x80xi32, #tpu.memory_space<vmem>>) target_semaphore(%run_scoped3A : memref<!tpu.dma_semaphore, #tpu.memory_space<semaphore_mem>>)
      %dma_wait3A_84 = arith.constant 0 : i32
      %dma_wait3A_85 = arith.constant 0 : i32
      %dma_wait3A_86 = tpu.memref_slice %arg3[%arg1, %dma_wait3A_84, %dma_wait3A_85] : memref<16x125x80xi32, #tpu.memory_space<hbm>> -> memref<1x125x80xi32, #tpu.memory_space<hbm>>
      %dma_wait3A_87 = tpu.memref_squeeze %dma_wait3A_86 : memref<1x125x80xi32, #tpu.memory_space<hbm>> -> memref<125x80xi32, #tpu.memory_space<hbm>>
      %dma_wait3A_88 = arith.constant 0 : i32
      %dma_wait3A_89 = arith.constant 0 : i32
      %dma_wait3A_90 = tpu.memref_slice %arg3[%arg1, %dma_wait3A_88, %dma_wait3A_89] : memref<16x125x80xi32, #tpu.memory_space<hbm>> -> memref<1x125x80xi32, #tpu.memory_space<hbm>>
      %dma_wait3A_91 = tpu.memref_squeeze %dma_wait3A_90 : memref<1x125x80xi32, #tpu.memory_space<hbm>> -> memref<125x80xi32, #tpu.memory_space<hbm>>
      tpu.wait_dma2 semaphore(%run_scoped3A : memref<!tpu.dma_semaphore, #tpu.memory_space<semaphore_mem>>) src(%dma_wait3A_91 : memref<125x80xi32, #tpu.memory_space<hbm>>) dst(%arg7 : memref<125x80xi32, #tpu.memory_space<vmem>>)
      tpu.yield
    }) : () -> ()
    %barrier3A = arith.constant 0 : index
    tpu.barrier barrier_id(%barrier3A)
    %dma_start3A = arith.constant 0 : i32
    %dma_start3A_6 = arith.constant 0 : i32
    %dma_start3A_7 = tpu.memref_slice %arg6[%dma_start3A, %dma_start3A_6] : memref<125x80xi32, #tpu.memory_space<vmem>> -> memref<1x80xi32, #tpu.memory_space<vmem>>
    %dma_start3A_8 = tpu.memref_squeeze %dma_start3A_7 : memref<1x80xi32, #tpu.memory_space<vmem>> -> memref<80xi32, #tpu.memory_space<vmem>>
    %dma_start3A_9 = arith.constant 0 : i32
    %dma_start3A_10 = arith.constant 0 : i32
    %dma_start3A_11 = tpu.memref_slice %arg4[%dma_start3A_9, %dma_start3A_10] : memref<20000x128xf32, #tpu.memory_space<hbm>> -> memref<20000x128xf32, #tpu.memory_space<hbm>>
    tpu.enqueue_indirect_dma source(%dma_start3A_11 : memref<20000x128xf32, #tpu.memory_space<hbm>>) target(%arg8 : memref<80x128xf32, #tpu.memory_space<vmem>>) offsets(%dma_start3A_8 : memref<80xi32, #tpu.memory_space<vmem>>) semaphore(%arg12 : memref<!tpu.dma_semaphore, #tpu.memory_space<semaphore_mem>>)
    %dma_start3A_12 = arith.constant 1 : i32
    %dma_start3A_13 = arith.constant 0 : i32
    %dma_start3A_14 = tpu.memref_slice %arg6[%dma_start3A_12, %dma_start3A_13] : memref<125x80xi32, #tpu.memory_space<vmem>> -> memref<1x80xi32, #tpu.memory_space<vmem>>
    %dma_start3A_15 = tpu.memref_squeeze %dma_start3A_14 : memref<1x80xi32, #tpu.memory_space<vmem>> -> memref<80xi32, #tpu.memory_space<vmem>>
    %dma_start3A_16 = arith.constant 0 : i32
    %dma_start3A_17 = arith.constant 0 : i32
    %dma_start3A_18 = tpu.memref_slice %arg4[%dma_start3A_16, %dma_start3A_17] : memref<20000x128xf32, #tpu.memory_space<hbm>> -> memref<20000x128xf32, #tpu.memory_space<hbm>>
    tpu.enqueue_indirect_dma source(%dma_start3A_18 : memref<20000x128xf32, #tpu.memory_space<hbm>>) target(%arg9 : memref<80x128xf32, #tpu.memory_space<vmem>>) offsets(%dma_start3A_15 : memref<80xi32, #tpu.memory_space<vmem>>) semaphore(%arg13 : memref<!tpu.dma_semaphore, #tpu.memory_space<semaphore_mem>>)
    %scan3A = arith.constant 0 : i32
    %scan3A_19 = arith.constant 0 : i32
    %scan3A_20 = arith.constant 41 : i32
    %scan3A_21 = arith.addi %scan3A_19, %scan3A_20 : i32
    %scan3A_22 = arith.constant 1 : i32
    scf.for %scan3A_76 = %scan3A_19 to %scan3A_21 step %scan3A_22  : i32 {
      %mul3A_77 = arith.constant 3 : i32
      %mul3A_78 = arith.muli %mul3A_77, %scan3A_76 : i32
      %add3A_79 = arith.constant 0 : i32
      %add3A_80 = arith.addi %mul3A_78, %add3A_79 : i32
      %dma_wait3A_81 = arith.constant 0 : i32
      %dma_wait3A_82 = tpu.memref_slice %arg6[%add3A_80, %dma_wait3A_81] : memref<125x80xi32, #tpu.memory_space<vmem>> -> memref<1x80xi32, #tpu.memory_space<vmem>>
      %dma_wait3A_83 = tpu.memref_squeeze %dma_wait3A_82 : memref<1x80xi32, #tpu.memory_space<vmem>> -> memref<80xi32, #tpu.memory_space<vmem>>
      %dma_wait3A_84 = arith.constant 0 : i32
      %dma_wait3A_85 = arith.constant 0 : i32
      %dma_wait3A_86 = tpu.memref_slice %arg4[%dma_wait3A_84, %dma_wait3A_85] : memref<20000x128xf32, #tpu.memory_space<hbm>> -> memref<20000x128xf32, #tpu.memory_space<hbm>>
      tpu.wait_indirect_dma semaphore(%arg12 : memref<!tpu.dma_semaphore, #tpu.memory_space<semaphore_mem>>) src(%dma_wait3A_86 : memref<20000x128xf32, #tpu.memory_space<hbm>>) dst(%arg8 : memref<80x128xf32, #tpu.memory_space<vmem>>)
      %dma_start3A_87 = arith.constant 0 : i32
      %dma_start3A_88 = tpu.memref_slice %arg7[%add3A_80, %dma_start3A_87] : memref<125x80xi32, #tpu.memory_space<vmem>> -> memref<1x80xi32, #tpu.memory_space<vmem>>
      %dma_start3A_89 = tpu.memref_squeeze %dma_start3A_88 : memref<1x80xi32, #tpu.memory_space<vmem>> -> memref<80xi32, #tpu.memory_space<vmem>>
      %dma_start3A_90 = arith.constant 0 : i32
      %dma_start3A_91 = arith.constant 0 : i32
      %dma_start3A_92 = tpu.memref_slice %arg11[%dma_start3A_90, %dma_start3A_91] : memref<10000x128xf32, #tpu.memory_space<vmem_shared>> -> memref<10000x128xf32, #tpu.memory_space<vmem_shared>>
      tpu.enqueue_indirect_dma source(%arg8 : memref<80x128xf32, #tpu.memory_space<vmem>>) target(%dma_start3A_92 : memref<10000x128xf32, #tpu.memory_space<vmem_shared>>) offsets(%dma_start3A_89 : memref<80xi32, #tpu.memory_space<vmem>>) semaphore(%arg15 : memref<!tpu.dma_semaphore, #tpu.memory_space<semaphore_mem>>) {add = true}
      %add3A_93 = arith.constant 3 : i32
      %add3A_94 = arith.addi %add3A_80, %add3A_93 : i32
      %sub3A = arith.constant 1 : i32
      %sub3A_95 = arith.subi %add3A_94, %sub3A : i32
      %ge3A = arith.constant 1 : i32
      %ge3A_96 = arith.cmpi sge, %add3A_80, %ge3A : i32
      %convert_element_type3A = arith.extui %ge3A_96 : i1 to i32
      %cond3A = arith.constant 0 : i32
      %cond3A_97 = arith.cmpi ne, %convert_element_type3A, %cond3A : i32
      scf.if %cond3A_97 {
        %sub3A_162 = arith.constant 1 : i32
        %sub3A_163 = arith.subi %add3A_80, %sub3A_162 : i32
        %dma_wait3A_164 = arith.constant 0 : i32
        %dma_wait3A_165 = tpu.memref_slice %arg7[%sub3A_163, %dma_wait3A_164] : memref<125x80xi32, #tpu.memory_space<vmem>> -> memref<1x80xi32, #tpu.memory_space<vmem>>
        %dma_wait3A_166 = tpu.memref_squeeze %dma_wait3A_165 : memref<1x80xi32, #tpu.memory_space<vmem>> -> memref<80xi32, #tpu.memory_space<vmem>>
        %dma_wait3A_167 = arith.constant 0 : i32
        %dma_wait3A_168 = arith.constant 0 : i32
        %dma_wait3A_169 = tpu.memref_slice %arg11[%dma_wait3A_167, %dma_wait3A_168] : memref<10000x128xf32, #tpu.memory_space<vmem_shared>> -> memref<10000x128xf32, #tpu.memory_space<vmem_shared>>
        tpu.wait_indirect_dma semaphore(%arg17 : memref<!tpu.dma_semaphore, #tpu.memory_space<semaphore_mem>>) src(%arg10 : memref<80x128xf32, #tpu.memory_space<vmem>>) dst(%dma_wait3A_169 : memref<10000x128xf32, #tpu.memory_space<vmem_shared>>)
      } else {
      }
      %lt3A = arith.constant 125 : i32
      %lt3A_98 = arith.cmpi slt, %sub3A_95, %lt3A : i32
      %convert_element_type3A_99 = arith.extui %lt3A_98 : i1 to i32
      %cond3A_100 = arith.constant 0 : i32
      %cond3A_101 = arith.cmpi ne, %convert_element_type3A_99, %cond3A_100 : i32
      scf.if %cond3A_101 {
        %dma_start3A_162 = arith.constant 0 : i32
        %dma_start3A_163 = tpu.memref_slice %arg6[%sub3A_95, %dma_start3A_162] : memref<125x80xi32, #tpu.memory_space<vmem>> -> memref<1x80xi32, #tpu.memory_space<vmem>>
        %dma_start3A_164 = tpu.memref_squeeze %dma_start3A_163 : memref<1x80xi32, #tpu.memory_space<vmem>> -> memref<80xi32, #tpu.memory_space<vmem>>
        %dma_start3A_165 = arith.constant 0 : i32
        %dma_start3A_166 = arith.constant 0 : i32
        %dma_start3A_167 = tpu.memref_slice %arg4[%dma_start3A_165, %dma_start3A_166] : memref<20000x128xf32, #tpu.memory_space<hbm>> -> memref<20000x128xf32, #tpu.memory_space<hbm>>
        tpu.enqueue_indirect_dma source(%dma_start3A_167 : memref<20000x128xf32, #tpu.memory_space<hbm>>) target(%arg10 : memref<80x128xf32, #tpu.memory_space<vmem>>) offsets(%dma_start3A_164 : memref<80xi32, #tpu.memory_space<vmem>>) semaphore(%arg14 : memref<!tpu.dma_semaphore, #tpu.memory_space<semaphore_mem>>)
      } else {
      }
      %mul3A_102 = arith.constant 3 : i32
      %mul3A_103 = arith.muli %mul3A_102, %scan3A_76 : i32
      %add3A_104 = arith.constant 1 : i32
      %add3A_105 = arith.addi %mul3A_103, %add3A_104 : i32
      %dma_wait3A_106 = arith.constant 0 : i32
      %dma_wait3A_107 = tpu.memref_slice %arg6[%add3A_105, %dma_wait3A_106] : memref<125x80xi32, #tpu.memory_space<vmem>> -> memref<1x80xi32, #tpu.memory_space<vmem>>
      %dma_wait3A_108 = tpu.memref_squeeze %dma_wait3A_107 : memref<1x80xi32, #tpu.memory_space<vmem>> -> memref<80xi32, #tpu.memory_space<vmem>>
      %dma_wait3A_109 = arith.constant 0 : i32
      %dma_wait3A_110 = arith.constant 0 : i32
      %dma_wait3A_111 = tpu.memref_slice %arg4[%dma_wait3A_109, %dma_wait3A_110] : memref<20000x128xf32, #tpu.memory_space<hbm>> -> memref<20000x128xf32, #tpu.memory_space<hbm>>
      tpu.wait_indirect_dma semaphore(%arg13 : memref<!tpu.dma_semaphore, #tpu.memory_space<semaphore_mem>>) src(%dma_wait3A_111 : memref<20000x128xf32, #tpu.memory_space<hbm>>) dst(%arg9 : memref<80x128xf32, #tpu.memory_space<vmem>>)
      %dma_start3A_112 = arith.constant 0 : i32
      %dma_start3A_113 = tpu.memref_slice %arg7[%add3A_105, %dma_start3A_112] : memref<125x80xi32, #tpu.memory_space<vmem>> -> memref<1x80xi32, #tpu.memory_space<vmem>>
      %dma_start3A_114 = tpu.memref_squeeze %dma_start3A_113 : memref<1x80xi32, #tpu.memory_space<vmem>> -> memref<80xi32, #tpu.memory_space<vmem>>
      %dma_start3A_115 = arith.constant 0 : i32
      %dma_start3A_116 = arith.constant 0 : i32
      %dma_start3A_117 = tpu.memref_slice %arg11[%dma_start3A_115, %dma_start3A_116] : memref<10000x128xf32, #tpu.memory_space<vmem_shared>> -> memref<10000x128xf32, #tpu.memory_space<vmem_shared>>
      tpu.enqueue_indirect_dma source(%arg9 : memref<80x128xf32, #tpu.memory_space<vmem>>) target(%dma_start3A_117 : memref<10000x128xf32, #tpu.memory_space<vmem_shared>>) offsets(%dma_start3A_114 : memref<80xi32, #tpu.memory_space<vmem>>) semaphore(%arg16 : memref<!tpu.dma_semaphore, #tpu.memory_space<semaphore_mem>>) {add = true}
      %add3A_118 = arith.constant 3 : i32
      %add3A_119 = arith.addi %add3A_105, %add3A_118 : i32
      %sub3A_120 = arith.constant 1 : i32
      %sub3A_121 = arith.subi %add3A_119, %sub3A_120 : i32
      %ge3A_122 = arith.constant 1 : i32
      %ge3A_123 = arith.cmpi sge, %add3A_105, %ge3A_122 : i32
      %convert_element_type3A_124 = arith.extui %ge3A_123 : i1 to i32
      %cond3A_125 = arith.constant 0 : i32
      %cond3A_126 = arith.cmpi ne, %convert_element_type3A_124, %cond3A_125 : i32
      scf.if %cond3A_126 {
        %sub3A_162 = arith.constant 1 : i32
        %sub3A_163 = arith.subi %add3A_105, %sub3A_162 : i32
        %dma_wait3A_164 = arith.constant 0 : i32
        %dma_wait3A_165 = tpu.memref_slice %arg7[%sub3A_163, %dma_wait3A_164] : memref<125x80xi32, #tpu.memory_space<vmem>> -> memref<1x80xi32, #tpu.memory_space<vmem>>
        %dma_wait3A_166 = tpu.memref_squeeze %dma_wait3A_165 : memref<1x80xi32, #tpu.memory_space<vmem>> -> memref<80xi32, #tpu.memory_space<vmem>>
        %dma_wait3A_167 = arith.constant 0 : i32
        %dma_wait3A_168 = arith.constant 0 : i32
        %dma_wait3A_169 = tpu.memref_slice %arg11[%dma_wait3A_167, %dma_wait3A_168] : memref<10000x128xf32, #tpu.memory_space<vmem_shared>> -> memref<10000x128xf32, #tpu.memory_space<vmem_shared>>
        tpu.wait_indirect_dma semaphore(%arg15 : memref<!tpu.dma_semaphore, #tpu.memory_space<semaphore_mem>>) src(%arg8 : memref<80x128xf32, #tpu.memory_space<vmem>>) dst(%dma_wait3A_169 : memref<10000x128xf32, #tpu.memory_space<vmem_shared>>)
      } else {
      }
      %lt3A_127 = arith.constant 125 : i32
      %lt3A_128 = arith.cmpi slt, %sub3A_121, %lt3A_127 : i32
      %convert_element_type3A_129 = arith.extui %lt3A_128 : i1 to i32
      %cond3A_130 = arith.constant 0 : i32
      %cond3A_131 = arith.cmpi ne, %convert_element_type3A_129, %cond3A_130 : i32
      scf.if %cond3A_131 {
        %dma_start3A_162 = arith.constant 0 : i32
        %dma_start3A_163 = tpu.memref_slice %arg6[%sub3A_121, %dma_start3A_162] : memref<125x80xi32, #tpu.memory_space<vmem>> -> memref<1x80xi32, #tpu.memory_space<vmem>>
        %dma_start3A_164 = tpu.memref_squeeze %dma_start3A_163 : memref<1x80xi32, #tpu.memory_space<vmem>> -> memref<80xi32, #tpu.memory_space<vmem>>
        %dma_start3A_165 = arith.constant 0 : i32
        %dma_start3A_166 = arith.constant 0 : i32
        %dma_start3A_167 = tpu.memref_slice %arg4[%dma_start3A_165, %dma_start3A_166] : memref<20000x128xf32, #tpu.memory_space<hbm>> -> memref<20000x128xf32, #tpu.memory_space<hbm>>
        tpu.enqueue_indirect_dma source(%dma_start3A_167 : memref<20000x128xf32, #tpu.memory_space<hbm>>) target(%arg8 : memref<80x128xf32, #tpu.memory_space<vmem>>) offsets(%dma_start3A_164 : memref<80xi32, #tpu.memory_space<vmem>>) semaphore(%arg12 : memref<!tpu.dma_semaphore, #tpu.memory_space<semaphore_mem>>)
      } else {
      }
      %mul3A_132 = arith.constant 3 : i32
      %mul3A_133 = arith.muli %mul3A_132, %scan3A_76 : i32
      %add3A_134 = arith.constant 2 : i32
      %add3A_135 = arith.addi %mul3A_133, %add3A_134 : i32
      %dma_wait3A_136 = arith.constant 0 : i32
      %dma_wait3A_137 = tpu.memref_slice %arg6[%add3A_135, %dma_wait3A_136] : memref<125x80xi32, #tpu.memory_space<vmem>> -> memref<1x80xi32, #tpu.memory_space<vmem>>
      %dma_wait3A_138 = tpu.memref_squeeze %dma_wait3A_137 : memref<1x80xi32, #tpu.memory_space<vmem>> -> memref<80xi32, #tpu.memory_space<vmem>>
      %dma_wait3A_139 = arith.constant 0 : i32
      %dma_wait3A_140 = arith.constant 0 : i32
      %dma_wait3A_141 = tpu.memref_slice %arg4[%dma_wait3A_139, %dma_wait3A_140] : memref<20000x128xf32, #tpu.memory_space<hbm>> -> memref<20000x128xf32, #tpu.memory_space<hbm>>
      tpu.wait_indirect_dma semaphore(%arg14 : memref<!tpu.dma_semaphore, #tpu.memory_space<semaphore_mem>>) src(%dma_wait3A_141 : memref<20000x128xf32, #tpu.memory_space<hbm>>) dst(%arg10 : memref<80x128xf32, #tpu.memory_space<vmem>>)
      %dma_start3A_142 = arith.constant 0 : i32
      %dma_start3A_143 = tpu.memref_slice %arg7[%add3A_135, %dma_start3A_142] : memref<125x80xi32, #tpu.memory_space<vmem>> -> memref<1x80xi32, #tpu.memory_space<vmem>>
      %dma_start3A_144 = tpu.memref_squeeze %dma_start3A_143 : memref<1x80xi32, #tpu.memory_space<vmem>> -> memref<80xi32, #tpu.memory_space<vmem>>
      %dma_start3A_145 = arith.constant 0 : i32
      %dma_start3A_146 = arith.constant 0 : i32
      %dma_start3A_147 = tpu.memref_slice %arg11[%dma_start3A_145, %dma_start3A_146] : memref<10000x128xf32, #tpu.memory_space<vmem_shared>> -> memref<10000x128xf32, #tpu.memory_space<vmem_shared>>
      tpu.enqueue_indirect_dma source(%arg10 : memref<80x128xf32, #tpu.memory_space<vmem>>) target(%dma_start3A_147 : memref<10000x128xf32, #tpu.memory_space<vmem_shared>>) offsets(%dma_start3A_144 : memref<80xi32, #tpu.memory_space<vmem>>) semaphore(%arg17 : memref<!tpu.dma_semaphore, #tpu.memory_space<semaphore_mem>>) {add = true}
      %add3A_148 = arith.constant 3 : i32
      %add3A_149 = arith.addi %add3A_135, %add3A_148 : i32
      %sub3A_150 = arith.constant 1 : i32
      %sub3A_151 = arith.subi %add3A_149, %sub3A_150 : i32
      %ge3A_152 = arith.constant 1 : i32
      %ge3A_153 = arith.cmpi sge, %add3A_135, %ge3A_152 : i32
      %convert_element_type3A_154 = arith.extui %ge3A_153 : i1 to i32
      %cond3A_155 = arith.constant 0 : i32
      %cond3A_156 = arith.cmpi ne, %convert_element_type3A_154, %cond3A_155 : i32
      scf.if %cond3A_156 {
        %sub3A_162 = arith.constant 1 : i32
        %sub3A_163 = arith.subi %add3A_135, %sub3A_162 : i32
        %dma_wait3A_164 = arith.constant 0 : i32
        %dma_wait3A_165 = tpu.memref_slice %arg7[%sub3A_163, %dma_wait3A_164] : memref<125x80xi32, #tpu.memory_space<vmem>> -> memref<1x80xi32, #tpu.memory_space<vmem>>
        %dma_wait3A_166 = tpu.memref_squeeze %dma_wait3A_165 : memref<1x80xi32, #tpu.memory_space<vmem>> -> memref<80xi32, #tpu.memory_space<vmem>>
        %dma_wait3A_167 = arith.constant 0 : i32
        %dma_wait3A_168 = arith.constant 0 : i32
        %dma_wait3A_169 = tpu.memref_slice %arg11[%dma_wait3A_167, %dma_wait3A_168] : memref<10000x128xf32, #tpu.memory_space<vmem_shared>> -> memref<10000x128xf32, #tpu.memory_space<vmem_shared>>
        tpu.wait_indirect_dma semaphore(%arg16 : memref<!tpu.dma_semaphore, #tpu.memory_space<semaphore_mem>>) src(%arg9 : memref<80x128xf32, #tpu.memory_space<vmem>>) dst(%dma_wait3A_169 : memref<10000x128xf32, #tpu.memory_space<vmem_shared>>)
      } else {
      }
      %lt3A_157 = arith.constant 125 : i32
      %lt3A_158 = arith.cmpi slt, %sub3A_151, %lt3A_157 : i32
      %convert_element_type3A_159 = arith.extui %lt3A_158 : i1 to i32
      %cond3A_160 = arith.constant 0 : i32
      %cond3A_161 = arith.cmpi ne, %convert_element_type3A_159, %cond3A_160 : i32
      scf.if %cond3A_161 {
        %dma_start3A_162 = arith.constant 0 : i32
        %dma_start3A_163 = tpu.memref_slice %arg6[%sub3A_151, %dma_start3A_162] : memref<125x80xi32, #tpu.memory_space<vmem>> -> memref<1x80xi32, #tpu.memory_space<vmem>>
        %dma_start3A_164 = tpu.memref_squeeze %dma_start3A_163 : memref<1x80xi32, #tpu.memory_space<vmem>> -> memref<80xi32, #tpu.memory_space<vmem>>
        %dma_start3A_165 = arith.constant 0 : i32
        %dma_start3A_166 = arith.constant 0 : i32
        %dma_start3A_167 = tpu.memref_slice %arg4[%dma_start3A_165, %dma_start3A_166] : memref<20000x128xf32, #tpu.memory_space<hbm>> -> memref<20000x128xf32, #tpu.memory_space<hbm>>
        tpu.enqueue_indirect_dma source(%dma_start3A_167 : memref<20000x128xf32, #tpu.memory_space<hbm>>) target(%arg9 : memref<80x128xf32, #tpu.memory_space<vmem>>) offsets(%dma_start3A_164 : memref<80xi32, #tpu.memory_space<vmem>>) semaphore(%arg13 : memref<!tpu.dma_semaphore, #tpu.memory_space<semaphore_mem>>)
      } else {
      }
    }
    %scan3A_23 = arith.constant 41 : i32
    %dma_wait3A = arith.constant 123 : i32
    %dma_wait3A_24 = arith.constant 0 : i32
    %dma_wait3A_25 = tpu.memref_slice %arg6[%dma_wait3A, %dma_wait3A_24] : memref<125x80xi32, #tpu.memory_space<vmem>> -> memref<1x80xi32, #tpu.memory_space<vmem>>
    %dma_wait3A_26 = tpu.memref_squeeze %dma_wait3A_25 : memref<1x80xi32, #tpu.memory_space<vmem>> -> memref<80xi32, #tpu.memory_space<vmem>>
    %dma_wait3A_27 = arith.constant 0 : i32
    %dma_wait3A_28 = arith.constant 0 : i32
    %dma_wait3A_29 = tpu.memref_slice %arg4[%dma_wait3A_27, %dma_wait3A_28] : memref<20000x128xf32, #tpu.memory_space<hbm>> -> memref<20000x128xf32, #tpu.memory_space<hbm>>
    tpu.wait_indirect_dma semaphore(%arg12 : memref<!tpu.dma_semaphore, #tpu.memory_space<semaphore_mem>>) src(%dma_wait3A_29 : memref<20000x128xf32, #tpu.memory_space<hbm>>) dst(%arg8 : memref<80x128xf32, #tpu.memory_space<vmem>>)
    %dma_start3A_30 = arith.constant 123 : i32
    %dma_start3A_31 = arith.constant 0 : i32
    %dma_start3A_32 = tpu.memref_slice %arg7[%dma_start3A_30, %dma_start3A_31] : memref<125x80xi32, #tpu.memory_space<vmem>> -> memref<1x80xi32, #tpu.memory_space<vmem>>
    %dma_start3A_33 = tpu.memref_squeeze %dma_start3A_32 : memref<1x80xi32, #tpu.memory_space<vmem>> -> memref<80xi32, #tpu.memory_space<vmem>>
    %dma_start3A_34 = arith.constant 0 : i32
    %dma_start3A_35 = arith.constant 0 : i32
    %dma_start3A_36 = tpu.memref_slice %arg11[%dma_start3A_34, %dma_start3A_35] : memref<10000x128xf32, #tpu.memory_space<vmem_shared>> -> memref<10000x128xf32, #tpu.memory_space<vmem_shared>>
    tpu.enqueue_indirect_dma source(%arg8 : memref<80x128xf32, #tpu.memory_space<vmem>>) target(%dma_start3A_36 : memref<10000x128xf32, #tpu.memory_space<vmem_shared>>) offsets(%dma_start3A_33 : memref<80xi32, #tpu.memory_space<vmem>>) semaphore(%arg15 : memref<!tpu.dma_semaphore, #tpu.memory_space<semaphore_mem>>) {add = true}
    %dma_wait3A_37 = arith.constant 124 : i32
    %dma_wait3A_38 = arith.constant 0 : i32
    %dma_wait3A_39 = tpu.memref_slice %arg6[%dma_wait3A_37, %dma_wait3A_38] : memref<125x80xi32, #tpu.memory_space<vmem>> -> memref<1x80xi32, #tpu.memory_space<vmem>>
    %dma_wait3A_40 = tpu.memref_squeeze %dma_wait3A_39 : memref<1x80xi32, #tpu.memory_space<vmem>> -> memref<80xi32, #tpu.memory_space<vmem>>
    %dma_wait3A_41 = arith.constant 0 : i32
    %dma_wait3A_42 = arith.constant 0 : i32
    %dma_wait3A_43 = tpu.memref_slice %arg4[%dma_wait3A_41, %dma_wait3A_42] : memref<20000x128xf32, #tpu.memory_space<hbm>> -> memref<20000x128xf32, #tpu.memory_space<hbm>>
    tpu.wait_indirect_dma semaphore(%arg13 : memref<!tpu.dma_semaphore, #tpu.memory_space<semaphore_mem>>) src(%dma_wait3A_43 : memref<20000x128xf32, #tpu.memory_space<hbm>>) dst(%arg9 : memref<80x128xf32, #tpu.memory_space<vmem>>)
    %dma_start3A_44 = arith.constant 124 : i32
    %dma_start3A_45 = arith.constant 0 : i32
    %dma_start3A_46 = tpu.memref_slice %arg7[%dma_start3A_44, %dma_start3A_45] : memref<125x80xi32, #tpu.memory_space<vmem>> -> memref<1x80xi32, #tpu.memory_space<vmem>>
    %dma_start3A_47 = tpu.memref_squeeze %dma_start3A_46 : memref<1x80xi32, #tpu.memory_space<vmem>> -> memref<80xi32, #tpu.memory_space<vmem>>
    %dma_start3A_48 = arith.constant 0 : i32
    %dma_start3A_49 = arith.constant 0 : i32
    %dma_start3A_50 = tpu.memref_slice %arg11[%dma_start3A_48, %dma_start3A_49] : memref<10000x128xf32, #tpu.memory_space<vmem_shared>> -> memref<10000x128xf32, #tpu.memory_space<vmem_shared>>
    tpu.enqueue_indirect_dma source(%arg9 : memref<80x128xf32, #tpu.memory_space<vmem>>) target(%dma_start3A_50 : memref<10000x128xf32, #tpu.memory_space<vmem_shared>>) offsets(%dma_start3A_47 : memref<80xi32, #tpu.memory_space<vmem>>) semaphore(%arg16 : memref<!tpu.dma_semaphore, #tpu.memory_space<semaphore_mem>>) {add = true}
    %dma_wait3A_51 = arith.constant 122 : i32
    %dma_wait3A_52 = arith.constant 0 : i32
    %dma_wait3A_53 = tpu.memref_slice %arg7[%dma_wait3A_51, %dma_wait3A_52] : memref<125x80xi32, #tpu.memory_space<vmem>> -> memref<1x80xi32, #tpu.memory_space<vmem>>
    %dma_wait3A_54 = tpu.memref_squeeze %dma_wait3A_53 : memref<1x80xi32, #tpu.memory_space<vmem>> -> memref<80xi32, #tpu.memory_space<vmem>>
    %dma_wait3A_55 = arith.constant 0 : i32
    %dma_wait3A_56 = arith.constant 0 : i32
    %dma_wait3A_57 = tpu.memref_slice %arg11[%dma_wait3A_55, %dma_wait3A_56] : memref<10000x128xf32, #tpu.memory_space<vmem_shared>> -> memref<10000x128xf32, #tpu.memory_space<vmem_shared>>
    tpu.wait_indirect_dma semaphore(%arg17 : memref<!tpu.dma_semaphore, #tpu.memory_space<semaphore_mem>>) src(%arg10 : memref<80x128xf32, #tpu.memory_space<vmem>>) dst(%dma_wait3A_57 : memref<10000x128xf32, #tpu.memory_space<vmem_shared>>)
    %dma_wait3A_58 = arith.constant 123 : i32
    %dma_wait3A_59 = arith.constant 0 : i32
    %dma_wait3A_60 = tpu.memref_slice %arg7[%dma_wait3A_58, %dma_wait3A_59] : memref<125x80xi32, #tpu.memory_space<vmem>> -> memref<1x80xi32, #tpu.memory_space<vmem>>
    %dma_wait3A_61 = tpu.memref_squeeze %dma_wait3A_60 : memref<1x80xi32, #tpu.memory_space<vmem>> -> memref<80xi32, #tpu.memory_space<vmem>>
    %dma_wait3A_62 = arith.constant 0 : i32
    %dma_wait3A_63 = arith.constant 0 : i32
    %dma_wait3A_64 = tpu.memref_slice %arg11[%dma_wait3A_62, %dma_wait3A_63] : memref<10000x128xf32, #tpu.memory_space<vmem_shared>> -> memref<10000x128xf32, #tpu.memory_space<vmem_shared>>
    tpu.wait_indirect_dma semaphore(%arg15 : memref<!tpu.dma_semaphore, #tpu.memory_space<semaphore_mem>>) src(%arg8 : memref<80x128xf32, #tpu.memory_space<vmem>>) dst(%dma_wait3A_64 : memref<10000x128xf32, #tpu.memory_space<vmem_shared>>)
    %dma_wait3A_65 = arith.constant 124 : i32
    %dma_wait3A_66 = arith.constant 0 : i32
    %dma_wait3A_67 = tpu.memref_slice %arg7[%dma_wait3A_65, %dma_wait3A_66] : memref<125x80xi32, #tpu.memory_space<vmem>> -> memref<1x80xi32, #tpu.memory_space<vmem>>
    %dma_wait3A_68 = tpu.memref_squeeze %dma_wait3A_67 : memref<1x80xi32, #tpu.memory_space<vmem>> -> memref<80xi32, #tpu.memory_space<vmem>>
    %dma_wait3A_69 = arith.constant 0 : i32
    %dma_wait3A_70 = arith.constant 0 : i32
    %dma_wait3A_71 = tpu.memref_slice %arg11[%dma_wait3A_69, %dma_wait3A_70] : memref<10000x128xf32, #tpu.memory_space<vmem_shared>> -> memref<10000x128xf32, #tpu.memory_space<vmem_shared>>
    tpu.wait_indirect_dma semaphore(%arg16 : memref<!tpu.dma_semaphore, #tpu.memory_space<semaphore_mem>>) src(%arg9 : memref<80x128xf32, #tpu.memory_space<vmem>>) dst(%dma_wait3A_71 : memref<10000x128xf32, #tpu.memory_space<vmem_shared>>)
    %barrier3A_72 = arith.constant 0 : index
    tpu.barrier barrier_id(%barrier3A_72)
    %mul3A_73 = arith.constant 10000 : i32
    %mul3A_74 = arith.muli %arg0, %mul3A_73 : i32
    %add3A_75 = arith.addi %mul3A_74, %mul3A_0 : i32
    "tpu.region"() ({
      %run_scoped3A = tpu.sem_alloc : memref<!tpu.dma_semaphore, #tpu.memory_space<semaphore_mem>>
      %dma_start3A_76 = arith.constant 0 : i32
      %dma_start3A_77 = tpu.memref_slice %arg5[%add3A_75, %dma_start3A_76] : memref<20000x128xf32, #tpu.memory_space<hbm>> -> memref<625x128xf32, #tpu.memory_space<hbm>>
      %dma_start3A_78 = arith.constant 0 : i32
      %dma_start3A_79 = tpu.memref_slice %arg11[%mul3A_0, %dma_start3A_78] : memref<10000x128xf32, #tpu.memory_space<vmem_shared>> -> memref<625x128xf32, #tpu.memory_space<vmem_shared>>
      tpu.enqueue_dma source(%dma_start3A_79 : memref<625x128xf32, #tpu.memory_space<vmem_shared>>) target(%dma_start3A_77 : memref<625x128xf32, #tpu.memory_space<hbm>>) target_semaphore(%run_scoped3A : memref<!tpu.dma_semaphore, #tpu.memory_space<semaphore_mem>>)
      %dma_wait3A_80 = arith.constant 0 : i32
      %dma_wait3A_81 = tpu.memref_slice %arg5[%add3A_75, %dma_wait3A_80] : memref<20000x128xf32, #tpu.memory_space<hbm>> -> memref<625x128xf32, #tpu.memory_space<hbm>>
      %dma_wait3A_82 = arith.constant 0 : i32
      %dma_wait3A_83 = tpu.memref_slice %arg11[%mul3A_0, %dma_wait3A_82] : memref<10000x128xf32, #tpu.memory_space<vmem_shared>> -> memref<625x128xf32, #tpu.memory_space<vmem_shared>>
      tpu.wait_dma2 semaphore(%run_scoped3A : memref<!tpu.dma_semaphore, #tpu.memory_space<semaphore_mem>>) src(%dma_wait3A_83 : memref<625x128xf32, #tpu.memory_space<vmem_shared>>) dst(%dma_wait3A_81 : memref<625x128xf32, #tpu.memory_space<hbm>>)
      tpu.yield
    }) : () -> ()
    return
  }
}

#map = affine_map<(d0, d1) -> (0, 0, 0)>
#map1 = affine_map<(d0, d1) -> (0, 0)>
module attributes {stable_mosaic.version = 14 : i64} {
  func.func @_sc_hist(%arg0: i32, %arg1: i32, %arg2: memref<32x125x40xi32, #tpu.memory_space<hbm>>, %arg3: memref<10000x16xf32, #tpu.memory_space<hbm>>, %arg4: memref<40x16xf32, #tpu.memory_space<hbm>>, %arg5: memref<20000x16xf32, #tpu.memory_space<hbm>>, %arg6: memref<125x40xi32, #tpu.memory_space<vmem>>, %arg7: memref<40x16xf32, #tpu.memory_space<vmem>>, %arg8: memref<10000x16xf32, #tpu.memory_space<vmem_shared>>) attributes {dimension_semantics = [#tpu.dimension_semantics<core_parallel>, #tpu.dimension_semantics<subcore_parallel>], iteration_bounds = array<i64: 2, 16>, scalar_prefetch = 0 : i64, scratch_operands = 3 : i64, tpu.core_type = #tpu.core_type<sc_vector_subcore>, window_params = [{transform_indices = #map}, {transform_indices = #map1}, {transform_indices = #map1}, {transform_indices = #map1}]} {
    %mul3A = arith.constant 16 : i32
    %mul3A_0 = arith.muli %arg0, %mul3A : i32
    %add3A = arith.addi %mul3A_0, %arg1 : i32
    %mul3A_1 = arith.constant 625 : i32
    %mul3A_2 = arith.muli %arg1, %mul3A_1 : i32
    "tpu.region"() ({
      %run_scoped3A = tpu.sem_alloc : memref<!tpu.dma_semaphore, #tpu.memory_space<semaphore_mem>>
      %dma_start3A = arith.constant 0 : i32
      %dma_start3A_12 = tpu.memref_slice %arg8[%mul3A_2, %dma_start3A] : memref<10000x16xf32, #tpu.memory_space<vmem_shared>> -> memref<625x16xf32, #tpu.memory_space<vmem_shared>>
      %dma_start3A_13 = arith.constant 0 : i32
      %dma_start3A_14 = tpu.memref_slice %arg3[%mul3A_2, %dma_start3A_13] : memref<10000x16xf32, #tpu.memory_space<hbm>> -> memref<625x16xf32, #tpu.memory_space<hbm>>
      tpu.enqueue_dma source(%dma_start3A_14 : memref<625x16xf32, #tpu.memory_space<hbm>>) target(%dma_start3A_12 : memref<625x16xf32, #tpu.memory_space<vmem_shared>>) target_semaphore(%run_scoped3A : memref<!tpu.dma_semaphore, #tpu.memory_space<semaphore_mem>>)
      %dma_wait3A = arith.constant 0 : i32
      %dma_wait3A_15 = tpu.memref_slice %arg8[%mul3A_2, %dma_wait3A] : memref<10000x16xf32, #tpu.memory_space<vmem_shared>> -> memref<625x16xf32, #tpu.memory_space<vmem_shared>>
      %dma_wait3A_16 = arith.constant 0 : i32
      %dma_wait3A_17 = tpu.memref_slice %arg3[%mul3A_2, %dma_wait3A_16] : memref<10000x16xf32, #tpu.memory_space<hbm>> -> memref<625x16xf32, #tpu.memory_space<hbm>>
      tpu.wait_dma2 semaphore(%run_scoped3A : memref<!tpu.dma_semaphore, #tpu.memory_space<semaphore_mem>>) src(%dma_wait3A_17 : memref<625x16xf32, #tpu.memory_space<hbm>>) dst(%dma_wait3A_15 : memref<625x16xf32, #tpu.memory_space<vmem_shared>>)
      tpu.yield
    }) : () -> ()
    "tpu.region"() ({
      %run_scoped3A = tpu.sem_alloc : memref<!tpu.dma_semaphore, #tpu.memory_space<semaphore_mem>>
      tpu.enqueue_dma source(%arg4 : memref<40x16xf32, #tpu.memory_space<hbm>>) target(%arg7 : memref<40x16xf32, #tpu.memory_space<vmem>>) target_semaphore(%run_scoped3A : memref<!tpu.dma_semaphore, #tpu.memory_space<semaphore_mem>>)
      tpu.wait_dma2 semaphore(%run_scoped3A : memref<!tpu.dma_semaphore, #tpu.memory_space<semaphore_mem>>) src(%arg4 : memref<40x16xf32, #tpu.memory_space<hbm>>) dst(%arg7 : memref<40x16xf32, #tpu.memory_space<vmem>>)
      tpu.yield
    }) : () -> ()
    "tpu.region"() ({
      %run_scoped3A = tpu.sem_alloc : memref<!tpu.dma_semaphore, #tpu.memory_space<semaphore_mem>>
      %dma_start3A = arith.constant 0 : i32
      %dma_start3A_12 = arith.constant 0 : i32
      %dma_start3A_13 = tpu.memref_slice %arg2[%add3A, %dma_start3A, %dma_start3A_12] : memref<32x125x40xi32, #tpu.memory_space<hbm>> -> memref<1x125x40xi32, #tpu.memory_space<hbm>>
      %dma_start3A_14 = tpu.memref_squeeze %dma_start3A_13 : memref<1x125x40xi32, #tpu.memory_space<hbm>> -> memref<125x40xi32, #tpu.memory_space<hbm>>
      %dma_start3A_15 = arith.constant 0 : i32
      %dma_start3A_16 = arith.constant 0 : i32
      %dma_start3A_17 = tpu.memref_slice %arg2[%add3A, %dma_start3A_15, %dma_start3A_16] : memref<32x125x40xi32, #tpu.memory_space<hbm>> -> memref<1x125x40xi32, #tpu.memory_space<hbm>>
      %dma_start3A_18 = tpu.memref_squeeze %dma_start3A_17 : memref<1x125x40xi32, #tpu.memory_space<hbm>> -> memref<125x40xi32, #tpu.memory_space<hbm>>
      tpu.enqueue_dma source(%dma_start3A_18 : memref<125x40xi32, #tpu.memory_space<hbm>>) target(%arg6 : memref<125x40xi32, #tpu.memory_space<vmem>>) target_semaphore(%run_scoped3A : memref<!tpu.dma_semaphore, #tpu.memory_space<semaphore_mem>>)
      %dma_wait3A = arith.constant 0 : i32
      %dma_wait3A_19 = arith.constant 0 : i32
      %dma_wait3A_20 = tpu.memref_slice %arg2[%add3A, %dma_wait3A, %dma_wait3A_19] : memref<32x125x40xi32, #tpu.memory_space<hbm>> -> memref<1x125x40xi32, #tpu.memory_space<hbm>>
      %dma_wait3A_21 = tpu.memref_squeeze %dma_wait3A_20 : memref<1x125x40xi32, #tpu.memory_space<hbm>> -> memref<125x40xi32, #tpu.memory_space<hbm>>
      %dma_wait3A_22 = arith.constant 0 : i32
      %dma_wait3A_23 = arith.constant 0 : i32
      %dma_wait3A_24 = tpu.memref_slice %arg2[%add3A, %dma_wait3A_22, %dma_wait3A_23] : memref<32x125x40xi32, #tpu.memory_space<hbm>> -> memref<1x125x40xi32, #tpu.memory_space<hbm>>
      %dma_wait3A_25 = tpu.memref_squeeze %dma_wait3A_24 : memref<1x125x40xi32, #tpu.memory_space<hbm>> -> memref<125x40xi32, #tpu.memory_space<hbm>>
      tpu.wait_dma2 semaphore(%run_scoped3A : memref<!tpu.dma_semaphore, #tpu.memory_space<semaphore_mem>>) src(%dma_wait3A_25 : memref<125x40xi32, #tpu.memory_space<hbm>>) dst(%arg6 : memref<125x40xi32, #tpu.memory_space<vmem>>)
      tpu.yield
    }) : () -> ()
    %barrier3A = arith.constant 0 : index
    tpu.barrier barrier_id(%barrier3A)
    %scan3A = arith.constant 0 : i32
    %scan3A_3 = arith.constant 0 : i32
    %scan3A_4 = arith.constant 125 : i32
    %scan3A_5 = arith.addi %scan3A_3, %scan3A_4 : i32
    %scan3A_6 = arith.constant 1 : i32
    scf.for %scan3A_12 = %scan3A_3 to %scan3A_5 step %scan3A_6  : i32 {
      "tpu.region"() ({
        %run_scoped3A = tpu.sem_alloc : memref<!tpu.dma_semaphore, #tpu.memory_space<semaphore_mem>>
        %dma_start3A = arith.constant 0 : i32
        %dma_start3A_13 = tpu.memref_slice %arg6[%scan3A_12, %dma_start3A] : memref<125x40xi32, #tpu.memory_space<vmem>> -> memref<1x40xi32, #tpu.memory_space<vmem>>
        %dma_start3A_14 = tpu.memref_squeeze %dma_start3A_13 : memref<1x40xi32, #tpu.memory_space<vmem>> -> memref<40xi32, #tpu.memory_space<vmem>>
        %dma_start3A_15 = arith.constant 0 : i32
        %dma_start3A_16 = arith.constant 0 : i32
        %dma_start3A_17 = tpu.memref_slice %arg8[%dma_start3A_15, %dma_start3A_16] : memref<10000x16xf32, #tpu.memory_space<vmem_shared>> -> memref<10000x16xf32, #tpu.memory_space<vmem_shared>>
        tpu.enqueue_indirect_dma source(%arg7 : memref<40x16xf32, #tpu.memory_space<vmem>>) target(%dma_start3A_17 : memref<10000x16xf32, #tpu.memory_space<vmem_shared>>) offsets(%dma_start3A_14 : memref<40xi32, #tpu.memory_space<vmem>>) semaphore(%run_scoped3A : memref<!tpu.dma_semaphore, #tpu.memory_space<semaphore_mem>>) {add = true}
        %dma_wait3A = arith.constant 0 : i32
        %dma_wait3A_18 = tpu.memref_slice %arg6[%scan3A_12, %dma_wait3A] : memref<125x40xi32, #tpu.memory_space<vmem>> -> memref<1x40xi32, #tpu.memory_space<vmem>>
        %dma_wait3A_19 = tpu.memref_squeeze %dma_wait3A_18 : memref<1x40xi32, #tpu.memory_space<vmem>> -> memref<40xi32, #tpu.memory_space<vmem>>
        %dma_wait3A_20 = arith.constant 0 : i32
        %dma_wait3A_21 = arith.constant 0 : i32
        %dma_wait3A_22 = tpu.memref_slice %arg8[%dma_wait3A_20, %dma_wait3A_21] : memref<10000x16xf32, #tpu.memory_space<vmem_shared>> -> memref<10000x16xf32, #tpu.memory_space<vmem_shared>>
        tpu.wait_indirect_dma semaphore(%run_scoped3A : memref<!tpu.dma_semaphore, #tpu.memory_space<semaphore_mem>>) src(%arg7 : memref<40x16xf32, #tpu.memory_space<vmem>>) dst(%dma_wait3A_22 : memref<10000x16xf32, #tpu.memory_space<vmem_shared>>)
        tpu.yield
      }) : () -> ()
    }
    %scan3A_7 = arith.constant 125 : i32
    %barrier3A_8 = arith.constant 0 : index
    tpu.barrier barrier_id(%barrier3A_8)
    %mul3A_9 = arith.constant 10000 : i32
    %mul3A_10 = arith.muli %arg0, %mul3A_9 : i32
    %add3A_11 = arith.addi %mul3A_10, %mul3A_2 : i32
    "tpu.region"() ({
      %run_scoped3A = tpu.sem_alloc : memref<!tpu.dma_semaphore, #tpu.memory_space<semaphore_mem>>
      %dma_start3A = arith.constant 0 : i32
      %dma_start3A_12 = tpu.memref_slice %arg5[%add3A_11, %dma_start3A] : memref<20000x16xf32, #tpu.memory_space<hbm>> -> memref<625x16xf32, #tpu.memory_space<hbm>>
      %dma_start3A_13 = arith.constant 0 : i32
      %dma_start3A_14 = tpu.memref_slice %arg8[%mul3A_2, %dma_start3A_13] : memref<10000x16xf32, #tpu.memory_space<vmem_shared>> -> memref<625x16xf32, #tpu.memory_space<vmem_shared>>
      tpu.enqueue_dma source(%dma_start3A_14 : memref<625x16xf32, #tpu.memory_space<vmem_shared>>) target(%dma_start3A_12 : memref<625x16xf32, #tpu.memory_space<hbm>>) target_semaphore(%run_scoped3A : memref<!tpu.dma_semaphore, #tpu.memory_space<semaphore_mem>>)
      %dma_wait3A = arith.constant 0 : i32
      %dma_wait3A_15 = tpu.memref_slice %arg5[%add3A_11, %dma_wait3A] : memref<20000x16xf32, #tpu.memory_space<hbm>> -> memref<625x16xf32, #tpu.memory_space<hbm>>
      %dma_wait3A_16 = arith.constant 0 : i32
      %dma_wait3A_17 = tpu.memref_slice %arg8[%mul3A_2, %dma_wait3A_16] : memref<10000x16xf32, #tpu.memory_space<vmem_shared>> -> memref<625x16xf32, #tpu.memory_space<vmem_shared>>
      tpu.wait_dma2 semaphore(%run_scoped3A : memref<!tpu.dma_semaphore, #tpu.memory_space<semaphore_mem>>) src(%dma_wait3A_17 : memref<625x16xf32, #tpu.memory_space<vmem_shared>>) dst(%dma_wait3A_15 : memref<625x16xf32, #tpu.memory_space<hbm>>)
      tpu.yield
    }) : () -> ()
    return
  }
}

#map = affine_map<(d0, d1) -> (0, 0, 0)>
#map1 = affine_map<(d0, d1) -> (0, 0)>
module attributes {stable_mosaic.version = 14 : i64} {
  func.func @_sc_prop(%arg0: i32, %arg1: i32, %arg2: memref<32x125x80xi32, #tpu.memory_space<hbm>>, %arg3: memref<16x125x80xi32, #tpu.memory_space<hbm>>, %arg4: memref<20000x128xf32, #tpu.memory_space<hbm>>, %arg5: memref<20000x128xf32, #tpu.memory_space<hbm>>, %arg6: memref<125x80xi32, #tpu.memory_space<vmem>>, %arg7: memref<125x80xi32, #tpu.memory_space<vmem>>, %arg8: memref<80x128xf32, #tpu.memory_space<vmem>>, %arg9: memref<80x128xf32, #tpu.memory_space<vmem>>, %arg10: memref<80x128xf32, #tpu.memory_space<vmem>>, %arg11: memref<10000x128xf32, #tpu.memory_space<vmem_shared>>, %arg12: memref<!tpu.dma_semaphore, #tpu.memory_space<semaphore_mem>>, %arg13: memref<!tpu.dma_semaphore, #tpu.memory_space<semaphore_mem>>, %arg14: memref<!tpu.dma_semaphore, #tpu.memory_space<semaphore_mem>>, %arg15: memref<!tpu.dma_semaphore, #tpu.memory_space<semaphore_mem>>, %arg16: memref<!tpu.dma_semaphore, #tpu.memory_space<semaphore_mem>>, %arg17: memref<!tpu.dma_semaphore, #tpu.memory_space<semaphore_mem>>) attributes {dimension_semantics = [#tpu.dimension_semantics<core_parallel>, #tpu.dimension_semantics<subcore_parallel>], iteration_bounds = array<i64: 2, 16>, scalar_prefetch = 0 : i64, scratch_operands = 12 : i64, tpu.core_type = #tpu.core_type<sc_vector_subcore>, window_params = [{transform_indices = #map}, {transform_indices = #map}, {transform_indices = #map1}, {transform_indices = #map1}]} {
    %mul3A = arith.constant 625 : i32
    %mul3A_0 = arith.muli %arg1, %mul3A : i32
    %mul3A_1 = arith.constant 10000 : i32
    %mul3A_2 = arith.muli %arg0, %mul3A_1 : i32
    %add3A = arith.addi %mul3A_2, %mul3A_0 : i32
    "tpu.region"() ({
      %run_scoped3A = tpu.sem_alloc : memref<!tpu.dma_semaphore, #tpu.memory_space<semaphore_mem>>
      %dma_start3A_76 = arith.constant 0 : i32
      %dma_start3A_77 = tpu.memref_slice %arg11[%mul3A_0, %dma_start3A_76] : memref<10000x128xf32, #tpu.memory_space<vmem_shared>> -> memref<625x128xf32, #tpu.memory_space<vmem_shared>>
      %dma_start3A_78 = arith.constant 0 : i32
      %dma_start3A_79 = tpu.memref_slice %arg4[%add3A, %dma_start3A_78] : memref<20000x128xf32, #tpu.memory_space<hbm>> -> memref<625x128xf32, #tpu.memory_space<hbm>>
      tpu.enqueue_dma source(%dma_start3A_79 : memref<625x128xf32, #tpu.memory_space<hbm>>) target(%dma_start3A_77 : memref<625x128xf32, #tpu.memory_space<vmem_shared>>) target_semaphore(%run_scoped3A : memref<!tpu.dma_semaphore, #tpu.memory_space<semaphore_mem>>)
      %dma_wait3A_80 = arith.constant 0 : i32
      %dma_wait3A_81 = tpu.memref_slice %arg11[%mul3A_0, %dma_wait3A_80] : memref<10000x128xf32, #tpu.memory_space<vmem_shared>> -> memref<625x128xf32, #tpu.memory_space<vmem_shared>>
      %dma_wait3A_82 = arith.constant 0 : i32
      %dma_wait3A_83 = tpu.memref_slice %arg4[%add3A, %dma_wait3A_82] : memref<20000x128xf32, #tpu.memory_space<hbm>> -> memref<625x128xf32, #tpu.memory_space<hbm>>
      tpu.wait_dma2 semaphore(%run_scoped3A : memref<!tpu.dma_semaphore, #tpu.memory_space<semaphore_mem>>) src(%dma_wait3A_83 : memref<625x128xf32, #tpu.memory_space<hbm>>) dst(%dma_wait3A_81 : memref<625x128xf32, #tpu.memory_space<vmem_shared>>)
      tpu.yield
    }) : () -> ()
    %mul3A_3 = arith.constant 16 : i32
    %mul3A_4 = arith.muli %arg0, %mul3A_3 : i32
    %add3A_5 = arith.addi %mul3A_4, %arg1 : i32
    "tpu.region"() ({
      %run_scoped3A = tpu.sem_alloc : memref<!tpu.dma_semaphore, #tpu.memory_space<semaphore_mem>>
      %dma_start3A_76 = arith.constant 0 : i32
      %dma_start3A_77 = arith.constant 0 : i32
      %dma_start3A_78 = tpu.memref_slice %arg2[%add3A_5, %dma_start3A_76, %dma_start3A_77] : memref<32x125x80xi32, #tpu.memory_space<hbm>> -> memref<1x125x80xi32, #tpu.memory_space<hbm>>
      %dma_start3A_79 = tpu.memref_squeeze %dma_start3A_78 : memref<1x125x80xi32, #tpu.memory_space<hbm>> -> memref<125x80xi32, #tpu.memory_space<hbm>>
      %dma_start3A_80 = arith.constant 0 : i32
      %dma_start3A_81 = arith.constant 0 : i32
      %dma_start3A_82 = tpu.memref_slice %arg2[%add3A_5, %dma_start3A_80, %dma_start3A_81] : memref<32x125x80xi32, #tpu.memory_space<hbm>> -> memref<1x125x80xi32, #tpu.memory_space<hbm>>
      %dma_start3A_83 = tpu.memref_squeeze %dma_start3A_82 : memref<1x125x80xi32, #tpu.memory_space<hbm>> -> memref<125x80xi32, #tpu.memory_space<hbm>>
      tpu.enqueue_dma source(%dma_start3A_83 : memref<125x80xi32, #tpu.memory_space<hbm>>) target(%arg6 : memref<125x80xi32, #tpu.memory_space<vmem>>) target_semaphore(%run_scoped3A : memref<!tpu.dma_semaphore, #tpu.memory_space<semaphore_mem>>)
      %dma_wait3A_84 = arith.constant 0 : i32
      %dma_wait3A_85 = arith.constant 0 : i32
      %dma_wait3A_86 = tpu.memref_slice %arg2[%add3A_5, %dma_wait3A_84, %dma_wait3A_85] : memref<32x125x80xi32, #tpu.memory_space<hbm>> -> memref<1x125x80xi32, #tpu.memory_space<hbm>>
      %dma_wait3A_87 = tpu.memref_squeeze %dma_wait3A_86 : memref<1x125x80xi32, #tpu.memory_space<hbm>> -> memref<125x80xi32, #tpu.memory_space<hbm>>
      %dma_wait3A_88 = arith.constant 0 : i32
      %dma_wait3A_89 = arith.constant 0 : i32
      %dma_wait3A_90 = tpu.memref_slice %arg2[%add3A_5, %dma_wait3A_88, %dma_wait3A_89] : memref<32x125x80xi32, #tpu.memory_space<hbm>> -> memref<1x125x80xi32, #tpu.memory_space<hbm>>
      %dma_wait3A_91 = tpu.memref_squeeze %dma_wait3A_90 : memref<1x125x80xi32, #tpu.memory_space<hbm>> -> memref<125x80xi32, #tpu.memory_space<hbm>>
      tpu.wait_dma2 semaphore(%run_scoped3A : memref<!tpu.dma_semaphore, #tpu.memory_space<semaphore_mem>>) src(%dma_wait3A_91 : memref<125x80xi32, #tpu.memory_space<hbm>>) dst(%arg6 : memref<125x80xi32, #tpu.memory_space<vmem>>)
      tpu.yield
    }) : () -> ()
    "tpu.region"() ({
      %run_scoped3A = tpu.sem_alloc : memref<!tpu.dma_semaphore, #tpu.memory_space<semaphore_mem>>
      %dma_start3A_76 = arith.constant 0 : i32
      %dma_start3A_77 = arith.constant 0 : i32
      %dma_start3A_78 = tpu.memref_slice %arg3[%arg1, %dma_start3A_76, %dma_start3A_77] : memref<16x125x80xi32, #tpu.memory_space<hbm>> -> memref<1x125x80xi32, #tpu.memory_space<hbm>>
      %dma_start3A_79 = tpu.memref_squeeze %dma_start3A_78 : memref<1x125x80xi32, #tpu.memory_space<hbm>> -> memref<125x80xi32, #tpu.memory_space<hbm>>
      %dma_start3A_80 = arith.constant 0 : i32
      %dma_start3A_81 = arith.constant 0 : i32
      %dma_start3A_82 = tpu.memref_slice %arg3[%arg1, %dma_start3A_80, %dma_start3A_81] : memref<16x125x80xi32, #tpu.memory_space<hbm>> -> memref<1x125x80xi32, #tpu.memory_space<hbm>>
      %dma_start3A_83 = tpu.memref_squeeze %dma_start3A_82 : memref<1x125x80xi32, #tpu.memory_space<hbm>> -> memref<125x80xi32, #tpu.memory_space<hbm>>
      tpu.enqueue_dma source(%dma_start3A_83 : memref<125x80xi32, #tpu.memory_space<hbm>>) target(%arg7 : memref<125x80xi32, #tpu.memory_space<vmem>>) target_semaphore(%run_scoped3A : memref<!tpu.dma_semaphore, #tpu.memory_space<semaphore_mem>>)
      %dma_wait3A_84 = arith.constant 0 : i32
      %dma_wait3A_85 = arith.constant 0 : i32
      %dma_wait3A_86 = tpu.memref_slice %arg3[%arg1, %dma_wait3A_84, %dma_wait3A_85] : memref<16x125x80xi32, #tpu.memory_space<hbm>> -> memref<1x125x80xi32, #tpu.memory_space<hbm>>
      %dma_wait3A_87 = tpu.memref_squeeze %dma_wait3A_86 : memref<1x125x80xi32, #tpu.memory_space<hbm>> -> memref<125x80xi32, #tpu.memory_space<hbm>>
      %dma_wait3A_88 = arith.constant 0 : i32
      %dma_wait3A_89 = arith.constant 0 : i32
      %dma_wait3A_90 = tpu.memref_slice %arg3[%arg1, %dma_wait3A_88, %dma_wait3A_89] : memref<16x125x80xi32, #tpu.memory_space<hbm>> -> memref<1x125x80xi32, #tpu.memory_space<hbm>>
      %dma_wait3A_91 = tpu.memref_squeeze %dma_wait3A_90 : memref<1x125x80xi32, #tpu.memory_space<hbm>> -> memref<125x80xi32, #tpu.memory_space<hbm>>
      tpu.wait_dma2 semaphore(%run_scoped3A : memref<!tpu.dma_semaphore, #tpu.memory_space<semaphore_mem>>) src(%dma_wait3A_91 : memref<125x80xi32, #tpu.memory_space<hbm>>) dst(%arg7 : memref<125x80xi32, #tpu.memory_space<vmem>>)
      tpu.yield
    }) : () -> ()
    %barrier3A = arith.constant 0 : index
    tpu.barrier barrier_id(%barrier3A)
    %dma_start3A = arith.constant 0 : i32
    %dma_start3A_6 = arith.constant 0 : i32
    %dma_start3A_7 = tpu.memref_slice %arg6[%dma_start3A, %dma_start3A_6] : memref<125x80xi32, #tpu.memory_space<vmem>> -> memref<1x80xi32, #tpu.memory_space<vmem>>
    %dma_start3A_8 = tpu.memref_squeeze %dma_start3A_7 : memref<1x80xi32, #tpu.memory_space<vmem>> -> memref<80xi32, #tpu.memory_space<vmem>>
    %dma_start3A_9 = arith.constant 0 : i32
    %dma_start3A_10 = arith.constant 0 : i32
    %dma_start3A_11 = tpu.memref_slice %arg4[%dma_start3A_9, %dma_start3A_10] : memref<20000x128xf32, #tpu.memory_space<hbm>> -> memref<20000x128xf32, #tpu.memory_space<hbm>>
    tpu.enqueue_indirect_dma source(%dma_start3A_11 : memref<20000x128xf32, #tpu.memory_space<hbm>>) target(%arg8 : memref<80x128xf32, #tpu.memory_space<vmem>>) offsets(%dma_start3A_8 : memref<80xi32, #tpu.memory_space<vmem>>) semaphore(%arg12 : memref<!tpu.dma_semaphore, #tpu.memory_space<semaphore_mem>>)
    %dma_start3A_12 = arith.constant 1 : i32
    %dma_start3A_13 = arith.constant 0 : i32
    %dma_start3A_14 = tpu.memref_slice %arg6[%dma_start3A_12, %dma_start3A_13] : memref<125x80xi32, #tpu.memory_space<vmem>> -> memref<1x80xi32, #tpu.memory_space<vmem>>
    %dma_start3A_15 = tpu.memref_squeeze %dma_start3A_14 : memref<1x80xi32, #tpu.memory_space<vmem>> -> memref<80xi32, #tpu.memory_space<vmem>>
    %dma_start3A_16 = arith.constant 0 : i32
    %dma_start3A_17 = arith.constant 0 : i32
    %dma_start3A_18 = tpu.memref_slice %arg4[%dma_start3A_16, %dma_start3A_17] : memref<20000x128xf32, #tpu.memory_space<hbm>> -> memref<20000x128xf32, #tpu.memory_space<hbm>>
    tpu.enqueue_indirect_dma source(%dma_start3A_18 : memref<20000x128xf32, #tpu.memory_space<hbm>>) target(%arg9 : memref<80x128xf32, #tpu.memory_space<vmem>>) offsets(%dma_start3A_15 : memref<80xi32, #tpu.memory_space<vmem>>) semaphore(%arg13 : memref<!tpu.dma_semaphore, #tpu.memory_space<semaphore_mem>>)
    %scan3A = arith.constant 0 : i32
    %scan3A_19 = arith.constant 0 : i32
    %scan3A_20 = arith.constant 41 : i32
    %scan3A_21 = arith.addi %scan3A_19, %scan3A_20 : i32
    %scan3A_22 = arith.constant 1 : i32
    scf.for %scan3A_76 = %scan3A_19 to %scan3A_21 step %scan3A_22  : i32 {
      %mul3A_77 = arith.constant 3 : i32
      %mul3A_78 = arith.muli %mul3A_77, %scan3A_76 : i32
      %add3A_79 = arith.constant 0 : i32
      %add3A_80 = arith.addi %mul3A_78, %add3A_79 : i32
      %dma_wait3A_81 = arith.constant 0 : i32
      %dma_wait3A_82 = tpu.memref_slice %arg6[%add3A_80, %dma_wait3A_81] : memref<125x80xi32, #tpu.memory_space<vmem>> -> memref<1x80xi32, #tpu.memory_space<vmem>>
      %dma_wait3A_83 = tpu.memref_squeeze %dma_wait3A_82 : memref<1x80xi32, #tpu.memory_space<vmem>> -> memref<80xi32, #tpu.memory_space<vmem>>
      %dma_wait3A_84 = arith.constant 0 : i32
      %dma_wait3A_85 = arith.constant 0 : i32
      %dma_wait3A_86 = tpu.memref_slice %arg4[%dma_wait3A_84, %dma_wait3A_85] : memref<20000x128xf32, #tpu.memory_space<hbm>> -> memref<20000x128xf32, #tpu.memory_space<hbm>>
      tpu.wait_indirect_dma semaphore(%arg12 : memref<!tpu.dma_semaphore, #tpu.memory_space<semaphore_mem>>) src(%dma_wait3A_86 : memref<20000x128xf32, #tpu.memory_space<hbm>>) dst(%arg8 : memref<80x128xf32, #tpu.memory_space<vmem>>)
      %dma_start3A_87 = arith.constant 0 : i32
      %dma_start3A_88 = tpu.memref_slice %arg7[%add3A_80, %dma_start3A_87] : memref<125x80xi32, #tpu.memory_space<vmem>> -> memref<1x80xi32, #tpu.memory_space<vmem>>
      %dma_start3A_89 = tpu.memref_squeeze %dma_start3A_88 : memref<1x80xi32, #tpu.memory_space<vmem>> -> memref<80xi32, #tpu.memory_space<vmem>>
      %dma_start3A_90 = arith.constant 0 : i32
      %dma_start3A_91 = arith.constant 0 : i32
      %dma_start3A_92 = tpu.memref_slice %arg11[%dma_start3A_90, %dma_start3A_91] : memref<10000x128xf32, #tpu.memory_space<vmem_shared>> -> memref<10000x128xf32, #tpu.memory_space<vmem_shared>>
      tpu.enqueue_indirect_dma source(%arg8 : memref<80x128xf32, #tpu.memory_space<vmem>>) target(%dma_start3A_92 : memref<10000x128xf32, #tpu.memory_space<vmem_shared>>) offsets(%dma_start3A_89 : memref<80xi32, #tpu.memory_space<vmem>>) semaphore(%arg15 : memref<!tpu.dma_semaphore, #tpu.memory_space<semaphore_mem>>) {add = true}
      %add3A_93 = arith.constant 3 : i32
      %add3A_94 = arith.addi %add3A_80, %add3A_93 : i32
      %sub3A = arith.constant 1 : i32
      %sub3A_95 = arith.subi %add3A_94, %sub3A : i32
      %ge3A = arith.constant 1 : i32
      %ge3A_96 = arith.cmpi sge, %add3A_80, %ge3A : i32
      %convert_element_type3A = arith.extui %ge3A_96 : i1 to i32
      %cond3A = arith.constant 0 : i32
      %cond3A_97 = arith.cmpi ne, %convert_element_type3A, %cond3A : i32
      scf.if %cond3A_97 {
        %sub3A_162 = arith.constant 1 : i32
        %sub3A_163 = arith.subi %add3A_80, %sub3A_162 : i32
        %dma_wait3A_164 = arith.constant 0 : i32
        %dma_wait3A_165 = tpu.memref_slice %arg7[%sub3A_163, %dma_wait3A_164] : memref<125x80xi32, #tpu.memory_space<vmem>> -> memref<1x80xi32, #tpu.memory_space<vmem>>
        %dma_wait3A_166 = tpu.memref_squeeze %dma_wait3A_165 : memref<1x80xi32, #tpu.memory_space<vmem>> -> memref<80xi32, #tpu.memory_space<vmem>>
        %dma_wait3A_167 = arith.constant 0 : i32
        %dma_wait3A_168 = arith.constant 0 : i32
        %dma_wait3A_169 = tpu.memref_slice %arg11[%dma_wait3A_167, %dma_wait3A_168] : memref<10000x128xf32, #tpu.memory_space<vmem_shared>> -> memref<10000x128xf32, #tpu.memory_space<vmem_shared>>
        tpu.wait_indirect_dma semaphore(%arg17 : memref<!tpu.dma_semaphore, #tpu.memory_space<semaphore_mem>>) src(%arg10 : memref<80x128xf32, #tpu.memory_space<vmem>>) dst(%dma_wait3A_169 : memref<10000x128xf32, #tpu.memory_space<vmem_shared>>)
      } else {
      }
      %lt3A = arith.constant 125 : i32
      %lt3A_98 = arith.cmpi slt, %sub3A_95, %lt3A : i32
      %convert_element_type3A_99 = arith.extui %lt3A_98 : i1 to i32
      %cond3A_100 = arith.constant 0 : i32
      %cond3A_101 = arith.cmpi ne, %convert_element_type3A_99, %cond3A_100 : i32
      scf.if %cond3A_101 {
        %dma_start3A_162 = arith.constant 0 : i32
        %dma_start3A_163 = tpu.memref_slice %arg6[%sub3A_95, %dma_start3A_162] : memref<125x80xi32, #tpu.memory_space<vmem>> -> memref<1x80xi32, #tpu.memory_space<vmem>>
        %dma_start3A_164 = tpu.memref_squeeze %dma_start3A_163 : memref<1x80xi32, #tpu.memory_space<vmem>> -> memref<80xi32, #tpu.memory_space<vmem>>
        %dma_start3A_165 = arith.constant 0 : i32
        %dma_start3A_166 = arith.constant 0 : i32
        %dma_start3A_167 = tpu.memref_slice %arg4[%dma_start3A_165, %dma_start3A_166] : memref<20000x128xf32, #tpu.memory_space<hbm>> -> memref<20000x128xf32, #tpu.memory_space<hbm>>
        tpu.enqueue_indirect_dma source(%dma_start3A_167 : memref<20000x128xf32, #tpu.memory_space<hbm>>) target(%arg10 : memref<80x128xf32, #tpu.memory_space<vmem>>) offsets(%dma_start3A_164 : memref<80xi32, #tpu.memory_space<vmem>>) semaphore(%arg14 : memref<!tpu.dma_semaphore, #tpu.memory_space<semaphore_mem>>)
      } else {
      }
      %mul3A_102 = arith.constant 3 : i32
      %mul3A_103 = arith.muli %mul3A_102, %scan3A_76 : i32
      %add3A_104 = arith.constant 1 : i32
      %add3A_105 = arith.addi %mul3A_103, %add3A_104 : i32
      %dma_wait3A_106 = arith.constant 0 : i32
      %dma_wait3A_107 = tpu.memref_slice %arg6[%add3A_105, %dma_wait3A_106] : memref<125x80xi32, #tpu.memory_space<vmem>> -> memref<1x80xi32, #tpu.memory_space<vmem>>
      %dma_wait3A_108 = tpu.memref_squeeze %dma_wait3A_107 : memref<1x80xi32, #tpu.memory_space<vmem>> -> memref<80xi32, #tpu.memory_space<vmem>>
      %dma_wait3A_109 = arith.constant 0 : i32
      %dma_wait3A_110 = arith.constant 0 : i32
      %dma_wait3A_111 = tpu.memref_slice %arg4[%dma_wait3A_109, %dma_wait3A_110] : memref<20000x128xf32, #tpu.memory_space<hbm>> -> memref<20000x128xf32, #tpu.memory_space<hbm>>
      tpu.wait_indirect_dma semaphore(%arg13 : memref<!tpu.dma_semaphore, #tpu.memory_space<semaphore_mem>>) src(%dma_wait3A_111 : memref<20000x128xf32, #tpu.memory_space<hbm>>) dst(%arg9 : memref<80x128xf32, #tpu.memory_space<vmem>>)
      %dma_start3A_112 = arith.constant 0 : i32
      %dma_start3A_113 = tpu.memref_slice %arg7[%add3A_105, %dma_start3A_112] : memref<125x80xi32, #tpu.memory_space<vmem>> -> memref<1x80xi32, #tpu.memory_space<vmem>>
      %dma_start3A_114 = tpu.memref_squeeze %dma_start3A_113 : memref<1x80xi32, #tpu.memory_space<vmem>> -> memref<80xi32, #tpu.memory_space<vmem>>
      %dma_start3A_115 = arith.constant 0 : i32
      %dma_start3A_116 = arith.constant 0 : i32
      %dma_start3A_117 = tpu.memref_slice %arg11[%dma_start3A_115, %dma_start3A_116] : memref<10000x128xf32, #tpu.memory_space<vmem_shared>> -> memref<10000x128xf32, #tpu.memory_space<vmem_shared>>
      tpu.enqueue_indirect_dma source(%arg9 : memref<80x128xf32, #tpu.memory_space<vmem>>) target(%dma_start3A_117 : memref<10000x128xf32, #tpu.memory_space<vmem_shared>>) offsets(%dma_start3A_114 : memref<80xi32, #tpu.memory_space<vmem>>) semaphore(%arg16 : memref<!tpu.dma_semaphore, #tpu.memory_space<semaphore_mem>>) {add = true}
      %add3A_118 = arith.constant 3 : i32
      %add3A_119 = arith.addi %add3A_105, %add3A_118 : i32
      %sub3A_120 = arith.constant 1 : i32
      %sub3A_121 = arith.subi %add3A_119, %sub3A_120 : i32
      %ge3A_122 = arith.constant 1 : i32
      %ge3A_123 = arith.cmpi sge, %add3A_105, %ge3A_122 : i32
      %convert_element_type3A_124 = arith.extui %ge3A_123 : i1 to i32
      %cond3A_125 = arith.constant 0 : i32
      %cond3A_126 = arith.cmpi ne, %convert_element_type3A_124, %cond3A_125 : i32
      scf.if %cond3A_126 {
        %sub3A_162 = arith.constant 1 : i32
        %sub3A_163 = arith.subi %add3A_105, %sub3A_162 : i32
        %dma_wait3A_164 = arith.constant 0 : i32
        %dma_wait3A_165 = tpu.memref_slice %arg7[%sub3A_163, %dma_wait3A_164] : memref<125x80xi32, #tpu.memory_space<vmem>> -> memref<1x80xi32, #tpu.memory_space<vmem>>
        %dma_wait3A_166 = tpu.memref_squeeze %dma_wait3A_165 : memref<1x80xi32, #tpu.memory_space<vmem>> -> memref<80xi32, #tpu.memory_space<vmem>>
        %dma_wait3A_167 = arith.constant 0 : i32
        %dma_wait3A_168 = arith.constant 0 : i32
        %dma_wait3A_169 = tpu.memref_slice %arg11[%dma_wait3A_167, %dma_wait3A_168] : memref<10000x128xf32, #tpu.memory_space<vmem_shared>> -> memref<10000x128xf32, #tpu.memory_space<vmem_shared>>
        tpu.wait_indirect_dma semaphore(%arg15 : memref<!tpu.dma_semaphore, #tpu.memory_space<semaphore_mem>>) src(%arg8 : memref<80x128xf32, #tpu.memory_space<vmem>>) dst(%dma_wait3A_169 : memref<10000x128xf32, #tpu.memory_space<vmem_shared>>)
      } else {
      }
      %lt3A_127 = arith.constant 125 : i32
      %lt3A_128 = arith.cmpi slt, %sub3A_121, %lt3A_127 : i32
      %convert_element_type3A_129 = arith.extui %lt3A_128 : i1 to i32
      %cond3A_130 = arith.constant 0 : i32
      %cond3A_131 = arith.cmpi ne, %convert_element_type3A_129, %cond3A_130 : i32
      scf.if %cond3A_131 {
        %dma_start3A_162 = arith.constant 0 : i32
        %dma_start3A_163 = tpu.memref_slice %arg6[%sub3A_121, %dma_start3A_162] : memref<125x80xi32, #tpu.memory_space<vmem>> -> memref<1x80xi32, #tpu.memory_space<vmem>>
        %dma_start3A_164 = tpu.memref_squeeze %dma_start3A_163 : memref<1x80xi32, #tpu.memory_space<vmem>> -> memref<80xi32, #tpu.memory_space<vmem>>
        %dma_start3A_165 = arith.constant 0 : i32
        %dma_start3A_166 = arith.constant 0 : i32
        %dma_start3A_167 = tpu.memref_slice %arg4[%dma_start3A_165, %dma_start3A_166] : memref<20000x128xf32, #tpu.memory_space<hbm>> -> memref<20000x128xf32, #tpu.memory_space<hbm>>
        tpu.enqueue_indirect_dma source(%dma_start3A_167 : memref<20000x128xf32, #tpu.memory_space<hbm>>) target(%arg8 : memref<80x128xf32, #tpu.memory_space<vmem>>) offsets(%dma_start3A_164 : memref<80xi32, #tpu.memory_space<vmem>>) semaphore(%arg12 : memref<!tpu.dma_semaphore, #tpu.memory_space<semaphore_mem>>)
      } else {
      }
      %mul3A_132 = arith.constant 3 : i32
      %mul3A_133 = arith.muli %mul3A_132, %scan3A_76 : i32
      %add3A_134 = arith.constant 2 : i32
      %add3A_135 = arith.addi %mul3A_133, %add3A_134 : i32
      %dma_wait3A_136 = arith.constant 0 : i32
      %dma_wait3A_137 = tpu.memref_slice %arg6[%add3A_135, %dma_wait3A_136] : memref<125x80xi32, #tpu.memory_space<vmem>> -> memref<1x80xi32, #tpu.memory_space<vmem>>
      %dma_wait3A_138 = tpu.memref_squeeze %dma_wait3A_137 : memref<1x80xi32, #tpu.memory_space<vmem>> -> memref<80xi32, #tpu.memory_space<vmem>>
      %dma_wait3A_139 = arith.constant 0 : i32
      %dma_wait3A_140 = arith.constant 0 : i32
      %dma_wait3A_141 = tpu.memref_slice %arg4[%dma_wait3A_139, %dma_wait3A_140] : memref<20000x128xf32, #tpu.memory_space<hbm>> -> memref<20000x128xf32, #tpu.memory_space<hbm>>
      tpu.wait_indirect_dma semaphore(%arg14 : memref<!tpu.dma_semaphore, #tpu.memory_space<semaphore_mem>>) src(%dma_wait3A_141 : memref<20000x128xf32, #tpu.memory_space<hbm>>) dst(%arg10 : memref<80x128xf32, #tpu.memory_space<vmem>>)
      %dma_start3A_142 = arith.constant 0 : i32
      %dma_start3A_143 = tpu.memref_slice %arg7[%add3A_135, %dma_start3A_142] : memref<125x80xi32, #tpu.memory_space<vmem>> -> memref<1x80xi32, #tpu.memory_space<vmem>>
      %dma_start3A_144 = tpu.memref_squeeze %dma_start3A_143 : memref<1x80xi32, #tpu.memory_space<vmem>> -> memref<80xi32, #tpu.memory_space<vmem>>
      %dma_start3A_145 = arith.constant 0 : i32
      %dma_start3A_146 = arith.constant 0 : i32
      %dma_start3A_147 = tpu.memref_slice %arg11[%dma_start3A_145, %dma_start3A_146] : memref<10000x128xf32, #tpu.memory_space<vmem_shared>> -> memref<10000x128xf32, #tpu.memory_space<vmem_shared>>
      tpu.enqueue_indirect_dma source(%arg10 : memref<80x128xf32, #tpu.memory_space<vmem>>) target(%dma_start3A_147 : memref<10000x128xf32, #tpu.memory_space<vmem_shared>>) offsets(%dma_start3A_144 : memref<80xi32, #tpu.memory_space<vmem>>) semaphore(%arg17 : memref<!tpu.dma_semaphore, #tpu.memory_space<semaphore_mem>>) {add = true}
      %add3A_148 = arith.constant 3 : i32
      %add3A_149 = arith.addi %add3A_135, %add3A_148 : i32
      %sub3A_150 = arith.constant 1 : i32
      %sub3A_151 = arith.subi %add3A_149, %sub3A_150 : i32
      %ge3A_152 = arith.constant 1 : i32
      %ge3A_153 = arith.cmpi sge, %add3A_135, %ge3A_152 : i32
      %convert_element_type3A_154 = arith.extui %ge3A_153 : i1 to i32
      %cond3A_155 = arith.constant 0 : i32
      %cond3A_156 = arith.cmpi ne, %convert_element_type3A_154, %cond3A_155 : i32
      scf.if %cond3A_156 {
        %sub3A_162 = arith.constant 1 : i32
        %sub3A_163 = arith.subi %add3A_135, %sub3A_162 : i32
        %dma_wait3A_164 = arith.constant 0 : i32
        %dma_wait3A_165 = tpu.memref_slice %arg7[%sub3A_163, %dma_wait3A_164] : memref<125x80xi32, #tpu.memory_space<vmem>> -> memref<1x80xi32, #tpu.memory_space<vmem>>
        %dma_wait3A_166 = tpu.memref_squeeze %dma_wait3A_165 : memref<1x80xi32, #tpu.memory_space<vmem>> -> memref<80xi32, #tpu.memory_space<vmem>>
        %dma_wait3A_167 = arith.constant 0 : i32
        %dma_wait3A_168 = arith.constant 0 : i32
        %dma_wait3A_169 = tpu.memref_slice %arg11[%dma_wait3A_167, %dma_wait3A_168] : memref<10000x128xf32, #tpu.memory_space<vmem_shared>> -> memref<10000x128xf32, #tpu.memory_space<vmem_shared>>
        tpu.wait_indirect_dma semaphore(%arg16 : memref<!tpu.dma_semaphore, #tpu.memory_space<semaphore_mem>>) src(%arg9 : memref<80x128xf32, #tpu.memory_space<vmem>>) dst(%dma_wait3A_169 : memref<10000x128xf32, #tpu.memory_space<vmem_shared>>)
      } else {
      }
      %lt3A_157 = arith.constant 125 : i32
      %lt3A_158 = arith.cmpi slt, %sub3A_151, %lt3A_157 : i32
      %convert_element_type3A_159 = arith.extui %lt3A_158 : i1 to i32
      %cond3A_160 = arith.constant 0 : i32
      %cond3A_161 = arith.cmpi ne, %convert_element_type3A_159, %cond3A_160 : i32
      scf.if %cond3A_161 {
        %dma_start3A_162 = arith.constant 0 : i32
        %dma_start3A_163 = tpu.memref_slice %arg6[%sub3A_151, %dma_start3A_162] : memref<125x80xi32, #tpu.memory_space<vmem>> -> memref<1x80xi32, #tpu.memory_space<vmem>>
        %dma_start3A_164 = tpu.memref_squeeze %dma_start3A_163 : memref<1x80xi32, #tpu.memory_space<vmem>> -> memref<80xi32, #tpu.memory_space<vmem>>
        %dma_start3A_165 = arith.constant 0 : i32
        %dma_start3A_166 = arith.constant 0 : i32
        %dma_start3A_167 = tpu.memref_slice %arg4[%dma_start3A_165, %dma_start3A_166] : memref<20000x128xf32, #tpu.memory_space<hbm>> -> memref<20000x128xf32, #tpu.memory_space<hbm>>
        tpu.enqueue_indirect_dma source(%dma_start3A_167 : memref<20000x128xf32, #tpu.memory_space<hbm>>) target(%arg9 : memref<80x128xf32, #tpu.memory_space<vmem>>) offsets(%dma_start3A_164 : memref<80xi32, #tpu.memory_space<vmem>>) semaphore(%arg13 : memref<!tpu.dma_semaphore, #tpu.memory_space<semaphore_mem>>)
      } else {
      }
    }
    %scan3A_23 = arith.constant 41 : i32
    %dma_wait3A = arith.constant 123 : i32
    %dma_wait3A_24 = arith.constant 0 : i32
    %dma_wait3A_25 = tpu.memref_slice %arg6[%dma_wait3A, %dma_wait3A_24] : memref<125x80xi32, #tpu.memory_space<vmem>> -> memref<1x80xi32, #tpu.memory_space<vmem>>
    %dma_wait3A_26 = tpu.memref_squeeze %dma_wait3A_25 : memref<1x80xi32, #tpu.memory_space<vmem>> -> memref<80xi32, #tpu.memory_space<vmem>>
    %dma_wait3A_27 = arith.constant 0 : i32
    %dma_wait3A_28 = arith.constant 0 : i32
    %dma_wait3A_29 = tpu.memref_slice %arg4[%dma_wait3A_27, %dma_wait3A_28] : memref<20000x128xf32, #tpu.memory_space<hbm>> -> memref<20000x128xf32, #tpu.memory_space<hbm>>
    tpu.wait_indirect_dma semaphore(%arg12 : memref<!tpu.dma_semaphore, #tpu.memory_space<semaphore_mem>>) src(%dma_wait3A_29 : memref<20000x128xf32, #tpu.memory_space<hbm>>) dst(%arg8 : memref<80x128xf32, #tpu.memory_space<vmem>>)
    %dma_start3A_30 = arith.constant 123 : i32
    %dma_start3A_31 = arith.constant 0 : i32
    %dma_start3A_32 = tpu.memref_slice %arg7[%dma_start3A_30, %dma_start3A_31] : memref<125x80xi32, #tpu.memory_space<vmem>> -> memref<1x80xi32, #tpu.memory_space<vmem>>
    %dma_start3A_33 = tpu.memref_squeeze %dma_start3A_32 : memref<1x80xi32, #tpu.memory_space<vmem>> -> memref<80xi32, #tpu.memory_space<vmem>>
    %dma_start3A_34 = arith.constant 0 : i32
    %dma_start3A_35 = arith.constant 0 : i32
    %dma_start3A_36 = tpu.memref_slice %arg11[%dma_start3A_34, %dma_start3A_35] : memref<10000x128xf32, #tpu.memory_space<vmem_shared>> -> memref<10000x128xf32, #tpu.memory_space<vmem_shared>>
    tpu.enqueue_indirect_dma source(%arg8 : memref<80x128xf32, #tpu.memory_space<vmem>>) target(%dma_start3A_36 : memref<10000x128xf32, #tpu.memory_space<vmem_shared>>) offsets(%dma_start3A_33 : memref<80xi32, #tpu.memory_space<vmem>>) semaphore(%arg15 : memref<!tpu.dma_semaphore, #tpu.memory_space<semaphore_mem>>) {add = true}
    %dma_wait3A_37 = arith.constant 124 : i32
    %dma_wait3A_38 = arith.constant 0 : i32
    %dma_wait3A_39 = tpu.memref_slice %arg6[%dma_wait3A_37, %dma_wait3A_38] : memref<125x80xi32, #tpu.memory_space<vmem>> -> memref<1x80xi32, #tpu.memory_space<vmem>>
    %dma_wait3A_40 = tpu.memref_squeeze %dma_wait3A_39 : memref<1x80xi32, #tpu.memory_space<vmem>> -> memref<80xi32, #tpu.memory_space<vmem>>
    %dma_wait3A_41 = arith.constant 0 : i32
    %dma_wait3A_42 = arith.constant 0 : i32
    %dma_wait3A_43 = tpu.memref_slice %arg4[%dma_wait3A_41, %dma_wait3A_42] : memref<20000x128xf32, #tpu.memory_space<hbm>> -> memref<20000x128xf32, #tpu.memory_space<hbm>>
    tpu.wait_indirect_dma semaphore(%arg13 : memref<!tpu.dma_semaphore, #tpu.memory_space<semaphore_mem>>) src(%dma_wait3A_43 : memref<20000x128xf32, #tpu.memory_space<hbm>>) dst(%arg9 : memref<80x128xf32, #tpu.memory_space<vmem>>)
    %dma_start3A_44 = arith.constant 124 : i32
    %dma_start3A_45 = arith.constant 0 : i32
    %dma_start3A_46 = tpu.memref_slice %arg7[%dma_start3A_44, %dma_start3A_45] : memref<125x80xi32, #tpu.memory_space<vmem>> -> memref<1x80xi32, #tpu.memory_space<vmem>>
    %dma_start3A_47 = tpu.memref_squeeze %dma_start3A_46 : memref<1x80xi32, #tpu.memory_space<vmem>> -> memref<80xi32, #tpu.memory_space<vmem>>
    %dma_start3A_48 = arith.constant 0 : i32
    %dma_start3A_49 = arith.constant 0 : i32
    %dma_start3A_50 = tpu.memref_slice %arg11[%dma_start3A_48, %dma_start3A_49] : memref<10000x128xf32, #tpu.memory_space<vmem_shared>> -> memref<10000x128xf32, #tpu.memory_space<vmem_shared>>
    tpu.enqueue_indirect_dma source(%arg9 : memref<80x128xf32, #tpu.memory_space<vmem>>) target(%dma_start3A_50 : memref<10000x128xf32, #tpu.memory_space<vmem_shared>>) offsets(%dma_start3A_47 : memref<80xi32, #tpu.memory_space<vmem>>) semaphore(%arg16 : memref<!tpu.dma_semaphore, #tpu.memory_space<semaphore_mem>>) {add = true}
    %dma_wait3A_51 = arith.constant 122 : i32
    %dma_wait3A_52 = arith.constant 0 : i32
    %dma_wait3A_53 = tpu.memref_slice %arg7[%dma_wait3A_51, %dma_wait3A_52] : memref<125x80xi32, #tpu.memory_space<vmem>> -> memref<1x80xi32, #tpu.memory_space<vmem>>
    %dma_wait3A_54 = tpu.memref_squeeze %dma_wait3A_53 : memref<1x80xi32, #tpu.memory_space<vmem>> -> memref<80xi32, #tpu.memory_space<vmem>>
    %dma_wait3A_55 = arith.constant 0 : i32
    %dma_wait3A_56 = arith.constant 0 : i32
    %dma_wait3A_57 = tpu.memref_slice %arg11[%dma_wait3A_55, %dma_wait3A_56] : memref<10000x128xf32, #tpu.memory_space<vmem_shared>> -> memref<10000x128xf32, #tpu.memory_space<vmem_shared>>
    tpu.wait_indirect_dma semaphore(%arg17 : memref<!tpu.dma_semaphore, #tpu.memory_space<semaphore_mem>>) src(%arg10 : memref<80x128xf32, #tpu.memory_space<vmem>>) dst(%dma_wait3A_57 : memref<10000x128xf32, #tpu.memory_space<vmem_shared>>)
    %dma_wait3A_58 = arith.constant 123 : i32
    %dma_wait3A_59 = arith.constant 0 : i32
    %dma_wait3A_60 = tpu.memref_slice %arg7[%dma_wait3A_58, %dma_wait3A_59] : memref<125x80xi32, #tpu.memory_space<vmem>> -> memref<1x80xi32, #tpu.memory_space<vmem>>
    %dma_wait3A_61 = tpu.memref_squeeze %dma_wait3A_60 : memref<1x80xi32, #tpu.memory_space<vmem>> -> memref<80xi32, #tpu.memory_space<vmem>>
    %dma_wait3A_62 = arith.constant 0 : i32
    %dma_wait3A_63 = arith.constant 0 : i32
    %dma_wait3A_64 = tpu.memref_slice %arg11[%dma_wait3A_62, %dma_wait3A_63] : memref<10000x128xf32, #tpu.memory_space<vmem_shared>> -> memref<10000x128xf32, #tpu.memory_space<vmem_shared>>
    tpu.wait_indirect_dma semaphore(%arg15 : memref<!tpu.dma_semaphore, #tpu.memory_space<semaphore_mem>>) src(%arg8 : memref<80x128xf32, #tpu.memory_space<vmem>>) dst(%dma_wait3A_64 : memref<10000x128xf32, #tpu.memory_space<vmem_shared>>)
    %dma_wait3A_65 = arith.constant 124 : i32
    %dma_wait3A_66 = arith.constant 0 : i32
    %dma_wait3A_67 = tpu.memref_slice %arg7[%dma_wait3A_65, %dma_wait3A_66] : memref<125x80xi32, #tpu.memory_space<vmem>> -> memref<1x80xi32, #tpu.memory_space<vmem>>
    %dma_wait3A_68 = tpu.memref_squeeze %dma_wait3A_67 : memref<1x80xi32, #tpu.memory_space<vmem>> -> memref<80xi32, #tpu.memory_space<vmem>>
    %dma_wait3A_69 = arith.constant 0 : i32
    %dma_wait3A_70 = arith.constant 0 : i32
    %dma_wait3A_71 = tpu.memref_slice %arg11[%dma_wait3A_69, %dma_wait3A_70] : memref<10000x128xf32, #tpu.memory_space<vmem_shared>> -> memref<10000x128xf32, #tpu.memory_space<vmem_shared>>
    tpu.wait_indirect_dma semaphore(%arg16 : memref<!tpu.dma_semaphore, #tpu.memory_space<semaphore_mem>>) src(%arg9 : memref<80x128xf32, #tpu.memory_space<vmem>>) dst(%dma_wait3A_71 : memref<10000x128xf32, #tpu.memory_space<vmem_shared>>)
    %barrier3A_72 = arith.constant 0 : index
    tpu.barrier barrier_id(%barrier3A_72)
    %mul3A_73 = arith.constant 10000 : i32
    %mul3A_74 = arith.muli %arg0, %mul3A_73 : i32
    %add3A_75 = arith.addi %mul3A_74, %mul3A_0 : i32
    "tpu.region"() ({
      %run_scoped3A = tpu.sem_alloc : memref<!tpu.dma_semaphore, #tpu.memory_space<semaphore_mem>>
      %dma_start3A_76 = arith.constant 0 : i32
      %dma_start3A_77 = tpu.memref_slice %arg5[%add3A_75, %dma_start3A_76] : memref<20000x128xf32, #tpu.memory_space<hbm>> -> memref<625x128xf32, #tpu.memory_space<hbm>>
      %dma_start3A_78 = arith.constant 0 : i32
      %dma_start3A_79 = tpu.memref_slice %arg11[%mul3A_0, %dma_start3A_78] : memref<10000x128xf32, #tpu.memory_space<vmem_shared>> -> memref<625x128xf32, #tpu.memory_space<vmem_shared>>
      tpu.enqueue_dma source(%dma_start3A_79 : memref<625x128xf32, #tpu.memory_space<vmem_shared>>) target(%dma_start3A_77 : memref<625x128xf32, #tpu.memory_space<hbm>>) target_semaphore(%run_scoped3A : memref<!tpu.dma_semaphore, #tpu.memory_space<semaphore_mem>>)
      %dma_wait3A_80 = arith.constant 0 : i32
      %dma_wait3A_81 = tpu.memref_slice %arg5[%add3A_75, %dma_wait3A_80] : memref<20000x128xf32, #tpu.memory_space<hbm>> -> memref<625x128xf32, #tpu.memory_space<hbm>>
      %dma_wait3A_82 = arith.constant 0 : i32
      %dma_wait3A_83 = tpu.memref_slice %arg11[%mul3A_0, %dma_wait3A_82] : memref<10000x128xf32, #tpu.memory_space<vmem_shared>> -> memref<625x128xf32, #tpu.memory_space<vmem_shared>>
      tpu.wait_dma2 semaphore(%run_scoped3A : memref<!tpu.dma_semaphore, #tpu.memory_space<semaphore_mem>>) src(%dma_wait3A_83 : memref<625x128xf32, #tpu.memory_space<vmem_shared>>) dst(%dma_wait3A_81 : memref<625x128xf32, #tpu.memory_space<hbm>>)
      tpu.yield
    }) : () -> ()
    return
  }
}

module attributes {stable_mosaic.version = 14 : i64} {
  func.func @_tc_prep_body(%arg0: i32, %arg1: memref<2x2000x16xf32, #tpu.memory_space<vmem>>, %arg2: memref<2000x256xf32, #tpu.memory_space<vmem>>, %arg3: memref<256x256xf32, #tpu.memory_space<vmem>>, %arg4: memref<2x2000x128xf32, #tpu.memory_space<vmem>>) attributes {dimension_semantics = [#tpu.dimension_semantics<arbitrary>], iteration_bounds = array<i64: 5>, scalar_prefetch = 0 : i64, scratch_operands = 0 : i64, tpu.core_type = #tpu.core_type<tc>, window_params = [{transform_indices = @transform_0, window_bounds = array<i64: 2, 2000, 16>}, {transform_indices = @transform_1, window_bounds = array<i64: 2000, 256>}, {pipeline_mode = #tpu.pipeline_mode<synchronous>, transform_indices = @transform_2, window_bounds = array<i64: 256, 256>}, {transform_indices = @transform_3, window_bounds = array<i64: 2, 2000, 128>}]} {
    %get3A = arith.constant 0 : index
    %get3A_0 = arith.constant 0 : index
    %get3A_1 = arith.constant 0 : index
    %get3A_2 = vector.load %arg1[%get3A, %get3A_0, %get3A_1] : memref<2x2000x16xf32, #tpu.memory_space<vmem>>, vector<1x2000x1xf32>
    %get3A_3 = vector.shape_cast %get3A_2 : vector<1x2000x1xf32> to vector<2000x1xf32>
    %get3A_4 = arith.constant 1 : index
    %get3A_5 = arith.constant 0 : index
    %get3A_6 = arith.constant 0 : index
    %get3A_7 = vector.load %arg1[%get3A_4, %get3A_5, %get3A_6] : memref<2x2000x16xf32, #tpu.memory_space<vmem>>, vector<1x2000x1xf32>
    %get3A_8 = vector.shape_cast %get3A_7 : vector<1x2000x1xf32> to vector<2000x1xf32>
    %add3A = arith.addf %get3A_3, %get3A_8 : vector<2000x1xf32>
    %add3A_9 = arith.constant 1.000000e+00 : f32
    %add3A_10 = vector.broadcast %add3A_9 : f32 to vector<2000x1xf32>
    %add3A_11 = arith.addf %add3A, %add3A_10 : vector<2000x1xf32>
    %rsqrt3A = math.rsqrt %add3A_11 : vector<2000x1xf32>
    %get3A_12 = arith.constant 0 : index
    %get3A_13 = arith.constant 0 : index
    %get3A_14 = vector.load %arg2[%get3A_12, %get3A_13] : memref<2000x256xf32, #tpu.memory_space<vmem>>, vector<2000x256xf32>
    %get3A_15 = arith.constant 0 : index
    %get3A_16 = arith.constant 0 : index
    %get3A_17 = vector.load %arg3[%get3A_15, %get3A_16] : memref<256x256xf32, #tpu.memory_space<vmem>>, vector<256x256xf32>
    %dot_general3A = arith.constant dense<0.000000e+00> : vector<2000x256xf32>
    %dot_general3A_18 = tpu.matmul %get3A_14, %get3A_17, %dot_general3A {dimension_numbers = #tpu.dot_dimension_numbers<[1], [0], [0], [1], [0, 0, 1, 1], [], []>, transpose_lhs_hint = false} : vector<2000x256xf32>, vector<256x256xf32>, vector<2000x256xf32> -> vector<2000x256xf32>
    %mul3A = vector.broadcast %rsqrt3A : vector<2000x1xf32> to vector<2000x256xf32>
    %mul3A_19 = arith.mulf %dot_general3A_18, %mul3A : vector<2000x256xf32>
    %slice3A = vector.extract_strided_slice %mul3A_19 {offsets = [0, 0], sizes = [2000, 128], strides = [1, 1]} : vector<2000x256xf32> to vector<2000x128xf32>
    %swap3A = arith.constant 0 : index
    %swap3A_20 = arith.constant 0 : index
    %swap3A_21 = arith.constant 0 : index
    %swap3A_22 = vector.load %arg4[%swap3A, %swap3A_20, %swap3A_21] : memref<2x2000x128xf32, #tpu.memory_space<vmem>>, vector<1x2000x128xf32>
    %swap3A_23 = vector.shape_cast %swap3A_22 : vector<1x2000x128xf32> to vector<2000x128xf32>
    %swap3A_24 = vector.shape_cast %slice3A : vector<2000x128xf32> to vector<1x2000x128xf32>
    tpu.vector_store %arg4[%swap3A, %swap3A_20, %swap3A_21], %swap3A_24 {strides = array<i32>} : memref<2x2000x128xf32, #tpu.memory_space<vmem>>, vector<1x2000x128xf32>,
    %slice3A_25 = vector.extract_strided_slice %mul3A_19 {offsets = [0, 128], sizes = [2000, 128], strides = [1, 1]} : vector<2000x256xf32> to vector<2000x128xf32>
    %swap3A_26 = arith.constant 1 : index
    %swap3A_27 = arith.constant 0 : index
    %swap3A_28 = arith.constant 0 : index
    %swap3A_29 = vector.load %arg4[%swap3A_26, %swap3A_27, %swap3A_28] : memref<2x2000x128xf32, #tpu.memory_space<vmem>>, vector<1x2000x128xf32>
    %swap3A_30 = vector.shape_cast %swap3A_29 : vector<1x2000x128xf32> to vector<2000x128xf32>
    %swap3A_31 = vector.shape_cast %slice3A_25 : vector<2000x128xf32> to vector<1x2000x128xf32>
    tpu.vector_store %arg4[%swap3A_26, %swap3A_27, %swap3A_28], %swap3A_31 {strides = array<i32>} : memref<2x2000x128xf32, #tpu.memory_space<vmem>>, vector<1x2000x128xf32>,
    return
  }
  func.func @transform_0(%arg0: i32) -> (i32, i32, i32) {
    %c0_i32 = arith.constant 0 : i32
    %c0_i32_0 = arith.constant 0 : i32
    %c0_i32_1 = arith.constant 0 : i32
    return %c0_i32, %arg0, %c0_i32_0 : i32, i32, i32
  }
  func.func @transform_1(%arg0: i32) -> (i32, i32) {
    %c0_i32 = arith.constant 0 : i32
    %c0_i32_0 = arith.constant 0 : i32
    return %arg0, %c0_i32 : i32, i32
  }
  func.func @transform_2(%arg0: i32) -> (i32, i32) {
    %c0_i32 = arith.constant 0 : i32
    %c0_i32_0 = arith.constant 0 : i32
    %c0_i32_1 = arith.constant 0 : i32
    return %c0_i32, %c0_i32_0 : i32, i32
  }
  func.func @transform_3(%arg0: i32) -> (i32, i32, i32) {
    %c0_i32 = arith.constant 0 : i32
    %c0_i32_0 = arith.constant 0 : i32
    %c0_i32_1 = arith.constant 0 : i32
    return %c0_i32, %arg0, %c0_i32_0 : i32, i32, i32
  }
}

module attributes {stable_mosaic.version = 14 : i64} {
  func.func @_tc_layer_nores_body(%arg0: i32, %arg1: i32, %arg2: memref<2x2000x128xf32, #tpu.memory_space<vmem>>, %arg3: memref<2x2000x16xf32, #tpu.memory_space<vmem>>, %arg4: memref<1x256xf32, #tpu.memory_space<vmem>>, %arg5: memref<1x256xf32, #tpu.memory_space<vmem>>, %arg6: memref<1x256xf32, #tpu.memory_space<vmem>>, %arg7: memref<256x256xf32, #tpu.memory_space<vmem>>, %arg8: memref<2000x256xf32, #tpu.memory_space<vmem>>, %arg9: memref<2x2000x128xf32, #tpu.memory_space<vmem>>, %arg10: memref<10000x256xf32, #tpu.memory_space<vmem>>, %arg11: memref<8x256xf32, #tpu.memory_space<vmem>>) attributes {dimension_semantics = [#tpu.dimension_semantics<arbitrary>, #tpu.dimension_semantics<arbitrary>], iteration_bounds = array<i64: 2, 5>, scalar_prefetch = 0 : i64, scratch_operands = 2 : i64, tpu.core_type = #tpu.core_type<tc>, window_params = [{transform_indices = @transform_0, window_bounds = array<i64: 2, 2000, 128>}, {transform_indices = @transform_1, window_bounds = array<i64: 2, 2000, 16>}, {pipeline_mode = #tpu.pipeline_mode<synchronous>, transform_indices = @transform_2, window_bounds = array<i64: 1, 256>}, {pipeline_mode = #tpu.pipeline_mode<synchronous>, transform_indices = @transform_3, window_bounds = array<i64: 1, 256>}, {pipeline_mode = #tpu.pipeline_mode<synchronous>, transform_indices = @transform_4, window_bounds = array<i64: 1, 256>}, {pipeline_mode = #tpu.pipeline_mode<synchronous>, transform_indices = @transform_5, window_bounds = array<i64: 256, 256>}, {transform_indices = @transform_6, window_bounds = array<i64: 2000, 256>}, {transform_indices = @transform_7, window_bounds = array<i64: 2, 2000, 128>}]} {
    %get3A = arith.constant 0 : index
    %get3A_0 = arith.constant 0 : index
    %get3A_1 = arith.constant 0 : index
    %get3A_2 = vector.load %arg3[%get3A, %get3A_0, %get3A_1] : memref<2x2000x16xf32, #tpu.memory_space<vmem>>, vector<1x2000x1xf32>
    %get3A_3 = vector.shape_cast %get3A_2 : vector<1x2000x1xf32> to vector<2000x1xf32>
    %get3A_4 = arith.constant 1 : index
    %get3A_5 = arith.constant 0 : index
    %get3A_6 = arith.constant 0 : index
    %get3A_7 = vector.load %arg3[%get3A_4, %get3A_5, %get3A_6] : memref<2x2000x16xf32, #tpu.memory_space<vmem>>, vector<1x2000x1xf32>
    %get3A_8 = vector.shape_cast %get3A_7 : vector<1x2000x1xf32> to vector<2000x1xf32>
    %add3A = arith.addf %get3A_3, %get3A_8 : vector<2000x1xf32>
    %add3A_9 = arith.constant 1.000000e+00 : f32
    %add3A_10 = vector.broadcast %add3A_9 : f32 to vector<2000x1xf32>
    %add3A_11 = arith.addf %add3A, %add3A_10 : vector<2000x1xf32>
    %rsqrt3A = math.rsqrt %add3A_11 : vector<2000x1xf32>
    %eq3A = arith.constant 0 : i32
    %eq3A_12 = arith.cmpi eq, %arg0, %eq3A : i32
    %convert_element_type3A = arith.extui %eq3A_12 : i1 to i32
    %cond3A = arith.constant 0 : i32
    %cond3A_13 = arith.cmpi ne, %convert_element_type3A, %cond3A : i32
    scf.if %cond3A_13 {
      %get3A_19 = arith.constant 0 : index
      %get3A_20 = arith.constant 0 : index
      %get3A_21 = arith.constant 0 : index
      %get3A_22 = vector.load %arg2[%get3A_19, %get3A_20, %get3A_21] : memref<2x2000x128xf32, #tpu.memory_space<vmem>>, vector<1x2000x128xf32>
      %get3A_23 = vector.shape_cast %get3A_22 : vector<1x2000x128xf32> to vector<2000x128xf32>
      %get3A_24 = arith.constant 1 : index
      %get3A_25 = arith.constant 0 : index
      %get3A_26 = arith.constant 0 : index
      %get3A_27 = vector.load %arg2[%get3A_24, %get3A_25, %get3A_26] : memref<2x2000x128xf32, #tpu.memory_space<vmem>>, vector<1x2000x128xf32>
      %get3A_28 = vector.shape_cast %get3A_27 : vector<1x2000x128xf32> to vector<2000x128xf32>
      %concatenate3A = tpu.concatenate %get3A_23, %get3A_28 in 1 : vector<2000x128xf32>, vector<2000x128xf32> -> vector<2000x256xf32>
      %mul3A = vector.broadcast %rsqrt3A : vector<2000x1xf32> to vector<2000x256xf32>
      %mul3A_29 = arith.mulf %concatenate3A, %mul3A : vector<2000x256xf32>
      %get3A_30 = arith.constant 0 : index
      %get3A_31 = arith.constant 0 : index
      %get3A_32 = vector.load %arg4[%get3A_30, %get3A_31] : memref<1x256xf32, #tpu.memory_space<vmem>>, vector<1x256xf32>
      %add3A_33 = vector.broadcast %get3A_32 : vector<1x256xf32> to vector<2000x256xf32>
      %add3A_34 = arith.addf %mul3A_29, %add3A_33 : vector<2000x256xf32>
      %mul3A_35 = arith.constant 2000 : i32
      %mul3A_36 = arith.muli %arg1, %mul3A_35 : i32
      %swap3A = arith.index_cast %mul3A_36 : i32 to index
      %swap3A_37 = arith.constant 0 : index
      %swap3A_38 = vector.load %arg10[%swap3A, %swap3A_37] : memref<10000x256xf32, #tpu.memory_space<vmem>>, vector<2000x256xf32>
      tpu.vector_store %arg10[%swap3A, %swap3A_37], %add3A_34 {strides = array<i32>} : memref<10000x256xf32, #tpu.memory_space<vmem>>, vector<2000x256xf32>,
      %reduce_sum3A = arith.constant dense<0.000000e+00> : vector<256xf32>
      %reduce_sum3A_39 = vector.multi_reduction <add>, %add3A_34, %reduce_sum3A [0] : vector<2000x256xf32> to vector<256xf32>
      %broadcast_in_dim3A = vector.shape_cast %reduce_sum3A_39 : vector<256xf32> to vector<1x256xf32>
      %mul3A_40 = arith.mulf %add3A_34, %add3A_34 : vector<2000x256xf32>
      %reduce_sum3A_41 = arith.constant dense<0.000000e+00> : vector<256xf32>
      %reduce_sum3A_42 = vector.multi_reduction <add>, %mul3A_40, %reduce_sum3A_41 [0] : vector<2000x256xf32> to vector<256xf32>
      %broadcast_in_dim3A_43 = vector.shape_cast %reduce_sum3A_42 : vector<256xf32> to vector<1x256xf32>
      %broadcast_in_dim3A_44 = arith.constant 0.000000e+00 : f32
      %broadcast_in_dim3A_45 = vector.broadcast %broadcast_in_dim3A_44 : f32 to vector<6x256xf32>
      %concatenate3A_46 = tpu.concatenate %broadcast_in_dim3A, %broadcast_in_dim3A_43, %broadcast_in_dim3A_45 in 0 : vector<1x256xf32>, vector<1x256xf32>, vector<6x256xf32> -> vector<8x256xf32>
      %eq3A_47 = arith.constant 0 : i32
      %eq3A_48 = arith.cmpi eq, %arg1, %eq3A_47 : i32
      %get3A_49 = arith.constant 0 : index
      %get3A_50 = arith.constant 0 : index
      %get3A_51 = vector.load %arg11[%get3A_49, %get3A_50] : memref<8x256xf32, #tpu.memory_space<vmem>>, vector<8x256xf32>
      %add3A_52 = arith.addf %get3A_51, %concatenate3A_46 : vector<8x256xf32>
      %select_n3A = arith.select %eq3A_48, %concatenate3A_46, %add3A_52 : vector<8x256xf32>
      %swap3A_53 = arith.constant 0 : index
      %swap3A_54 = arith.constant 0 : index
      %swap3A_55 = vector.load %arg11[%swap3A_53, %swap3A_54] : memref<8x256xf32, #tpu.memory_space<vmem>>, vector<8x256xf32>
      tpu.vector_store %arg11[%swap3A_53, %swap3A_54], %select_n3A {strides = array<i32>} : memref<8x256xf32, #tpu.memory_space<vmem>>, vector<8x256xf32>,
    } else {
    }
    %eq3A_14 = arith.constant 1 : i32
    %eq3A_15 = arith.cmpi eq, %arg0, %eq3A_14 : i32
    %convert_element_type3A_16 = arith.extui %eq3A_15 : i1 to i32
    %cond3A_17 = arith.constant 0 : i32
    %cond3A_18 = arith.cmpi ne, %convert_element_type3A_16, %cond3A_17 : i32
    scf.if %cond3A_18 {
      %get3A_19 = arith.constant 0 : index
      %get3A_20 = arith.constant 0 : index
      %get3A_21 = vector.load %arg11[%get3A_19, %get3A_20] : memref<8x256xf32, #tpu.memory_space<vmem>>, vector<1x256xf32>
      %mul3A = arith.constant 9.99999974E-5 : f32
      %mul3A_22 = vector.broadcast %mul3A : f32 to vector<1x256xf32>
      %mul3A_23 = arith.mulf %get3A_21, %mul3A_22 : vector<1x256xf32>
      %get3A_24 = arith.constant 1 : index
      %get3A_25 = arith.constant 0 : index
      %get3A_26 = vector.load %arg11[%get3A_24, %get3A_25] : memref<8x256xf32, #tpu.memory_space<vmem>>, vector<1x256xf32>
      %mul3A_27 = arith.constant 9.99999974E-5 : f32
      %mul3A_28 = vector.broadcast %mul3A_27 : f32 to vector<1x256xf32>
      %mul3A_29 = arith.mulf %get3A_26, %mul3A_28 : vector<1x256xf32>
      %mul3A_30 = arith.mulf %mul3A_23, %mul3A_23 : vector<1x256xf32>
      %sub3A = arith.subf %mul3A_29, %mul3A_30 : vector<1x256xf32>
      %mul3A_31 = arith.constant 2000 : i32
      %mul3A_32 = arith.muli %arg1, %mul3A_31 : i32
      %get3A_33 = arith.index_cast %mul3A_32 : i32 to index
      %get3A_34 = arith.constant 0 : index
      %get3A_35 = vector.load %arg10[%get3A_33, %get3A_34] : memref<10000x256xf32, #tpu.memory_space<vmem>>, vector<2000x256xf32>
      %get3A_36 = arith.constant 0 : index
      %get3A_37 = arith.constant 0 : index
      %get3A_38 = vector.load %arg5[%get3A_36, %get3A_37] : memref<1x256xf32, #tpu.memory_space<vmem>>, vector<1x256xf32>
      %sub3A_39 = vector.broadcast %mul3A_23 : vector<1x256xf32> to vector<2000x256xf32>
      %sub3A_40 = arith.subf %get3A_35, %sub3A_39 : vector<2000x256xf32>
      %mul3A_41 = vector.broadcast %get3A_38 : vector<1x256xf32> to vector<2000x256xf32>
      %mul3A_42 = arith.mulf %mul3A_41, %sub3A_40 : vector<2000x256xf32>
      %add3A_43 = arith.constant 9.99999974E-6 : f32
      %add3A_44 = vector.broadcast %add3A_43 : f32 to vector<1x256xf32>
      %add3A_45 = arith.addf %sub3A, %add3A_44 : vector<1x256xf32>
      %rsqrt3A_46 = math.rsqrt %add3A_45 : vector<1x256xf32>
      %mul3A_47 = vector.broadcast %rsqrt3A_46 : vector<1x256xf32> to vector<2000x256xf32>
      %mul3A_48 = arith.mulf %mul3A_42, %mul3A_47 : vector<2000x256xf32>
      %get3A_49 = arith.constant 0 : index
      %get3A_50 = arith.constant 0 : index
      %get3A_51 = vector.load %arg6[%get3A_49, %get3A_50] : memref<1x256xf32, #tpu.memory_space<vmem>>, vector<1x256xf32>
      %add3A_52 = vector.broadcast %get3A_51 : vector<1x256xf32> to vector<2000x256xf32>
      %add3A_53 = arith.addf %mul3A_48, %add3A_52 : vector<2000x256xf32>
      %max3A = arith.constant 0.000000e+00 : f32
      %max3A_54 = vector.broadcast %max3A : f32 to vector<2000x256xf32>
      %max3A_55 = arith.maximumf %add3A_53, %max3A_54 : vector<2000x256xf32>
      %swap3A = arith.constant 0 : index
      %swap3A_56 = arith.constant 0 : index
      %swap3A_57 = vector.load %arg8[%swap3A, %swap3A_56] : memref<2000x256xf32, #tpu.memory_space<vmem>>, vector<2000x256xf32>
      tpu.vector_store %arg8[%swap3A, %swap3A_56], %max3A_55 {strides = array<i32>} : memref<2000x256xf32, #tpu.memory_space<vmem>>, vector<2000x256xf32>,
      %get3A_58 = arith.constant 0 : index
      %get3A_59 = arith.constant 0 : index
      %get3A_60 = vector.load %arg7[%get3A_58, %get3A_59] : memref<256x256xf32, #tpu.memory_space<vmem>>, vector<256x256xf32>
      %dot_general3A = arith.constant dense<0.000000e+00> : vector<2000x256xf32>
      %dot_general3A_61 = tpu.matmul %max3A_55, %get3A_60, %dot_general3A {dimension_numbers = #tpu.dot_dimension_numbers<[1], [0], [0], [1], [0, 0, 1, 1], [], []>, transpose_lhs_hint = false} : vector<2000x256xf32>, vector<256x256xf32>, vector<2000x256xf32> -> vector<2000x256xf32>
      %mul3A_62 = vector.broadcast %rsqrt3A : vector<2000x1xf32> to vector<2000x256xf32>
      %mul3A_63 = arith.mulf %dot_general3A_61, %mul3A_62 : vector<2000x256xf32>
      %slice3A = vector.extract_strided_slice %mul3A_63 {offsets = [0, 0], sizes = [2000, 128], strides = [1, 1]} : vector<2000x256xf32> to vector<2000x128xf32>
      %swap3A_64 = arith.constant 0 : index
      %swap3A_65 = arith.constant 0 : index
      %swap3A_66 = arith.constant 0 : index
      %swap3A_67 = vector.load %arg9[%swap3A_64, %swap3A_65, %swap3A_66] : memref<2x2000x128xf32, #tpu.memory_space<vmem>>, vector<1x2000x128xf32>
      %swap3A_68 = vector.shape_cast %swap3A_67 : vector<1x2000x128xf32> to vector<2000x128xf32>
      %swap3A_69 = vector.shape_cast %slice3A : vector<2000x128xf32> to vector<1x2000x128xf32>
      tpu.vector_store %arg9[%swap3A_64, %swap3A_65, %swap3A_66], %swap3A_69 {strides = array<i32>} : memref<2x2000x128xf32, #tpu.memory_space<vmem>>, vector<1x2000x128xf32>,
      %slice3A_70 = vector.extract_strided_slice %mul3A_63 {offsets = [0, 128], sizes = [2000, 128], strides = [1, 1]} : vector<2000x256xf32> to vector<2000x128xf32>
      %swap3A_71 = arith.constant 1 : index
      %swap3A_72 = arith.constant 0 : index
      %swap3A_73 = arith.constant 0 : index
      %swap3A_74 = vector.load %arg9[%swap3A_71, %swap3A_72, %swap3A_73] : memref<2x2000x128xf32, #tpu.memory_space<vmem>>, vector<1x2000x128xf32>
      %swap3A_75 = vector.shape_cast %swap3A_74 : vector<1x2000x128xf32> to vector<2000x128xf32>
      %swap3A_76 = vector.shape_cast %slice3A_70 : vector<2000x128xf32> to vector<1x2000x128xf32>
      tpu.vector_store %arg9[%swap3A_71, %swap3A_72, %swap3A_73], %swap3A_76 {strides = array<i32>} : memref<2x2000x128xf32, #tpu.memory_space<vmem>>, vector<1x2000x128xf32>,
    } else {
    }
    return
  }
  func.func @transform_0(%arg0: i32, %arg1: i32) -> (i32, i32, i32) {
    %eq3A = arith.constant 0 : i32
    %eq3A_0 = arith.cmpi eq, %arg0, %eq3A : i32
    %jit3A = arith.constant 0 : i32
    %select_n3A = arith.select %eq3A_0, %arg1, %jit3A : i32
    %c0_i32 = arith.constant 0 : i32
    %c0_i32_1 = arith.constant 0 : i32
    %c0_i32_2 = arith.constant 0 : i32
    return %c0_i32, %select_n3A, %c0_i32_1 : i32, i32, i32
  }
  func.func @transform_1(%arg0: i32, %arg1: i32) -> (i32, i32, i32) {
    %c0_i32 = arith.constant 0 : i32
    %c0_i32_0 = arith.constant 0 : i32
    %c0_i32_1 = arith.constant 0 : i32
    return %c0_i32, %arg1, %c0_i32_0 : i32, i32, i32
  }
  func.func @transform_2(%arg0: i32, %arg1: i32) -> (i32, i32) {
    %c0_i32 = arith.constant 0 : i32
    %c0_i32_0 = arith.constant 0 : i32
    %c0_i32_1 = arith.constant 0 : i32
    return %c0_i32, %c0_i32_0 : i32, i32
  }
  func.func @transform_3(%arg0: i32, %arg1: i32) -> (i32, i32) {
    %c0_i32 = arith.constant 0 : i32
    %c0_i32_0 = arith.constant 0 : i32
    %c0_i32_1 = arith.constant 0 : i32
    return %c0_i32, %c0_i32_0 : i32, i32
  }
  func.func @transform_4(%arg0: i32, %arg1: i32) -> (i32, i32) {
    %c0_i32 = arith.constant 0 : i32
    %c0_i32_0 = arith.constant 0 : i32
    %c0_i32_1 = arith.constant 0 : i32
    return %c0_i32, %c0_i32_0 : i32, i32
  }
  func.func @transform_5(%arg0: i32, %arg1: i32) -> (i32, i32) {
    %c0_i32 = arith.constant 0 : i32
    %c0_i32_0 = arith.constant 0 : i32
    %c0_i32_1 = arith.constant 0 : i32
    return %c0_i32, %c0_i32_0 : i32, i32
  }
  func.func @transform_6(%arg0: i32, %arg1: i32) -> (i32, i32) {
    %eq3A = arith.constant 1 : i32
    %eq3A_0 = arith.cmpi eq, %arg0, %eq3A : i32
    %jit3A = arith.constant 0 : i32
    %select_n3A = arith.select %eq3A_0, %arg1, %jit3A : i32
    %c0_i32 = arith.constant 0 : i32
    %c0_i32_1 = arith.constant 0 : i32
    return %select_n3A, %c0_i32 : i32, i32
  }
  func.func @transform_7(%arg0: i32, %arg1: i32) -> (i32, i32, i32) {
    %eq3A = arith.constant 1 : i32
    %eq3A_0 = arith.cmpi eq, %arg0, %eq3A : i32
    %jit3A = arith.constant 0 : i32
    %select_n3A = arith.select %eq3A_0, %arg1, %jit3A : i32
    %c0_i32 = arith.constant 0 : i32
    %c0_i32_1 = arith.constant 0 : i32
    %c0_i32_2 = arith.constant 0 : i32
    return %c0_i32, %select_n3A, %c0_i32_1 : i32, i32, i32
  }
}

module attributes {stable_mosaic.version = 14 : i64} {
  func.func @_tc_layer_body(%arg0: i32, %arg1: i32, %arg2: memref<2x2000x128xf32, #tpu.memory_space<vmem>>, %arg3: memref<2x2000x16xf32, #tpu.memory_space<vmem>>, %arg4: memref<2000x256xf32, #tpu.memory_space<vmem>>, %arg5: memref<1x256xf32, #tpu.memory_space<vmem>>, %arg6: memref<1x256xf32, #tpu.memory_space<vmem>>, %arg7: memref<1x256xf32, #tpu.memory_space<vmem>>, %arg8: memref<256x256xf32, #tpu.memory_space<vmem>>, %arg9: memref<2000x256xf32, #tpu.memory_space<vmem>>, %arg10: memref<2x2000x128xf32, #tpu.memory_space<vmem>>, %arg11: memref<10000x256xf32, #tpu.memory_space<vmem>>, %arg12: memref<8x256xf32, #tpu.memory_space<vmem>>) attributes {dimension_semantics = [#tpu.dimension_semantics<arbitrary>, #tpu.dimension_semantics<arbitrary>], iteration_bounds = array<i64: 2, 5>, scalar_prefetch = 0 : i64, scratch_operands = 2 : i64, tpu.core_type = #tpu.core_type<tc>, window_params = [{transform_indices = @transform_0, window_bounds = array<i64: 2, 2000, 128>}, {transform_indices = @transform_1, window_bounds = array<i64: 2, 2000, 16>}, {transform_indices = @transform_2, window_bounds = array<i64: 2000, 256>}, {pipeline_mode = #tpu.pipeline_mode<synchronous>, transform_indices = @transform_3, window_bounds = array<i64: 1, 256>}, {pipeline_mode = #tpu.pipeline_mode<synchronous>, transform_indices = @transform_4, window_bounds = array<i64: 1, 256>}, {pipeline_mode = #tpu.pipeline_mode<synchronous>, transform_indices = @transform_5, window_bounds = array<i64: 1, 256>}, {pipeline_mode = #tpu.pipeline_mode<synchronous>, transform_indices = @transform_6, window_bounds = array<i64: 256, 256>}, {transform_indices = @transform_7, window_bounds = array<i64: 2000, 256>}, {transform_indices = @transform_8, window_bounds = array<i64: 2, 2000, 128>}]} {
    %get3A = arith.constant 0 : index
    %get3A_0 = arith.constant 0 : index
    %get3A_1 = arith.constant 0 : index
    %get3A_2 = vector.load %arg3[%get3A, %get3A_0, %get3A_1] : memref<2x2000x16xf32, #tpu.memory_space<vmem>>, vector<1x2000x1xf32>
    %get3A_3 = vector.shape_cast %get3A_2 : vector<1x2000x1xf32> to vector<2000x1xf32>
    %get3A_4 = arith.constant 1 : index
    %get3A_5 = arith.constant 0 : index
    %get3A_6 = arith.constant 0 : index
    %get3A_7 = vector.load %arg3[%get3A_4, %get3A_5, %get3A_6] : memref<2x2000x16xf32, #tpu.memory_space<vmem>>, vector<1x2000x1xf32>
    %get3A_8 = vector.shape_cast %get3A_7 : vector<1x2000x1xf32> to vector<2000x1xf32>
    %add3A = arith.addf %get3A_3, %get3A_8 : vector<2000x1xf32>
    %add3A_9 = arith.constant 1.000000e+00 : f32
    %add3A_10 = vector.broadcast %add3A_9 : f32 to vector<2000x1xf32>
    %add3A_11 = arith.addf %add3A, %add3A_10 : vector<2000x1xf32>
    %rsqrt3A = math.rsqrt %add3A_11 : vector<2000x1xf32>
    %eq3A = arith.constant 0 : i32
    %eq3A_12 = arith.cmpi eq, %arg0, %eq3A : i32
    %convert_element_type3A = arith.extui %eq3A_12 : i1 to i32
    %cond3A = arith.constant 0 : i32
    %cond3A_13 = arith.cmpi ne, %convert_element_type3A, %cond3A : i32
    scf.if %cond3A_13 {
      %get3A_19 = arith.constant 0 : index
      %get3A_20 = arith.constant 0 : index
      %get3A_21 = arith.constant 0 : index
      %get3A_22 = vector.load %arg2[%get3A_19, %get3A_20, %get3A_21] : memref<2x2000x128xf32, #tpu.memory_space<vmem>>, vector<1x2000x128xf32>
      %get3A_23 = vector.shape_cast %get3A_22 : vector<1x2000x128xf32> to vector<2000x128xf32>
      %get3A_24 = arith.constant 1 : index
      %get3A_25 = arith.constant 0 : index
      %get3A_26 = arith.constant 0 : index
      %get3A_27 = vector.load %arg2[%get3A_24, %get3A_25, %get3A_26] : memref<2x2000x128xf32, #tpu.memory_space<vmem>>, vector<1x2000x128xf32>
      %get3A_28 = vector.shape_cast %get3A_27 : vector<1x2000x128xf32> to vector<2000x128xf32>
      %concatenate3A = tpu.concatenate %get3A_23, %get3A_28 in 1 : vector<2000x128xf32>, vector<2000x128xf32> -> vector<2000x256xf32>
      %mul3A = vector.broadcast %rsqrt3A : vector<2000x1xf32> to vector<2000x256xf32>
      %mul3A_29 = arith.mulf %concatenate3A, %mul3A : vector<2000x256xf32>
      %get3A_30 = arith.constant 0 : index
      %get3A_31 = arith.constant 0 : index
      %get3A_32 = vector.load %arg5[%get3A_30, %get3A_31] : memref<1x256xf32, #tpu.memory_space<vmem>>, vector<1x256xf32>
      %add3A_33 = vector.broadcast %get3A_32 : vector<1x256xf32> to vector<2000x256xf32>
      %add3A_34 = arith.addf %mul3A_29, %add3A_33 : vector<2000x256xf32>
      %mul3A_35 = arith.constant 2000 : i32
      %mul3A_36 = arith.muli %arg1, %mul3A_35 : i32
      %swap3A = arith.index_cast %mul3A_36 : i32 to index
      %swap3A_37 = arith.constant 0 : index
      %swap3A_38 = vector.load %arg11[%swap3A, %swap3A_37] : memref<10000x256xf32, #tpu.memory_space<vmem>>, vector<2000x256xf32>
      tpu.vector_store %arg11[%swap3A, %swap3A_37], %add3A_34 {strides = array<i32>} : memref<10000x256xf32, #tpu.memory_space<vmem>>, vector<2000x256xf32>,
      %reduce_sum3A = arith.constant dense<0.000000e+00> : vector<256xf32>
      %reduce_sum3A_39 = vector.multi_reduction <add>, %add3A_34, %reduce_sum3A [0] : vector<2000x256xf32> to vector<256xf32>
      %broadcast_in_dim3A = vector.shape_cast %reduce_sum3A_39 : vector<256xf32> to vector<1x256xf32>
      %mul3A_40 = arith.mulf %add3A_34, %add3A_34 : vector<2000x256xf32>
      %reduce_sum3A_41 = arith.constant dense<0.000000e+00> : vector<256xf32>
      %reduce_sum3A_42 = vector.multi_reduction <add>, %mul3A_40, %reduce_sum3A_41 [0] : vector<2000x256xf32> to vector<256xf32>
      %broadcast_in_dim3A_43 = vector.shape_cast %reduce_sum3A_42 : vector<256xf32> to vector<1x256xf32>
      %broadcast_in_dim3A_44 = arith.constant 0.000000e+00 : f32
      %broadcast_in_dim3A_45 = vector.broadcast %broadcast_in_dim3A_44 : f32 to vector<6x256xf32>
      %concatenate3A_46 = tpu.concatenate %broadcast_in_dim3A, %broadcast_in_dim3A_43, %broadcast_in_dim3A_45 in 0 : vector<1x256xf32>, vector<1x256xf32>, vector<6x256xf32> -> vector<8x256xf32>
      %eq3A_47 = arith.constant 0 : i32
      %eq3A_48 = arith.cmpi eq, %arg1, %eq3A_47 : i32
      %get3A_49 = arith.constant 0 : index
      %get3A_50 = arith.constant 0 : index
      %get3A_51 = vector.load %arg12[%get3A_49, %get3A_50] : memref<8x256xf32, #tpu.memory_space<vmem>>, vector<8x256xf32>
      %add3A_52 = arith.addf %get3A_51, %concatenate3A_46 : vector<8x256xf32>
      %select_n3A = arith.select %eq3A_48, %concatenate3A_46, %add3A_52 : vector<8x256xf32>
      %swap3A_53 = arith.constant 0 : index
      %swap3A_54 = arith.constant 0 : index
      %swap3A_55 = vector.load %arg12[%swap3A_53, %swap3A_54] : memref<8x256xf32, #tpu.memory_space<vmem>>, vector<8x256xf32>
      tpu.vector_store %arg12[%swap3A_53, %swap3A_54], %select_n3A {strides = array<i32>} : memref<8x256xf32, #tpu.memory_space<vmem>>, vector<8x256xf32>,
    } else {
    }
    %eq3A_14 = arith.constant 1 : i32
    %eq3A_15 = arith.cmpi eq, %arg0, %eq3A_14 : i32
    %convert_element_type3A_16 = arith.extui %eq3A_15 : i1 to i32
    %cond3A_17 = arith.constant 0 : i32
    %cond3A_18 = arith.cmpi ne, %convert_element_type3A_16, %cond3A_17 : i32
    scf.if %cond3A_18 {
      %get3A_19 = arith.constant 0 : index
      %get3A_20 = arith.constant 0 : index
      %get3A_21 = vector.load %arg12[%get3A_19, %get3A_20] : memref<8x256xf32, #tpu.memory_space<vmem>>, vector<1x256xf32>
      %mul3A = arith.constant 9.99999974E-5 : f32
      %mul3A_22 = vector.broadcast %mul3A : f32 to vector<1x256xf32>
      %mul3A_23 = arith.mulf %get3A_21, %mul3A_22 : vector<1x256xf32>
      %get3A_24 = arith.constant 1 : index
      %get3A_25 = arith.constant 0 : index
      %get3A_26 = vector.load %arg12[%get3A_24, %get3A_25] : memref<8x256xf32, #tpu.memory_space<vmem>>, vector<1x256xf32>
      %mul3A_27 = arith.constant 9.99999974E-5 : f32
      %mul3A_28 = vector.broadcast %mul3A_27 : f32 to vector<1x256xf32>
      %mul3A_29 = arith.mulf %get3A_26, %mul3A_28 : vector<1x256xf32>
      %mul3A_30 = arith.mulf %mul3A_23, %mul3A_23 : vector<1x256xf32>
      %sub3A = arith.subf %mul3A_29, %mul3A_30 : vector<1x256xf32>
      %mul3A_31 = arith.constant 2000 : i32
      %mul3A_32 = arith.muli %arg1, %mul3A_31 : i32
      %get3A_33 = arith.index_cast %mul3A_32 : i32 to index
      %get3A_34 = arith.constant 0 : index
      %get3A_35 = vector.load %arg11[%get3A_33, %get3A_34] : memref<10000x256xf32, #tpu.memory_space<vmem>>, vector<2000x256xf32>
      %get3A_36 = arith.constant 0 : index
      %get3A_37 = arith.constant 0 : index
      %get3A_38 = vector.load %arg6[%get3A_36, %get3A_37] : memref<1x256xf32, #tpu.memory_space<vmem>>, vector<1x256xf32>
      %sub3A_39 = vector.broadcast %mul3A_23 : vector<1x256xf32> to vector<2000x256xf32>
      %sub3A_40 = arith.subf %get3A_35, %sub3A_39 : vector<2000x256xf32>
      %mul3A_41 = vector.broadcast %get3A_38 : vector<1x256xf32> to vector<2000x256xf32>
      %mul3A_42 = arith.mulf %mul3A_41, %sub3A_40 : vector<2000x256xf32>
      %add3A_43 = arith.constant 9.99999974E-6 : f32
      %add3A_44 = vector.broadcast %add3A_43 : f32 to vector<1x256xf32>
      %add3A_45 = arith.addf %sub3A, %add3A_44 : vector<1x256xf32>
      %rsqrt3A_46 = math.rsqrt %add3A_45 : vector<1x256xf32>
      %mul3A_47 = vector.broadcast %rsqrt3A_46 : vector<1x256xf32> to vector<2000x256xf32>
      %mul3A_48 = arith.mulf %mul3A_42, %mul3A_47 : vector<2000x256xf32>
      %get3A_49 = arith.constant 0 : index
      %get3A_50 = arith.constant 0 : index
      %get3A_51 = vector.load %arg7[%get3A_49, %get3A_50] : memref<1x256xf32, #tpu.memory_space<vmem>>, vector<1x256xf32>
      %add3A_52 = vector.broadcast %get3A_51 : vector<1x256xf32> to vector<2000x256xf32>
      %add3A_53 = arith.addf %mul3A_48, %add3A_52 : vector<2000x256xf32>
      %get3A_54 = arith.constant 0 : index
      %get3A_55 = arith.constant 0 : index
      %get3A_56 = vector.load %arg4[%get3A_54, %get3A_55] : memref<2000x256xf32, #tpu.memory_space<vmem>>, vector<2000x256xf32>
      %add3A_57 = arith.addf %add3A_53, %get3A_56 : vector<2000x256xf32>
      %max3A = arith.constant 0.000000e+00 : f32
      %max3A_58 = vector.broadcast %max3A : f32 to vector<2000x256xf32>
      %max3A_59 = arith.maximumf %add3A_57, %max3A_58 : vector<2000x256xf32>
      %swap3A = arith.constant 0 : index
      %swap3A_60 = arith.constant 0 : index
      %swap3A_61 = vector.load %arg9[%swap3A, %swap3A_60] : memref<2000x256xf32, #tpu.memory_space<vmem>>, vector<2000x256xf32>
      tpu.vector_store %arg9[%swap3A, %swap3A_60], %max3A_59 {strides = array<i32>} : memref<2000x256xf32, #tpu.memory_space<vmem>>, vector<2000x256xf32>,
      %get3A_62 = arith.constant 0 : index
      %get3A_63 = arith.constant 0 : index
      %get3A_64 = vector.load %arg8[%get3A_62, %get3A_63] : memref<256x256xf32, #tpu.memory_space<vmem>>, vector<256x256xf32>
      %dot_general3A = arith.constant dense<0.000000e+00> : vector<2000x256xf32>
      %dot_general3A_65 = tpu.matmul %max3A_59, %get3A_64, %dot_general3A {dimension_numbers = #tpu.dot_dimension_numbers<[1], [0], [0], [1], [0, 0, 1, 1], [], []>, transpose_lhs_hint = false} : vector<2000x256xf32>, vector<256x256xf32>, vector<2000x256xf32> -> vector<2000x256xf32>
      %mul3A_66 = vector.broadcast %rsqrt3A : vector<2000x1xf32> to vector<2000x256xf32>
      %mul3A_67 = arith.mulf %dot_general3A_65, %mul3A_66 : vector<2000x256xf32>
      %slice3A = vector.extract_strided_slice %mul3A_67 {offsets = [0, 0], sizes = [2000, 128], strides = [1, 1]} : vector<2000x256xf32> to vector<2000x128xf32>
      %swap3A_68 = arith.constant 0 : index
      %swap3A_69 = arith.constant 0 : index
      %swap3A_70 = arith.constant 0 : index
      %swap3A_71 = vector.load %arg10[%swap3A_68, %swap3A_69, %swap3A_70] : memref<2x2000x128xf32, #tpu.memory_space<vmem>>, vector<1x2000x128xf32>
      %swap3A_72 = vector.shape_cast %swap3A_71 : vector<1x2000x128xf32> to vector<2000x128xf32>
      %swap3A_73 = vector.shape_cast %slice3A : vector<2000x128xf32> to vector<1x2000x128xf32>
      tpu.vector_store %arg10[%swap3A_68, %swap3A_69, %swap3A_70], %swap3A_73 {strides = array<i32>} : memref<2x2000x128xf32, #tpu.memory_space<vmem>>, vector<1x2000x128xf32>,
      %slice3A_74 = vector.extract_strided_slice %mul3A_67 {offsets = [0, 128], sizes = [2000, 128], strides = [1, 1]} : vector<2000x256xf32> to vector<2000x128xf32>
      %swap3A_75 = arith.constant 1 : index
      %swap3A_76 = arith.constant 0 : index
      %swap3A_77 = arith.constant 0 : index
      %swap3A_78 = vector.load %arg10[%swap3A_75, %swap3A_76, %swap3A_77] : memref<2x2000x128xf32, #tpu.memory_space<vmem>>, vector<1x2000x128xf32>
      %swap3A_79 = vector.shape_cast %swap3A_78 : vector<1x2000x128xf32> to vector<2000x128xf32>
      %swap3A_80 = vector.shape_cast %slice3A_74 : vector<2000x128xf32> to vector<1x2000x128xf32>
      tpu.vector_store %arg10[%swap3A_75, %swap3A_76, %swap3A_77], %swap3A_80 {strides = array<i32>} : memref<2x2000x128xf32, #tpu.memory_space<vmem>>, vector<1x2000x128xf32>,
    } else {
    }
    return
  }
  func.func @transform_0(%arg0: i32, %arg1: i32) -> (i32, i32, i32) {
    %eq3A = arith.constant 0 : i32
    %eq3A_0 = arith.cmpi eq, %arg0, %eq3A : i32
    %jit3A = arith.constant 0 : i32
    %select_n3A = arith.select %eq3A_0, %arg1, %jit3A : i32
    %c0_i32 = arith.constant 0 : i32
    %c0_i32_1 = arith.constant 0 : i32
    %c0_i32_2 = arith.constant 0 : i32
    return %c0_i32, %select_n3A, %c0_i32_1 : i32, i32, i32
  }
  func.func @transform_1(%arg0: i32, %arg1: i32) -> (i32, i32, i32) {
    %c0_i32 = arith.constant 0 : i32
    %c0_i32_0 = arith.constant 0 : i32
    %c0_i32_1 = arith.constant 0 : i32
    return %c0_i32, %arg1, %c0_i32_0 : i32, i32, i32
  }
  func.func @transform_2(%arg0: i32, %arg1: i32) -> (i32, i32) {
    %eq3A = arith.constant 1 : i32
    %eq3A_0 = arith.cmpi eq, %arg0, %eq3A : i32
    %jit3A = arith.constant 0 : i32
    %select_n3A = arith.select %eq3A_0, %arg1, %jit3A : i32
    %c0_i32 = arith.constant 0 : i32
    %c0_i32_1 = arith.constant 0 : i32
    return %select_n3A, %c0_i32 : i32, i32
  }
  func.func @transform_3(%arg0: i32, %arg1: i32) -> (i32, i32) {
    %c0_i32 = arith.constant 0 : i32
    %c0_i32_0 = arith.constant 0 : i32
    %c0_i32_1 = arith.constant 0 : i32
    return %c0_i32, %c0_i32_0 : i32, i32
  }
  func.func @transform_4(%arg0: i32, %arg1: i32) -> (i32, i32) {
    %c0_i32 = arith.constant 0 : i32
    %c0_i32_0 = arith.constant 0 : i32
    %c0_i32_1 = arith.constant 0 : i32
    return %c0_i32, %c0_i32_0 : i32, i32
  }
  func.func @transform_5(%arg0: i32, %arg1: i32) -> (i32, i32) {
    %c0_i32 = arith.constant 0 : i32
    %c0_i32_0 = arith.constant 0 : i32
    %c0_i32_1 = arith.constant 0 : i32
    return %c0_i32, %c0_i32_0 : i32, i32
  }
  func.func @transform_6(%arg0: i32, %arg1: i32) -> (i32, i32) {
    %c0_i32 = arith.constant 0 : i32
    %c0_i32_0 = arith.constant 0 : i32
    %c0_i32_1 = arith.constant 0 : i32
    return %c0_i32, %c0_i32_0 : i32, i32
  }
  func.func @transform_7(%arg0: i32, %arg1: i32) -> (i32, i32) {
    %eq3A = arith.constant 1 : i32
    %eq3A_0 = arith.cmpi eq, %arg0, %eq3A : i32
    %jit3A = arith.constant 0 : i32
    %select_n3A = arith.select %eq3A_0, %arg1, %jit3A : i32
    %c0_i32 = arith.constant 0 : i32
    %c0_i32_1 = arith.constant 0 : i32
    return %select_n3A, %c0_i32 : i32, i32
  }
  func.func @transform_8(%arg0: i32, %arg1: i32) -> (i32, i32, i32) {
    %eq3A = arith.constant 1 : i32
    %eq3A_0 = arith.cmpi eq, %arg0, %eq3A : i32
    %jit3A = arith.constant 0 : i32
    %select_n3A = arith.select %eq3A_0, %arg1, %jit3A : i32
    %c0_i32 = arith.constant 0 : i32
    %c0_i32_1 = arith.constant 0 : i32
    %c0_i32_2 = arith.constant 0 : i32
    return %c0_i32, %select_n3A, %c0_i32_1 : i32, i32, i32
  }
}

module attributes {stable_mosaic.version = 14 : i64} {
  func.func @_tc_layer_noy_body(%arg0: i32, %arg1: i32, %arg2: memref<2x2000x128xf32, #tpu.memory_space<vmem>>, %arg3: memref<2x2000x16xf32, #tpu.memory_space<vmem>>, %arg4: memref<2000x256xf32, #tpu.memory_space<vmem>>, %arg5: memref<1x256xf32, #tpu.memory_space<vmem>>, %arg6: memref<1x256xf32, #tpu.memory_space<vmem>>, %arg7: memref<1x256xf32, #tpu.memory_space<vmem>>, %arg8: memref<256x256xf32, #tpu.memory_space<vmem>>, %arg9: memref<2x2000x128xf32, #tpu.memory_space<vmem>>, %arg10: memref<10000x256xf32, #tpu.memory_space<vmem>>, %arg11: memref<8x256xf32, #tpu.memory_space<vmem>>) attributes {dimension_semantics = [#tpu.dimension_semantics<arbitrary>, #tpu.dimension_semantics<arbitrary>], iteration_bounds = array<i64: 2, 5>, scalar_prefetch = 0 : i64, scratch_operands = 2 : i64, tpu.core_type = #tpu.core_type<tc>, window_params = [{transform_indices = @transform_0, window_bounds = array<i64: 2, 2000, 128>}, {transform_indices = @transform_1, window_bounds = array<i64: 2, 2000, 16>}, {transform_indices = @transform_2, window_bounds = array<i64: 2000, 256>}, {pipeline_mode = #tpu.pipeline_mode<synchronous>, transform_indices = @transform_3, window_bounds = array<i64: 1, 256>}, {pipeline_mode = #tpu.pipeline_mode<synchronous>, transform_indices = @transform_4, window_bounds = array<i64: 1, 256>}, {pipeline_mode = #tpu.pipeline_mode<synchronous>, transform_indices = @transform_5, window_bounds = array<i64: 1, 256>}, {pipeline_mode = #tpu.pipeline_mode<synchronous>, transform_indices = @transform_6, window_bounds = array<i64: 256, 256>}, {transform_indices = @transform_7, window_bounds = array<i64: 2, 2000, 128>}]} {
    %get3A = arith.constant 0 : index
    %get3A_0 = arith.constant 0 : index
    %get3A_1 = arith.constant 0 : index
    %get3A_2 = vector.load %arg3[%get3A, %get3A_0, %get3A_1] : memref<2x2000x16xf32, #tpu.memory_space<vmem>>, vector<1x2000x1xf32>
    %get3A_3 = vector.shape_cast %get3A_2 : vector<1x2000x1xf32> to vector<2000x1xf32>
    %get3A_4 = arith.constant 1 : index
    %get3A_5 = arith.constant 0 : index
    %get3A_6 = arith.constant 0 : index
    %get3A_7 = vector.load %arg3[%get3A_4, %get3A_5, %get3A_6] : memref<2x2000x16xf32, #tpu.memory_space<vmem>>, vector<1x2000x1xf32>
    %get3A_8 = vector.shape_cast %get3A_7 : vector<1x2000x1xf32> to vector<2000x1xf32>
    %add3A = arith.addf %get3A_3, %get3A_8 : vector<2000x1xf32>
    %add3A_9 = arith.constant 1.000000e+00 : f32
    %add3A_10 = vector.broadcast %add3A_9 : f32 to vector<2000x1xf32>
    %add3A_11 = arith.addf %add3A, %add3A_10 : vector<2000x1xf32>
    %rsqrt3A = math.rsqrt %add3A_11 : vector<2000x1xf32>
    %eq3A = arith.constant 0 : i32
    %eq3A_12 = arith.cmpi eq, %arg0, %eq3A : i32
    %convert_element_type3A = arith.extui %eq3A_12 : i1 to i32
    %cond3A = arith.constant 0 : i32
    %cond3A_13 = arith.cmpi ne, %convert_element_type3A, %cond3A : i32
    scf.if %cond3A_13 {
      %get3A_19 = arith.constant 0 : index
      %get3A_20 = arith.constant 0 : index
      %get3A_21 = arith.constant 0 : index
      %get3A_22 = vector.load %arg2[%get3A_19, %get3A_20, %get3A_21] : memref<2x2000x128xf32, #tpu.memory_space<vmem>>, vector<1x2000x128xf32>
      %get3A_23 = vector.shape_cast %get3A_22 : vector<1x2000x128xf32> to vector<2000x128xf32>
      %get3A_24 = arith.constant 1 : index
      %get3A_25 = arith.constant 0 : index
      %get3A_26 = arith.constant 0 : index
      %get3A_27 = vector.load %arg2[%get3A_24, %get3A_25, %get3A_26] : memref<2x2000x128xf32, #tpu.memory_space<vmem>>, vector<1x2000x128xf32>
      %get3A_28 = vector.shape_cast %get3A_27 : vector<1x2000x128xf32> to vector<2000x128xf32>
      %concatenate3A = tpu.concatenate %get3A_23, %get3A_28 in 1 : vector<2000x128xf32>, vector<2000x128xf32> -> vector<2000x256xf32>
      %mul3A = vector.broadcast %rsqrt3A : vector<2000x1xf32> to vector<2000x256xf32>
      %mul3A_29 = arith.mulf %concatenate3A, %mul3A : vector<2000x256xf32>
      %get3A_30 = arith.constant 0 : index
      %get3A_31 = arith.constant 0 : index
      %get3A_32 = vector.load %arg5[%get3A_30, %get3A_31] : memref<1x256xf32, #tpu.memory_space<vmem>>, vector<1x256xf32>
      %add3A_33 = vector.broadcast %get3A_32 : vector<1x256xf32> to vector<2000x256xf32>
      %add3A_34 = arith.addf %mul3A_29, %add3A_33 : vector<2000x256xf32>
      %mul3A_35 = arith.constant 2000 : i32
      %mul3A_36 = arith.muli %arg1, %mul3A_35 : i32
      %swap3A = arith.index_cast %mul3A_36 : i32 to index
      %swap3A_37 = arith.constant 0 : index
      %swap3A_38 = vector.load %arg10[%swap3A, %swap3A_37] : memref<10000x256xf32, #tpu.memory_space<vmem>>, vector<2000x256xf32>
      tpu.vector_store %arg10[%swap3A, %swap3A_37], %add3A_34 {strides = array<i32>} : memref<10000x256xf32, #tpu.memory_space<vmem>>, vector<2000x256xf32>,
      %reduce_sum3A = arith.constant dense<0.000000e+00> : vector<256xf32>
      %reduce_sum3A_39 = vector.multi_reduction <add>, %add3A_34, %reduce_sum3A [0] : vector<2000x256xf32> to vector<256xf32>
      %broadcast_in_dim3A = vector.shape_cast %reduce_sum3A_39 : vector<256xf32> to vector<1x256xf32>
      %mul3A_40 = arith.mulf %add3A_34, %add3A_34 : vector<2000x256xf32>
      %reduce_sum3A_41 = arith.constant dense<0.000000e+00> : vector<256xf32>
      %reduce_sum3A_42 = vector.multi_reduction <add>, %mul3A_40, %reduce_sum3A_41 [0] : vector<2000x256xf32> to vector<256xf32>
      %broadcast_in_dim3A_43 = vector.shape_cast %reduce_sum3A_42 : vector<256xf32> to vector<1x256xf32>
      %broadcast_in_dim3A_44 = arith.constant 0.000000e+00 : f32
      %broadcast_in_dim3A_45 = vector.broadcast %broadcast_in_dim3A_44 : f32 to vector<6x256xf32>
      %concatenate3A_46 = tpu.concatenate %broadcast_in_dim3A, %broadcast_in_dim3A_43, %broadcast_in_dim3A_45 in 0 : vector<1x256xf32>, vector<1x256xf32>, vector<6x256xf32> -> vector<8x256xf32>
      %eq3A_47 = arith.constant 0 : i32
      %eq3A_48 = arith.cmpi eq, %arg1, %eq3A_47 : i32
      %get3A_49 = arith.constant 0 : index
      %get3A_50 = arith.constant 0 : index
      %get3A_51 = vector.load %arg11[%get3A_49, %get3A_50] : memref<8x256xf32, #tpu.memory_space<vmem>>, vector<8x256xf32>
      %add3A_52 = arith.addf %get3A_51, %concatenate3A_46 : vector<8x256xf32>
      %select_n3A = arith.select %eq3A_48, %concatenate3A_46, %add3A_52 : vector<8x256xf32>
      %swap3A_53 = arith.constant 0 : index
      %swap3A_54 = arith.constant 0 : index
      %swap3A_55 = vector.load %arg11[%swap3A_53, %swap3A_54] : memref<8x256xf32, #tpu.memory_space<vmem>>, vector<8x256xf32>
      tpu.vector_store %arg11[%swap3A_53, %swap3A_54], %select_n3A {strides = array<i32>} : memref<8x256xf32, #tpu.memory_space<vmem>>, vector<8x256xf32>,
    } else {
    }
    %eq3A_14 = arith.constant 1 : i32
    %eq3A_15 = arith.cmpi eq, %arg0, %eq3A_14 : i32
    %convert_element_type3A_16 = arith.extui %eq3A_15 : i1 to i32
    %cond3A_17 = arith.constant 0 : i32
    %cond3A_18 = arith.cmpi ne, %convert_element_type3A_16, %cond3A_17 : i32
    scf.if %cond3A_18 {
      %get3A_19 = arith.constant 0 : index
      %get3A_20 = arith.constant 0 : index
      %get3A_21 = vector.load %arg11[%get3A_19, %get3A_20] : memref<8x256xf32, #tpu.memory_space<vmem>>, vector<1x256xf32>
      %mul3A = arith.constant 9.99999974E-5 : f32
      %mul3A_22 = vector.broadcast %mul3A : f32 to vector<1x256xf32>
      %mul3A_23 = arith.mulf %get3A_21, %mul3A_22 : vector<1x256xf32>
      %get3A_24 = arith.constant 1 : index
      %get3A_25 = arith.constant 0 : index
      %get3A_26 = vector.load %arg11[%get3A_24, %get3A_25] : memref<8x256xf32, #tpu.memory_space<vmem>>, vector<1x256xf32>
      %mul3A_27 = arith.constant 9.99999974E-5 : f32
      %mul3A_28 = vector.broadcast %mul3A_27 : f32 to vector<1x256xf32>
      %mul3A_29 = arith.mulf %get3A_26, %mul3A_28 : vector<1x256xf32>
      %mul3A_30 = arith.mulf %mul3A_23, %mul3A_23 : vector<1x256xf32>
      %sub3A = arith.subf %mul3A_29, %mul3A_30 : vector<1x256xf32>
      %mul3A_31 = arith.constant 2000 : i32
      %mul3A_32 = arith.muli %arg1, %mul3A_31 : i32
      %get3A_33 = arith.index_cast %mul3A_32 : i32 to index
      %get3A_34 = arith.constant 0 : index
      %get3A_35 = vector.load %arg10[%get3A_33, %get3A_34] : memref<10000x256xf32, #tpu.memory_space<vmem>>, vector<2000x256xf32>
      %get3A_36 = arith.constant 0 : index
      %get3A_37 = arith.constant 0 : index
      %get3A_38 = vector.load %arg6[%get3A_36, %get3A_37] : memref<1x256xf32, #tpu.memory_space<vmem>>, vector<1x256xf32>
      %sub3A_39 = vector.broadcast %mul3A_23 : vector<1x256xf32> to vector<2000x256xf32>
      %sub3A_40 = arith.subf %get3A_35, %sub3A_39 : vector<2000x256xf32>
      %mul3A_41 = vector.broadcast %get3A_38 : vector<1x256xf32> to vector<2000x256xf32>
      %mul3A_42 = arith.mulf %mul3A_41, %sub3A_40 : vector<2000x256xf32>
      %add3A_43 = arith.constant 9.99999974E-6 : f32
      %add3A_44 = vector.broadcast %add3A_43 : f32 to vector<1x256xf32>
      %add3A_45 = arith.addf %sub3A, %add3A_44 : vector<1x256xf32>
      %rsqrt3A_46 = math.rsqrt %add3A_45 : vector<1x256xf32>
      %mul3A_47 = vector.broadcast %rsqrt3A_46 : vector<1x256xf32> to vector<2000x256xf32>
      %mul3A_48 = arith.mulf %mul3A_42, %mul3A_47 : vector<2000x256xf32>
      %get3A_49 = arith.constant 0 : index
      %get3A_50 = arith.constant 0 : index
      %get3A_51 = vector.load %arg7[%get3A_49, %get3A_50] : memref<1x256xf32, #tpu.memory_space<vmem>>, vector<1x256xf32>
      %add3A_52 = vector.broadcast %get3A_51 : vector<1x256xf32> to vector<2000x256xf32>
      %add3A_53 = arith.addf %mul3A_48, %add3A_52 : vector<2000x256xf32>
      %get3A_54 = arith.constant 0 : index
      %get3A_55 = arith.constant 0 : index
      %get3A_56 = vector.load %arg4[%get3A_54, %get3A_55] : memref<2000x256xf32, #tpu.memory_space<vmem>>, vector<2000x256xf32>
      %add3A_57 = arith.addf %add3A_53, %get3A_56 : vector<2000x256xf32>
      %max3A = arith.constant 0.000000e+00 : f32
      %max3A_58 = vector.broadcast %max3A : f32 to vector<2000x256xf32>
      %max3A_59 = arith.maximumf %add3A_57, %max3A_58 : vector<2000x256xf32>
      %get3A_60 = arith.constant 0 : index
      %get3A_61 = arith.constant 0 : index
      %get3A_62 = vector.load %arg8[%get3A_60, %get3A_61] : memref<256x256xf32, #tpu.memory_space<vmem>>, vector<256x256xf32>
      %dot_general3A = arith.constant dense<0.000000e+00> : vector<2000x256xf32>
      %dot_general3A_63 = tpu.matmul %max3A_59, %get3A_62, %dot_general3A {dimension_numbers = #tpu.dot_dimension_numbers<[1], [0], [0], [1], [0, 0, 1, 1], [], []>, transpose_lhs_hint = false} : vector<2000x256xf32>, vector<256x256xf32>, vector<2000x256xf32> -> vector<2000x256xf32>
      %mul3A_64 = vector.broadcast %rsqrt3A : vector<2000x1xf32> to vector<2000x256xf32>
      %mul3A_65 = arith.mulf %dot_general3A_63, %mul3A_64 : vector<2000x256xf32>
      %slice3A = vector.extract_strided_slice %mul3A_65 {offsets = [0, 0], sizes = [2000, 128], strides = [1, 1]} : vector<2000x256xf32> to vector<2000x128xf32>
      %swap3A = arith.constant 0 : index
      %swap3A_66 = arith.constant 0 : index
      %swap3A_67 = arith.constant 0 : index
      %swap3A_68 = vector.load %arg9[%swap3A, %swap3A_66, %swap3A_67] : memref<2x2000x128xf32, #tpu.memory_space<vmem>>, vector<1x2000x128xf32>
      %swap3A_69 = vector.shape_cast %swap3A_68 : vector<1x2000x128xf32> to vector<2000x128xf32>
      %swap3A_70 = vector.shape_cast %slice3A : vector<2000x128xf32> to vector<1x2000x128xf32>
      tpu.vector_store %arg9[%swap3A, %swap3A_66, %swap3A_67], %swap3A_70 {strides = array<i32>} : memref<2x2000x128xf32, #tpu.memory_space<vmem>>, vector<1x2000x128xf32>,
      %slice3A_71 = vector.extract_strided_slice %mul3A_65 {offsets = [0, 128], sizes = [2000, 128], strides = [1, 1]} : vector<2000x256xf32> to vector<2000x128xf32>
      %swap3A_72 = arith.constant 1 : index
      %swap3A_73 = arith.constant 0 : index
      %swap3A_74 = arith.constant 0 : index
      %swap3A_75 = vector.load %arg9[%swap3A_72, %swap3A_73, %swap3A_74] : memref<2x2000x128xf32, #tpu.memory_space<vmem>>, vector<1x2000x128xf32>
      %swap3A_76 = vector.shape_cast %swap3A_75 : vector<1x2000x128xf32> to vector<2000x128xf32>
      %swap3A_77 = vector.shape_cast %slice3A_71 : vector<2000x128xf32> to vector<1x2000x128xf32>
      tpu.vector_store %arg9[%swap3A_72, %swap3A_73, %swap3A_74], %swap3A_77 {strides = array<i32>} : memref<2x2000x128xf32, #tpu.memory_space<vmem>>, vector<1x2000x128xf32>,
    } else {
    }
    return
  }
  func.func @transform_0(%arg0: i32, %arg1: i32) -> (i32, i32, i32) {
    %eq3A = arith.constant 0 : i32
    %eq3A_0 = arith.cmpi eq, %arg0, %eq3A : i32
    %jit3A = arith.constant 0 : i32
    %select_n3A = arith.select %eq3A_0, %arg1, %jit3A : i32
    %c0_i32 = arith.constant 0 : i32
    %c0_i32_1 = arith.constant 0 : i32
    %c0_i32_2 = arith.constant 0 : i32
    return %c0_i32, %select_n3A, %c0_i32_1 : i32, i32, i32
  }
  func.func @transform_1(%arg0: i32, %arg1: i32) -> (i32, i32, i32) {
    %c0_i32 = arith.constant 0 : i32
    %c0_i32_0 = arith.constant 0 : i32
    %c0_i32_1 = arith.constant 0 : i32
    return %c0_i32, %arg1, %c0_i32_0 : i32, i32, i32
  }
  func.func @transform_2(%arg0: i32, %arg1: i32) -> (i32, i32) {
    %eq3A = arith.constant 1 : i32
    %eq3A_0 = arith.cmpi eq, %arg0, %eq3A : i32
    %jit3A = arith.constant 0 : i32
    %select_n3A = arith.select %eq3A_0, %arg1, %jit3A : i32
    %c0_i32 = arith.constant 0 : i32
    %c0_i32_1 = arith.constant 0 : i32
    return %select_n3A, %c0_i32 : i32, i32
  }
  func.func @transform_3(%arg0: i32, %arg1: i32) -> (i32, i32) {
    %c0_i32 = arith.constant 0 : i32
    %c0_i32_0 = arith.constant 0 : i32
    %c0_i32_1 = arith.constant 0 : i32
    return %c0_i32, %c0_i32_0 : i32, i32
  }
  func.func @transform_4(%arg0: i32, %arg1: i32) -> (i32, i32) {
    %c0_i32 = arith.constant 0 : i32
    %c0_i32_0 = arith.constant 0 : i32
    %c0_i32_1 = arith.constant 0 : i32
    return %c0_i32, %c0_i32_0 : i32, i32
  }
  func.func @transform_5(%arg0: i32, %arg1: i32) -> (i32, i32) {
    %c0_i32 = arith.constant 0 : i32
    %c0_i32_0 = arith.constant 0 : i32
    %c0_i32_1 = arith.constant 0 : i32
    return %c0_i32, %c0_i32_0 : i32, i32
  }
  func.func @transform_6(%arg0: i32, %arg1: i32) -> (i32, i32) {
    %c0_i32 = arith.constant 0 : i32
    %c0_i32_0 = arith.constant 0 : i32
    %c0_i32_1 = arith.constant 0 : i32
    return %c0_i32, %c0_i32_0 : i32, i32
  }
  func.func @transform_7(%arg0: i32, %arg1: i32) -> (i32, i32, i32) {
    %eq3A = arith.constant 1 : i32
    %eq3A_0 = arith.cmpi eq, %arg0, %eq3A : i32
    %jit3A = arith.constant 0 : i32
    %select_n3A = arith.select %eq3A_0, %arg1, %jit3A : i32
    %c0_i32 = arith.constant 0 : i32
    %c0_i32_1 = arith.constant 0 : i32
    %c0_i32_2 = arith.constant 0 : i32
    return %c0_i32, %select_n3A, %c0_i32_1 : i32, i32, i32
  }
}

module attributes {stable_mosaic.version = 14 : i64} {
  func.func @_tc_final_body(%arg0: i32, %arg1: memref<2x2000x128xf32, #tpu.memory_space<vmem>>, %arg2: memref<2x2000x16xf32, #tpu.memory_space<vmem>>, %arg3: memref<1x256xf32, #tpu.memory_space<vmem>>, %arg4: memref<2000x256xf32, #tpu.memory_space<vmem>>) attributes {dimension_semantics = [#tpu.dimension_semantics<arbitrary>], iteration_bounds = array<i64: 5>, scalar_prefetch = 0 : i64, scratch_operands = 0 : i64, tpu.core_type = #tpu.core_type<tc>, window_params = [{transform_indices = @transform_0, window_bounds = array<i64: 2, 2000, 128>}, {transform_indices = @transform_1, window_bounds = array<i64: 2, 2000, 16>}, {pipeline_mode = #tpu.pipeline_mode<synchronous>, transform_indices = @transform_2, window_bounds = array<i64: 1, 256>}, {transform_indices = @transform_3, window_bounds = array<i64: 2000, 256>}]} {
    %get3A = arith.constant 0 : index
    %get3A_0 = arith.constant 0 : index
    %get3A_1 = arith.constant 0 : index
    %get3A_2 = vector.load %arg2[%get3A, %get3A_0, %get3A_1] : memref<2x2000x16xf32, #tpu.memory_space<vmem>>, vector<1x2000x1xf32>
    %get3A_3 = vector.shape_cast %get3A_2 : vector<1x2000x1xf32> to vector<2000x1xf32>
    %get3A_4 = arith.constant 1 : index
    %get3A_5 = arith.constant 0 : index
    %get3A_6 = arith.constant 0 : index
    %get3A_7 = vector.load %arg2[%get3A_4, %get3A_5, %get3A_6] : memref<2x2000x16xf32, #tpu.memory_space<vmem>>, vector<1x2000x1xf32>
    %get3A_8 = vector.shape_cast %get3A_7 : vector<1x2000x1xf32> to vector<2000x1xf32>
    %add3A = arith.addf %get3A_3, %get3A_8 : vector<2000x1xf32>
    %add3A_9 = arith.constant 1.000000e+00 : f32
    %add3A_10 = vector.broadcast %add3A_9 : f32 to vector<2000x1xf32>
    %add3A_11 = arith.addf %add3A, %add3A_10 : vector<2000x1xf32>
    %rsqrt3A = math.rsqrt %add3A_11 : vector<2000x1xf32>
    %get3A_12 = arith.constant 0 : index
    %get3A_13 = arith.constant 0 : index
    %get3A_14 = arith.constant 0 : index
    %get3A_15 = vector.load %arg1[%get3A_12, %get3A_13, %get3A_14] : memref<2x2000x128xf32, #tpu.memory_space<vmem>>, vector<1x2000x128xf32>
    %get3A_16 = vector.shape_cast %get3A_15 : vector<1x2000x128xf32> to vector<2000x128xf32>
    %get3A_17 = arith.constant 1 : index
    %get3A_18 = arith.constant 0 : index
    %get3A_19 = arith.constant 0 : index
    %get3A_20 = vector.load %arg1[%get3A_17, %get3A_18, %get3A_19] : memref<2x2000x128xf32, #tpu.memory_space<vmem>>, vector<1x2000x128xf32>
    %get3A_21 = vector.shape_cast %get3A_20 : vector<1x2000x128xf32> to vector<2000x128xf32>
    %concatenate3A = tpu.concatenate %get3A_16, %get3A_21 in 1 : vector<2000x128xf32>, vector<2000x128xf32> -> vector<2000x256xf32>
    %mul3A = vector.broadcast %rsqrt3A : vector<2000x1xf32> to vector<2000x256xf32>
    %mul3A_22 = arith.mulf %concatenate3A, %mul3A : vector<2000x256xf32>
    %get3A_23 = arith.constant 0 : index
    %get3A_24 = arith.constant 0 : index
    %get3A_25 = vector.load %arg3[%get3A_23, %get3A_24] : memref<1x256xf32, #tpu.memory_space<vmem>>, vector<1x256xf32>
    %add3A_26 = vector.broadcast %get3A_25 : vector<1x256xf32> to vector<2000x256xf32>
    %add3A_27 = arith.addf %mul3A_22, %add3A_26 : vector<2000x256xf32>
    %swap3A = arith.constant 0 : index
    %swap3A_28 = arith.constant 0 : index
    %swap3A_29 = vector.load %arg4[%swap3A, %swap3A_28] : memref<2000x256xf32, #tpu.memory_space<vmem>>, vector<2000x256xf32>
    tpu.vector_store %arg4[%swap3A, %swap3A_28], %add3A_27 {strides = array<i32>} : memref<2000x256xf32, #tpu.memory_space<vmem>>, vector<2000x256xf32>,
    return
  }
  func.func @transform_0(%arg0: i32) -> (i32, i32, i32) {
    %c0_i32 = arith.constant 0 : i32
    %c0_i32_0 = arith.constant 0 : i32
    %c0_i32_1 = arith.constant 0 : i32
    return %c0_i32, %arg0, %c0_i32_0 : i32, i32, i32
  }
  func.func @transform_1(%arg0: i32) -> (i32, i32, i32) {
    %c0_i32 = arith.constant 0 : i32
    %c0_i32_0 = arith.constant 0 : i32
    %c0_i32_1 = arith.constant 0 : i32
    return %c0_i32, %arg0, %c0_i32_0 : i32, i32, i32
  }
  func.func @transform_2(%arg0: i32) -> (i32, i32) {
    %c0_i32 = arith.constant 0 : i32
    %c0_i32_0 = arith.constant 0 : i32
    %c0_i32_1 = arith.constant 0 : i32
    return %c0_i32, %c0_i32_0 : i32, i32
  }
  func.func @transform_3(%arg0: i32) -> (i32, i32) {
    %c0_i32 = arith.constant 0 : i32
    %c0_i32_0 = arith.constant 0 : i32
    return %arg0, %c0_i32 : i32, i32
  }
}

</mosaic_0001>

<sc_bundles>
// kernel: kernel.12.cloned.1.call-start
scs
__scs_entry_jumppad:
0x0: {  	(pc) =	sbr.rel $0x88, $3  }
0x1: {  	(tag) =	ssettag $0x0;
	lr =	simm.s32 $0x1  }
0x2: {  	[smem:$0x3F91] =	sst lr;
	_ =	strace $0xD0000000  }
0x3: {  	_ = 	snop  }
0x4: {  	_ = 	snop  }
0x5: {  	_ = 	snop  }
0x6: {  	_ = 	snop  }
0x7: {  	_ = 	snop  }
__scs_overlays_trampoline_lowered:
0x8: {  	[smem:$0x3FA0] =	sst s0  }
0x9: {  	[smem:$0x3FA1] =	sst s1  }
0xa: {  	[smem:$0x3FA2] =	sst s2  }
0xb: {  	[smem:$0x3FA3] =	sst s3  }
0xc: {  	[smem:$0x3FA4] =	sst s4  }
0xd: {  	[smem:$0x3FA5] =	sst s5  }
0xe: {  	[smem:$0x3FA6] =	sst s6  }
0xf: {  	[smem:$0x3FA7] =	sst s7  }
0x10: {  	[smem:$0x3FA8] =	sst s8  }
0x11: {  	[smem:$0x3FA9] =	sst s9;
	s0 =	simm.s32 @!p0 $0x0  }
0x12: {  	s1 =	sld [smem:$0x3F8F];
	s0 =	simm.s32 @p0 $0x1  }
0x13: {  	[smem:$0x3FAA] =	sst s0;
	s0 =	simm.s32 @!p1 $0x0  }
0x14: {  	s2 =	sld [smem:$0x3F8E];
	s0 =	simm.s32 @p1 $0x1  }
0x15: {  	[smem:$0x3FAB] =	sst s0;
	s0 =	simm.s32 @!p2 $0x0  }
0x16: {  	s3 =	sld [smem:$0x3FDB];
	s0 =	simm.s32 @p2 $0x1  }
0x17: {  	s4 =	simm.s32 $0x1BF5;
	[smem:$0x3FAD] =	sst s0  }
0x18: {  	s0 =	sld [smem:$0x3F90];
	_ =	swait.ge [sflag:s4], $0x0  }
0x19: {  	s7 =	sld [smem:$0x3F91]  }
0x1a: {  	s8 =	sadd.s32 $0xFFFFE003, lr  }
0x1b: {  	s9 =	sadd.s32 $0xFFFFFEF7, lr;
	s5 =	simm.s32 $0xFFFFFFFF;
	p2 =	slt.u32 s8, $0xFFFFF086  }
0x1c: {  	p1 =	slt.u32 s9, $0xF7A;
	s5 =	simm.s32 @!p2 $0x0  }
0x1d: {  	s5 =	simm.s32 @p1 $0x1;
	p0 =	seq.s32 s7, s2  }
0x1e: {  	s7 =	smul.u32 @!p0 $0xF7A, s2;
	p2 =	seq.s32 @!p0 s5, $0x0  }
0x1f: {  	s9 =	smul.u32 $0xF7A, s1;
	s8 =	simm.s32 @!p0 $0x1BF5;
	p2 =	por !p2, p0  }
0x20: {  	[sflag:s8] =	ssyncset.s32 @!p0 $0xFFFFF086;
	s6 =	sadd.s32 @!p0 s3, s7;
	s7 =	simm.s32 @!p0 $0x108  }
0x21: {  	s3 =	sadd.s32 s3, s9;
	s6 =	sadd.s32 @!p0 $0x88, s6;
	s7 =	simm.s32 @p2 $0x1082  }
0x22: {  	[simem:s7], [sflag:s8] =	dma.local @!p0 [hbm:s6], $0xF7A  }
0x23: {  	s9 =	sor.u32 $0xD0000000, s2;
	s6 =	simm.s32 $0x108;
	_ =	swait.ge @!p0 [sflag:s8], $0x0  }
0x24: {  	s3 =	sadd.s32 $0x88, s3;
	s6 =	simm.s32 @!p1 $0x1082;
	[sflag:s4] =	ssyncset.s32 $0xFFFFF086  }
0x25: {  	[simem:s6], [sflag:s4] =	dma.local [hbm:s3], $0xF7A  }
0x26: {  	[smem:$0x3F91] =	sst s1;
	(tag) =	ssettag s2;
	_ =	strace s9  }
0x27: {  	s1 =	sld [smem:$0x3FA1]  }
0x28: {  	s2 =	sld [smem:$0x3FA2]  }
0x29: {  	s4 =	sld [smem:$0x3FA4]  }
0x2a: {  	p0 =	seq.s32 s5, $0x0;
	s5 =	sld [smem:$0x3FA5]  }
0x2b: {  	s6 =	sld [smem:$0x3FA6]  }
0x2c: {  	s7 =	sld [smem:$0x3FA7]  }
0x2d: {  	s3 =	simm.s32 $0x108;
	s8 =	sld [smem:$0x3FA8]  }
0x2e: {  	s3 =	simm.s32 @!p0 $0x1082;
	s9 =	sld [smem:$0x3FA9]  }
0x2f: {  	lr =	sadd.s32 s0, s3;
	s0 =	sld [smem:$0x3FA0]  }
0x30: {  	s3 =	sld [smem:$0x3FA3]  }
0x31: {  	[smem:$0x3FAC] =	sst s10  }
0x32: {  	s10 =	sld [smem:$0x3FAA];
	_ =	sdelay $0x3  }
0x33: {  	p0 =	seq.s32 s10, $0x1;
	s10 =	sld [smem:$0x3FAC];
	_ =	sdelay $0x3  }
0x34: {  	[smem:$0x3FAC] =	sst s10  }
0x35: {  	s10 =	sld [smem:$0x3FAB];
	_ =	sdelay $0x3  }
0x36: {  	p1 =	seq.s32 s10, $0x1;
	s10 =	sld [smem:$0x3FAC];
	_ =	sdelay $0x3  }
0x37: {  	[smem:$0x3FAC] =	sst s10  }
0x38: {  	s10 =	sld [smem:$0x3FAD]  }
0x39: {  	_ = 	snop;
	(pc) =	sbr.ind lr, $3  }
0x3a: {  	_ = 	snop  }
0x3b: {  	_ = 	snop  }
0x3c: {  	p2 =	seq.s32 s10, $0x1;
	s10 =	sld [smem:$0x3FAC]  }
0x3d: {  	_ =	shalt  }
0x3e: {  	_ =	shalt  }
0x3f: {  	_ =	shalt  }
0x40: {  	_ =	shalt  }
0x41: {  	_ =	shalt  }
0x42: {  	_ =	shalt  }
0x43: {  	_ =	shalt  }
0x44: {  	_ =	shalt  }
0x45: {  	_ =	shalt  }
0x46: {  	_ =	shalt  }
0x47: {  	_ =	shalt  }
0x48: {  	_ =	shalt  }
0x49: {  	_ =	shalt  }
0x4a: {  	_ =	shalt  }
0x4b: {  	_ =	shalt  }
0x4c: {  	_ =	shalt  }
0x4d: {  	_ =	shalt  }
0x4e: {  	_ =	shalt  }
0x4f: {  	_ =	shalt  }
0x50: {  	_ =	shalt  }
0x51: {  	_ =	shalt  }
0x52: {  	_ =	shalt  }
0x53: {  	_ =	shalt  }
0x54: {  	_ =	shalt  }
0x55: {  	_ =	shalt  }
0x56: {  	_ =	shalt  }
0x57: {  	_ =	shalt  }
0x58: {  	_ =	shalt  }
0x59: {  	_ =	shalt  }
0x5a: {  	_ =	shalt  }
0x5b: {  	_ =	shalt  }
0x5c: {  	_ =	shalt  }
0x5d: {  	_ =	shalt  }
0x5e: {  	_ =	shalt  }
0x5f: {  	_ =	shalt  }
0x60: {  	_ =	shalt  }
0x61: {  	_ =	shalt  }
0x62: {  	_ =	shalt  }
0x63: {  	_ =	shalt  }
0x64: {  	_ =	shalt  }
0x65: {  	_ =	shalt  }
0x66: {  	_ =	shalt  }
0x67: {  	_ =	shalt  }
0x68: {  	_ =	shalt  }
0x69: {  	_ =	shalt  }
0x6a: {  	_ =	shalt  }
0x6b: {  	_ =	shalt  }
0x6c: {  	_ =	shalt  }
0x6d: {  	_ =	shalt  }
0x6e: {  	_ =	shalt  }
0x6f: {  	_ =	shalt  }
0x70: {  	_ =	shalt  }
0x71: {  	_ =	shalt  }
0x72: {  	_ =	shalt  }
0x73: {  	_ =	shalt  }
0x74: {  	_ =	shalt  }
0x75: {  	_ =	shalt  }
0x76: {  	_ =	shalt  }
0x77: {  	_ =	shalt  }
0x78: {  	_ =	shalt  }
0x79: {  	_ =	shalt  }
0x7a: {  	_ =	shalt  }
0x7b: {  	_ =	shalt  }
0x7c: {  	_ =	shalt  }
0x7d: {  	_ =	shalt  }
0x7e: {  	_ =	shalt  }
0x7f: {  	_ =	shalt  }
0x80: {  	_ =	shalt  }
0x81: {  	_ =	shalt  }
0x82: {  	_ =	shalt  }
0x83: {  	_ =	shalt  }
0x84: {  	_ =	shalt  }
0x85: {  	_ =	shalt  }
0x86: {  	_ =	shalt  }
0x87: {  	_ =	shalt  }
.Lfunc_end0:
.L_simem_size_0:
called_computation_lowered:
.L_overlay_start_0:
0x88: {  	s2 =	sld [smem:$0x3FD9]  }
0x89: {  	s3 =	sld [smem:$0x3FFE];
	_ =	sdelay $0x1  }
0x8a: {  	s1 =	srdreg.scid  }
0x8b: {  	s0 =	sand.u32 $0x1, s1  }
0x8c: {  	s17 =	sshll.u32 s0, $0xA;
	s2 =	sadd.s32 s3, s2  }
0x8d: {  	s2 =	sadd.s32 s2, s17  }
0x8e: {  	[smem:$0x3FB8] =	sst s2  }
0x8f: {  	_ = 	snop  }
0x90: {  	s2 =	sld [smem:$0x3FD0];
	(tm) =	ssettm $0x1  }
0x91: {  	s18 =	sld [smem:$0x3FFB];
	_ =	sdelay $0x3  }
0x92: {  	_ =	strace s18  }
0x93: {  	s3 =	sld [smem:$0x3FFC];
	_ =	sdelay $0x3  }
0x94: {  	_ =	strace s3  }
0x95: {  	s3 =	sld [smem:$0x3FFD];
	_ =	sdelay $0x3  }
0x96: {  	_ =	strace s3  }
0x97: {  	_ =	strace $0x8FFFFFFF  }
0x98: {  	s19 =	sld [smem:$0x3FDB];
	_ =	sdelay $0x1  }
0x99: {  	s4 =	simm.s32 $_scs_section_size  }
0x9a: {  	s5 =	simm.s32 $_size__tile_overlayer_lowered;
	s6 =	simm.s32 $_tile_overlayer_lowered  }
0x9b: {  	s22 =	simm.s32 $0x1BFF;
	s21 =	sshll.u32 s6, $0x1;
	s3 =	sadd.s32 s4, s19  }
0x9c: {  	s7 =	simm.s32 $0x0;
	s20 =	sshll.u32 s5, $0x1;
	s5 =	sadd.s32 s21, s3  }
0x9d: {  	[timem:s7], [sflag:s22] =	dma.local [hbm:s5], s20  }
0x9e: {  	_ =	swait.ge [sflag:s22], s20  }
0x9f: {  	s4 =	ssub.s32 $0x0, s20;
	[sflag:s22] =	ssyncset.done $0x0  }
0xa0: {  	[sflag:s22] =	ssyncadd.s32 s4;
	_ =	sdelay $0x1  }
0xa1: {  	s23 =	simm.s32 $0x1B8B  }
0xa2: {  	_ =	swait.ge [sflag:s23], $0x1  }
0xa3: {  	[sflag:s23] =	ssyncset.done $0x0  }
0xa4: {  	s25 =	simm.s32 $0x1B8E;
	s24 =	sld [smem:$0x3FFE];
	[sflag:s23] =	ssyncadd.s32 $0xFFFFFFFF  }
0xa5: {  	s26 =	simm.s32 $execute0_lowered;
	[smem:$0x3FD2] =	sst s25  }
0xa6: {  	s5 =	sshll.u32 s26, $0x1;
	_ =	strace $0x80000046;
	[dreg:$0x1] =	wrdreg $0xFFFFFFFF  }
0xa7: {  	s28 =	simm.s32 $_size_execute0_lowered;
	s3 =	sadd.s32 s3, s5;
	[dreg:$0x0] =	wrdreg $0x0  }
0xa8: {  	s5 =	sshll.u32 s28, $0x1;
	[dreg:$0x2] =	wrdreg s3  }
0xa9: {  	[dreg:$0x3] =	wrdreg s5  }
0xaa: {  	[dreg:$0x4] =	wrdreg $0xC0  }
0xab: {  	_ =	task [dreg:s7], $0x5FFFF  }
0xac: {  	[dreg:$0x1] =	wrdreg $0xFFFFFFFF  }
0xad: {  	[dreg:$0x0] =	wrdreg $0x60  }
0xae: {  	[dreg:$0x2] =	wrdreg s24  }
0xaf: {  	[dreg:$0x3] =	wrdreg s2  }
0xb0: {  	[dreg:$0x4] =	wrdreg $0x16080  }
0xb1: {  	[dreg:$0x5] =	wrdreg $0x9  }
0xb2: {  	_ =	task.clear_ibuf [dreg:s7], $0x6FFFF;
	_ =	strace $0x90000046  }
0xb3: {  	s29 =	simm.s32 $0x9;
	_ =	strace $0x80000048  }
0xb4: {  	_ =	swait.ge [sflag:s29], $0x1  }
0xb5: {  	[sflag:s29] =	ssyncadd.s32 $0xFFFFFFFF  }
0xb6: {  	_ =	strace $0x90000048  }
0xb7: {  	_ =	sfence  }
0xb8: {  	s30 =	sld [smem:$0x0];
	_ =	sdelay $0x2  }
0xb9: {  	s31 =	sshll.u32 s1, $0xD;
	s1 =	sshrl.u32 s1, $0x2  }
0xba: {  	s3 =	sand.u32 $0x4000, s31;
	s1 =	sadd.s32 s1, s30  }
0xbb: {  	s0 =	sor.u32 s3, s0;
	s1 =	sshll.u32 s1, $0x11  }
0xbc: {  	s0 =	sor.u32 s1, s0  }
0xbd: {  	s0 =	sadd.s32 $0x8F2B, s0  }
0xbe: {  	[sflag:s0] =	ssyncadd.remote.s32 $0x1  }
0xbf: {  	_ =	sfence.sel $0xFFFF  }
0xc0: {  	[dreg:$0x0] =	wrdreg $0xFFFFFFFF;
	(pc) =	sbr.abs _section_cstart, $3  }
0xc1: {  	[dreg:$0x1] =	wrdreg $0xFFFFFFFF  }
0xc2: {  	_ =	task.clear_ibuf [dreg:s7], $0x2FFFF;
	_ =	strace $0x9FFFFFFF  }
0xc3: {  	(tm) =	ssettm $0x7FFFFFFF  }
tec
execute0_lowered:
.L_overlay_start_1:
0x0: {  	(tag) =	ssettag $0x1  }
0x1: {  	s4 =	rddreg [dreg:$0x0]  }
0x2: {  	s0 =	srdreg.scid;
	s8 =	rddreg [dreg:$0x1]  }
0x3: {  	s2 =	rddreg [dreg:$0x2];
	s5 =	sand.u32 $0x1, s0;
	s0 =	stileid.u32  }
0x4: {  	s3 =	simm.s32 $0x0;
	s14 =	simm.s32 $0x0;
	s7 =	smul.u32 $0x2710, s0  }
0x5: {  	[smem:$0x7FF] =	sst s3;
	s1 =	sshll.u32 s5, $0x4;
	s11 =	smul.u32 $0x4E2, s0  }
0x6: {  	s10 =	ssub.s32 $0x2, s5;
	s13 =	smul.u32 $0x4E20, s5;
	s31 =	sshll.u32 s0, $0x6  }
0x7: {  	s6 =	sor.u32 s0, s1;
	s1 =	rddreg [dreg:$0x3];
	_ =	strace $0x80000047  }
0x8: {  	s12 =	sshrl.u32 s10, $0x1;
	s6 =	smul.u32 $0x271, s6;
	s29 =	sshrl.u32 s7, $0x3  }
0x9: {  	s10 =	ssub.s32 s10, s12;
	s30 =	sadd.s32 s7, s2;
	s11 =	sadd.s32 s11, s13  }
0xa: {  	s12 =	simm.s32 $0x1388;
	s13 =	simm.s32 $0x28;
	s8 =	sadd.s32 s8, s11  }
0xb: {  	s11 =	simm.s32 $0x1;
	s9 =	sadd.s32 s6, s4;
	s6 =	sadd.s32 s29, s4  }
0xc: {  	s4 =	sadd.s32 $0xA000, s4;
	s5 =	sadd.s32 $0xA200, s6;
	s6 =	sor.u32 $0x1C01, s31  }
0xd: {  	s7 =	sadd.s32 $0x5000, s9;
	s9 =	smax.u32 s10, $0x1;
	s10 =	sshrl.u32 s30, $0x3  }
.LBB2_1:
0xe: {  	[spmem:s10], [sflag:s6] =	dma.local [hbm:s5], $0x4E2  }
0xf: {  	_ =	swait.ge [sflag:s11], $0x4E2  }
0x10: {  	[sflag:s11] =	ssyncset.done $0x0  }
0x11: {  	[sflag:s11] =	ssyncadd.s32 $0xFFFFFB1E  }
0x12: {  	[tilespmem:s12], [sflag:$0x1] =	stream.linear.gather [hbm4b:s4+s3], $0x280, $0x38;
	[tilespmem:$0x3D18] =	vst v63  }
0x13: {  	_ =	swait.ge [sflag:s11], $0x280  }
0x14: {  	[sflag:s11] =	ssyncset.done $0x0  }
0x15: {  	[sflag:s11] =	ssyncadd.s32 $0xFFFFFD80  }
0x16: {  	[tilespmem:s3], [sflag:$0x1] =	stream.linear.gather [hbm4b:s7+s3], $0x1388, $0x38;
	[tilespmem:$0x3D18] =	vst v63  }
0x17: {  	_ =	swait.ge [sflag:s11], $0x1388  }
0x18: {  	[sflag:s11] =	ssyncset.done $0x0  }
0x19: {  	[sflag:s11] =	ssyncadd.s32 $0xFFFFEC78  }
0x1a: {  	s15 =	simm.s32 $0x0;
	[bflag:$0x0] =	sbarrier.arrive $0xFFFF  }
0x1b: {  	[spmem:s2] =	stream.indirect.scatter.add.f32 [tilespmem:s12], [sflag:$0x1], $0x10, s15, s13, $0xb8;
	[tilespmem:$0x3D18] =	vst v63  }
0x1c: {  	_ =	swait.ge [sflag:s11], $0x280  }
0x1d: {  	s15 =	simm.s32 $0xA0;
	[sflag:s11] =	ssyncset.done $0x0  }
.LBB2_2:
0x1e: {  	s16 =	sshra.s32 s15, $0x2;
	[sflag:s11] =	ssyncadd.s32 $0xFFFFFD80;
	p0 =	sne.s32 s15, $0x4D80  }
0x1f: {  	[spmem:s2] =	stream.indirect.scatter.add.f32 [tilespmem:s12], [sflag:$0x1], $0x10, s16, s13, $0xb8;
	[tilespmem:$0x3D18] =	vst v63  }
.Ltmp0:
0x20: {  	_ = 	snop;
	(pc) =	sbr.rel @p0 .LBB2_2-.Ltmp0, $4  }
0x21: {  	_ = 	snop  }
0x22: {  	s15 =	sadd.s32 $0xA0, s15  }
0x23: {  	_ =	swait.ge [sflag:s11], $0x280  }
0x24: {  	[sflag:s11] =	ssyncset.done $0x0  }
0x25: {  	s14 =	sadd.s32 $0x1, s14  }
0x26: {  	[sflag:s11] =	ssyncadd.s32 $0xFFFFFD80;
	p0 =	sne.s32 s14, s9  }
.Ltmp1:
0x27: {  	[bflag:$0x0] =	sbarrier.arrive $0xFFFF;
	(pc) =	sbr.rel @p0 .LBB2_1-.Ltmp1, $4  }
0x28: {  	[hbm:s8], [sflag:s6] =	dma.local [spmem:s10], $0x4E2  }
0x29: {  	_ =	swait.ge [sflag:s11], $0x4E2  }
0x2a: {  	[sflag:s11] =	ssyncset.done $0x0  }
0x2b: {  	[sflag:s11] =	ssyncadd.s32 $0xFFFFFB1E  }
0x2c: {  	_ =	sfence.sel $0x180000  }
0x2d: {  	[bflag:$0x0] =	sbarrier.arrive $0xFFFF  }
0x2e: {  	p0 =	sne.s32 s0, $0x0;
	_ =	strace $0x90000047  }
0x2f: {  	s0 =	sadd.s32 @!p0 $0x100000, s1;
	[bflag:$0x2] =	sbarrier.arrive $0xFFFF  }
0x30: {  	[sflag:s0] =	ssyncadd.tile.s32 @!p0 $0x1;
	_ =	shalt  }
.Lfunc_end2:
_tile_overlayer_lowered:
.L_overlay_start_2:
0x31: {  	(tag) =	ssettag $0x2  }
0x32: {  	s0 =	rddreg [dreg:$0x0];
	s2 =	stileid.u32  }
0x33: {  	s1 =	rddreg [dreg:$0x1];
	p0 =	sne.s32 s2, $0x0  }
0x34: {  	s3 =	rddreg [dreg:$0x2];
	[bflag:$0x3] =	sbarrier.arrive $0xFFFF;
	s2 =	simm.s32 @!p0 $0x1C01  }
0x35: {  	[timem:s3], [sflag:s2] =	dma.local @!p0 [hbm:s0], s1  }
0x36: {  	s0 =	simm.s32 @!p0 $0x1  }
0x37: {  	_ =	swait.ge @!p0 [sflag:s0], s1  }
0x38: {  	s1 =	ssub.s32 @!p0 $0x0, s1;
	[sflag:s0] =	ssyncset.done @!p0 $0x0  }
0x39: {  	[sflag:s0] =	ssyncadd.s32 @!p0 s1  }
0x3a: {  	[bflag:$0x3] =	sbarrier.arrive $0xFFFF  }
0x3b: {  	_ =	shalt  }

// kernel: kernel.15.cloned.1.call-start
scs
__scs_entry_jumppad:
0x0: {  	(pc) =	sbr.rel $0x88, $3  }
0x1: {  	(tag) =	ssettag $0x0;
	lr =	simm.s32 $0x1  }
0x2: {  	[smem:$0x3F91] =	sst lr;
	_ =	strace $0xD0000000  }
0x3: {  	_ = 	snop  }
0x4: {  	_ = 	snop  }
0x5: {  	_ = 	snop  }
0x6: {  	_ = 	snop  }
0x7: {  	_ = 	snop  }
__scs_overlays_trampoline_lowered:
0x8: {  	[smem:$0x3FA0] =	sst s0  }
0x9: {  	[smem:$0x3FA1] =	sst s1  }
0xa: {  	[smem:$0x3FA2] =	sst s2  }
0xb: {  	[smem:$0x3FA3] =	sst s3  }
0xc: {  	[smem:$0x3FA4] =	sst s4  }
0xd: {  	[smem:$0x3FA5] =	sst s5  }
0xe: {  	[smem:$0x3FA6] =	sst s6  }
0xf: {  	[smem:$0x3FA7] =	sst s7  }
0x10: {  	[smem:$0x3FA8] =	sst s8  }
0x11: {  	[smem:$0x3FA9] =	sst s9;
	s0 =	simm.s32 @!p0 $0x0  }
0x12: {  	s1 =	sld [smem:$0x3F8F];
	s0 =	simm.s32 @p0 $0x1  }
0x13: {  	[smem:$0x3FAA] =	sst s0;
	s0 =	simm.s32 @!p1 $0x0  }
0x14: {  	s2 =	sld [smem:$0x3F8E];
	s0 =	simm.s32 @p1 $0x1  }
0x15: {  	[smem:$0x3FAB] =	sst s0;
	s0 =	simm.s32 @!p2 $0x0  }
0x16: {  	s3 =	sld [smem:$0x3FDB];
	s0 =	simm.s32 @p2 $0x1  }
0x17: {  	s4 =	simm.s32 $0x1BF5;
	[smem:$0x3FAD] =	sst s0  }
0x18: {  	s0 =	sld [smem:$0x3F90];
	_ =	swait.ge [sflag:s4], $0x0  }
0x19: {  	s7 =	sld [smem:$0x3F91]  }
0x1a: {  	s8 =	sadd.s32 $0xFFFFE003, lr  }
0x1b: {  	s9 =	sadd.s32 $0xFFFFFEF7, lr;
	s5 =	simm.s32 $0xFFFFFFFF;
	p2 =	slt.u32 s8, $0xFFFFF086  }
0x1c: {  	p1 =	slt.u32 s9, $0xF7A;
	s5 =	simm.s32 @!p2 $0x0  }
0x1d: {  	s5 =	simm.s32 @p1 $0x1;
	p0 =	seq.s32 s7, s2  }
0x1e: {  	s7 =	smul.u32 @!p0 $0xF7A, s2;
	p2 =	seq.s32 @!p0 s5, $0x0  }
0x1f: {  	s9 =	smul.u32 $0xF7A, s1;
	s8 =	simm.s32 @!p0 $0x1BF5;
	p2 =	por !p2, p0  }
0x20: {  	[sflag:s8] =	ssyncset.s32 @!p0 $0xFFFFF086;
	s6 =	sadd.s32 @!p0 s3, s7;
	s7 =	simm.s32 @!p0 $0x108  }
0x21: {  	s3 =	sadd.s32 s3, s9;
	s6 =	sadd.s32 @!p0 $0x88, s6;
	s7 =	simm.s32 @p2 $0x1082  }
0x22: {  	[simem:s7], [sflag:s8] =	dma.local @!p0 [hbm:s6], $0xF7A  }
0x23: {  	s9 =	sor.u32 $0xD0000000, s2;
	s6 =	simm.s32 $0x108;
	_ =	swait.ge @!p0 [sflag:s8], $0x0  }
0x24: {  	s3 =	sadd.s32 $0x88, s3;
	s6 =	simm.s32 @!p1 $0x1082;
	[sflag:s4] =	ssyncset.s32 $0xFFFFF086  }
0x25: {  	[simem:s6], [sflag:s4] =	dma.local [hbm:s3], $0xF7A  }
0x26: {  	[smem:$0x3F91] =	sst s1;
	(tag) =	ssettag s2;
	_ =	strace s9  }
0x27: {  	s1 =	sld [smem:$0x3FA1]  }
0x28: {  	s2 =	sld [smem:$0x3FA2]  }
0x29: {  	s4 =	sld [smem:$0x3FA4]  }
0x2a: {  	p0 =	seq.s32 s5, $0x0;
	s5 =	sld [smem:$0x3FA5]  }
0x2b: {  	s6 =	sld [smem:$0x3FA6]  }
0x2c: {  	s7 =	sld [smem:$0x3FA7]  }
0x2d: {  	s3 =	simm.s32 $0x108;
	s8 =	sld [smem:$0x3FA8]  }
0x2e: {  	s3 =	simm.s32 @!p0 $0x1082;
	s9 =	sld [smem:$0x3FA9]  }
0x2f: {  	lr =	sadd.s32 s0, s3;
	s0 =	sld [smem:$0x3FA0]  }
0x30: {  	s3 =	sld [smem:$0x3FA3]  }
0x31: {  	[smem:$0x3FAC] =	sst s10  }
0x32: {  	s10 =	sld [smem:$0x3FAA];
	_ =	sdelay $0x3  }
0x33: {  	p0 =	seq.s32 s10, $0x1;
	s10 =	sld [smem:$0x3FAC];
	_ =	sdelay $0x3  }
0x34: {  	[smem:$0x3FAC] =	sst s10  }
0x35: {  	s10 =	sld [smem:$0x3FAB];
	_ =	sdelay $0x3  }
0x36: {  	p1 =	seq.s32 s10, $0x1;
	s10 =	sld [smem:$0x3FAC];
	_ =	sdelay $0x3  }
0x37: {  	[smem:$0x3FAC] =	sst s10  }
0x38: {  	s10 =	sld [smem:$0x3FAD]  }
0x39: {  	_ = 	snop;
	(pc) =	sbr.ind lr, $3  }
0x3a: {  	_ = 	snop  }
0x3b: {  	_ = 	snop  }
0x3c: {  	p2 =	seq.s32 s10, $0x1;
	s10 =	sld [smem:$0x3FAC]  }
0x3d: {  	_ =	shalt  }
0x3e: {  	_ =	shalt  }
0x3f: {  	_ =	shalt  }
0x40: {  	_ =	shalt  }
0x41: {  	_ =	shalt  }
0x42: {  	_ =	shalt  }
0x43: {  	_ =	shalt  }
0x44: {  	_ =	shalt  }
0x45: {  	_ =	shalt  }
0x46: {  	_ =	shalt  }
0x47: {  	_ =	shalt  }
0x48: {  	_ =	shalt  }
0x49: {  	_ =	shalt  }
0x4a: {  	_ =	shalt  }
0x4b: {  	_ =	shalt  }
0x4c: {  	_ =	shalt  }
0x4d: {  	_ =	shalt  }
0x4e: {  	_ =	shalt  }
0x4f: {  	_ =	shalt  }
0x50: {  	_ =	shalt  }
0x51: {  	_ =	shalt  }
0x52: {  	_ =	shalt  }
0x53: {  	_ =	shalt  }
0x54: {  	_ =	shalt  }
0x55: {  	_ =	shalt  }
0x56: {  	_ =	shalt  }
0x57: {  	_ =	shalt  }
0x58: {  	_ =	shalt  }
0x59: {  	_ =	shalt  }
0x5a: {  	_ =	shalt  }
0x5b: {  	_ =	shalt  }
0x5c: {  	_ =	shalt  }
0x5d: {  	_ =	shalt  }
0x5e: {  	_ =	shalt  }
0x5f: {  	_ =	shalt  }
0x60: {  	_ =	shalt  }
0x61: {  	_ =	shalt  }
0x62: {  	_ =	shalt  }
0x63: {  	_ =	shalt  }
0x64: {  	_ =	shalt  }
0x65: {  	_ =	shalt  }
0x66: {  	_ =	shalt  }
0x67: {  	_ =	shalt  }
0x68: {  	_ =	shalt  }
0x69: {  	_ =	shalt  }
0x6a: {  	_ =	shalt  }
0x6b: {  	_ =	shalt  }
0x6c: {  	_ =	shalt  }
0x6d: {  	_ =	shalt  }
0x6e: {  	_ =	shalt  }
0x6f: {  	_ =	shalt  }
0x70: {  	_ =	shalt  }
0x71: {  	_ =	shalt  }
0x72: {  	_ =	shalt  }
0x73: {  	_ =	shalt  }
0x74: {  	_ =	shalt  }
0x75: {  	_ =	shalt  }
0x76: {  	_ =	shalt  }
0x77: {  	_ =	shalt  }
0x78: {  	_ =	shalt  }
0x79: {  	_ =	shalt  }
0x7a: {  	_ =	shalt  }
0x7b: {  	_ =	shalt  }
0x7c: {  	_ =	shalt  }
0x7d: {  	_ =	shalt  }
0x7e: {  	_ =	shalt  }
0x7f: {  	_ =	shalt  }
0x80: {  	_ =	shalt  }
0x81: {  	_ =	shalt  }
0x82: {  	_ =	shalt  }
0x83: {  	_ =	shalt  }
0x84: {  	_ =	shalt  }
0x85: {  	_ =	shalt  }
0x86: {  	_ =	shalt  }
0x87: {  	_ =	shalt  }
.Lfunc_end0:
.L_simem_size_0:
called_computation.1_lowered:
.L_overlay_start_0:
0x88: {  	s2 =	sld [smem:$0x3FD9]  }
0x89: {  	s3 =	sld [smem:$0x3FFE];
	_ =	sdelay $0x1  }
0x8a: {  	s1 =	srdreg.scid  }
0x8b: {  	s0 =	sand.u32 $0x1, s1  }
0x8c: {  	s17 =	sshll.u32 s0, $0xA;
	s2 =	sadd.s32 s3, s2  }
0x8d: {  	s2 =	sadd.s32 s2, s17  }
0x8e: {  	[smem:$0x3FB8] =	sst s2  }
0x8f: {  	_ = 	snop  }
0x90: {  	s2 =	sld [smem:$0x3FD0];
	(tm) =	ssettm $0x1  }
0x91: {  	s18 =	sld [smem:$0x3FFB];
	_ =	sdelay $0x3  }
0x92: {  	_ =	strace s18  }
0x93: {  	s3 =	sld [smem:$0x3FFC];
	_ =	sdelay $0x3  }
0x94: {  	_ =	strace s3  }
0x95: {  	s3 =	sld [smem:$0x3FFD];
	_ =	sdelay $0x3  }
0x96: {  	_ =	strace s3  }
0x97: {  	_ =	strace $0x8FFFFFFF  }
0x98: {  	s19 =	sld [smem:$0x3FDB];
	_ =	sdelay $0x1  }
0x99: {  	s4 =	simm.s32 $_scs_section_size  }
0x9a: {  	s5 =	simm.s32 $_size__tile_overlayer_lowered;
	s6 =	simm.s32 $_tile_overlayer_lowered  }
0x9b: {  	s22 =	simm.s32 $0x1BFF;
	s21 =	sshll.u32 s6, $0x1;
	s3 =	sadd.s32 s4, s19  }
0x9c: {  	s7 =	simm.s32 $0x0;
	s20 =	sshll.u32 s5, $0x1;
	s5 =	sadd.s32 s21, s3  }
0x9d: {  	[timem:s7], [sflag:s22] =	dma.local [hbm:s5], s20  }
0x9e: {  	_ =	swait.ge [sflag:s22], s20  }
0x9f: {  	s4 =	ssub.s32 $0x0, s20;
	[sflag:s22] =	ssyncset.done $0x0  }
0xa0: {  	[sflag:s22] =	ssyncadd.s32 s4;
	_ =	sdelay $0x1  }
0xa1: {  	s23 =	simm.s32 $0x1B8B  }
0xa2: {  	_ =	swait.ge [sflag:s23], $0x1  }
0xa3: {  	[sflag:s23] =	ssyncset.done $0x0  }
0xa4: {  	s25 =	simm.s32 $0x1B8E;
	s24 =	sld [smem:$0x3FFE];
	[sflag:s23] =	ssyncadd.s32 $0xFFFFFFFF  }
0xa5: {  	s26 =	simm.s32 $execute0_lowered;
	[smem:$0x3FD2] =	sst s25  }
0xa6: {  	s5 =	sshll.u32 s26, $0x1;
	_ =	strace $0x80000049;
	[dreg:$0x1] =	wrdreg $0xFFFFFFFF  }
0xa7: {  	s28 =	simm.s32 $_size_execute0_lowered;
	s3 =	sadd.s32 s3, s5;
	[dreg:$0x0] =	wrdreg $0x0  }
0xa8: {  	s5 =	sshll.u32 s28, $0x1;
	[dreg:$0x2] =	wrdreg s3  }
0xa9: {  	[dreg:$0x3] =	wrdreg s5  }
0xaa: {  	[dreg:$0x4] =	wrdreg $0xC0  }
0xab: {  	_ =	task [dreg:s7], $0x5FFFF  }
0xac: {  	[dreg:$0x1] =	wrdreg $0xFFFFFFFF  }
0xad: {  	[dreg:$0x0] =	wrdreg $0x60  }
0xae: {  	[dreg:$0x2] =	wrdreg s24  }
0xaf: {  	[dreg:$0x3] =	wrdreg s2  }
0xb0: {  	[dreg:$0x4] =	wrdreg $0xC6200  }
0xb1: {  	[dreg:$0x5] =	wrdreg $0x9  }
0xb2: {  	_ =	task.clear_ibuf [dreg:s7], $0x6FFFF;
	_ =	strace $0x90000049  }
0xb3: {  	s29 =	simm.s32 $0x9;
	_ =	strace $0x8000004B  }
0xb4: {  	_ =	swait.ge [sflag:s29], $0x1  }
0xb5: {  	[sflag:s29] =	ssyncadd.s32 $0xFFFFFFFF  }
0xb6: {  	_ =	strace $0x9000004B  }
0xb7: {  	_ =	sfence  }
0xb8: {  	s30 =	sld [smem:$0x0];
	_ =	sdelay $0x2  }
0xb9: {  	s31 =	sshll.u32 s1, $0xD;
	s1 =	sshrl.u32 s1, $0x2  }
0xba: {  	s3 =	sand.u32 $0x4000, s31;
	s1 =	sadd.s32 s1, s30  }
0xbb: {  	s0 =	sor.u32 s3, s0;
	s1 =	sshll.u32 s1, $0x11  }
0xbc: {  	s0 =	sor.u32 s1, s0  }
0xbd: {  	s0 =	sadd.s32 $0x8F2B, s0  }
0xbe: {  	[sflag:s0] =	ssyncadd.remote.s32 $0x1  }
0xbf: {  	_ =	sfence.sel $0xFFFF  }
0xc0: {  	[dreg:$0x0] =	wrdreg $0xFFFFFFFF;
	(pc) =	sbr.abs _section_cstart, $3  }
0xc1: {  	[dreg:$0x1] =	wrdreg $0xFFFFFFFF  }
0xc2: {  	_ =	task.clear_ibuf [dreg:s7], $0x2FFFF;
	_ =	strace $0x9FFFFFFF  }
0xc3: {  	(tm) =	ssettm $0x7FFFFFFF  }
tec
execute0_lowered:
.L_overlay_start_1:
0x0: {  	(tag) =	ssettag $0x1  }
0x1: {  	s0 =	srdreg.scid;
	s1 =	rddreg [dreg:$0x0]  }
0x2: {  	s10 =	stileid.u32;
	s2 =	rddreg [dreg:$0x1]  }
0x3: {  	s12 =	simm.s32 $0x7;
	s13 =	simm.s32 $0x2710;
	s14 =	simm.s32 $0x50  }
0x4: {  	s15 =	simm.s32 $0x4E20;
	s16 =	simm.s32 $0x7620;
	s17 =	simm.s32 $0x1  }
0x5: {  	s19 =	simm.s32 $0x9E20;
	s20 =	simm.s32 $0x2;
	s22 =	simm.s32 $0x4  }
0x6: {  	s28 =	simm.s32 $0x140;
	s29 =	simm.s32 $0x6;
	s7 =	smul.u32 $0x271, s10  }
0x7: {  	s30 =	simm.s32 $0x4D80;
	s31 =	simm.s32 $0x4DD0;
	s8 =	smul.u32 $0x4E2, s10  }
0x8: {  	s0 =	sand.u32 $0x1, s0;
	s24 =	smul.u32 $0x4E200, s10;
	s26 =	sshll.u32 s10, $0x6  }
0x9: {  	s3 =	sshll.u32 s0, $0x4;
	s6 =	smul.u32 $0x2710, s0;
	s0 =	ssub.s32 $0x2, s0  }
0xa: {  	s4 =	sor.u32 s10, s3;
	s3 =	rddreg [dreg:$0x2];
	s8 =	sadd.s32 s8, s1  }
0xb: {  	s25 =	sshrl.u32 s0, $0x1;
	s5 =	smul.u32 $0x4E2, s4;
	s4 =	simm.s32 $0x0  }
0xc: {  	s23 =	sadd.s32 s7, s6;
	s6 =	sshrl.u32 s24, $0x2;
	s0 =	ssub.s32 s0, s25  }
0xd: {  	s8 =	sadd.s32 $0x5000, s8;
	s24 =	simm.s32 $0x3;
	s25 =	simm.s32 $0x27B0  }
0xe: {  	[smem:$0x7FF] =	sst s4;
	s11 =	sadd.s32 s6, s3;
	s6 =	sor.u32 $0x1C07, s26  }
0xf: {  	s10 =	smax.u32 s0, $0x1;
	s26 =	simm.s32 $0x5;
	_ =	strace $0x8000004A  }
0x10: {  	s9 =	sadd.s32 s5, s1;
	s5 =	sshll.u32 s23, $0x4;
	s11 =	sshrl.u32 s11, $0x3  }
0x11: {  	s23 =	simm.s32 $0xF0;
	s1 =	sadd.s32 s5, s1;
	s5 =	sadd.s32 s2, s5  }
0x12: {  	s7 =	sadd.s32 $0xF200, s9;
	s9 =	sadd.s32 $0x67200, s1;
	s1 =	simm.s32 $0x0  }
.LBB2_1:
0x13: {  	[spmem:s11], [sflag:s6] =	dma.local [hbm:s5], $0x2710  }
0x14: {  	_ =	swait.ge [sflag:s12], $0x2710  }
0x15: {  	[sflag:s12] =	ssyncset.done $0x0  }
0x16: {  	[sflag:s12] =	ssyncadd.s32 $0xFFFFD8F0  }
0x17: {  	[tilespmem:s4], [sflag:$0x7] =	stream.linear.gather [hbm4b:s7+s4], $0x2710, $0x38;
	[tilespmem:$0x1FEA0] =	vst v63  }
0x18: {  	_ =	swait.ge [sflag:s12], $0x2710  }
0x19: {  	[sflag:s12] =	ssyncset.done $0x0  }
0x1a: {  	[sflag:s12] =	ssyncadd.s32 $0xFFFFD8F0  }
0x1b: {  	[tilespmem:s13], [sflag:$0x7] =	stream.linear.gather [hbm4b:s8+s4], $0x2710, $0x38;
	[tilespmem:$0x1FEA0] =	vst v63  }
0x1c: {  	_ =	swait.ge [sflag:s12], $0x2710  }
0x1d: {  	[sflag:s12] =	ssyncset.done $0x0  }
0x1e: {  	[sflag:s12] =	ssyncadd.s32 $0xFFFFD8F0  }
0x1f: {  	[bflag:$0x0] =	sbarrier.arrive $0xFFFF  }
0x20: {  	[tilespmem:s15], [sflag:$0x1] =	stream.indirect.gather [hbm4b:s2+s14], $0x80, s4, s14, $0xb8;
	[tilespmem:$0x1FEA0] =	vst v63  }
0x21: {  	_ = 	snop  }
0x22: {  	[tilespmem:s16], [sflag:$0x2] =	stream.indirect.gather [hbm4b:s2+s14], $0x80, s14, s14, $0xb8;
	[tilespmem:$0x1FEA0] =	vst v63  }
0x23: {  	_ =	swait.ge [sflag:s17], $0x2800  }
0x24: {  	[sflag:s17] =	ssyncset.done $0x0  }
0x25: {  	[sflag:s17] =	ssyncadd.s32 $0xFFFFD800  }
0x26: {  	[spmem:s3] =	stream.indirect.scatter.add.f32 [tilespmem:s15], [sflag:$0x4], $0x80, s13, s14, $0xb8;
	[tilespmem:$0x1FEA0] =	vst v63  }
0x27: {  	s0 =	simm.s32 $0xA0  }
0x28: {  	[tilespmem:s19], [sflag:$0x3] =	stream.indirect.gather [hbm4b:s2+s14], $0x80, s0, s14, $0xb8;
	[tilespmem:$0x1FEA0] =	vst v63  }
0x29: {  	_ =	swait.ge [sflag:s20], $0x2800  }
0x2a: {  	[sflag:s20] =	ssyncset.done $0x0  }
0x2b: {  	s18 =	simm.s32 $0x2760;
	[sflag:s20] =	ssyncadd.s32 $0xFFFFD800  }
0x2c: {  	[spmem:s3] =	stream.indirect.scatter.add.f32 [tilespmem:s16], [sflag:$0x5], $0x80, s18, s14, $0xb8;
	[tilespmem:$0x1FEA0] =	vst v63  }
0x2d: {  	_ =	swait.ge [sflag:s22], $0x2800  }
0x2e: {  	[sflag:s22] =	ssyncset.done $0x0  }
0x2f: {  	[sflag:s22] =	ssyncadd.s32 $0xFFFFD800  }
0x30: {  	[tilespmem:s15], [sflag:$0x1] =	stream.indirect.gather [hbm4b:s2+s14], $0x80, s23, s14, $0xb8;
	[tilespmem:$0x1FEA0] =	vst v63  }
0x31: {  	_ =	swait.ge [sflag:s24], $0x2800  }
0x32: {  	[sflag:s24] =	ssyncset.done $0x0  }
0x33: {  	[sflag:s24] =	ssyncadd.s32 $0xFFFFD800  }
0x34: {  	[spmem:s3] =	stream.indirect.scatter.add.f32 [tilespmem:s19], [sflag:$0x6], $0x80, s25, s14, $0xb8;
	[tilespmem:$0x1FEA0] =	vst v63  }
0x35: {  	_ =	swait.ge [sflag:s26], $0x2800  }
0x36: {  	[sflag:s26] =	ssyncset.done $0x0  }
0x37: {  	[sflag:s26] =	ssyncadd.s32 $0xFFFFD800  }
0x38: {  	[tilespmem:s16], [sflag:$0x2] =	stream.indirect.gather [hbm4b:s2+s14], $0x80, s28, s14, $0xb8;
	[tilespmem:$0x1FEA0] =	vst v63  }
0x39: {  	_ =	swait.ge [sflag:s17], $0x2800  }
0x3a: {  	[sflag:s17] =	ssyncset.done $0x0  }
0x3b: {  	s21 =	simm.s32 $0x2800;
	[sflag:s17] =	ssyncadd.s32 $0xFFFFD800  }
0x3c: {  	[spmem:s3] =	stream.indirect.scatter.add.f32 [tilespmem:s15], [sflag:$0x4], $0x80, s21, s14, $0xb8;
	[tilespmem:$0x1FEA0] =	vst v63  }
0x3d: {  	_ =	swait.ge [sflag:s29], $0x2800  }
0x3e: {  	[sflag:s29] =	ssyncset.done $0x0  }
0x3f: {  	s18 =	simm.s32 $0x190;
	[sflag:s29] =	ssyncadd.s32 $0xFFFFD800  }
0x40: {  	[tilespmem:s19], [sflag:$0x3] =	stream.indirect.gather [hbm4b:s2+s14], $0x80, s18, s14, $0xb8;
	[tilespmem:$0x1FEA0] =	vst v63  }
0x41: {  	_ =	swait.ge [sflag:s20], $0x2800  }
0x42: {  	[sflag:s20] =	ssyncset.done $0x0  }
0x43: {  	s21 =	simm.s32 $0x2850;
	[sflag:s20] =	ssyncadd.s32 $0xFFFFD800  }
0x44: {  	[spmem:s3] =	stream.indirect.scatter.add.f32 [tilespmem:s16], [sflag:$0x5], $0x80, s21, s14, $0xb8;
	[tilespmem:$0x1FEA0] =	vst v63  }
0x45: {  	_ =	swait.ge [sflag:s22], $0x2800  }
0x46: {  	[sflag:s22] =	ssyncset.done $0x0  }
0x47: {  	s18 =	simm.s32 $0x1E0;
	[sflag:s22] =	ssyncadd.s32 $0xFFFFD800  }
0x48: {  	[tilespmem:s15], [sflag:$0x1] =	stream.indirect.gather [hbm4b:s2+s14], $0x80, s18, s14, $0xb8;
	[tilespmem:$0x1FEA0] =	vst v63  }
0x49: {  	_ =	swait.ge [sflag:s24], $0x2800  }
0x4a: {  	[sflag:s24] =	ssyncset.done $0x0  }
0x4b: {  	s21 =	simm.s32 $0x28A0;
	[sflag:s24] =	ssyncadd.s32 $0xFFFFD800  }
0x4c: {  	[spmem:s3] =	stream.indirect.scatter.add.f32 [tilespmem:s19], [sflag:$0x6], $0x80, s21, s14, $0xb8;
	[tilespmem:$0x1FEA0] =	vst v63  }
0x4d: {  	_ =	swait.ge [sflag:s26], $0x2800  }
0x4e: {  	[sflag:s26] =	ssyncset.done $0x0  }
0x4f: {  	s0 =	simm.s32 $0x3C0;
	s18 =	simm.s32 $0x230;
	[sflag:s26] =	ssyncadd.s32 $0xFFFFD800  }
.LBB2_2:
0x50: {  	[tilespmem:s16], [sflag:$0x2] =	stream.indirect.gather [hbm4b:s2+s14], $0x80, s18, s14, $0xb8;
	[tilespmem:$0x1FEA0] =	vst v63  }
0x51: {  	s18 =	smov.u32 s0  }
0x52: {  	p0 =	sne.s32 s0, $0x9240;
	s0 =	sadd.s32 $0x3C0, s0;
	_ =	swait.ge [sflag:s17], $0x2800  }
0x53: {  	s18 =	sshra.s32 s18, $0x2;
	[sflag:s17] =	ssyncset.done $0x0  }
0x54: {  	s21 =	sadd.s32 $0x2800, s18;
	[sflag:s17] =	ssyncadd.s32 $0xFFFFD800  }
0x55: {  	[spmem:s3] =	stream.indirect.scatter.add.f32 [tilespmem:s15], [sflag:$0x4], $0x80, s21, s14, $0xb8;
	[tilespmem:$0x1FEA0] =	vst v63  }
0x56: {  	_ =	swait.ge [sflag:s29], $0x2800  }
0x57: {  	[sflag:s29] =	ssyncset.done $0x0  }
0x58: {  	s21 =	sadd.s32 $0x190, s18;
	[sflag:s29] =	ssyncadd.s32 $0xFFFFD800  }
0x59: {  	[tilespmem:s19], [sflag:$0x3] =	stream.indirect.gather [hbm4b:s2+s14], $0x80, s21, s14, $0xb8;
	[tilespmem:$0x1FEA0] =	vst v63  }
0x5a: {  	_ =	swait.ge [sflag:s20], $0x2800  }
0x5b: {  	[sflag:s20] =	ssyncset.done $0x0  }
0x5c: {  	s21 =	sadd.s32 $0x2850, s18;
	[sflag:s20] =	ssyncadd.s32 $0xFFFFD800  }
0x5d: {  	[spmem:s3] =	stream.indirect.scatter.add.f32 [tilespmem:s16], [sflag:$0x5], $0x80, s21, s14, $0xb8;
	[tilespmem:$0x1FEA0] =	vst v63  }
0x5e: {  	_ =	swait.ge [sflag:s22], $0x2800  }
0x5f: {  	[sflag:s22] =	ssyncset.done $0x0  }
0x60: {  	s21 =	sadd.s32 $0x1E0, s18;
	[sflag:s22] =	ssyncadd.s32 $0xFFFFD800  }
0x61: {  	[tilespmem:s15], [sflag:$0x1] =	stream.indirect.gather [hbm4b:s2+s14], $0x80, s21, s14, $0xb8;
	[tilespmem:$0x1FEA0] =	vst v63  }
0x62: {  	_ =	swait.ge [sflag:s24], $0x2800  }
0x63: {  	[sflag:s24] =	ssyncset.done $0x0  }
.Ltmp0:
0x64: {  	s21 =	sadd.s32 $0x28A0, s18;
	[sflag:s24] =	ssyncadd.s32 $0xFFFFD800;
	(pc) =	sbr.rel @p0 .LBB2_2-.Ltmp0, $4  }
0x65: {  	[spmem:s3] =	stream.indirect.scatter.add.f32 [tilespmem:s19], [sflag:$0x6], $0x80, s21, s14, $0xb8;
	[tilespmem:$0x1FEA0] =	vst v63  }
0x66: {  	_ =	swait.ge [sflag:s26], $0x2800  }
0x67: {  	[sflag:s26] =	ssyncset.done $0x0  }
0x68: {  	s18 =	sadd.s32 $0x230, s18;
	[sflag:s26] =	ssyncadd.s32 $0xFFFFD800  }
0x69: {  	[tilespmem:s16], [sflag:$0x2] =	stream.indirect.gather [hbm4b:s2+s14], $0x80, s18, s14, $0xb8;
	[tilespmem:$0x1FEA0] =	vst v63  }
0x6a: {  	_ =	swait.ge [sflag:s17], $0x2800  }
0x6b: {  	[sflag:s17] =	ssyncset.done $0x0  }
0x6c: {  	[sflag:s17] =	ssyncadd.s32 $0xFFFFD800  }
0x6d: {  	[spmem:s3] =	stream.indirect.scatter.add.f32 [tilespmem:s15], [sflag:$0x4], $0x80, s30, s14, $0xb8;
	[tilespmem:$0x1FEA0] =	vst v63  }
0x6e: {  	_ =	swait.ge [sflag:s20], $0x2800  }
0x6f: {  	[sflag:s20] =	ssyncset.done $0x0  }
0x70: {  	[sflag:s20] =	ssyncadd.s32 $0xFFFFD800  }
0x71: {  	[spmem:s3] =	stream.indirect.scatter.add.f32 [tilespmem:s16], [sflag:$0x5], $0x80, s31, s14, $0xb8;
	[tilespmem:$0x1FEA0] =	vst v63  }
0x72: {  	_ =	swait.ge [sflag:s29], $0x2800  }
0x73: {  	[sflag:s29] =	ssyncset.done $0x0  }
0x74: {  	[sflag:s29] =	ssyncadd.s32 $0xFFFFD800  }
0x75: {  	_ =	swait.ge [sflag:s22], $0x2800  }
0x76: {  	[sflag:s22] =	ssyncset.done $0x0  }
0x77: {  	[sflag:s22] =	ssyncadd.s32 $0xFFFFD800  }
0x78: {  	_ =	swait.ge [sflag:s26], $0x2800  }
0x79: {  	s1 =	sadd.s32 $0x1, s1;
	[sflag:s26] =	ssyncset.done $0x0  }
0x7a: {  	p0 =	sne.s32 s1, s10;
	[sflag:s26] =	ssyncadd.s32 $0xFFFFD800  }
.Ltmp1:
0x7b: {  	[bflag:$0x0] =	sbarrier.arrive $0xFFFF;
	(pc) =	sbr.rel @p0 .LBB2_1-.Ltmp1, $4  }
0x7c: {  	[hbm:s9], [sflag:s6] =	dma.local [spmem:s11], $0x2710  }
0x7d: {  	_ =	swait.ge [sflag:s12], $0x2710  }
0x7e: {  	[sflag:s12] =	ssyncset.done $0x0  }
0x7f: {  	[sflag:s12] =	ssyncadd.s32 $0xFFFFD8F0  }
0x80: {  	_ =	sfence.sel $0x180000  }
0x81: {  	[bflag:$0x0] =	sbarrier.arrive $0xFFFF  }
0x82: {  	_ =	strace $0x9000004A  }
0x83: {  	s0 =	stileid.u32;
	[bflag:$0x2] =	sbarrier.arrive $0xFFFF  }
0x84: {  	p0 =	sne.s32 s0, $0x0;
	s0 =	rddreg [dreg:$0x3]  }
0x85: {  	s0 =	sadd.s32 @!p0 $0x100000, s0  }
0x86: {  	[sflag:s0] =	ssyncadd.tile.s32 @!p0 $0x1;
	_ =	shalt  }
.Lfunc_end2:
_tile_overlayer_lowered:
.L_overlay_start_2:
0x87: {  	(tag) =	ssettag $0x2  }
0x88: {  	s0 =	rddreg [dreg:$0x0];
	s2 =	stileid.u32  }
0x89: {  	s1 =	rddreg [dreg:$0x1];
	p0 =	sne.s32 s2, $0x0  }
0x8a: {  	s3 =	rddreg [dreg:$0x2];
	[bflag:$0x3] =	sbarrier.arrive $0xFFFF;
	s2 =	simm.s32 @!p0 $0x1C07  }
0x8b: {  	[timem:s3], [sflag:s2] =	dma.local @!p0 [hbm:s0], s1  }
0x8c: {  	s0 =	simm.s32 @!p0 $0x7  }
0x8d: {  	_ =	swait.ge @!p0 [sflag:s0], s1  }
0x8e: {  	s1 =	ssub.s32 @!p0 $0x0, s1;
	[sflag:s0] =	ssyncset.done @!p0 $0x0  }
0x8f: {  	[sflag:s0] =	ssyncadd.s32 @!p0 s1  }
0x90: {  	[bflag:$0x3] =	sbarrier.arrive $0xFFFF  }
0x91: {  	_ =	shalt  }

// kernel: kernel.18.cloned.1.call-start
scs
__scs_entry_jumppad:
0x0: {  	(pc) =	sbr.rel $0x88, $3  }
0x1: {  	(tag) =	ssettag $0x0;
	lr =	simm.s32 $0x1  }
0x2: {  	[smem:$0x3F91] =	sst lr;
	_ =	strace $0xD0000000  }
0x3: {  	_ = 	snop  }
0x4: {  	_ = 	snop  }
0x5: {  	_ = 	snop  }
0x6: {  	_ = 	snop  }
0x7: {  	_ = 	snop  }
__scs_overlays_trampoline_lowered:
0x8: {  	[smem:$0x3FA0] =	sst s0  }
0x9: {  	[smem:$0x3FA1] =	sst s1  }
0xa: {  	[smem:$0x3FA2] =	sst s2  }
0xb: {  	[smem:$0x3FA3] =	sst s3  }
0xc: {  	[smem:$0x3FA4] =	sst s4  }
0xd: {  	[smem:$0x3FA5] =	sst s5  }
0xe: {  	[smem:$0x3FA6] =	sst s6  }
0xf: {  	[smem:$0x3FA7] =	sst s7  }
0x10: {  	[smem:$0x3FA8] =	sst s8  }
0x11: {  	[smem:$0x3FA9] =	sst s9;
	s0 =	simm.s32 @!p0 $0x0  }
0x12: {  	s1 =	sld [smem:$0x3F8F];
	s0 =	simm.s32 @p0 $0x1  }
0x13: {  	[smem:$0x3FAA] =	sst s0;
	s0 =	simm.s32 @!p1 $0x0  }
0x14: {  	s2 =	sld [smem:$0x3F8E];
	s0 =	simm.s32 @p1 $0x1  }
0x15: {  	[smem:$0x3FAB] =	sst s0;
	s0 =	simm.s32 @!p2 $0x0  }
0x16: {  	s3 =	sld [smem:$0x3FDB];
	s0 =	simm.s32 @p2 $0x1  }
0x17: {  	s4 =	simm.s32 $0x1BF5;
	[smem:$0x3FAD] =	sst s0  }
0x18: {  	s0 =	sld [smem:$0x3F90];
	_ =	swait.ge [sflag:s4], $0x0  }
0x19: {  	s7 =	sld [smem:$0x3F91]  }
0x1a: {  	s8 =	sadd.s32 $0xFFFFE003, lr  }
0x1b: {  	s9 =	sadd.s32 $0xFFFFFEF7, lr;
	s5 =	simm.s32 $0xFFFFFFFF;
	p2 =	slt.u32 s8, $0xFFFFF086  }
0x1c: {  	p1 =	slt.u32 s9, $0xF7A;
	s5 =	simm.s32 @!p2 $0x0  }
0x1d: {  	s5 =	simm.s32 @p1 $0x1;
	p0 =	seq.s32 s7, s2  }
0x1e: {  	s7 =	smul.u32 @!p0 $0xF7A, s2;
	p2 =	seq.s32 @!p0 s5, $0x0  }
0x1f: {  	s9 =	smul.u32 $0xF7A, s1;
	s8 =	simm.s32 @!p0 $0x1BF5;
	p2 =	por !p2, p0  }
0x20: {  	[sflag:s8] =	ssyncset.s32 @!p0 $0xFFFFF086;
	s6 =	sadd.s32 @!p0 s3, s7;
	s7 =	simm.s32 @!p0 $0x108  }
0x21: {  	s3 =	sadd.s32 s3, s9;
	s6 =	sadd.s32 @!p0 $0x88, s6;
	s7 =	simm.s32 @p2 $0x1082  }
0x22: {  	[simem:s7], [sflag:s8] =	dma.local @!p0 [hbm:s6], $0xF7A  }
0x23: {  	s9 =	sor.u32 $0xD0000000, s2;
	s6 =	simm.s32 $0x108;
	_ =	swait.ge @!p0 [sflag:s8], $0x0  }
0x24: {  	s3 =	sadd.s32 $0x88, s3;
	s6 =	simm.s32 @!p1 $0x1082;
	[sflag:s4] =	ssyncset.s32 $0xFFFFF086  }
0x25: {  	[simem:s6], [sflag:s4] =	dma.local [hbm:s3], $0xF7A  }
0x26: {  	[smem:$0x3F91] =	sst s1;
	(tag) =	ssettag s2;
	_ =	strace s9  }
0x27: {  	s1 =	sld [smem:$0x3FA1]  }
0x28: {  	s2 =	sld [smem:$0x3FA2]  }
0x29: {  	s4 =	sld [smem:$0x3FA4]  }
0x2a: {  	p0 =	seq.s32 s5, $0x0;
	s5 =	sld [smem:$0x3FA5]  }
0x2b: {  	s6 =	sld [smem:$0x3FA6]  }
0x2c: {  	s7 =	sld [smem:$0x3FA7]  }
0x2d: {  	s3 =	simm.s32 $0x108;
	s8 =	sld [smem:$0x3FA8]  }
0x2e: {  	s3 =	simm.s32 @!p0 $0x1082;
	s9 =	sld [smem:$0x3FA9]  }
0x2f: {  	lr =	sadd.s32 s0, s3;
	s0 =	sld [smem:$0x3FA0]  }
0x30: {  	s3 =	sld [smem:$0x3FA3]  }
0x31: {  	[smem:$0x3FAC] =	sst s10  }
0x32: {  	s10 =	sld [smem:$0x3FAA];
	_ =	sdelay $0x3  }
0x33: {  	p0 =	seq.s32 s10, $0x1;
	s10 =	sld [smem:$0x3FAC];
	_ =	sdelay $0x3  }
0x34: {  	[smem:$0x3FAC] =	sst s10  }
0x35: {  	s10 =	sld [smem:$0x3FAB];
	_ =	sdelay $0x3  }
0x36: {  	p1 =	seq.s32 s10, $0x1;
	s10 =	sld [smem:$0x3FAC];
	_ =	sdelay $0x3  }
0x37: {  	[smem:$0x3FAC] =	sst s10  }
0x38: {  	s10 =	sld [smem:$0x3FAD]  }
0x39: {  	_ = 	snop;
	(pc) =	sbr.ind lr, $3  }
0x3a: {  	_ = 	snop  }
0x3b: {  	_ = 	snop  }
0x3c: {  	p2 =	seq.s32 s10, $0x1;
	s10 =	sld [smem:$0x3FAC]  }
0x3d: {  	_ =	shalt  }
0x3e: {  	_ =	shalt  }
0x3f: {  	_ =	shalt  }
0x40: {  	_ =	shalt  }
0x41: {  	_ =	shalt  }
0x42: {  	_ =	shalt  }
0x43: {  	_ =	shalt  }
0x44: {  	_ =	shalt  }
0x45: {  	_ =	shalt  }
0x46: {  	_ =	shalt  }
0x47: {  	_ =	shalt  }
0x48: {  	_ =	shalt  }
0x49: {  	_ =	shalt  }
0x4a: {  	_ =	shalt  }
0x4b: {  	_ =	shalt  }
0x4c: {  	_ =	shalt  }
0x4d: {  	_ =	shalt  }
0x4e: {  	_ =	shalt  }
0x4f: {  	_ =	shalt  }
0x50: {  	_ =	shalt  }
0x51: {  	_ =	shalt  }
0x52: {  	_ =	shalt  }
0x53: {  	_ =	shalt  }
0x54: {  	_ =	shalt  }
0x55: {  	_ =	shalt  }
0x56: {  	_ =	shalt  }
0x57: {  	_ =	shalt  }
0x58: {  	_ =	shalt  }
0x59: {  	_ =	shalt  }
0x5a: {  	_ =	shalt  }
0x5b: {  	_ =	shalt  }
0x5c: {  	_ =	shalt  }
0x5d: {  	_ =	shalt  }
0x5e: {  	_ =	shalt  }
0x5f: {  	_ =	shalt  }
0x60: {  	_ =	shalt  }
0x61: {  	_ =	shalt  }
0x62: {  	_ =	shalt  }
0x63: {  	_ =	shalt  }
0x64: {  	_ =	shalt  }
0x65: {  	_ =	shalt  }
0x66: {  	_ =	shalt  }
0x67: {  	_ =	shalt  }
0x68: {  	_ =	shalt  }
0x69: {  	_ =	shalt  }
0x6a: {  	_ =	shalt  }
0x6b: {  	_ =	shalt  }
0x6c: {  	_ =	shalt  }
0x6d: {  	_ =	shalt  }
0x6e: {  	_ =	shalt  }
0x6f: {  	_ =	shalt  }
0x70: {  	_ =	shalt  }
0x71: {  	_ =	shalt  }
0x72: {  	_ =	shalt  }
0x73: {  	_ =	shalt  }
0x74: {  	_ =	shalt  }
0x75: {  	_ =	shalt  }
0x76: {  	_ =	shalt  }
0x77: {  	_ =	shalt  }
0x78: {  	_ =	shalt  }
0x79: {  	_ =	shalt  }
0x7a: {  	_ =	shalt  }
0x7b: {  	_ =	shalt  }
0x7c: {  	_ =	shalt  }
0x7d: {  	_ =	shalt  }
0x7e: {  	_ =	shalt  }
0x7f: {  	_ =	shalt  }
0x80: {  	_ =	shalt  }
0x81: {  	_ =	shalt  }
0x82: {  	_ =	shalt  }
0x83: {  	_ =	shalt  }
0x84: {  	_ =	shalt  }
0x85: {  	_ =	shalt  }
0x86: {  	_ =	shalt  }
0x87: {  	_ =	shalt  }
.Lfunc_end0:
.L_simem_size_0:
called_computation.2_lowered:
.L_overlay_start_0:
0x88: {  	s2 =	sld [smem:$0x3FD9]  }
0x89: {  	s3 =	sld [smem:$0x3FFE];
	_ =	sdelay $0x1  }
0x8a: {  	s1 =	srdreg.scid  }
0x8b: {  	s0 =	sand.u32 $0x1, s1  }
0x8c: {  	s17 =	sshll.u32 s0, $0xA;
	s2 =	sadd.s32 s3, s2  }
0x8d: {  	s2 =	sadd.s32 s2, s17  }
0x8e: {  	[smem:$0x3FB8] =	sst s2  }
0x8f: {  	_ = 	snop  }
0x90: {  	s2 =	sld [smem:$0x3FD0];
	(tm) =	ssettm $0x1  }
0x91: {  	s18 =	sld [smem:$0x3FFB];
	_ =	sdelay $0x3  }
0x92: {  	_ =	strace s18  }
0x93: {  	s3 =	sld [smem:$0x3FFC];
	_ =	sdelay $0x3  }
0x94: {  	_ =	strace s3  }
0x95: {  	s3 =	sld [smem:$0x3FFD];
	_ =	sdelay $0x3  }
0x96: {  	_ =	strace s3  }
0x97: {  	_ =	strace $0x8FFFFFFF  }
0x98: {  	s19 =	sld [smem:$0x3FDB];
	_ =	sdelay $0x1  }
0x99: {  	s4 =	simm.s32 $_scs_section_size  }
0x9a: {  	s5 =	simm.s32 $_size__tile_overlayer_lowered;
	s6 =	simm.s32 $_tile_overlayer_lowered  }
0x9b: {  	s22 =	simm.s32 $0x1BFF;
	s21 =	sshll.u32 s6, $0x1;
	s3 =	sadd.s32 s4, s19  }
0x9c: {  	s7 =	simm.s32 $0x0;
	s20 =	sshll.u32 s5, $0x1;
	s5 =	sadd.s32 s21, s3  }
0x9d: {  	[timem:s7], [sflag:s22] =	dma.local [hbm:s5], s20  }
0x9e: {  	_ =	swait.ge [sflag:s22], s20  }
0x9f: {  	s4 =	ssub.s32 $0x0, s20;
	[sflag:s22] =	ssyncset.done $0x0  }
0xa0: {  	[sflag:s22] =	ssyncadd.s32 s4;
	_ =	sdelay $0x1  }
0xa1: {  	s23 =	simm.s32 $0x1B8B  }
0xa2: {  	_ =	swait.ge [sflag:s23], $0x1  }
0xa3: {  	[sflag:s23] =	ssyncset.done $0x0  }
0xa4: {  	s25 =	simm.s32 $0x1B8E;
	s24 =	sld [smem:$0x3FFE];
	[sflag:s23] =	ssyncadd.s32 $0xFFFFFFFF  }
0xa5: {  	s26 =	simm.s32 $execute0_lowered;
	[smem:$0x3FD2] =	sst s25  }
0xa6: {  	s5 =	sshll.u32 s26, $0x1;
	_ =	strace $0x8000004C;
	[dreg:$0x1] =	wrdreg $0xFFFFFFFF  }
0xa7: {  	s28 =	simm.s32 $_size_execute0_lowered;
	s3 =	sadd.s32 s3, s5;
	[dreg:$0x0] =	wrdreg $0x0  }
0xa8: {  	s5 =	sshll.u32 s28, $0x1;
	[dreg:$0x2] =	wrdreg s3  }
0xa9: {  	[dreg:$0x3] =	wrdreg s5  }
0xaa: {  	[dreg:$0x4] =	wrdreg $0xC0  }
0xab: {  	_ =	task [dreg:s7], $0x5FFFF  }
0xac: {  	[dreg:$0x1] =	wrdreg $0xFFFFFFFF  }
0xad: {  	[dreg:$0x0] =	wrdreg $0x60  }
0xae: {  	[dreg:$0x2] =	wrdreg s24  }
0xaf: {  	[dreg:$0x3] =	wrdreg s2  }
0xb0: {  	[dreg:$0x4] =	wrdreg $0xC6200  }
0xb1: {  	[dreg:$0x5] =	wrdreg $0x9  }
0xb2: {  	_ =	task.clear_ibuf [dreg:s7], $0x6FFFF;
	_ =	strace $0x9000004C  }
0xb3: {  	s29 =	simm.s32 $0x9;
	_ =	strace $0x8000004E  }
0xb4: {  	_ =	swait.ge [sflag:s29], $0x1  }
0xb5: {  	[sflag:s29] =	ssyncadd.s32 $0xFFFFFFFF  }
0xb6: {  	_ =	strace $0x9000004E  }
0xb7: {  	_ =	sfence  }
0xb8: {  	s30 =	sld [smem:$0x0];
	_ =	sdelay $0x2  }
0xb9: {  	s31 =	sshll.u32 s1, $0xD;
	s1 =	sshrl.u32 s1, $0x2  }
0xba: {  	s3 =	sand.u32 $0x4000, s31;
	s1 =	sadd.s32 s1, s30  }
0xbb: {  	s0 =	sor.u32 s3, s0;
	s1 =	sshll.u32 s1, $0x11  }
0xbc: {  	s0 =	sor.u32 s1, s0  }
0xbd: {  	s0 =	sadd.s32 $0x8F2B, s0  }
0xbe: {  	[sflag:s0] =	ssyncadd.remote.s32 $0x1  }
0xbf: {  	_ =	sfence.sel $0xFFFF  }
0xc0: {  	[dreg:$0x0] =	wrdreg $0xFFFFFFFF;
	(pc) =	sbr.abs _section_cstart, $3  }
0xc1: {  	[dreg:$0x1] =	wrdreg $0xFFFFFFFF  }
0xc2: {  	_ =	task.clear_ibuf [dreg:s7], $0x2FFFF;
	_ =	strace $0x9FFFFFFF  }
0xc3: {  	(tm) =	ssettm $0x7FFFFFFF  }
tec
execute0_lowered:
.L_overlay_start_1:
0x0: {  	(tag) =	ssettag $0x1  }
0x1: {  	s0 =	srdreg.scid;
	s1 =	rddreg [dreg:$0x0]  }
0x2: {  	s10 =	stileid.u32;
	s2 =	rddreg [dreg:$0x1]  }
0x3: {  	s12 =	simm.s32 $0x7;
	s13 =	simm.s32 $0x2710;
	s14 =	simm.s32 $0x50  }
0x4: {  	s15 =	simm.s32 $0x4E20;
	s16 =	simm.s32 $0x7620;
	s17 =	simm.s32 $0x1  }
0x5: {  	s19 =	simm.s32 $0x9E20;
	s20 =	simm.s32 $0x2;
	s22 =	simm.s32 $0x4  }
0x6: {  	s28 =	simm.s32 $0x140;
	s29 =	simm.s32 $0x6;
	s7 =	smul.u32 $0x271, s10  }
0x7: {  	s30 =	simm.s32 $0x4D80;
	s31 =	simm.s32 $0x4DD0;
	s8 =	smul.u32 $0x4E2, s10  }
0x8: {  	s0 =	sand.u32 $0x1, s0;
	s24 =	smul.u32 $0x4E200, s10;
	s26 =	sshll.u32 s10, $0x6  }
0x9: {  	s3 =	sshll.u32 s0, $0x4;
	s6 =	smul.u32 $0x2710, s0;
	s0 =	ssub.s32 $0x2, s0  }
0xa: {  	s4 =	sor.u32 s10, s3;
	s3 =	rddreg [dreg:$0x2];
	s8 =	sadd.s32 s8, s1  }
0xb: {  	s25 =	sshrl.u32 s0, $0x1;
	s5 =	smul.u32 $0x4E2, s4;
	s4 =	simm.s32 $0x0  }
0xc: {  	s23 =	sadd.s32 s7, s6;
	s6 =	sshrl.u32 s24, $0x2;
	s0 =	ssub.s32 s0, s25  }
0xd: {  	s8 =	sadd.s32 $0x5000, s8;
	s24 =	simm.s32 $0x3;
	s25 =	simm.s32 $0x27B0  }
0xe: {  	[smem:$0x7FF] =	sst s4;
	s11 =	sadd.s32 s6, s3;
	s6 =	sor.u32 $0x1C07, s26  }
0xf: {  	s10 =	smax.u32 s0, $0x1;
	s26 =	simm.s32 $0x5;
	_ =	strace $0x8000004D  }
0x10: {  	s9 =	sadd.s32 s5, s1;
	s5 =	sshll.u32 s23, $0x4;
	s11 =	sshrl.u32 s11, $0x3  }
0x11: {  	s23 =	simm.s32 $0xF0;
	s1 =	sadd.s32 s5, s1;
	s5 =	sadd.s32 s2, s5  }
0x12: {  	s7 =	sadd.s32 $0xF200, s9;
	s9 =	sadd.s32 $0xB5400, s1;
	s1 =	simm.s32 $0x0  }
.LBB2_1:
0x13: {  	[spmem:s11], [sflag:s6] =	dma.local [hbm:s5], $0x2710  }
0x14: {  	_ =	swait.ge [sflag:s12], $0x2710  }
0x15: {  	[sflag:s12] =	ssyncset.done $0x0  }
0x16: {  	[sflag:s12] =	ssyncadd.s32 $0xFFFFD8F0  }
0x17: {  	[tilespmem:s4], [sflag:$0x7] =	stream.linear.gather [hbm4b:s7+s4], $0x2710, $0x38;
	[tilespmem:$0x1FEA0] =	vst v63  }
0x18: {  	_ =	swait.ge [sflag:s12], $0x2710  }
0x19: {  	[sflag:s12] =	ssyncset.done $0x0  }
0x1a: {  	[sflag:s12] =	ssyncadd.s32 $0xFFFFD8F0  }
0x1b: {  	[tilespmem:s13], [sflag:$0x7] =	stream.linear.gather [hbm4b:s8+s4], $0x2710, $0x38;
	[tilespmem:$0x1FEA0] =	vst v63  }
0x1c: {  	_ =	swait.ge [sflag:s12], $0x2710  }
0x1d: {  	[sflag:s12] =	ssyncset.done $0x0  }
0x1e: {  	[sflag:s12] =	ssyncadd.s32 $0xFFFFD8F0  }
0x1f: {  	[bflag:$0x0] =	sbarrier.arrive $0xFFFF  }
0x20: {  	[tilespmem:s15], [sflag:$0x1] =	stream.indirect.gather [hbm4b:s2+s14], $0x80, s4, s14, $0xb8;
	[tilespmem:$0x1FEA0] =	vst v63  }
0x21: {  	_ = 	snop  }
0x22: {  	[tilespmem:s16], [sflag:$0x2] =	stream.indirect.gather [hbm4b:s2+s14], $0x80, s14, s14, $0xb8;
	[tilespmem:$0x1FEA0] =	vst v63  }
0x23: {  	_ =	swait.ge [sflag:s17], $0x2800  }
0x24: {  	[sflag:s17] =	ssyncset.done $0x0  }
0x25: {  	[sflag:s17] =	ssyncadd.s32 $0xFFFFD800  }
0x26: {  	[spmem:s3] =	stream.indirect.scatter.add.f32 [tilespmem:s15], [sflag:$0x4], $0x80, s13, s14, $0xb8;
	[tilespmem:$0x1FEA0] =	vst v63  }
0x27: {  	s0 =	simm.s32 $0xA0  }
0x28: {  	[tilespmem:s19], [sflag:$0x3] =	stream.indirect.gather [hbm4b:s2+s14], $0x80, s0, s14, $0xb8;
	[tilespmem:$0x1FEA0] =	vst v63  }
0x29: {  	_ =	swait.ge [sflag:s20], $0x2800  }
0x2a: {  	[sflag:s20] =	ssyncset.done $0x0  }
0x2b: {  	s18 =	simm.s32 $0x2760;
	[sflag:s20] =	ssyncadd.s32 $0xFFFFD800  }
0x2c: {  	[spmem:s3] =	stream.indirect.scatter.add.f32 [tilespmem:s16], [sflag:$0x5], $0x80, s18, s14, $0xb8;
	[tilespmem:$0x1FEA0] =	vst v63  }
0x2d: {  	_ =	swait.ge [sflag:s22], $0x2800  }
0x2e: {  	[sflag:s22] =	ssyncset.done $0x0  }
0x2f: {  	[sflag:s22] =	ssyncadd.s32 $0xFFFFD800  }
0x30: {  	[tilespmem:s15], [sflag:$0x1] =	stream.indirect.gather [hbm4b:s2+s14], $0x80, s23, s14, $0xb8;
	[tilespmem:$0x1FEA0] =	vst v63  }
0x31: {  	_ =	swait.ge [sflag:s24], $0x2800  }
0x32: {  	[sflag:s24] =	ssyncset.done $0x0  }
0x33: {  	[sflag:s24] =	ssyncadd.s32 $0xFFFFD800  }
0x34: {  	[spmem:s3] =	stream.indirect.scatter.add.f32 [tilespmem:s19], [sflag:$0x6], $0x80, s25, s14, $0xb8;
	[tilespmem:$0x1FEA0] =	vst v63  }
0x35: {  	_ =	swait.ge [sflag:s26], $0x2800  }
0x36: {  	[sflag:s26] =	ssyncset.done $0x0  }
0x37: {  	[sflag:s26] =	ssyncadd.s32 $0xFFFFD800  }
0x38: {  	[tilespmem:s16], [sflag:$0x2] =	stream.indirect.gather [hbm4b:s2+s14], $0x80, s28, s14, $0xb8;
	[tilespmem:$0x1FEA0] =	vst v63  }
0x39: {  	_ =	swait.ge [sflag:s17], $0x2800  }
0x3a: {  	[sflag:s17] =	ssyncset.done $0x0  }
0x3b: {  	s21 =	simm.s32 $0x2800;
	[sflag:s17] =	ssyncadd.s32 $0xFFFFD800  }
0x3c: {  	[spmem:s3] =	stream.indirect.scatter.add.f32 [tilespmem:s15], [sflag:$0x4], $0x80, s21, s14, $0xb8;
	[tilespmem:$0x1FEA0] =	vst v63  }
0x3d: {  	_ =	swait.ge [sflag:s29], $0x2800  }
0x3e: {  	[sflag:s29] =	ssyncset.done $0x0  }
0x3f: {  	s18 =	simm.s32 $0x190;
	[sflag:s29] =	ssyncadd.s32 $0xFFFFD800  }
0x40: {  	[tilespmem:s19], [sflag:$0x3] =	stream.indirect.gather [hbm4b:s2+s14], $0x80, s18, s14, $0xb8;
	[tilespmem:$0x1FEA0] =	vst v63  }
0x41: {  	_ =	swait.ge [sflag:s20], $0x2800  }
0x42: {  	[sflag:s20] =	ssyncset.done $0x0  }
0x43: {  	s21 =	simm.s32 $0x2850;
	[sflag:s20] =	ssyncadd.s32 $0xFFFFD800  }
0x44: {  	[spmem:s3] =	stream.indirect.scatter.add.f32 [tilespmem:s16], [sflag:$0x5], $0x80, s21, s14, $0xb8;
	[tilespmem:$0x1FEA0] =	vst v63  }
0x45: {  	_ =	swait.ge [sflag:s22], $0x2800  }
0x46: {  	[sflag:s22] =	ssyncset.done $0x0  }
0x47: {  	s18 =	simm.s32 $0x1E0;
	[sflag:s22] =	ssyncadd.s32 $0xFFFFD800  }
0x48: {  	[tilespmem:s15], [sflag:$0x1] =	stream.indirect.gather [hbm4b:s2+s14], $0x80, s18, s14, $0xb8;
	[tilespmem:$0x1FEA0] =	vst v63  }
0x49: {  	_ =	swait.ge [sflag:s24], $0x2800  }
0x4a: {  	[sflag:s24] =	ssyncset.done $0x0  }
0x4b: {  	s21 =	simm.s32 $0x28A0;
	[sflag:s24] =	ssyncadd.s32 $0xFFFFD800  }
0x4c: {  	[spmem:s3] =	stream.indirect.scatter.add.f32 [tilespmem:s19], [sflag:$0x6], $0x80, s21, s14, $0xb8;
	[tilespmem:$0x1FEA0] =	vst v63  }
0x4d: {  	_ =	swait.ge [sflag:s26], $0x2800  }
0x4e: {  	[sflag:s26] =	ssyncset.done $0x0  }
0x4f: {  	s0 =	simm.s32 $0x3C0;
	s18 =	simm.s32 $0x230;
	[sflag:s26] =	ssyncadd.s32 $0xFFFFD800  }
.LBB2_2:
0x50: {  	[tilespmem:s16], [sflag:$0x2] =	stream.indirect.gather [hbm4b:s2+s14], $0x80, s18, s14, $0xb8;
	[tilespmem:$0x1FEA0] =	vst v63  }
0x51: {  	s18 =	smov.u32 s0  }
0x52: {  	p0 =	sne.s32 s0, $0x9240;
	s0 =	sadd.s32 $0x3C0, s0;
	_ =	swait.ge [sflag:s17], $0x2800  }
0x53: {  	s18 =	sshra.s32 s18, $0x2;
	[sflag:s17] =	ssyncset.done $0x0  }
0x54: {  	s21 =	sadd.s32 $0x2800, s18;
	[sflag:s17] =	ssyncadd.s32 $0xFFFFD800  }
0x55: {  	[spmem:s3] =	stream.indirect.scatter.add.f32 [tilespmem:s15], [sflag:$0x4], $0x80, s21, s14, $0xb8;
	[tilespmem:$0x1FEA0] =	vst v63  }
0x56: {  	_ =	swait.ge [sflag:s29], $0x2800  }
0x57: {  	[sflag:s29] =	ssyncset.done $0x0  }
0x58: {  	s21 =	sadd.s32 $0x190, s18;
	[sflag:s29] =	ssyncadd.s32 $0xFFFFD800  }
0x59: {  	[tilespmem:s19], [sflag:$0x3] =	stream.indirect.gather [hbm4b:s2+s14], $0x80, s21, s14, $0xb8;
	[tilespmem:$0x1FEA0] =	vst v63  }
0x5a: {  	_ =	swait.ge [sflag:s20], $0x2800  }
0x5b: {  	[sflag:s20] =	ssyncset.done $0x0  }
0x5c: {  	s21 =	sadd.s32 $0x2850, s18;
	[sflag:s20] =	ssyncadd.s32 $0xFFFFD800  }
0x5d: {  	[spmem:s3] =	stream.indirect.scatter.add.f32 [tilespmem:s16], [sflag:$0x5], $0x80, s21, s14, $0xb8;
	[tilespmem:$0x1FEA0] =	vst v63  }
0x5e: {  	_ =	swait.ge [sflag:s22], $0x2800  }
0x5f: {  	[sflag:s22] =	ssyncset.done $0x0  }
0x60: {  	s21 =	sadd.s32 $0x1E0, s18;
	[sflag:s22] =	ssyncadd.s32 $0xFFFFD800  }
0x61: {  	[tilespmem:s15], [sflag:$0x1] =	stream.indirect.gather [hbm4b:s2+s14], $0x80, s21, s14, $0xb8;
	[tilespmem:$0x1FEA0] =	vst v63  }
0x62: {  	_ =	swait.ge [sflag:s24], $0x2800  }
0x63: {  	[sflag:s24] =	ssyncset.done $0x0  }
.Ltmp0:
0x64: {  	s21 =	sadd.s32 $0x28A0, s18;
	[sflag:s24] =	ssyncadd.s32 $0xFFFFD800;
	(pc) =	sbr.rel @p0 .LBB2_2-.Ltmp0, $4  }
0x65: {  	[spmem:s3] =	stream.indirect.scatter.add.f32 [tilespmem:s19], [sflag:$0x6], $0x80, s21, s14, $0xb8;
	[tilespmem:$0x1FEA0] =	vst v63  }
0x66: {  	_ =	swait.ge [sflag:s26], $0x2800  }
0x67: {  	[sflag:s26] =	ssyncset.done $0x0  }
0x68: {  	s18 =	sadd.s32 $0x230, s18;
	[sflag:s26] =	ssyncadd.s32 $0xFFFFD800  }
0x69: {  	[tilespmem:s16], [sflag:$0x2] =	stream.indirect.gather [hbm4b:s2+s14], $0x80, s18, s14, $0xb8;
	[tilespmem:$0x1FEA0] =	vst v63  }
0x6a: {  	_ =	swait.ge [sflag:s17], $0x2800  }
0x6b: {  	[sflag:s17] =	ssyncset.done $0x0  }
0x6c: {  	[sflag:s17] =	ssyncadd.s32 $0xFFFFD800  }
0x6d: {  	[spmem:s3] =	stream.indirect.scatter.add.f32 [tilespmem:s15], [sflag:$0x4], $0x80, s30, s14, $0xb8;
	[tilespmem:$0x1FEA0] =	vst v63  }
0x6e: {  	_ =	swait.ge [sflag:s20], $0x2800  }
0x6f: {  	[sflag:s20] =	ssyncset.done $0x0  }
0x70: {  	[sflag:s20] =	ssyncadd.s32 $0xFFFFD800  }
0x71: {  	[spmem:s3] =	stream.indirect.scatter.add.f32 [tilespmem:s16], [sflag:$0x5], $0x80, s31, s14, $0xb8;
	[tilespmem:$0x1FEA0] =	vst v63  }
0x72: {  	_ =	swait.ge [sflag:s29], $0x2800  }
0x73: {  	[sflag:s29] =	ssyncset.done $0x0  }
0x74: {  	[sflag:s29] =	ssyncadd.s32 $0xFFFFD800  }
0x75: {  	_ =	swait.ge [sflag:s22], $0x2800  }
0x76: {  	[sflag:s22] =	ssyncset.done $0x0  }
0x77: {  	[sflag:s22] =	ssyncadd.s32 $0xFFFFD800  }
0x78: {  	_ =	swait.ge [sflag:s26], $0x2800  }
0x79: {  	s1 =	sadd.s32 $0x1, s1;
	[sflag:s26] =	ssyncset.done $0x0  }
0x7a: {  	p0 =	sne.s32 s1, s10;
	[sflag:s26] =	ssyncadd.s32 $0xFFFFD800  }
.Ltmp1:
0x7b: {  	[bflag:$0x0] =	sbarrier.arrive $0xFFFF;
	(pc) =	sbr.rel @p0 .LBB2_1-.Ltmp1, $4  }
0x7c: {  	[hbm:s9], [sflag:s6] =	dma.local [spmem:s11], $0x2710  }
0x7d: {  	_ =	swait.ge [sflag:s12], $0x2710  }
0x7e: {  	[sflag:s12] =	ssyncset.done $0x0  }
0x7f: {  	[sflag:s12] =	ssyncadd.s32 $0xFFFFD8F0  }
0x80: {  	_ =	sfence.sel $0x180000  }
0x81: {  	[bflag:$0x0] =	sbarrier.arrive $0xFFFF  }
0x82: {  	_ =	strace $0x9000004D  }
0x83: {  	s0 =	stileid.u32;
	[bflag:$0x2] =	sbarrier.arrive $0xFFFF  }
0x84: {  	p0 =	sne.s32 s0, $0x0;
	s0 =	rddreg [dreg:$0x3]  }
0x85: {  	s0 =	sadd.s32 @!p0 $0x100000, s0  }
0x86: {  	[sflag:s0] =	ssyncadd.tile.s32 @!p0 $0x1;
	_ =	shalt  }
.Lfunc_end2:
_tile_overlayer_lowered:
.L_overlay_start_2:
0x87: {  	(tag) =	ssettag $0x2  }
0x88: {  	s0 =	rddreg [dreg:$0x0];
	s2 =	stileid.u32  }
0x89: {  	s1 =	rddreg [dreg:$0x1];
	p0 =	sne.s32 s2, $0x0  }
0x8a: {  	s3 =	rddreg [dreg:$0x2];
	[bflag:$0x3] =	sbarrier.arrive $0xFFFF;
	s2 =	simm.s32 @!p0 $0x1C07  }
0x8b: {  	[timem:s3], [sflag:s2] =	dma.local @!p0 [hbm:s0], s1  }
0x8c: {  	s0 =	simm.s32 @!p0 $0x7  }
0x8d: {  	_ =	swait.ge @!p0 [sflag:s0], s1  }
0x8e: {  	s1 =	ssub.s32 @!p0 $0x0, s1;
	[sflag:s0] =	ssyncset.done @!p0 $0x0  }
0x8f: {  	[sflag:s0] =	ssyncadd.s32 @!p0 s1  }
0x90: {  	[bflag:$0x3] =	sbarrier.arrive $0xFFFF  }
0x91: {  	_ =	shalt  }

// kernel: kernel.21.cloned.1.call-start
scs
__scs_entry_jumppad:
0x0: {  	(pc) =	sbr.rel $0x88, $3  }
0x1: {  	(tag) =	ssettag $0x0;
	lr =	simm.s32 $0x1  }
0x2: {  	[smem:$0x3F91] =	sst lr;
	_ =	strace $0xD0000000  }
0x3: {  	_ = 	snop  }
0x4: {  	_ = 	snop  }
0x5: {  	_ = 	snop  }
0x6: {  	_ = 	snop  }
0x7: {  	_ = 	snop  }
__scs_overlays_trampoline_lowered:
0x8: {  	[smem:$0x3FA0] =	sst s0  }
0x9: {  	[smem:$0x3FA1] =	sst s1  }
0xa: {  	[smem:$0x3FA2] =	sst s2  }
0xb: {  	[smem:$0x3FA3] =	sst s3  }
0xc: {  	[smem:$0x3FA4] =	sst s4  }
0xd: {  	[smem:$0x3FA5] =	sst s5  }
0xe: {  	[smem:$0x3FA6] =	sst s6  }
0xf: {  	[smem:$0x3FA7] =	sst s7  }
0x10: {  	[smem:$0x3FA8] =	sst s8  }
0x11: {  	[smem:$0x3FA9] =	sst s9;
	s0 =	simm.s32 @!p0 $0x0  }
0x12: {  	s1 =	sld [smem:$0x3F8F];
	s0 =	simm.s32 @p0 $0x1  }
0x13: {  	[smem:$0x3FAA] =	sst s0;
	s0 =	simm.s32 @!p1 $0x0  }
0x14: {  	s2 =	sld [smem:$0x3F8E];
	s0 =	simm.s32 @p1 $0x1  }
0x15: {  	[smem:$0x3FAB] =	sst s0;
	s0 =	simm.s32 @!p2 $0x0  }
0x16: {  	s3 =	sld [smem:$0x3FDB];
	s0 =	simm.s32 @p2 $0x1  }
0x17: {  	s4 =	simm.s32 $0x1BF5;
	[smem:$0x3FAD] =	sst s0  }
0x18: {  	s0 =	sld [smem:$0x3F90];
	_ =	swait.ge [sflag:s4], $0x0  }
0x19: {  	s7 =	sld [smem:$0x3F91]  }
0x1a: {  	s8 =	sadd.s32 $0xFFFFE003, lr  }
0x1b: {  	s9 =	sadd.s32 $0xFFFFFEF7, lr;
	s5 =	simm.s32 $0xFFFFFFFF;
	p2 =	slt.u32 s8, $0xFFFFF086  }
0x1c: {  	p1 =	slt.u32 s9, $0xF7A;
	s5 =	simm.s32 @!p2 $0x0  }
0x1d: {  	s5 =	simm.s32 @p1 $0x1;
	p0 =	seq.s32 s7, s2  }
0x1e: {  	s7 =	smul.u32 @!p0 $0xF7A, s2;
	p2 =	seq.s32 @!p0 s5, $0x0  }
0x1f: {  	s9 =	smul.u32 $0xF7A, s1;
	s8 =	simm.s32 @!p0 $0x1BF5;
	p2 =	por !p2, p0  }
0x20: {  	[sflag:s8] =	ssyncset.s32 @!p0 $0xFFFFF086;
	s6 =	sadd.s32 @!p0 s3, s7;
	s7 =	simm.s32 @!p0 $0x108  }
0x21: {  	s3 =	sadd.s32 s3, s9;
	s6 =	sadd.s32 @!p0 $0x88, s6;
	s7 =	simm.s32 @p2 $0x1082  }
0x22: {  	[simem:s7], [sflag:s8] =	dma.local @!p0 [hbm:s6], $0xF7A  }
0x23: {  	s9 =	sor.u32 $0xD0000000, s2;
	s6 =	simm.s32 $0x108;
	_ =	swait.ge @!p0 [sflag:s8], $0x0  }
0x24: {  	s3 =	sadd.s32 $0x88, s3;
	s6 =	simm.s32 @!p1 $0x1082;
	[sflag:s4] =	ssyncset.s32 $0xFFFFF086  }
0x25: {  	[simem:s6], [sflag:s4] =	dma.local [hbm:s3], $0xF7A  }
0x26: {  	[smem:$0x3F91] =	sst s1;
	(tag) =	ssettag s2;
	_ =	strace s9  }
0x27: {  	s1 =	sld [smem:$0x3FA1]  }
0x28: {  	s2 =	sld [smem:$0x3FA2]  }
0x29: {  	s4 =	sld [smem:$0x3FA4]  }
0x2a: {  	p0 =	seq.s32 s5, $0x0;
	s5 =	sld [smem:$0x3FA5]  }
0x2b: {  	s6 =	sld [smem:$0x3FA6]  }
0x2c: {  	s7 =	sld [smem:$0x3FA7]  }
0x2d: {  	s3 =	simm.s32 $0x108;
	s8 =	sld [smem:$0x3FA8]  }
0x2e: {  	s3 =	simm.s32 @!p0 $0x1082;
	s9 =	sld [smem:$0x3FA9]  }
0x2f: {  	lr =	sadd.s32 s0, s3;
	s0 =	sld [smem:$0x3FA0]  }
0x30: {  	s3 =	sld [smem:$0x3FA3]  }
0x31: {  	[smem:$0x3FAC] =	sst s10  }
0x32: {  	s10 =	sld [smem:$0x3FAA];
	_ =	sdelay $0x3  }
0x33: {  	p0 =	seq.s32 s10, $0x1;
	s10 =	sld [smem:$0x3FAC];
	_ =	sdelay $0x3  }
0x34: {  	[smem:$0x3FAC] =	sst s10  }
0x35: {  	s10 =	sld [smem:$0x3FAB];
	_ =	sdelay $0x3  }
0x36: {  	p1 =	seq.s32 s10, $0x1;
	s10 =	sld [smem:$0x3FAC];
	_ =	sdelay $0x3  }
0x37: {  	[smem:$0x3FAC] =	sst s10  }
0x38: {  	s10 =	sld [smem:$0x3FAD]  }
0x39: {  	_ = 	snop;
	(pc) =	sbr.ind lr, $3  }
0x3a: {  	_ = 	snop  }
0x3b: {  	_ = 	snop  }
0x3c: {  	p2 =	seq.s32 s10, $0x1;
	s10 =	sld [smem:$0x3FAC]  }
0x3d: {  	_ =	shalt  }
0x3e: {  	_ =	shalt  }
0x3f: {  	_ =	shalt  }
0x40: {  	_ =	shalt  }
0x41: {  	_ =	shalt  }
0x42: {  	_ =	shalt  }
0x43: {  	_ =	shalt  }
0x44: {  	_ =	shalt  }
0x45: {  	_ =	shalt  }
0x46: {  	_ =	shalt  }
0x47: {  	_ =	shalt  }
0x48: {  	_ =	shalt  }
0x49: {  	_ =	shalt  }
0x4a: {  	_ =	shalt  }
0x4b: {  	_ =	shalt  }
0x4c: {  	_ =	shalt  }
0x4d: {  	_ =	shalt  }
0x4e: {  	_ =	shalt  }
0x4f: {  	_ =	shalt  }
0x50: {  	_ =	shalt  }
0x51: {  	_ =	shalt  }
0x52: {  	_ =	shalt  }
0x53: {  	_ =	shalt  }
0x54: {  	_ =	shalt  }
0x55: {  	_ =	shalt  }
0x56: {  	_ =	shalt  }
0x57: {  	_ =	shalt  }
0x58: {  	_ =	shalt  }
0x59: {  	_ =	shalt  }
0x5a: {  	_ =	shalt  }
0x5b: {  	_ =	shalt  }
0x5c: {  	_ =	shalt  }
0x5d: {  	_ =	shalt  }
0x5e: {  	_ =	shalt  }
0x5f: {  	_ =	shalt  }
0x60: {  	_ =	shalt  }
0x61: {  	_ =	shalt  }
0x62: {  	_ =	shalt  }
0x63: {  	_ =	shalt  }
0x64: {  	_ =	shalt  }
0x65: {  	_ =	shalt  }
0x66: {  	_ =	shalt  }
0x67: {  	_ =	shalt  }
0x68: {  	_ =	shalt  }
0x69: {  	_ =	shalt  }
0x6a: {  	_ =	shalt  }
0x6b: {  	_ =	shalt  }
0x6c: {  	_ =	shalt  }
0x6d: {  	_ =	shalt  }
0x6e: {  	_ =	shalt  }
0x6f: {  	_ =	shalt  }
0x70: {  	_ =	shalt  }
0x71: {  	_ =	shalt  }
0x72: {  	_ =	shalt  }
0x73: {  	_ =	shalt  }
0x74: {  	_ =	shalt  }
0x75: {  	_ =	shalt  }
0x76: {  	_ =	shalt  }
0x77: {  	_ =	shalt  }
0x78: {  	_ =	shalt  }
0x79: {  	_ =	shalt  }
0x7a: {  	_ =	shalt  }
0x7b: {  	_ =	shalt  }
0x7c: {  	_ =	shalt  }
0x7d: {  	_ =	shalt  }
0x7e: {  	_ =	shalt  }
0x7f: {  	_ =	shalt  }
0x80: {  	_ =	shalt  }
0x81: {  	_ =	shalt  }
0x82: {  	_ =	shalt  }
0x83: {  	_ =	shalt  }
0x84: {  	_ =	shalt  }
0x85: {  	_ =	shalt  }
0x86: {  	_ =	shalt  }
0x87: {  	_ =	shalt  }
.Lfunc_end0:
.L_simem_size_0:
called_computation.3_lowered:
.L_overlay_start_0:
0x88: {  	s2 =	sld [smem:$0x3FD9]  }
0x89: {  	s3 =	sld [smem:$0x3FFE];
	_ =	sdelay $0x1  }
0x8a: {  	s1 =	srdreg.scid  }
0x8b: {  	s0 =	sand.u32 $0x1, s1  }
0x8c: {  	s17 =	sshll.u32 s0, $0xA;
	s2 =	sadd.s32 s3, s2  }
0x8d: {  	s2 =	sadd.s32 s2, s17  }
0x8e: {  	[smem:$0x3FB8] =	sst s2  }
0x8f: {  	_ = 	snop  }
0x90: {  	s2 =	sld [smem:$0x3FD0];
	(tm) =	ssettm $0x1  }
0x91: {  	s18 =	sld [smem:$0x3FFB];
	_ =	sdelay $0x3  }
0x92: {  	_ =	strace s18  }
0x93: {  	s3 =	sld [smem:$0x3FFC];
	_ =	sdelay $0x3  }
0x94: {  	_ =	strace s3  }
0x95: {  	s3 =	sld [smem:$0x3FFD];
	_ =	sdelay $0x3  }
0x96: {  	_ =	strace s3  }
0x97: {  	_ =	strace $0x8FFFFFFF  }
0x98: {  	s19 =	sld [smem:$0x3FDB];
	_ =	sdelay $0x1  }
0x99: {  	s4 =	simm.s32 $_scs_section_size  }
0x9a: {  	s5 =	simm.s32 $_size__tile_overlayer_lowered;
	s6 =	simm.s32 $_tile_overlayer_lowered  }
0x9b: {  	s22 =	simm.s32 $0x1BFF;
	s21 =	sshll.u32 s6, $0x1;
	s3 =	sadd.s32 s4, s19  }
0x9c: {  	s7 =	simm.s32 $0x0;
	s20 =	sshll.u32 s5, $0x1;
	s5 =	sadd.s32 s21, s3  }
0x9d: {  	[timem:s7], [sflag:s22] =	dma.local [hbm:s5], s20  }
0x9e: {  	_ =	swait.ge [sflag:s22], s20  }
0x9f: {  	s4 =	ssub.s32 $0x0, s20;
	[sflag:s22] =	ssyncset.done $0x0  }
0xa0: {  	[sflag:s22] =	ssyncadd.s32 s4;
	_ =	sdelay $0x1  }
0xa1: {  	s23 =	simm.s32 $0x1B8B  }
0xa2: {  	_ =	swait.ge [sflag:s23], $0x1  }
0xa3: {  	[sflag:s23] =	ssyncset.done $0x0  }
0xa4: {  	s25 =	simm.s32 $0x1B8E;
	s24 =	sld [smem:$0x3FFE];
	[sflag:s23] =	ssyncadd.s32 $0xFFFFFFFF  }
0xa5: {  	s26 =	simm.s32 $execute0_lowered;
	[smem:$0x3FD2] =	sst s25  }
0xa6: {  	s5 =	sshll.u32 s26, $0x1;
	_ =	strace $0x8000004F;
	[dreg:$0x1] =	wrdreg $0xFFFFFFFF  }
0xa7: {  	s28 =	simm.s32 $_size_execute0_lowered;
	s3 =	sadd.s32 s3, s5;
	[dreg:$0x0] =	wrdreg $0x0  }
0xa8: {  	s5 =	sshll.u32 s28, $0x1;
	[dreg:$0x2] =	wrdreg s3  }
0xa9: {  	[dreg:$0x3] =	wrdreg s5  }
0xaa: {  	[dreg:$0x4] =	wrdreg $0xC0  }
0xab: {  	_ =	task [dreg:s7], $0x5FFFF  }
0xac: {  	[dreg:$0x1] =	wrdreg $0xFFFFFFFF  }
0xad: {  	[dreg:$0x0] =	wrdreg $0x60  }
0xae: {  	[dreg:$0x2] =	wrdreg s24  }
0xaf: {  	[dreg:$0x3] =	wrdreg s2  }
0xb0: {  	[dreg:$0x4] =	wrdreg $0xC6200  }
0xb1: {  	[dreg:$0x5] =	wrdreg $0x9  }
0xb2: {  	_ =	task.clear_ibuf [dreg:s7], $0x6FFFF;
	_ =	strace $0x9000004F  }
0xb3: {  	s29 =	simm.s32 $0x9;
	_ =	strace $0x80000051  }
0xb4: {  	_ =	swait.ge [sflag:s29], $0x1  }
0xb5: {  	[sflag:s29] =	ssyncadd.s32 $0xFFFFFFFF  }
0xb6: {  	_ =	strace $0x90000051  }
0xb7: {  	_ =	sfence  }
0xb8: {  	s30 =	sld [smem:$0x0];
	_ =	sdelay $0x2  }
0xb9: {  	s31 =	sshll.u32 s1, $0xD;
	s1 =	sshrl.u32 s1, $0x2  }
0xba: {  	s3 =	sand.u32 $0x4000, s31;
	s1 =	sadd.s32 s1, s30  }
0xbb: {  	s0 =	sor.u32 s3, s0;
	s1 =	sshll.u32 s1, $0x11  }
0xbc: {  	s0 =	sor.u32 s1, s0  }
0xbd: {  	s0 =	sadd.s32 $0x8F2B, s0  }
0xbe: {  	[sflag:s0] =	ssyncadd.remote.s32 $0x1  }
0xbf: {  	_ =	sfence.sel $0xFFFF  }
0xc0: {  	[dreg:$0x0] =	wrdreg $0xFFFFFFFF;
	(pc) =	sbr.abs _section_cstart, $3  }
0xc1: {  	[dreg:$0x1] =	wrdreg $0xFFFFFFFF  }
0xc2: {  	_ =	task.clear_ibuf [dreg:s7], $0x2FFFF;
	_ =	strace $0x9FFFFFFF  }
0xc3: {  	(tm) =	ssettm $0x7FFFFFFF  }
tec
execute0_lowered:
.L_overlay_start_1:
0x0: {  	(tag) =	ssettag $0x1  }
0x1: {  	s0 =	srdreg.scid;
	s1 =	rddreg [dreg:$0x0]  }
0x2: {  	s10 =	stileid.u32;
	s2 =	rddreg [dreg:$0x1]  }
0x3: {  	s12 =	simm.s32 $0x7;
	s13 =	simm.s32 $0x2710;
	s14 =	simm.s32 $0x50  }
0x4: {  	s15 =	simm.s32 $0x4E20;
	s16 =	simm.s32 $0x7620;
	s17 =	simm.s32 $0x1  }
0x5: {  	s19 =	simm.s32 $0x9E20;
	s20 =	simm.s32 $0x2;
	s22 =	simm.s32 $0x4  }
0x6: {  	s28 =	simm.s32 $0x140;
	s29 =	simm.s32 $0x6;
	s7 =	smul.u32 $0x271, s10  }
0x7: {  	s30 =	simm.s32 $0x4D80;
	s31 =	simm.s32 $0x4DD0;
	s8 =	smul.u32 $0x4E2, s10  }
0x8: {  	s0 =	sand.u32 $0x1, s0;
	s24 =	smul.u32 $0x4E200, s10;
	s26 =	sshll.u32 s10, $0x6  }
0x9: {  	s3 =	sshll.u32 s0, $0x4;
	s6 =	smul.u32 $0x2710, s0;
	s0 =	ssub.s32 $0x2, s0  }
0xa: {  	s4 =	sor.u32 s10, s3;
	s3 =	rddreg [dreg:$0x2];
	s8 =	sadd.s32 s8, s1  }
0xb: {  	s25 =	sshrl.u32 s0, $0x1;
	s5 =	smul.u32 $0x4E2, s4;
	s4 =	simm.s32 $0x0  }
0xc: {  	s23 =	sadd.s32 s7, s6;
	s6 =	sshrl.u32 s24, $0x2;
	s0 =	ssub.s32 s0, s25  }
0xd: {  	s8 =	sadd.s32 $0x5000, s8;
	s24 =	simm.s32 $0x3;
	s25 =	simm.s32 $0x27B0  }
0xe: {  	[smem:$0x7FF] =	sst s4;
	s11 =	sadd.s32 s6, s3;
	s6 =	sor.u32 $0x1C07, s26  }
0xf: {  	s10 =	smax.u32 s0, $0x1;
	s26 =	simm.s32 $0x5;
	_ =	strace $0x80000050  }
0x10: {  	s9 =	sadd.s32 s5, s1;
	s5 =	sshll.u32 s23, $0x4;
	s11 =	sshrl.u32 s11, $0x3  }
0x11: {  	s23 =	simm.s32 $0xF0;
	s1 =	sadd.s32 s5, s1;
	s5 =	sadd.s32 s2, s5  }
0x12: {  	s7 =	sadd.s32 $0xF200, s9;
	s9 =	sadd.s32 $0xB5400, s1;
	s1 =	simm.s32 $0x0  }
.LBB2_1:
0x13: {  	[spmem:s11], [sflag:s6] =	dma.local [hbm:s5], $0x2710  }
0x14: {  	_ =	swait.ge [sflag:s12], $0x2710  }
0x15: {  	[sflag:s12] =	ssyncset.done $0x0  }
0x16: {  	[sflag:s12] =	ssyncadd.s32 $0xFFFFD8F0  }
0x17: {  	[tilespmem:s4], [sflag:$0x7] =	stream.linear.gather [hbm4b:s7+s4], $0x2710, $0x38;
	[tilespmem:$0x1FEA0] =	vst v63  }
0x18: {  	_ =	swait.ge [sflag:s12], $0x2710  }
0x19: {  	[sflag:s12] =	ssyncset.done $0x0  }
0x1a: {  	[sflag:s12] =	ssyncadd.s32 $0xFFFFD8F0  }
0x1b: {  	[tilespmem:s13], [sflag:$0x7] =	stream.linear.gather [hbm4b:s8+s4], $0x2710, $0x38;
	[tilespmem:$0x1FEA0] =	vst v63  }
0x1c: {  	_ =	swait.ge [sflag:s12], $0x2710  }
0x1d: {  	[sflag:s12] =	ssyncset.done $0x0  }
0x1e: {  	[sflag:s12] =	ssyncadd.s32 $0xFFFFD8F0  }
0x1f: {  	[bflag:$0x0] =	sbarrier.arrive $0xFFFF  }
0x20: {  	[tilespmem:s15], [sflag:$0x1] =	stream.indirect.gather [hbm4b:s2+s14], $0x80, s4, s14, $0xb8;
	[tilespmem:$0x1FEA0] =	vst v63  }
0x21: {  	_ = 	snop  }
0x22: {  	[tilespmem:s16], [sflag:$0x2] =	stream.indirect.gather [hbm4b:s2+s14], $0x80, s14, s14, $0xb8;
	[tilespmem:$0x1FEA0] =	vst v63  }
0x23: {  	_ =	swait.ge [sflag:s17], $0x2800  }
0x24: {  	[sflag:s17] =	ssyncset.done $0x0  }
0x25: {  	[sflag:s17] =	ssyncadd.s32 $0xFFFFD800  }
0x26: {  	[spmem:s3] =	stream.indirect.scatter.add.f32 [tilespmem:s15], [sflag:$0x4], $0x80, s13, s14, $0xb8;
	[tilespmem:$0x1FEA0] =	vst v63  }
0x27: {  	s0 =	simm.s32 $0xA0  }
0x28: {  	[tilespmem:s19], [sflag:$0x3] =	stream.indirect.gather [hbm4b:s2+s14], $0x80, s0, s14, $0xb8;
	[tilespmem:$0x1FEA0] =	vst v63  }
0x29: {  	_ =	swait.ge [sflag:s20], $0x2800  }
0x2a: {  	[sflag:s20] =	ssyncset.done $0x0  }
0x2b: {  	s18 =	simm.s32 $0x2760;
	[sflag:s20] =	ssyncadd.s32 $0xFFFFD800  }
0x2c: {  	[spmem:s3] =	stream.indirect.scatter.add.f32 [tilespmem:s16], [sflag:$0x5], $0x80, s18, s14, $0xb8;
	[tilespmem:$0x1FEA0] =	vst v63  }
0x2d: {  	_ =	swait.ge [sflag:s22], $0x2800  }
0x2e: {  	[sflag:s22] =	ssyncset.done $0x0  }
0x2f: {  	[sflag:s22] =	ssyncadd.s32 $0xFFFFD800  }
0x30: {  	[tilespmem:s15], [sflag:$0x1] =	stream.indirect.gather [hbm4b:s2+s14], $0x80, s23, s14, $0xb8;
	[tilespmem:$0x1FEA0] =	vst v63  }
0x31: {  	_ =	swait.ge [sflag:s24], $0x2800  }
0x32: {  	[sflag:s24] =	ssyncset.done $0x0  }
0x33: {  	[sflag:s24] =	ssyncadd.s32 $0xFFFFD800  }
0x34: {  	[spmem:s3] =	stream.indirect.scatter.add.f32 [tilespmem:s19], [sflag:$0x6], $0x80, s25, s14, $0xb8;
	[tilespmem:$0x1FEA0] =	vst v63  }
0x35: {  	_ =	swait.ge [sflag:s26], $0x2800  }
0x36: {  	[sflag:s26] =	ssyncset.done $0x0  }
0x37: {  	[sflag:s26] =	ssyncadd.s32 $0xFFFFD800  }
0x38: {  	[tilespmem:s16], [sflag:$0x2] =	stream.indirect.gather [hbm4b:s2+s14], $0x80, s28, s14, $0xb8;
	[tilespmem:$0x1FEA0] =	vst v63  }
0x39: {  	_ =	swait.ge [sflag:s17], $0x2800  }
0x3a: {  	[sflag:s17] =	ssyncset.done $0x0  }
0x3b: {  	s21 =	simm.s32 $0x2800;
	[sflag:s17] =	ssyncadd.s32 $0xFFFFD800  }
0x3c: {  	[spmem:s3] =	stream.indirect.scatter.add.f32 [tilespmem:s15], [sflag:$0x4], $0x80, s21, s14, $0xb8;
	[tilespmem:$0x1FEA0] =	vst v63  }
0x3d: {  	_ =	swait.ge [sflag:s29], $0x2800  }
0x3e: {  	[sflag:s29] =	ssyncset.done $0x0  }
0x3f: {  	s18 =	simm.s32 $0x190;
	[sflag:s29] =	ssyncadd.s32 $0xFFFFD800  }
0x40: {  	[tilespmem:s19], [sflag:$0x3] =	stream.indirect.gather [hbm4b:s2+s14], $0x80, s18, s14, $0xb8;
	[tilespmem:$0x1FEA0] =	vst v63  }
0x41: {  	_ =	swait.ge [sflag:s20], $0x2800  }
0x42: {  	[sflag:s20] =	ssyncset.done $0x0  }
0x43: {  	s21 =	simm.s32 $0x2850;
	[sflag:s20] =	ssyncadd.s32 $0xFFFFD800  }
0x44: {  	[spmem:s3] =	stream.indirect.scatter.add.f32 [tilespmem:s16], [sflag:$0x5], $0x80, s21, s14, $0xb8;
	[tilespmem:$0x1FEA0] =	vst v63  }
0x45: {  	_ =	swait.ge [sflag:s22], $0x2800  }
0x46: {  	[sflag:s22] =	ssyncset.done $0x0  }
0x47: {  	s18 =	simm.s32 $0x1E0;
	[sflag:s22] =	ssyncadd.s32 $0xFFFFD800  }
0x48: {  	[tilespmem:s15], [sflag:$0x1] =	stream.indirect.gather [hbm4b:s2+s14], $0x80, s18, s14, $0xb8;
	[tilespmem:$0x1FEA0] =	vst v63  }
0x49: {  	_ =	swait.ge [sflag:s24], $0x2800  }
0x4a: {  	[sflag:s24] =	ssyncset.done $0x0  }
0x4b: {  	s21 =	simm.s32 $0x28A0;
	[sflag:s24] =	ssyncadd.s32 $0xFFFFD800  }
0x4c: {  	[spmem:s3] =	stream.indirect.scatter.add.f32 [tilespmem:s19], [sflag:$0x6], $0x80, s21, s14, $0xb8;
	[tilespmem:$0x1FEA0] =	vst v63  }
0x4d: {  	_ =	swait.ge [sflag:s26], $0x2800  }
0x4e: {  	[sflag:s26] =	ssyncset.done $0x0  }
0x4f: {  	s0 =	simm.s32 $0x3C0;
	s18 =	simm.s32 $0x230;
	[sflag:s26] =	ssyncadd.s32 $0xFFFFD800  }
.LBB2_2:
0x50: {  	[tilespmem:s16], [sflag:$0x2] =	stream.indirect.gather [hbm4b:s2+s14], $0x80, s18, s14, $0xb8;
	[tilespmem:$0x1FEA0] =	vst v63  }
0x51: {  	s18 =	smov.u32 s0  }
0x52: {  	p0 =	sne.s32 s0, $0x9240;
	s0 =	sadd.s32 $0x3C0, s0;
	_ =	swait.ge [sflag:s17], $0x2800  }
0x53: {  	s18 =	sshra.s32 s18, $0x2;
	[sflag:s17] =	ssyncset.done $0x0  }
0x54: {  	s21 =	sadd.s32 $0x2800, s18;
	[sflag:s17] =	ssyncadd.s32 $0xFFFFD800  }
0x55: {  	[spmem:s3] =	stream.indirect.scatter.add.f32 [tilespmem:s15], [sflag:$0x4], $0x80, s21, s14, $0xb8;
	[tilespmem:$0x1FEA0] =	vst v63  }
0x56: {  	_ =	swait.ge [sflag:s29], $0x2800  }
0x57: {  	[sflag:s29] =	ssyncset.done $0x0  }
0x58: {  	s21 =	sadd.s32 $0x190, s18;
	[sflag:s29] =	ssyncadd.s32 $0xFFFFD800  }
0x59: {  	[tilespmem:s19], [sflag:$0x3] =	stream.indirect.gather [hbm4b:s2+s14], $0x80, s21, s14, $0xb8;
	[tilespmem:$0x1FEA0] =	vst v63  }
0x5a: {  	_ =	swait.ge [sflag:s20], $0x2800  }
0x5b: {  	[sflag:s20] =	ssyncset.done $0x0  }
0x5c: {  	s21 =	sadd.s32 $0x2850, s18;
	[sflag:s20] =	ssyncadd.s32 $0xFFFFD800  }
0x5d: {  	[spmem:s3] =	stream.indirect.scatter.add.f32 [tilespmem:s16], [sflag:$0x5], $0x80, s21, s14, $0xb8;
	[tilespmem:$0x1FEA0] =	vst v63  }
0x5e: {  	_ =	swait.ge [sflag:s22], $0x2800  }
0x5f: {  	[sflag:s22] =	ssyncset.done $0x0  }
0x60: {  	s21 =	sadd.s32 $0x1E0, s18;
	[sflag:s22] =	ssyncadd.s32 $0xFFFFD800  }
0x61: {  	[tilespmem:s15], [sflag:$0x1] =	stream.indirect.gather [hbm4b:s2+s14], $0x80, s21, s14, $0xb8;
	[tilespmem:$0x1FEA0] =	vst v63  }
0x62: {  	_ =	swait.ge [sflag:s24], $0x2800  }
0x63: {  	[sflag:s24] =	ssyncset.done $0x0  }
.Ltmp0:
0x64: {  	s21 =	sadd.s32 $0x28A0, s18;
	[sflag:s24] =	ssyncadd.s32 $0xFFFFD800;
	(pc) =	sbr.rel @p0 .LBB2_2-.Ltmp0, $4  }
0x65: {  	[spmem:s3] =	stream.indirect.scatter.add.f32 [tilespmem:s19], [sflag:$0x6], $0x80, s21, s14, $0xb8;
	[tilespmem:$0x1FEA0] =	vst v63  }
0x66: {  	_ =	swait.ge [sflag:s26], $0x2800  }
0x67: {  	[sflag:s26] =	ssyncset.done $0x0  }
0x68: {  	s18 =	sadd.s32 $0x230, s18;
	[sflag:s26] =	ssyncadd.s32 $0xFFFFD800  }
0x69: {  	[tilespmem:s16], [sflag:$0x2] =	stream.indirect.gather [hbm4b:s2+s14], $0x80, s18, s14, $0xb8;
	[tilespmem:$0x1FEA0] =	vst v63  }
0x6a: {  	_ =	swait.ge [sflag:s17], $0x2800  }
0x6b: {  	[sflag:s17] =	ssyncset.done $0x0  }
0x6c: {  	[sflag:s17] =	ssyncadd.s32 $0xFFFFD800  }
0x6d: {  	[spmem:s3] =	stream.indirect.scatter.add.f32 [tilespmem:s15], [sflag:$0x4], $0x80, s30, s14, $0xb8;
	[tilespmem:$0x1FEA0] =	vst v63  }
0x6e: {  	_ =	swait.ge [sflag:s20], $0x2800  }
0x6f: {  	[sflag:s20] =	ssyncset.done $0x0  }
0x70: {  	[sflag:s20] =	ssyncadd.s32 $0xFFFFD800  }
0x71: {  	[spmem:s3] =	stream.indirect.scatter.add.f32 [tilespmem:s16], [sflag:$0x5], $0x80, s31, s14, $0xb8;
	[tilespmem:$0x1FEA0] =	vst v63  }
0x72: {  	_ =	swait.ge [sflag:s29], $0x2800  }
0x73: {  	[sflag:s29] =	ssyncset.done $0x0  }
0x74: {  	[sflag:s29] =	ssyncadd.s32 $0xFFFFD800  }
0x75: {  	_ =	swait.ge [sflag:s22], $0x2800  }
0x76: {  	[sflag:s22] =	ssyncset.done $0x0  }
0x77: {  	[sflag:s22] =	ssyncadd.s32 $0xFFFFD800  }
0x78: {  	_ =	swait.ge [sflag:s26], $0x2800  }
0x79: {  	s1 =	sadd.s32 $0x1, s1;
	[sflag:s26] =	ssyncset.done $0x0  }
0x7a: {  	p0 =	sne.s32 s1, s10;
	[sflag:s26] =	ssyncadd.s32 $0xFFFFD800  }
.Ltmp1:
0x7b: {  	[bflag:$0x0] =	sbarrier.arrive $0xFFFF;
	(pc) =	sbr.rel @p0 .LBB2_1-.Ltmp1, $4  }
0x7c: {  	[hbm:s9], [sflag:s6] =	dma.local [spmem:s11], $0x2710  }
0x7d: {  	_ =	swait.ge [sflag:s12], $0x2710  }
0x7e: {  	[sflag:s12] =	ssyncset.done $0x0  }
0x7f: {  	[sflag:s12] =	ssyncadd.s32 $0xFFFFD8F0  }
0x80: {  	_ =	sfence.sel $0x180000  }
0x81: {  	[bflag:$0x0] =	sbarrier.arrive $0xFFFF  }
0x82: {  	_ =	strace $0x90000050  }
0x83: {  	s0 =	stileid.u32;
	[bflag:$0x2] =	sbarrier.arrive $0xFFFF  }
0x84: {  	p0 =	sne.s32 s0, $0x0;
	s0 =	rddreg [dreg:$0x3]  }
0x85: {  	s0 =	sadd.s32 @!p0 $0x100000, s0  }
0x86: {  	[sflag:s0] =	ssyncadd.tile.s32 @!p0 $0x1;
	_ =	shalt  }
.Lfunc_end2:
_tile_overlayer_lowered:
.L_overlay_start_2:
0x87: {  	(tag) =	ssettag $0x2  }
0x88: {  	s0 =	rddreg [dreg:$0x0];
	s2 =	stileid.u32  }
0x89: {  	s1 =	rddreg [dreg:$0x1];
	p0 =	sne.s32 s2, $0x0  }
0x8a: {  	s3 =	rddreg [dreg:$0x2];
	[bflag:$0x3] =	sbarrier.arrive $0xFFFF;
	s2 =	simm.s32 @!p0 $0x1C07  }
0x8b: {  	[timem:s3], [sflag:s2] =	dma.local @!p0 [hbm:s0], s1  }
0x8c: {  	s0 =	simm.s32 @!p0 $0x7  }
0x8d: {  	_ =	swait.ge @!p0 [sflag:s0], s1  }
0x8e: {  	s1 =	ssub.s32 @!p0 $0x0, s1;
	[sflag:s0] =	ssyncset.done @!p0 $0x0  }
0x8f: {  	[sflag:s0] =	ssyncadd.s32 @!p0 s1  }
0x90: {  	[bflag:$0x3] =	sbarrier.arrive $0xFFFF  }
0x91: {  	_ =	shalt  }

// kernel: kernel.24.cloned.1.call-start
scs
__scs_entry_jumppad:
0x0: {  	(pc) =	sbr.rel $0x88, $3  }
0x1: {  	(tag) =	ssettag $0x0;
	lr =	simm.s32 $0x1  }
0x2: {  	[smem:$0x3F91] =	sst lr;
	_ =	strace $0xD0000000  }
0x3: {  	_ = 	snop  }
0x4: {  	_ = 	snop  }
0x5: {  	_ = 	snop  }
0x6: {  	_ = 	snop  }
0x7: {  	_ = 	snop  }
__scs_overlays_trampoline_lowered:
0x8: {  	[smem:$0x3FA0] =	sst s0  }
0x9: {  	[smem:$0x3FA1] =	sst s1  }
0xa: {  	[smem:$0x3FA2] =	sst s2  }
0xb: {  	[smem:$0x3FA3] =	sst s3  }
0xc: {  	[smem:$0x3FA4] =	sst s4  }
0xd: {  	[smem:$0x3FA5] =	sst s5  }
0xe: {  	[smem:$0x3FA6] =	sst s6  }
0xf: {  	[smem:$0x3FA7] =	sst s7  }
0x10: {  	[smem:$0x3FA8] =	sst s8  }
0x11: {  	[smem:$0x3FA9] =	sst s9;
	s0 =	simm.s32 @!p0 $0x0  }
0x12: {  	s1 =	sld [smem:$0x3F8F];
	s0 =	simm.s32 @p0 $0x1  }
0x13: {  	[smem:$0x3FAA] =	sst s0;
	s0 =	simm.s32 @!p1 $0x0  }
0x14: {  	s2 =	sld [smem:$0x3F8E];
	s0 =	simm.s32 @p1 $0x1  }
0x15: {  	[smem:$0x3FAB] =	sst s0;
	s0 =	simm.s32 @!p2 $0x0  }
0x16: {  	s3 =	sld [smem:$0x3FDB];
	s0 =	simm.s32 @p2 $0x1  }
0x17: {  	s4 =	simm.s32 $0x1BF5;
	[smem:$0x3FAD] =	sst s0  }
0x18: {  	s0 =	sld [smem:$0x3F90];
	_ =	swait.ge [sflag:s4], $0x0  }
0x19: {  	s7 =	sld [smem:$0x3F91]  }
0x1a: {  	s8 =	sadd.s32 $0xFFFFE003, lr  }
0x1b: {  	s9 =	sadd.s32 $0xFFFFFEF7, lr;
	s5 =	simm.s32 $0xFFFFFFFF;
	p2 =	slt.u32 s8, $0xFFFFF086  }
0x1c: {  	p1 =	slt.u32 s9, $0xF7A;
	s5 =	simm.s32 @!p2 $0x0  }
0x1d: {  	s5 =	simm.s32 @p1 $0x1;
	p0 =	seq.s32 s7, s2  }
0x1e: {  	s7 =	smul.u32 @!p0 $0xF7A, s2;
	p2 =	seq.s32 @!p0 s5, $0x0  }
0x1f: {  	s9 =	smul.u32 $0xF7A, s1;
	s8 =	simm.s32 @!p0 $0x1BF5;
	p2 =	por !p2, p0  }
0x20: {  	[sflag:s8] =	ssyncset.s32 @!p0 $0xFFFFF086;
	s6 =	sadd.s32 @!p0 s3, s7;
	s7 =	simm.s32 @!p0 $0x108  }
0x21: {  	s3 =	sadd.s32 s3, s9;
	s6 =	sadd.s32 @!p0 $0x88, s6;
	s7 =	simm.s32 @p2 $0x1082  }
0x22: {  	[simem:s7], [sflag:s8] =	dma.local @!p0 [hbm:s6], $0xF7A  }
0x23: {  	s9 =	sor.u32 $0xD0000000, s2;
	s6 =	simm.s32 $0x108;
	_ =	swait.ge @!p0 [sflag:s8], $0x0  }
0x24: {  	s3 =	sadd.s32 $0x88, s3;
	s6 =	simm.s32 @!p1 $0x1082;
	[sflag:s4] =	ssyncset.s32 $0xFFFFF086  }
0x25: {  	[simem:s6], [sflag:s4] =	dma.local [hbm:s3], $0xF7A  }
0x26: {  	[smem:$0x3F91] =	sst s1;
	(tag) =	ssettag s2;
	_ =	strace s9  }
0x27: {  	s1 =	sld [smem:$0x3FA1]  }
0x28: {  	s2 =	sld [smem:$0x3FA2]  }
0x29: {  	s4 =	sld [smem:$0x3FA4]  }
0x2a: {  	p0 =	seq.s32 s5, $0x0;
	s5 =	sld [smem:$0x3FA5]  }
0x2b: {  	s6 =	sld [smem:$0x3FA6]  }
0x2c: {  	s7 =	sld [smem:$0x3FA7]  }
0x2d: {  	s3 =	simm.s32 $0x108;
	s8 =	sld [smem:$0x3FA8]  }
0x2e: {  	s3 =	simm.s32 @!p0 $0x1082;
	s9 =	sld [smem:$0x3FA9]  }
0x2f: {  	lr =	sadd.s32 s0, s3;
	s0 =	sld [smem:$0x3FA0]  }
0x30: {  	s3 =	sld [smem:$0x3FA3]  }
0x31: {  	[smem:$0x3FAC] =	sst s10  }
0x32: {  	s10 =	sld [smem:$0x3FAA];
	_ =	sdelay $0x3  }
0x33: {  	p0 =	seq.s32 s10, $0x1;
	s10 =	sld [smem:$0x3FAC];
	_ =	sdelay $0x3  }
0x34: {  	[smem:$0x3FAC] =	sst s10  }
0x35: {  	s10 =	sld [smem:$0x3FAB];
	_ =	sdelay $0x3  }
0x36: {  	p1 =	seq.s32 s10, $0x1;
	s10 =	sld [smem:$0x3FAC];
	_ =	sdelay $0x3  }
0x37: {  	[smem:$0x3FAC] =	sst s10  }
0x38: {  	s10 =	sld [smem:$0x3FAD]  }
0x39: {  	_ = 	snop;
	(pc) =	sbr.ind lr, $3  }
0x3a: {  	_ = 	snop  }
0x3b: {  	_ = 	snop  }
0x3c: {  	p2 =	seq.s32 s10, $0x1;
	s10 =	sld [smem:$0x3FAC]  }
0x3d: {  	_ =	shalt  }
0x3e: {  	_ =	shalt  }
0x3f: {  	_ =	shalt  }
0x40: {  	_ =	shalt  }
0x41: {  	_ =	shalt  }
0x42: {  	_ =	shalt  }
0x43: {  	_ =	shalt  }
0x44: {  	_ =	shalt  }
0x45: {  	_ =	shalt  }
0x46: {  	_ =	shalt  }
0x47: {  	_ =	shalt  }
0x48: {  	_ =	shalt  }
0x49: {  	_ =	shalt  }
0x4a: {  	_ =	shalt  }
0x4b: {  	_ =	shalt  }
0x4c: {  	_ =	shalt  }
0x4d: {  	_ =	shalt  }
0x4e: {  	_ =	shalt  }
0x4f: {  	_ =	shalt  }
0x50: {  	_ =	shalt  }
0x51: {  	_ =	shalt  }
0x52: {  	_ =	shalt  }
0x53: {  	_ =	shalt  }
0x54: {  	_ =	shalt  }
0x55: {  	_ =	shalt  }
0x56: {  	_ =	shalt  }
0x57: {  	_ =	shalt  }
0x58: {  	_ =	shalt  }
0x59: {  	_ =	shalt  }
0x5a: {  	_ =	shalt  }
0x5b: {  	_ =	shalt  }
0x5c: {  	_ =	shalt  }
0x5d: {  	_ =	shalt  }
0x5e: {  	_ =	shalt  }
0x5f: {  	_ =	shalt  }
0x60: {  	_ =	shalt  }
0x61: {  	_ =	shalt  }
0x62: {  	_ =	shalt  }
0x63: {  	_ =	shalt  }
0x64: {  	_ =	shalt  }
0x65: {  	_ =	shalt  }
0x66: {  	_ =	shalt  }
0x67: {  	_ =	shalt  }
0x68: {  	_ =	shalt  }
0x69: {  	_ =	shalt  }
0x6a: {  	_ =	shalt  }
0x6b: {  	_ =	shalt  }
0x6c: {  	_ =	shalt  }
0x6d: {  	_ =	shalt  }
0x6e: {  	_ =	shalt  }
0x6f: {  	_ =	shalt  }
0x70: {  	_ =	shalt  }
0x71: {  	_ =	shalt  }
0x72: {  	_ =	shalt  }
0x73: {  	_ =	shalt  }
0x74: {  	_ =	shalt  }
0x75: {  	_ =	shalt  }
0x76: {  	_ =	shalt  }
0x77: {  	_ =	shalt  }
0x78: {  	_ =	shalt  }
0x79: {  	_ =	shalt  }
0x7a: {  	_ =	shalt  }
0x7b: {  	_ =	shalt  }
0x7c: {  	_ =	shalt  }
0x7d: {  	_ =	shalt  }
0x7e: {  	_ =	shalt  }
0x7f: {  	_ =	shalt  }
0x80: {  	_ =	shalt  }
0x81: {  	_ =	shalt  }
0x82: {  	_ =	shalt  }
0x83: {  	_ =	shalt  }
0x84: {  	_ =	shalt  }
0x85: {  	_ =	shalt  }
0x86: {  	_ =	shalt  }
0x87: {  	_ =	shalt  }
.Lfunc_end0:
.L_simem_size_0:
called_computation.4_lowered:
.L_overlay_start_0:
0x88: {  	s2 =	sld [smem:$0x3FD9]  }
0x89: {  	s3 =	sld [smem:$0x3FFE];
	_ =	sdelay $0x1  }
0x8a: {  	s1 =	srdreg.scid  }
0x8b: {  	s0 =	sand.u32 $0x1, s1  }
0x8c: {  	s17 =	sshll.u32 s0, $0xA;
	s2 =	sadd.s32 s3, s2  }
0x8d: {  	s2 =	sadd.s32 s2, s17  }
0x8e: {  	[smem:$0x3FB8] =	sst s2  }
0x8f: {  	_ = 	snop  }
0x90: {  	s2 =	sld [smem:$0x3FD0];
	(tm) =	ssettm $0x1  }
0x91: {  	s18 =	sld [smem:$0x3FFB];
	_ =	sdelay $0x3  }
0x92: {  	_ =	strace s18  }
0x93: {  	s3 =	sld [smem:$0x3FFC];
	_ =	sdelay $0x3  }
0x94: {  	_ =	strace s3  }
0x95: {  	s3 =	sld [smem:$0x3FFD];
	_ =	sdelay $0x3  }
0x96: {  	_ =	strace s3  }
0x97: {  	_ =	strace $0x8FFFFFFF  }
0x98: {  	s19 =	sld [smem:$0x3FDB];
	_ =	sdelay $0x1  }
0x99: {  	s4 =	simm.s32 $_scs_section_size  }
0x9a: {  	s5 =	simm.s32 $_size__tile_overlayer_lowered;
	s6 =	simm.s32 $_tile_overlayer_lowered  }
0x9b: {  	s22 =	simm.s32 $0x1BFF;
	s21 =	sshll.u32 s6, $0x1;
	s3 =	sadd.s32 s4, s19  }
0x9c: {  	s7 =	simm.s32 $0x0;
	s20 =	sshll.u32 s5, $0x1;
	s5 =	sadd.s32 s21, s3  }
0x9d: {  	[timem:s7], [sflag:s22] =	dma.local [hbm:s5], s20  }
0x9e: {  	_ =	swait.ge [sflag:s22], s20  }
0x9f: {  	s4 =	ssub.s32 $0x0, s20;
	[sflag:s22] =	ssyncset.done $0x0  }
0xa0: {  	[sflag:s22] =	ssyncadd.s32 s4;
	_ =	sdelay $0x1  }
0xa1: {  	s23 =	simm.s32 $0x1B8B  }
0xa2: {  	_ =	swait.ge [sflag:s23], $0x1  }
0xa3: {  	[sflag:s23] =	ssyncset.done $0x0  }
0xa4: {  	s25 =	simm.s32 $0x1B8E;
	s24 =	sld [smem:$0x3FFE];
	[sflag:s23] =	ssyncadd.s32 $0xFFFFFFFF  }
0xa5: {  	s26 =	simm.s32 $execute0_lowered;
	[smem:$0x3FD2] =	sst s25  }
0xa6: {  	s5 =	sshll.u32 s26, $0x1;
	_ =	strace $0x80000052;
	[dreg:$0x1] =	wrdreg $0xFFFFFFFF  }
0xa7: {  	s28 =	simm.s32 $_size_execute0_lowered;
	s3 =	sadd.s32 s3, s5;
	[dreg:$0x0] =	wrdreg $0x0  }
0xa8: {  	s5 =	sshll.u32 s28, $0x1;
	[dreg:$0x2] =	wrdreg s3  }
0xa9: {  	[dreg:$0x3] =	wrdreg s5  }
0xaa: {  	[dreg:$0x4] =	wrdreg $0xC0  }
0xab: {  	_ =	task [dreg:s7], $0x5FFFF  }
0xac: {  	[dreg:$0x1] =	wrdreg $0xFFFFFFFF  }
0xad: {  	[dreg:$0x0] =	wrdreg $0x60  }
0xae: {  	[dreg:$0x2] =	wrdreg s24  }
0xaf: {  	[dreg:$0x3] =	wrdreg s2  }
0xb0: {  	[dreg:$0x4] =	wrdreg $0xC6200  }
0xb1: {  	[dreg:$0x5] =	wrdreg $0x9  }
0xb2: {  	_ =	task.clear_ibuf [dreg:s7], $0x6FFFF;
	_ =	strace $0x90000052  }
0xb3: {  	s29 =	simm.s32 $0x9;
	_ =	strace $0x80000054  }
0xb4: {  	_ =	swait.ge [sflag:s29], $0x1  }
0xb5: {  	[sflag:s29] =	ssyncadd.s32 $0xFFFFFFFF  }
0xb6: {  	_ =	strace $0x90000054  }
0xb7: {  	_ =	sfence  }
0xb8: {  	s30 =	sld [smem:$0x0];
	_ =	sdelay $0x2  }
0xb9: {  	s31 =	sshll.u32 s1, $0xD;
	s1 =	sshrl.u32 s1, $0x2  }
0xba: {  	s3 =	sand.u32 $0x4000, s31;
	s1 =	sadd.s32 s1, s30  }
0xbb: {  	s0 =	sor.u32 s3, s0;
	s1 =	sshll.u32 s1, $0x11  }
0xbc: {  	s0 =	sor.u32 s1, s0  }
0xbd: {  	s0 =	sadd.s32 $0x8F2B, s0  }
0xbe: {  	[sflag:s0] =	ssyncadd.remote.s32 $0x1  }
0xbf: {  	_ =	sfence.sel $0xFFFF  }
0xc0: {  	[dreg:$0x0] =	wrdreg $0xFFFFFFFF;
	(pc) =	sbr.abs _section_cstart, $3  }
0xc1: {  	[dreg:$0x1] =	wrdreg $0xFFFFFFFF  }
0xc2: {  	_ =	task.clear_ibuf [dreg:s7], $0x2FFFF;
	_ =	strace $0x9FFFFFFF  }
0xc3: {  	(tm) =	ssettm $0x7FFFFFFF  }
tec
execute0_lowered:
.L_overlay_start_1:
0x0: {  	(tag) =	ssettag $0x1  }
0x1: {  	s0 =	srdreg.scid;
	s1 =	rddreg [dreg:$0x0]  }
0x2: {  	s10 =	stileid.u32;
	s2 =	rddreg [dreg:$0x1]  }
0x3: {  	s12 =	simm.s32 $0x7;
	s13 =	simm.s32 $0x2710;
	s14 =	simm.s32 $0x50  }
0x4: {  	s15 =	simm.s32 $0x4E20;
	s16 =	simm.s32 $0x7620;
	s17 =	simm.s32 $0x1  }
0x5: {  	s19 =	simm.s32 $0x9E20;
	s20 =	simm.s32 $0x2;
	s22 =	simm.s32 $0x4  }
0x6: {  	s28 =	simm.s32 $0x140;
	s29 =	simm.s32 $0x6;
	s7 =	smul.u32 $0x271, s10  }
0x7: {  	s30 =	simm.s32 $0x4D80;
	s31 =	simm.s32 $0x4DD0;
	s8 =	smul.u32 $0x4E2, s10  }
0x8: {  	s0 =	sand.u32 $0x1, s0;
	s24 =	smul.u32 $0x4E200, s10;
	s26 =	sshll.u32 s10, $0x6  }
0x9: {  	s3 =	sshll.u32 s0, $0x4;
	s6 =	smul.u32 $0x2710, s0;
	s0 =	ssub.s32 $0x2, s0  }
0xa: {  	s4 =	sor.u32 s10, s3;
	s3 =	rddreg [dreg:$0x2];
	s8 =	sadd.s32 s8, s1  }
0xb: {  	s25 =	sshrl.u32 s0, $0x1;
	s5 =	smul.u32 $0x4E2, s4;
	s4 =	simm.s32 $0x0  }
0xc: {  	s23 =	sadd.s32 s7, s6;
	s6 =	sshrl.u32 s24, $0x2;
	s0 =	ssub.s32 s0, s25  }
0xd: {  	s8 =	sadd.s32 $0x5000, s8;
	s24 =	simm.s32 $0x3;
	s25 =	simm.s32 $0x27B0  }
0xe: {  	[smem:$0x7FF] =	sst s4;
	s11 =	sadd.s32 s6, s3;
	s6 =	sor.u32 $0x1C07, s26  }
0xf: {  	s10 =	smax.u32 s0, $0x1;
	s26 =	simm.s32 $0x5;
	_ =	strace $0x80000053  }
0x10: {  	s9 =	sadd.s32 s5, s1;
	s5 =	sshll.u32 s23, $0x4;
	s11 =	sshrl.u32 s11, $0x3  }
0x11: {  	s23 =	simm.s32 $0xF0;
	s1 =	sadd.s32 s5, s1;
	s5 =	sadd.s32 s2, s5  }
0x12: {  	s7 =	sadd.s32 $0xF200, s9;
	s9 =	sadd.s32 $0x67200, s1;
	s1 =	simm.s32 $0x0  }
.LBB2_1:
0x13: {  	[spmem:s11], [sflag:s6] =	dma.local [hbm:s5], $0x2710  }
0x14: {  	_ =	swait.ge [sflag:s12], $0x2710  }
0x15: {  	[sflag:s12] =	ssyncset.done $0x0  }
0x16: {  	[sflag:s12] =	ssyncadd.s32 $0xFFFFD8F0  }
0x17: {  	[tilespmem:s4], [sflag:$0x7] =	stream.linear.gather [hbm4b:s7+s4], $0x2710, $0x38;
	[tilespmem:$0x1FEA0] =	vst v63  }
0x18: {  	_ =	swait.ge [sflag:s12], $0x2710  }
0x19: {  	[sflag:s12] =	ssyncset.done $0x0  }
0x1a: {  	[sflag:s12] =	ssyncadd.s32 $0xFFFFD8F0  }
0x1b: {  	[tilespmem:s13], [sflag:$0x7] =	stream.linear.gather [hbm4b:s8+s4], $0x2710, $0x38;
	[tilespmem:$0x1FEA0] =	vst v63  }
0x1c: {  	_ =	swait.ge [sflag:s12], $0x2710  }
0x1d: {  	[sflag:s12] =	ssyncset.done $0x0  }
0x1e: {  	[sflag:s12] =	ssyncadd.s32 $0xFFFFD8F0  }
0x1f: {  	[bflag:$0x0] =	sbarrier.arrive $0xFFFF  }
0x20: {  	[tilespmem:s15], [sflag:$0x1] =	stream.indirect.gather [hbm4b:s2+s14], $0x80, s4, s14, $0xb8;
	[tilespmem:$0x1FEA0] =	vst v63  }
0x21: {  	_ = 	snop  }
0x22: {  	[tilespmem:s16], [sflag:$0x2] =	stream.indirect.gather [hbm4b:s2+s14], $0x80, s14, s14, $0xb8;
	[tilespmem:$0x1FEA0] =	vst v63  }
0x23: {  	_ =	swait.ge [sflag:s17], $0x2800  }
0x24: {  	[sflag:s17] =	ssyncset.done $0x0  }
0x25: {  	[sflag:s17] =	ssyncadd.s32 $0xFFFFD800  }
0x26: {  	[spmem:s3] =	stream.indirect.scatter.add.f32 [tilespmem:s15], [sflag:$0x4], $0x80, s13, s14, $0xb8;
	[tilespmem:$0x1FEA0] =	vst v63  }
0x27: {  	s0 =	simm.s32 $0xA0  }
0x28: {  	[tilespmem:s19], [sflag:$0x3] =	stream.indirect.gather [hbm4b:s2+s14], $0x80, s0, s14, $0xb8;
	[tilespmem:$0x1FEA0] =	vst v63  }
0x29: {  	_ =	swait.ge [sflag:s20], $0x2800  }
0x2a: {  	[sflag:s20] =	ssyncset.done $0x0  }
0x2b: {  	s18 =	simm.s32 $0x2760;
	[sflag:s20] =	ssyncadd.s32 $0xFFFFD800  }
0x2c: {  	[spmem:s3] =	stream.indirect.scatter.add.f32 [tilespmem:s16], [sflag:$0x5], $0x80, s18, s14, $0xb8;
	[tilespmem:$0x1FEA0] =	vst v63  }
0x2d: {  	_ =	swait.ge [sflag:s22], $0x2800  }
0x2e: {  	[sflag:s22] =	ssyncset.done $0x0  }
0x2f: {  	[sflag:s22] =	ssyncadd.s32 $0xFFFFD800  }
0x30: {  	[tilespmem:s15], [sflag:$0x1] =	stream.indirect.gather [hbm4b:s2+s14], $0x80, s23, s14, $0xb8;
	[tilespmem:$0x1FEA0] =	vst v63  }
0x31: {  	_ =	swait.ge [sflag:s24], $0x2800  }
0x32: {  	[sflag:s24] =	ssyncset.done $0x0  }
0x33: {  	[sflag:s24] =	ssyncadd.s32 $0xFFFFD800  }
0x34: {  	[spmem:s3] =	stream.indirect.scatter.add.f32 [tilespmem:s19], [sflag:$0x6], $0x80, s25, s14, $0xb8;
	[tilespmem:$0x1FEA0] =	vst v63  }
0x35: {  	_ =	swait.ge [sflag:s26], $0x2800  }
0x36: {  	[sflag:s26] =	ssyncset.done $0x0  }
0x37: {  	[sflag:s26] =	ssyncadd.s32 $0xFFFFD800  }
0x38: {  	[tilespmem:s16], [sflag:$0x2] =	stream.indirect.gather [hbm4b:s2+s14], $0x80, s28, s14, $0xb8;
	[tilespmem:$0x1FEA0] =	vst v63  }
0x39: {  	_ =	swait.ge [sflag:s17], $0x2800  }
0x3a: {  	[sflag:s17] =	ssyncset.done $0x0  }
0x3b: {  	s21 =	simm.s32 $0x2800;
	[sflag:s17] =	ssyncadd.s32 $0xFFFFD800  }
0x3c: {  	[spmem:s3] =	stream.indirect.scatter.add.f32 [tilespmem:s15], [sflag:$0x4], $0x80, s21, s14, $0xb8;
	[tilespmem:$0x1FEA0] =	vst v63  }
0x3d: {  	_ =	swait.ge [sflag:s29], $0x2800  }
0x3e: {  	[sflag:s29] =	ssyncset.done $0x0  }
0x3f: {  	s18 =	simm.s32 $0x190;
	[sflag:s29] =	ssyncadd.s32 $0xFFFFD800  }
0x40: {  	[tilespmem:s19], [sflag:$0x3] =	stream.indirect.gather [hbm4b:s2+s14], $0x80, s18, s14, $0xb8;
	[tilespmem:$0x1FEA0] =	vst v63  }
0x41: {  	_ =	swait.ge [sflag:s20], $0x2800  }
0x42: {  	[sflag:s20] =	ssyncset.done $0x0  }
0x43: {  	s21 =	simm.s32 $0x2850;
	[sflag:s20] =	ssyncadd.s32 $0xFFFFD800  }
0x44: {  	[spmem:s3] =	stream.indirect.scatter.add.f32 [tilespmem:s16], [sflag:$0x5], $0x80, s21, s14, $0xb8;
	[tilespmem:$0x1FEA0] =	vst v63  }
0x45: {  	_ =	swait.ge [sflag:s22], $0x2800  }
0x46: {  	[sflag:s22] =	ssyncset.done $0x0  }
0x47: {  	s18 =	simm.s32 $0x1E0;
	[sflag:s22] =	ssyncadd.s32 $0xFFFFD800  }
0x48: {  	[tilespmem:s15], [sflag:$0x1] =	stream.indirect.gather [hbm4b:s2+s14], $0x80, s18, s14, $0xb8;
	[tilespmem:$0x1FEA0] =	vst v63  }
0x49: {  	_ =	swait.ge [sflag:s24], $0x2800  }
0x4a: {  	[sflag:s24] =	ssyncset.done $0x0  }
0x4b: {  	s21 =	simm.s32 $0x28A0;
	[sflag:s24] =	ssyncadd.s32 $0xFFFFD800  }
0x4c: {  	[spmem:s3] =	stream.indirect.scatter.add.f32 [tilespmem:s19], [sflag:$0x6], $0x80, s21, s14, $0xb8;
	[tilespmem:$0x1FEA0] =	vst v63  }
0x4d: {  	_ =	swait.ge [sflag:s26], $0x2800  }
0x4e: {  	[sflag:s26] =	ssyncset.done $0x0  }
0x4f: {  	s0 =	simm.s32 $0x3C0;
	s18 =	simm.s32 $0x230;
	[sflag:s26] =	ssyncadd.s32 $0xFFFFD800  }
.LBB2_2:
0x50: {  	[tilespmem:s16], [sflag:$0x2] =	stream.indirect.gather [hbm4b:s2+s14], $0x80, s18, s14, $0xb8;
	[tilespmem:$0x1FEA0] =	vst v63  }
0x51: {  	s18 =	smov.u32 s0  }
0x52: {  	p0 =	sne.s32 s0, $0x9240;
	s0 =	sadd.s32 $0x3C0, s0;
	_ =	swait.ge [sflag:s17], $0x2800  }
0x53: {  	s18 =	sshra.s32 s18, $0x2;
	[sflag:s17] =	ssyncset.done $0x0  }
0x54: {  	s21 =	sadd.s32 $0x2800, s18;
	[sflag:s17] =	ssyncadd.s32 $0xFFFFD800  }
0x55: {  	[spmem:s3] =	stream.indirect.scatter.add.f32 [tilespmem:s15], [sflag:$0x4], $0x80, s21, s14, $0xb8;
	[tilespmem:$0x1FEA0] =	vst v63  }
0x56: {  	_ =	swait.ge [sflag:s29], $0x2800  }
0x57: {  	[sflag:s29] =	ssyncset.done $0x0  }
0x58: {  	s21 =	sadd.s32 $0x190, s18;
	[sflag:s29] =	ssyncadd.s32 $0xFFFFD800  }
0x59: {  	[tilespmem:s19], [sflag:$0x3] =	stream.indirect.gather [hbm4b:s2+s14], $0x80, s21, s14, $0xb8;
	[tilespmem:$0x1FEA0] =	vst v63  }
0x5a: {  	_ =	swait.ge [sflag:s20], $0x2800  }
0x5b: {  	[sflag:s20] =	ssyncset.done $0x0  }
0x5c: {  	s21 =	sadd.s32 $0x2850, s18;
	[sflag:s20] =	ssyncadd.s32 $0xFFFFD800  }
0x5d: {  	[spmem:s3] =	stream.indirect.scatter.add.f32 [tilespmem:s16], [sflag:$0x5], $0x80, s21, s14, $0xb8;
	[tilespmem:$0x1FEA0] =	vst v63  }
0x5e: {  	_ =	swait.ge [sflag:s22], $0x2800  }
0x5f: {  	[sflag:s22] =	ssyncset.done $0x0  }
0x60: {  	s21 =	sadd.s32 $0x1E0, s18;
	[sflag:s22] =	ssyncadd.s32 $0xFFFFD800  }
0x61: {  	[tilespmem:s15], [sflag:$0x1] =	stream.indirect.gather [hbm4b:s2+s14], $0x80, s21, s14, $0xb8;
	[tilespmem:$0x1FEA0] =	vst v63  }
0x62: {  	_ =	swait.ge [sflag:s24], $0x2800  }
0x63: {  	[sflag:s24] =	ssyncset.done $0x0  }
.Ltmp0:
0x64: {  	s21 =	sadd.s32 $0x28A0, s18;
	[sflag:s24] =	ssyncadd.s32 $0xFFFFD800;
	(pc) =	sbr.rel @p0 .LBB2_2-.Ltmp0, $4  }
0x65: {  	[spmem:s3] =	stream.indirect.scatter.add.f32 [tilespmem:s19], [sflag:$0x6], $0x80, s21, s14, $0xb8;
	[tilespmem:$0x1FEA0] =	vst v63  }
0x66: {  	_ =	swait.ge [sflag:s26], $0x2800  }
0x67: {  	[sflag:s26] =	ssyncset.done $0x0  }
0x68: {  	s18 =	sadd.s32 $0x230, s18;
	[sflag:s26] =	ssyncadd.s32 $0xFFFFD800  }
0x69: {  	[tilespmem:s16], [sflag:$0x2] =	stream.indirect.gather [hbm4b:s2+s14], $0x80, s18, s14, $0xb8;
	[tilespmem:$0x1FEA0] =	vst v63  }
0x6a: {  	_ =	swait.ge [sflag:s17], $0x2800  }
0x6b: {  	[sflag:s17] =	ssyncset.done $0x0  }
0x6c: {  	[sflag:s17] =	ssyncadd.s32 $0xFFFFD800  }
0x6d: {  	[spmem:s3] =	stream.indirect.scatter.add.f32 [tilespmem:s15], [sflag:$0x4], $0x80, s30, s14, $0xb8;
	[tilespmem:$0x1FEA0] =	vst v63  }
0x6e: {  	_ =	swait.ge [sflag:s20], $0x2800  }
0x6f: {  	[sflag:s20] =	ssyncset.done $0x0  }
0x70: {  	[sflag:s20] =	ssyncadd.s32 $0xFFFFD800  }
0x71: {  	[spmem:s3] =	stream.indirect.scatter.add.f32 [tilespmem:s16], [sflag:$0x5], $0x80, s31, s14, $0xb8;
	[tilespmem:$0x1FEA0] =	vst v63  }
0x72: {  	_ =	swait.ge [sflag:s29], $0x2800  }
0x73: {  	[sflag:s29] =	ssyncset.done $0x0  }
0x74: {  	[sflag:s29] =	ssyncadd.s32 $0xFFFFD800  }
0x75: {  	_ =	swait.ge [sflag:s22], $0x2800  }
0x76: {  	[sflag:s22] =	ssyncset.done $0x0  }
0x77: {  	[sflag:s22] =	ssyncadd.s32 $0xFFFFD800  }
0x78: {  	_ =	swait.ge [sflag:s26], $0x2800  }
0x79: {  	s1 =	sadd.s32 $0x1, s1;
	[sflag:s26] =	ssyncset.done $0x0  }
0x7a: {  	p0 =	sne.s32 s1, s10;
	[sflag:s26] =	ssyncadd.s32 $0xFFFFD800  }
.Ltmp1:
0x7b: {  	[bflag:$0x0] =	sbarrier.arrive $0xFFFF;
	(pc) =	sbr.rel @p0 .LBB2_1-.Ltmp1, $4  }
0x7c: {  	[hbm:s9], [sflag:s6] =	dma.local [spmem:s11], $0x2710  }
0x7d: {  	_ =	swait.ge [sflag:s12], $0x2710  }
0x7e: {  	[sflag:s12] =	ssyncset.done $0x0  }
0x7f: {  	[sflag:s12] =	ssyncadd.s32 $0xFFFFD8F0  }
0x80: {  	_ =	sfence.sel $0x180000  }
0x81: {  	[bflag:$0x0] =	sbarrier.arrive $0xFFFF  }
0x82: {  	_ =	strace $0x90000053  }
0x83: {  	s0 =	stileid.u32;
	[bflag:$0x2] =	sbarrier.arrive $0xFFFF  }
0x84: {  	p0 =	sne.s32 s0, $0x0;
	s0 =	rddreg [dreg:$0x3]  }
0x85: {  	s0 =	sadd.s32 @!p0 $0x100000, s0  }
0x86: {  	[sflag:s0] =	ssyncadd.tile.s32 @!p0 $0x1;
	_ =	shalt  }
.Lfunc_end2:
_tile_overlayer_lowered:
.L_overlay_start_2:
0x87: {  	(tag) =	ssettag $0x2  }
0x88: {  	s0 =	rddreg [dreg:$0x0];
	s2 =	stileid.u32  }
0x89: {  	s1 =	rddreg [dreg:$0x1];
	p0 =	sne.s32 s2, $0x0  }
0x8a: {  	s3 =	rddreg [dreg:$0x2];
	[bflag:$0x3] =	sbarrier.arrive $0xFFFF;
	s2 =	simm.s32 @!p0 $0x1C07  }
0x8b: {  	[timem:s3], [sflag:s2] =	dma.local @!p0 [hbm:s0], s1  }
0x8c: {  	s0 =	simm.s32 @!p0 $0x7  }
0x8d: {  	_ =	swait.ge @!p0 [sflag:s0], s1  }
0x8e: {  	s1 =	ssub.s32 @!p0 $0x0, s1;
	[sflag:s0] =	ssyncset.done @!p0 $0x0  }
0x8f: {  	[sflag:s0] =	ssyncadd.s32 @!p0 s1  }
0x90: {  	[bflag:$0x3] =	sbarrier.arrive $0xFFFF  }
0x91: {  	_ =	shalt  }

</sc_bundles>
